<compile_context>
chip_gen: v7x
topology: tpu7x:2x2x1
jax: 0.10.2.dev20260603
libtpu: 0.0.44.dev20260713+nightly
codegen_flags: <defaults>
</compile_context>

<pallas_src>
import functools

import jax
import jax.numpy as jnp
from jax import lax
from jax.experimental import pallas as pl
from jax.experimental.pallas import tpu as pltpu
from jax.experimental.pallas import tpu_sc as plsc

N = 10000
E = 320000
D = 128
DH = D // 2
C = 40
BN_EPS = 1e-5

NC = 2
NS = 16
EW = E // NS
CH = 128
NFULL = EW // CH
TAIL = EW - NFULL * CH
NCHN = N // CH
NTAIL = N - NCHN * CH
NB = 4
CW = 8
GRP = NFULL // NB


def _agg_body(with_counts, dh, gsub, xa_hbm, xb_hbm, src_hbm, dst_hbm,
              zr_hbm, *rest):
    GR = CH * gsub
    NGRP = NFULL // gsub
    if with_counts:
        (on_hbm, out_a, out_b, out_cnt, src_v, dst2_v, dstt2_v, rows_v, rowst_v,
         ones_v, zbuf_v, zbuf16_v, *sems) = rest
        gsems = sems[:NB]
        ssems = sems[NB:2 * NB]
        csem, isem, acc_sh, cnt_sh = sems[2 * NB:]
    else:
        (out_a, out_b, src_v, dst2_v, dstt2_v, rows_v, rowst_v,
         zbuf_v, *sems) = rest
        out_cnt = ones_v = zbuf16_v = csem = cnt_sh = None
        gsems = sems[:NB]
        ssems = sems[NB:2 * NB]
        isem, acc_sh = sems[2 * NB:]

    cid = lax.axis_index("c")
    sid = lax.axis_index("s")

    pltpu.sync_copy(zr_hbm, zbuf_v)
    if with_counts:
        pltpu.sync_copy(on_hbm.at[0], ones_v)
        pltpu.sync_copy(on_hbm.at[1], zbuf16_v)

    ebase = sid * EW
    pltpu.async_copy(src_hbm.at[pl.ds(ebase, EW)], src_v, isem)
    def iload(j, carry):
        pltpu.async_copy(dst_hbm.at[pl.ds(ebase + j * CH, CH)], dst2_v.at[j],
                         isem)
        return carry
    lax.fori_loop(0, NFULL, iload, 0)
    if TAIL:
        pltpu.async_copy(dst_hbm.at[pl.ds(ebase + NFULL * CH, TAIL)],
                         dstt2_v.at[0], isem)

    def zchunk(j, carry):
        @pl.when(j % NS == sid)
        def _():
            pltpu.sync_copy(zbuf_v, acc_sh.at[pl.ds(j * CH, CH)])
            if with_counts:
                pltpu.sync_copy(zbuf16_v, cnt_sh.at[pl.ds(j * CH, CH)])
        return carry
    lax.fori_loop(0, NCHN, zchunk, 0)
    if NTAIL:
        @pl.when(sid == NCHN % NS)
        def _ztail():
            off = NCHN * CH
            pltpu.sync_copy(zbuf_v.at[pl.ds(0, NTAIL)], acc_sh.at[pl.ds(off, NTAIL)])
            if with_counts:
                pltpu.sync_copy(zbuf16_v.at[pl.ds(0, NTAIL)],
                                cnt_sh.at[pl.ds(off, NTAIL)])
    plsc.subcore_barrier()

    pltpu.make_async_copy(dst_hbm.at[pl.ds(0, EW)], src_v, isem).wait()
    pltpu.make_async_copy(dst_hbm.at[pl.ds(0, EW)], src_v, isem).wait()

    def run(x_hbm, do_counts):
        def slot(b, i):
            pltpu.make_async_copy(x_hbm.at[pl.ds(0, GR)], rows_v.at[b],
                                  gsems[b]).wait()
            for s2 in range(gsub):
                ci = i * gsub + s2
                pltpu.async_copy(rows_v.at[b, pl.ds(s2 * CH, CH)],
                                 acc_sh.at[dst2_v.at[ci]], ssems[b], add=True)
                if do_counts:
                    pltpu.async_copy(ones_v, cnt_sh.at[dst2_v.at[ci]], csem,
                                     add=True)

            @pl.when(i + NB < NGRP)
            def _():
                pltpu.make_async_copy(x_hbm.at[pl.ds(0, GR)], rows_v.at[b],
                                      ssems[b]).wait()
                pltpu.async_copy(
                    x_hbm.at[src_v.at[pl.ds((i + NB) * GR, GR)]],
                    rows_v.at[b], gsems[b])

        for b in range(NB):
            pltpu.async_copy(x_hbm.at[src_v.at[pl.ds(b * GR, GR)]],
                             rows_v.at[b], gsems[b])

        def grp(g, carry):
            for b in range(NB):
                slot(b, g * NB + b)
            return carry
        lax.fori_loop(0, NGRP // NB, grp, 0)
        for i in range(NGRP - NGRP % NB, NGRP):
            slot(i % NB, i)
        for b in range(NB):
            pltpu.make_async_copy(x_hbm.at[pl.ds(0, GR)], rows_v.at[b],
                                  ssems[b]).wait()
        if do_counts:
            pltpu.make_async_copy(x_hbm.at[pl.ds(0, NFULL * CH * CW // dh)],
                                  acc_sh.at[pl.ds(0, NFULL * CH * CW // dh)],
                                  csem).wait()
        if TAIL:
            toff = NFULL * CH
            pltpu.async_copy(x_hbm.at[src_v.at[pl.ds(toff, TAIL)]], rowst_v,
                             gsems[0]).wait()
            pltpu.sync_copy(rowst_v, acc_sh.at[dstt2_v.at[0]], add=True)
            if do_counts:
                pltpu.sync_copy(ones_v.at[pl.ds(0, TAIL)],
                                cnt_sh.at[dstt2_v.at[0]], add=True)

    @pl.when(cid == 0)
    def _core0():
        run(xa_hbm, with_counts)

    @pl.when(cid == 1)
    def _core1():
        run(xb_hbm, False)

    plsc.subcore_barrier()

    def wchunk(j, carry):
        @pl.when(j % NS == sid)
        def _():
            @pl.when(cid == 0)
            def _a():
                pltpu.sync_copy(acc_sh.at[pl.ds(j * CH, CH)],
                                out_a.at[pl.ds(j * CH, CH)])
                if with_counts:
                    pltpu.sync_copy(cnt_sh.at[pl.ds(j * CH, CH)],
                                    out_cnt.at[pl.ds(j * CH, CH)])
            @pl.when(cid == 1)
            def _b():
                pltpu.sync_copy(acc_sh.at[pl.ds(j * CH, CH)],
                                out_b.at[pl.ds(j * CH, CH)])
        return carry
    lax.fori_loop(0, NCHN, wchunk, 0)
    if NTAIL:
        @pl.when(sid == NCHN % NS)
        def _wtail():
            off = NCHN * CH
            @pl.when(cid == 0)
            def _a():
                pltpu.sync_copy(acc_sh.at[pl.ds(off, NTAIL)],
                                out_a.at[pl.ds(off, NTAIL)])
                if with_counts:
                    pltpu.sync_copy(cnt_sh.at[pl.ds(off, NTAIL)],
                                    out_cnt.at[pl.ds(off, NTAIL)])
            @pl.when(cid == 1)
            def _b():
                pltpu.sync_copy(acc_sh.at[pl.ds(off, NTAIL)],
                                out_b.at[pl.ds(off, NTAIL)])


def _make_agg(with_counts, dh=DH, gsub=2):
    out_type = [jax.ShapeDtypeStruct((N, dh), jnp.float32),
                jax.ShapeDtypeStruct((N, dh), jnp.float32)]
    if with_counts:
        out_type.append(jax.ShapeDtypeStruct((N, CW), jnp.float32))
    return pl.kernel(
        functools.partial(_agg_body, with_counts, dh, gsub),
        out_type=tuple(out_type),
        mesh=plsc.VectorSubcoreMesh(core_axis_name="c", subcore_axis_name="s",
                                    num_cores=NC, num_subcores=NS),
        scratch_types=(
            [
                pltpu.VMEM((EW,), jnp.int32),
                pltpu.VMEM((NFULL, CH), jnp.int32),
                pltpu.VMEM((1, TAIL), jnp.int32),
                pltpu.VMEM((NB, CH * gsub, dh), jnp.float32),
                pltpu.VMEM((TAIL, dh), jnp.float32),
            ]
            + ([pltpu.VMEM((CH, CW), jnp.float32)] if with_counts else [])
            + [pltpu.VMEM((CH, dh), jnp.float32)]
            + ([pltpu.VMEM((CH, CW), jnp.float32)] if with_counts else [])
            + [pltpu.SemaphoreType.DMA] * (2 * NB)
            + ([pltpu.SemaphoreType.DMA] if with_counts else [])
            + [
                pltpu.SemaphoreType.DMA,
                pltpu.VMEM_SHARED((N, dh), jnp.float32),
            ]
            + ([pltpu.VMEM_SHARED((N, CW), jnp.float32)] if with_counts else [])
        ),
        compiler_params=pltpu.CompilerParams(use_tc_tiling_on_sc=False),
        name="gin_agg",
    )


_agg_with_counts = _make_agg(True, gsub=1)
_agg_no_counts = _make_agg(False, gsub=1)
SQ = 32
_agg_small = _make_agg(False, dh=SQ, gsub=1)

BN = 1000
CQ = C // 2
SQP = 32

_half_spec = pl.BlockSpec((BN, DH), lambda i: (i, 0))
_q_spec = pl.BlockSpec((BN, SQP), lambda i: (i, 0))
_c_spec = pl.BlockSpec((BN, C), lambda i: (i, 0))
_cnt_spec = pl.BlockSpec((BN, CW), lambda i: (i, 0))
_w_spec = pl.BlockSpec((D, D), lambda i: (0, 0))
_wc_spec = pl.BlockSpec((D, C), lambda i: (0, 0))
_b_spec = pl.BlockSpec((1, D), lambda i: (0, 0))
_bc_spec = pl.BlockSpec((1, C), lambda i: (0, 0))


def _l1_body(x_ref, sa_ref, sb_ref, c_ref, w0_ref, b0_ref, w1_ref,
             oa_ref, ob_ref):
    inv = 1.0 / jnp.maximum(c_ref[:, 0:1], 1.0)
    m = jnp.concatenate([sa_ref[...], sb_ref[...]], axis=1) * inv
    h1 = jnp.maximum(
        jnp.dot(x_ref[...] + m, w0_ref[...], preferred_element_type=jnp.float32)
        + b0_ref[...], 0.0)
    z = jnp.dot(h1, w1_ref[...], preferred_element_type=jnp.float32)
    oa_ref[...] = z[:, :DH]
    ob_ref[...] = z[:, DH:]


def _mid_body(ya_ref, yb_ref, sa_ref, sb_ref, c_ref, b_ref, w_ref,
              oa_ref, ob_ref):
    inv = 1.0 / jnp.maximum(c_ref[:, 0:1], 1.0)
    y = jnp.concatenate([ya_ref[...], yb_ref[...]], axis=1)
    m = jnp.concatenate([sa_ref[...], sb_ref[...]], axis=1) * inv
    hn = jnp.maximum(y + m + b_ref[...], 0.0)
    z = jnp.dot(hn, w_ref[...], preferred_element_type=jnp.float32)
    oa_ref[...] = z[:, :DH]
    ob_ref[...] = z[:, DH:]


def _pre3_body(ya_ref, yb_ref, sa_ref, sb_ref, c_ref, b_ref, w2_ref, wp_ref,
               oa_ref, ob_ref, op_ref):
    inv = 1.0 / jnp.maximum(c_ref[:, 0:1], 1.0)
    y = jnp.concatenate([ya_ref[...], yb_ref[...]], axis=1)
    m = jnp.concatenate([sa_ref[...], sb_ref[...]], axis=1) * inv
    hn = jnp.maximum(y + m + b_ref[...], 0.0)
    z = jnp.dot(hn, w2_ref[...], preferred_element_type=jnp.float32)
    zpad = jnp.zeros((BN, SQP - CQ), jnp.float32)
    oa_ref[...] = jnp.concatenate([z[:, :CQ], zpad], axis=1)
    ob_ref[...] = jnp.concatenate([z[:, CQ:], zpad], axis=1)
    op_ref[...] = jnp.dot(hn, wp_ref[...], preferred_element_type=jnp.float32)


def _fin_body(ya_ref, yb_ref, sa_ref, sb_ref, c_ref, b_ref, yp_ref, bp_ref,
              o_ref):
    inv = 1.0 / jnp.maximum(c_ref[:, 0:1], 1.0)
    y = jnp.concatenate([ya_ref[:, :CQ], yb_ref[:, :CQ]], axis=1)
    m = jnp.concatenate([sa_ref[:, :CQ], sb_ref[:, :CQ]], axis=1) * inv
    h3 = jnp.maximum(y + m + b_ref[...], 0.0)
    o_ref[...] = (yp_ref[...] + bp_ref[...] + h3) * 0.5


def _tc(body, in_specs, out_specs, out_shape):
    return pl.pallas_call(body, grid=(N // BN,), in_specs=in_specs,
                          out_specs=out_specs, out_shape=out_shape)


_half_out = [jax.ShapeDtypeStruct((N, DH), jnp.float32)] * 2
_q_out = [jax.ShapeDtypeStruct((N, SQP), jnp.float32)] * 2


def kernel(h, edge_index, W0, b0, g0, be0, W1, b1, g1, be1, W2, b2, g2, be2, Wp, bp):
    src = edge_index[0]
    dst = edge_index[1]
    s = 1.0 / jnp.sqrt(jnp.float32(1.0 + BN_EPS))

    w0_eff = W0.T * (g0 * s)[None, :]
    b0_eff = (b0 * g0 * s + be0).reshape(1, D)
    w1_eff = W1.T * (g1 * s)[None, :]
    b1_eff = (b1 * g1 * s + be1).reshape(1, D)
    w2_eff = W2.T * (g2 * s)[None, :]
    b2_eff = (b2 * g2 * s + be2).reshape(1, C)
    wp_t = Wp.T
    bp2 = bp.reshape(1, C)

    zr = jnp.zeros((CH, DH), jnp.float32)
    zrq = jnp.zeros((CH, SQP), jnp.float32)
    on = jnp.zeros((2, CH, CW), jnp.float32).at[0, :, 0].set(1.0)

    ha, hb = h[:, :DH], h[:, DH:]
    s0a, s0b, cnt = _agg_with_counts(ha, hb, src, dst, zr, on)
    y1a, y1b = _tc(_l1_body,
                   [pl.BlockSpec((BN, D), lambda i: (i, 0)), _half_spec,
                    _half_spec, _cnt_spec, _w_spec, _b_spec, _w_spec],
                   [_half_spec, _half_spec], _half_out)(
                       h, s0a, s0b, cnt, w0_eff, b0_eff, w1_eff)
    s1a, s1b = _agg_no_counts(y1a, y1b, src, dst, zr)
    y2a, y2b, yp = _tc(_pre3_body,
                       [_half_spec] * 4 + [_cnt_spec, _b_spec, _wc_spec,
                                           _wc_spec],
                       [_q_spec, _q_spec, _c_spec],
                       _q_out + [jax.ShapeDtypeStruct((N, C), jnp.float32)])(
                           y1a, y1b, s1a, s1b, cnt, b1_eff, w2_eff, wp_t)
    s2a, s2b = _agg_small(y2a, y2b, src, dst, zrq)
    return _tc(_fin_body,
               [_q_spec] * 4 + [_cnt_spec, _bc_spec, _c_spec, _bc_spec],
               _c_spec, jax.ShapeDtypeStruct((N, C), jnp.float32))(
                   y2a, y2b, s2a, s2b, cnt, b2_eff, yp, bp2)

# --- scband reference (transcript-rebuilt; emitter-appended) ---
"""Pipeline reference for scband-ginbased-net-55594056679592 (READ-ONLY COPY).

The authoritative reference and input builder live on the scoring server;
editing this copy changes nothing except your own understanding.
"""

import jax, jax.numpy as jnp
import numpy as np

N = 10000
E = 320000
D = 128
C = 40
BN_EPS = 1e-5


def setup_inputs(seed: int = 0) -> dict:
    key = jax.random.key(seed)
    ks = jax.random.split(key, 20)
    h = jax.random.normal(ks[0], (N, D), dtype=jnp.float32)
    edge_index = jax.random.randint(ks[1], (2, E), 0, N, dtype=jnp.int32)
    s = 1.0 / np.sqrt(D)
    inp = {
        'h': h,
        'edge_index': edge_index,
        'W0': jax.random.normal(ks[2], (D, D), dtype=jnp.float32) * s,
        'b0': jnp.zeros((D,), dtype=jnp.float32),
        'g0': jnp.ones((D,), dtype=jnp.float32),
        'be0': jnp.zeros((D,), dtype=jnp.float32),
        'W1': jax.random.normal(ks[3], (D, D), dtype=jnp.float32) * s,
        'b1': jnp.zeros((D,), dtype=jnp.float32),
        'g1': jnp.ones((D,), dtype=jnp.float32),
        'be1': jnp.zeros((D,), dtype=jnp.float32),
        'W2': jax.random.normal(ks[4], (C, D), dtype=jnp.float32) * s,
        'b2': jnp.zeros((C,), dtype=jnp.float32),
        'g2': jnp.ones((C,), dtype=jnp.float32),
        'be2': jnp.zeros((C,), dtype=jnp.float32),
        'Wp': jax.random.normal(ks[5], (C, D), dtype=jnp.float32) * s,
        'bp': jnp.zeros((C,), dtype=jnp.float32),
    }
    return inp


def reference(h, edge_index, W0, b0, g0, be0, W1, b1, g1, be1, W2, b2, g2, be2, Wp, bp):
    # GIN layer with mean neighbor aggregation (DGL GINConv, eps=0, learn_eps=False),
    # edge mask is all-ones (adj_mask2_fixed) so messages pass through unchanged.
    # BatchNorm1d in eval mode with freshly-initialized running stats
    # (running_mean=0, running_var=1). Dropout is a no-op in eval mode.
    src = edge_index[0]
    dst = edge_index[1]

    def gin_layer(x, W, b, gm, bt):
        msgs = x[src]                                    # gather src features per edge
        s = jax.ops.segment_sum(msgs, dst, num_segments=N)  # scatter-add to dst
        cnt = jax.ops.segment_sum(jnp.ones((E, 1), x.dtype), dst, num_segments=N)
        mean = s / jnp.maximum(cnt, 1.0)
        z = ((1.0 + 0.0) * x + mean) @ W.T + b           # (1+eps)*h + aggr, then linear
        z = z / jnp.sqrt(1.0 + BN_EPS) * gm + bt         # eval-mode BN (mu=0, var=1)
        return jax.nn.relu(z)

    h1 = gin_layer(h, W0, b0, g0, be0)
    h2 = gin_layer(h1, W1, b1, g1, be1)
    h3 = gin_layer(h2, W2, b2, g2, be2)
    # hidden_rep = [h1, h2, h3]; score = (pred(hidden_rep[-2]) + hidden_rep[-1]) / 2
    score = (h2 @ Wp.T + bp + h3) / 2.0
    return score

if __name__ == "__main__":
    import jax
    _d = setup_inputs()
    print(jax.jit(kernel)(*tuple(_d.values())))

</pallas_src>

<mosaic_0001>
#map = affine_map<(d0, d1) -> (0, 0)>
#map1 = affine_map<(d0, d1) -> (0)>
#map2 = affine_map<(d0, d1) -> (0, 0, 0)>
module attributes {stable_mosaic.version = 14 : i64} {
  func.func @gin_agg(%arg0: i32, %arg1: i32, %arg2: memref<10000x64xf32, #tpu.memory_space<hbm>>, %arg3: memref<10000x64xf32, #tpu.memory_space<hbm>>, %arg4: memref<320000xi32, #tpu.memory_space<hbm>>, %arg5: memref<320000xi32, #tpu.memory_space<hbm>>, %arg6: memref<128x64xf32, #tpu.memory_space<hbm>>, %arg7: memref<2x128x8xf32, #tpu.memory_space<hbm>>, %arg8: memref<10000x64xf32, #tpu.memory_space<hbm>>, %arg9: memref<10000x64xf32, #tpu.memory_space<hbm>>, %arg10: memref<10000x8xf32, #tpu.memory_space<hbm>>, %arg11: memref<20000xi32, #tpu.memory_space<vmem>>, %arg12: memref<156x128xi32, #tpu.memory_space<vmem>>, %arg13: memref<1x32xi32, #tpu.memory_space<vmem>>, %arg14: memref<4x128x64xf32, #tpu.memory_space<vmem>>, %arg15: memref<32x64xf32, #tpu.memory_space<vmem>>, %arg16: memref<128x8xf32, #tpu.memory_space<vmem>>, %arg17: memref<128x64xf32, #tpu.memory_space<vmem>>, %arg18: memref<128x8xf32, #tpu.memory_space<vmem>>, %arg19: memref<!tpu.dma_semaphore, #tpu.memory_space<semaphore_mem>>, %arg20: memref<!tpu.dma_semaphore, #tpu.memory_space<semaphore_mem>>, %arg21: memref<!tpu.dma_semaphore, #tpu.memory_space<semaphore_mem>>, %arg22: memref<!tpu.dma_semaphore, #tpu.memory_space<semaphore_mem>>, %arg23: memref<!tpu.dma_semaphore, #tpu.memory_space<semaphore_mem>>, %arg24: memref<!tpu.dma_semaphore, #tpu.memory_space<semaphore_mem>>, %arg25: memref<!tpu.dma_semaphore, #tpu.memory_space<semaphore_mem>>, %arg26: memref<!tpu.dma_semaphore, #tpu.memory_space<semaphore_mem>>, %arg27: memref<!tpu.dma_semaphore, #tpu.memory_space<semaphore_mem>>, %arg28: memref<!tpu.dma_semaphore, #tpu.memory_space<semaphore_mem>>, %arg29: memref<10000x64xf32, #tpu.memory_space<vmem_shared>>, %arg30: memref<10000x8xf32, #tpu.memory_space<vmem_shared>>) attributes {dimension_semantics = [#tpu.dimension_semantics<core_parallel>, #tpu.dimension_semantics<subcore_parallel>], iteration_bounds = array<i64: 2, 16>, scalar_prefetch = 0 : i64, scratch_operands = 20 : i64, tpu.core_type = #tpu.core_type<sc_vector_subcore>, window_params = [{transform_indices = #map}, {transform_indices = #map}, {transform_indices = #map1}, {transform_indices = #map1}, {transform_indices = #map}, {transform_indices = #map2}, {transform_indices = #map}, {transform_indices = #map}, {transform_indices = #map}]} {
    "tpu.region"() ({
      %run_scoped3A_55 = tpu.sem_alloc : memref<!tpu.dma_semaphore, #tpu.memory_space<semaphore_mem>>
      tpu.enqueue_dma source(%arg6 : memref<128x64xf32, #tpu.memory_space<hbm>>) target(%arg17 : memref<128x64xf32, #tpu.memory_space<vmem>>) target_semaphore(%run_scoped3A_55 : memref<!tpu.dma_semaphore, #tpu.memory_space<semaphore_mem>>)
      tpu.wait_dma2 semaphore(%run_scoped3A_55 : memref<!tpu.dma_semaphore, #tpu.memory_space<semaphore_mem>>) src(%arg6 : memref<128x64xf32, #tpu.memory_space<hbm>>) dst(%arg17 : memref<128x64xf32, #tpu.memory_space<vmem>>)
      tpu.yield
    }) : () -> ()
    %run_scoped3A = arith.constant 0 : i32
    "tpu.region"() ({
      %run_scoped3A_55 = tpu.sem_alloc : memref<!tpu.dma_semaphore, #tpu.memory_space<semaphore_mem>>
      %dma_start3A_56 = arith.constant 0 : i32
      %dma_start3A_57 = arith.constant 0 : i32
      %dma_start3A_58 = tpu.memref_slice %arg7[%run_scoped3A, %dma_start3A_56, %dma_start3A_57] : memref<2x128x8xf32, #tpu.memory_space<hbm>> -> memref<1x128x8xf32, #tpu.memory_space<hbm>>
      %dma_start3A_59 = tpu.memref_squeeze %dma_start3A_58 : memref<1x128x8xf32, #tpu.memory_space<hbm>> -> memref<128x8xf32, #tpu.memory_space<hbm>>
      %dma_start3A_60 = arith.constant 0 : i32
      %dma_start3A_61 = arith.constant 0 : i32
      %dma_start3A_62 = tpu.memref_slice %arg7[%run_scoped3A, %dma_start3A_60, %dma_start3A_61] : memref<2x128x8xf32, #tpu.memory_space<hbm>> -> memref<1x128x8xf32, #tpu.memory_space<hbm>>
      %dma_start3A_63 = tpu.memref_squeeze %dma_start3A_62 : memref<1x128x8xf32, #tpu.memory_space<hbm>> -> memref<128x8xf32, #tpu.memory_space<hbm>>
      tpu.enqueue_dma source(%dma_start3A_63 : memref<128x8xf32, #tpu.memory_space<hbm>>) target(%arg16 : memref<128x8xf32, #tpu.memory_space<vmem>>) target_semaphore(%run_scoped3A_55 : memref<!tpu.dma_semaphore, #tpu.memory_space<semaphore_mem>>)
      %dma_wait3A_64 = arith.constant 0 : i32
      %dma_wait3A_65 = arith.constant 0 : i32
      %dma_wait3A_66 = tpu.memref_slice %arg7[%run_scoped3A, %dma_wait3A_64, %dma_wait3A_65] : memref<2x128x8xf32, #tpu.memory_space<hbm>> -> memref<1x128x8xf32, #tpu.memory_space<hbm>>
      %dma_wait3A_67 = tpu.memref_squeeze %dma_wait3A_66 : memref<1x128x8xf32, #tpu.memory_space<hbm>> -> memref<128x8xf32, #tpu.memory_space<hbm>>
      %dma_wait3A_68 = arith.constant 0 : i32
      %dma_wait3A_69 = arith.constant 0 : i32
      %dma_wait3A_70 = tpu.memref_slice %arg7[%run_scoped3A, %dma_wait3A_68, %dma_wait3A_69] : memref<2x128x8xf32, #tpu.memory_space<hbm>> -> memref<1x128x8xf32, #tpu.memory_space<hbm>>
      %dma_wait3A_71 = tpu.memref_squeeze %dma_wait3A_70 : memref<1x128x8xf32, #tpu.memory_space<hbm>> -> memref<128x8xf32, #tpu.memory_space<hbm>>
      tpu.wait_dma2 semaphore(%run_scoped3A_55 : memref<!tpu.dma_semaphore, #tpu.memory_space<semaphore_mem>>) src(%dma_wait3A_71 : memref<128x8xf32, #tpu.memory_space<hbm>>) dst(%arg16 : memref<128x8xf32, #tpu.memory_space<vmem>>)
      tpu.yield
    }) : () -> ()
    %run_scoped3A_0 = arith.constant 1 : i32
    "tpu.region"() ({
      %run_scoped3A_55 = tpu.sem_alloc : memref<!tpu.dma_semaphore, #tpu.memory_space<semaphore_mem>>
      %dma_start3A_56 = arith.constant 0 : i32
      %dma_start3A_57 = arith.constant 0 : i32
      %dma_start3A_58 = tpu.memref_slice %arg7[%run_scoped3A_0, %dma_start3A_56, %dma_start3A_57] : memref<2x128x8xf32, #tpu.memory_space<hbm>> -> memref<1x128x8xf32, #tpu.memory_space<hbm>>
      %dma_start3A_59 = tpu.memref_squeeze %dma_start3A_58 : memref<1x128x8xf32, #tpu.memory_space<hbm>> -> memref<128x8xf32, #tpu.memory_space<hbm>>
      %dma_start3A_60 = arith.constant 0 : i32
      %dma_start3A_61 = arith.constant 0 : i32
      %dma_start3A_62 = tpu.memref_slice %arg7[%run_scoped3A_0, %dma_start3A_60, %dma_start3A_61] : memref<2x128x8xf32, #tpu.memory_space<hbm>> -> memref<1x128x8xf32, #tpu.memory_space<hbm>>
      %dma_start3A_63 = tpu.memref_squeeze %dma_start3A_62 : memref<1x128x8xf32, #tpu.memory_space<hbm>> -> memref<128x8xf32, #tpu.memory_space<hbm>>
      tpu.enqueue_dma source(%dma_start3A_63 : memref<128x8xf32, #tpu.memory_space<hbm>>) target(%arg18 : memref<128x8xf32, #tpu.memory_space<vmem>>) target_semaphore(%run_scoped3A_55 : memref<!tpu.dma_semaphore, #tpu.memory_space<semaphore_mem>>)
      %dma_wait3A_64 = arith.constant 0 : i32
      %dma_wait3A_65 = arith.constant 0 : i32
      %dma_wait3A_66 = tpu.memref_slice %arg7[%run_scoped3A_0, %dma_wait3A_64, %dma_wait3A_65] : memref<2x128x8xf32, #tpu.memory_space<hbm>> -> memref<1x128x8xf32, #tpu.memory_space<hbm>>
      %dma_wait3A_67 = tpu.memref_squeeze %dma_wait3A_66 : memref<1x128x8xf32, #tpu.memory_space<hbm>> -> memref<128x8xf32, #tpu.memory_space<hbm>>
      %dma_wait3A_68 = arith.constant 0 : i32
      %dma_wait3A_69 = arith.constant 0 : i32
      %dma_wait3A_70 = tpu.memref_slice %arg7[%run_scoped3A_0, %dma_wait3A_68, %dma_wait3A_69] : memref<2x128x8xf32, #tpu.memory_space<hbm>> -> memref<1x128x8xf32, #tpu.memory_space<hbm>>
      %dma_wait3A_71 = tpu.memref_squeeze %dma_wait3A_70 : memref<1x128x8xf32, #tpu.memory_space<hbm>> -> memref<128x8xf32, #tpu.memory_space<hbm>>
      tpu.wait_dma2 semaphore(%run_scoped3A_55 : memref<!tpu.dma_semaphore, #tpu.memory_space<semaphore_mem>>) src(%dma_wait3A_71 : memref<128x8xf32, #tpu.memory_space<hbm>>) dst(%arg18 : memref<128x8xf32, #tpu.memory_space<vmem>>)
      tpu.yield
    }) : () -> ()
    %mul3A = arith.constant 20000 : i32
    %mul3A_1 = arith.muli %arg1, %mul3A : i32
    %dma_start3A = tpu.memref_slice %arg4[%mul3A_1] : memref<320000xi32, #tpu.memory_space<hbm>> -> memref<20000xi32, #tpu.memory_space<hbm>>
    %dma_start3A_2 = tpu.memref_slice %arg4[%mul3A_1] : memref<320000xi32, #tpu.memory_space<hbm>> -> memref<20000xi32, #tpu.memory_space<hbm>>
    tpu.enqueue_dma source(%dma_start3A_2 : memref<20000xi32, #tpu.memory_space<hbm>>) target(%arg11 : memref<20000xi32, #tpu.memory_space<vmem>>) target_semaphore(%arg28 : memref<!tpu.dma_semaphore, #tpu.memory_space<semaphore_mem>>)
    %scan3A = arith.constant 0 : i32
    %scan3A_3 = arith.constant 0 : i32
    %scan3A_4 = arith.constant 156 : i32
    %scan3A_5 = arith.addi %scan3A_3, %scan3A_4 : i32
    %scan3A_6 = arith.constant 1 : i32
    scf.for %scan3A_55 = %scan3A_3 to %scan3A_5 step %scan3A_6  : i32 {
      %mul3A_56 = arith.constant 128 : i32
      %mul3A_57 = arith.muli %scan3A_55, %mul3A_56 : i32
      %add3A_58 = arith.addi %mul3A_1, %mul3A_57 : i32
      %dma_start3A_59 = arith.constant 0 : i32
      %dma_start3A_60 = tpu.memref_slice %arg12[%scan3A_55, %dma_start3A_59] : memref<156x128xi32, #tpu.memory_space<vmem>> -> memref<1x128xi32, #tpu.memory_space<vmem>>
      %dma_start3A_61 = tpu.memref_squeeze %dma_start3A_60 : memref<1x128xi32, #tpu.memory_space<vmem>> -> memref<128xi32, #tpu.memory_space<vmem>>
      %dma_start3A_62 = tpu.memref_slice %arg5[%add3A_58] : memref<320000xi32, #tpu.memory_space<hbm>> -> memref<128xi32, #tpu.memory_space<hbm>>
      %dma_start3A_63 = arith.constant 0 : i32
      %dma_start3A_64 = tpu.memref_slice %arg12[%scan3A_55, %dma_start3A_63] : memref<156x128xi32, #tpu.memory_space<vmem>> -> memref<1x128xi32, #tpu.memory_space<vmem>>
      %dma_start3A_65 = tpu.memref_squeeze %dma_start3A_64 : memref<1x128xi32, #tpu.memory_space<vmem>> -> memref<128xi32, #tpu.memory_space<vmem>>
      %dma_start3A_66 = tpu.memref_slice %arg5[%add3A_58] : memref<320000xi32, #tpu.memory_space<hbm>> -> memref<128xi32, #tpu.memory_space<hbm>>
      tpu.enqueue_dma source(%dma_start3A_66 : memref<128xi32, #tpu.memory_space<hbm>>) target(%dma_start3A_65 : memref<128xi32, #tpu.memory_space<vmem>>) target_semaphore(%arg28 : memref<!tpu.dma_semaphore, #tpu.memory_space<semaphore_mem>>)
    }
    %scan3A_7 = arith.constant 156 : i32
    %add3A = arith.constant 19968 : i32
    %add3A_8 = arith.addi %mul3A_1, %add3A : i32
    %dma_start3A_9 = arith.constant 0 : i32
    %dma_start3A_10 = arith.constant 0 : i32
    %dma_start3A_11 = tpu.memref_slice %arg13[%dma_start3A_9, %dma_start3A_10] : memref<1x32xi32, #tpu.memory_space<vmem>> -> memref<1x32xi32, #tpu.memory_space<vmem>>
    %dma_start3A_12 = tpu.memref_squeeze %dma_start3A_11 : memref<1x32xi32, #tpu.memory_space<vmem>> -> memref<32xi32, #tpu.memory_space<vmem>>
    %dma_start3A_13 = tpu.memref_slice %arg5[%add3A_8] : memref<320000xi32, #tpu.memory_space<hbm>> -> memref<32xi32, #tpu.memory_space<hbm>>
    %dma_start3A_14 = arith.constant 0 : i32
    %dma_start3A_15 = tpu.memref_slice %arg13[%dma_start3A_9, %dma_start3A_14] : memref<1x32xi32, #tpu.memory_space<vmem>> -> memref<1x32xi32, #tpu.memory_space<vmem>>
    %dma_start3A_16 = tpu.memref_squeeze %dma_start3A_15 : memref<1x32xi32, #tpu.memory_space<vmem>> -> memref<32xi32, #tpu.memory_space<vmem>>
    %dma_start3A_17 = tpu.memref_slice %arg5[%add3A_8] : memref<320000xi32, #tpu.memory_space<hbm>> -> memref<32xi32, #tpu.memory_space<hbm>>
    tpu.enqueue_dma source(%dma_start3A_17 : memref<32xi32, #tpu.memory_space<hbm>>) target(%dma_start3A_16 : memref<32xi32, #tpu.memory_space<vmem>>) target_semaphore(%arg28 : memref<!tpu.dma_semaphore, #tpu.memory_space<semaphore_mem>>)
    %scan3A_18 = arith.constant 0 : i32
    %scan3A_19 = arith.constant 0 : i32
    %scan3A_20 = arith.constant 78 : i32
    %scan3A_21 = arith.addi %scan3A_19, %scan3A_20 : i32
    %scan3A_22 = arith.constant 1 : i32
    scf.for %scan3A_55 = %scan3A_19 to %scan3A_21 step %scan3A_22  : i32 {
      %jit3A = arith.constant 16 : i32
      %eq3A_56 = arith.constant 0 : i32
      %eq3A_57 = arith.cmpi eq, %jit3A, %eq3A_56 : i32
      %jit3A_58 = arith.constant 1 : i32
      %select_n3A = arith.select %eq3A_57, %jit3A_58, %jit3A : i32
      %rem3A = arith.remsi %scan3A_55, %select_n3A : i32
      %ne3A = arith.constant 0 : i32
      %ne3A_59 = arith.cmpi ne, %rem3A, %ne3A : i32
      %lt3A = arith.constant 0 : i32
      %lt3A_60 = arith.cmpi slt, %rem3A, %lt3A : i32
      %lt3A_61 = arith.constant 0 : i32
      %lt3A_62 = arith.cmpi slt, %select_n3A, %lt3A_61 : i32
      %ne3A_63 = arith.xori %lt3A_60, %lt3A_62 : i1
      %and3A = arith.andi %ne3A_63, %ne3A_59 : i1
      %add3A_64 = arith.addi %rem3A, %select_n3A : i32
      %select_n3A_65 = arith.select %and3A, %add3A_64, %rem3A : i32
      %eq3A_66 = arith.cmpi eq, %select_n3A_65, %arg1 : i32
      %convert_element_type3A_67 = arith.extui %eq3A_66 : i1 to i32
      %cond3A_68 = arith.constant 0 : i32
      %cond3A_69 = arith.cmpi ne, %convert_element_type3A_67, %cond3A_68 : i32
      scf.if %cond3A_69 {
        %mul3A_70 = arith.constant 128 : i32
        %mul3A_71 = arith.muli %scan3A_55, %mul3A_70 : i32
        "tpu.region"() ({
          %run_scoped3A_74 = tpu.sem_alloc : memref<!tpu.dma_semaphore, #tpu.memory_space<semaphore_mem>>
          %dma_start3A_75 = arith.constant 0 : i32
          %dma_start3A_76 = tpu.memref_slice %arg29[%mul3A_71, %dma_start3A_75] : memref<10000x64xf32, #tpu.memory_space<vmem_shared>> -> memref<128x64xf32, #tpu.memory_space<vmem_shared>>
          %dma_start3A_77 = arith.constant 0 : i32
          %dma_start3A_78 = tpu.memref_slice %arg29[%mul3A_71, %dma_start3A_77] : memref<10000x64xf32, #tpu.memory_space<vmem_shared>> -> memref<128x64xf32, #tpu.memory_space<vmem_shared>>
          tpu.enqueue_dma source(%arg17 : memref<128x64xf32, #tpu.memory_space<vmem>>) target(%dma_start3A_78 : memref<128x64xf32, #tpu.memory_space<vmem_shared>>) target_semaphore(%run_scoped3A_74 : memref<!tpu.dma_semaphore, #tpu.memory_space<semaphore_mem>>)
          %dma_wait3A_79 = arith.constant 0 : i32
          %dma_wait3A_80 = tpu.memref_slice %arg29[%mul3A_71, %dma_wait3A_79] : memref<10000x64xf32, #tpu.memory_space<vmem_shared>> -> memref<128x64xf32, #tpu.memory_space<vmem_shared>>
          %dma_wait3A_81 = arith.constant 0 : i32
          %dma_wait3A_82 = tpu.memref_slice %arg29[%mul3A_71, %dma_wait3A_81] : memref<10000x64xf32, #tpu.memory_space<vmem_shared>> -> memref<128x64xf32, #tpu.memory_space<vmem_shared>>
          tpu.wait_dma2 semaphore(%run_scoped3A_74 : memref<!tpu.dma_semaphore, #tpu.memory_space<semaphore_mem>>) src(%arg17 : memref<128x64xf32, #tpu.memory_space<vmem>>) dst(%dma_wait3A_82 : memref<128x64xf32, #tpu.memory_space<vmem_shared>>)
          tpu.yield
        }) : () -> ()
        %mul3A_72 = arith.constant 128 : i32
        %mul3A_73 = arith.muli %scan3A_55, %mul3A_72 : i32
        "tpu.region"() ({
          %run_scoped3A_74 = tpu.sem_alloc : memref<!tpu.dma_semaphore, #tpu.memory_space<semaphore_mem>>
          %dma_start3A_75 = arith.constant 0 : i32
          %dma_start3A_76 = tpu.memref_slice %arg30[%mul3A_73, %dma_start3A_75] : memref<10000x8xf32, #tpu.memory_space<vmem_shared>> -> memref<128x8xf32, #tpu.memory_space<vmem_shared>>
          %dma_start3A_77 = arith.constant 0 : i32
          %dma_start3A_78 = tpu.memref_slice %arg30[%mul3A_73, %dma_start3A_77] : memref<10000x8xf32, #tpu.memory_space<vmem_shared>> -> memref<128x8xf32, #tpu.memory_space<vmem_shared>>
          tpu.enqueue_dma source(%arg18 : memref<128x8xf32, #tpu.memory_space<vmem>>) target(%dma_start3A_78 : memref<128x8xf32, #tpu.memory_space<vmem_shared>>) target_semaphore(%run_scoped3A_74 : memref<!tpu.dma_semaphore, #tpu.memory_space<semaphore_mem>>)
          %dma_wait3A_79 = arith.constant 0 : i32
          %dma_wait3A_80 = tpu.memref_slice %arg30[%mul3A_73, %dma_wait3A_79] : memref<10000x8xf32, #tpu.memory_space<vmem_shared>> -> memref<128x8xf32, #tpu.memory_space<vmem_shared>>
          %dma_wait3A_81 = arith.constant 0 : i32
          %dma_wait3A_82 = tpu.memref_slice %arg30[%mul3A_73, %dma_wait3A_81] : memref<10000x8xf32, #tpu.memory_space<vmem_shared>> -> memref<128x8xf32, #tpu.memory_space<vmem_shared>>
          tpu.wait_dma2 semaphore(%run_scoped3A_74 : memref<!tpu.dma_semaphore, #tpu.memory_space<semaphore_mem>>) src(%arg18 : memref<128x8xf32, #tpu.memory_space<vmem>>) dst(%dma_wait3A_82 : memref<128x8xf32, #tpu.memory_space<vmem_shared>>)
          tpu.yield
        }) : () -> ()
      } else {
      }
    }
    %scan3A_23 = arith.constant 78 : i32
    %eq3A = arith.constant 14 : i32
    %eq3A_24 = arith.cmpi eq, %arg1, %eq3A : i32
    %convert_element_type3A = arith.extui %eq3A_24 : i1 to i32
    %cond3A = arith.constant 0 : i32
    %cond3A_25 = arith.cmpi ne, %convert_element_type3A, %cond3A : i32
    scf.if %cond3A_25 {
      "tpu.region"() ({
        %run_scoped3A_55 = tpu.sem_alloc : memref<!tpu.dma_semaphore, #tpu.memory_space<semaphore_mem>>
        %dma_start3A_56 = arith.constant 0 : i32
        %dma_start3A_57 = arith.constant 0 : i32
        %dma_start3A_58 = tpu.memref_slice %arg17[%dma_start3A_56, %dma_start3A_57] : memref<128x64xf32, #tpu.memory_space<vmem>> -> memref<16x64xf32, #tpu.memory_space<vmem>>
        %dma_start3A_59 = arith.constant 9984 : i32
        %dma_start3A_60 = arith.constant 0 : i32
        %dma_start3A_61 = tpu.memref_slice %arg29[%dma_start3A_59, %dma_start3A_60] : memref<10000x64xf32, #tpu.memory_space<vmem_shared>> -> memref<16x64xf32, #tpu.memory_space<vmem_shared>>
        %dma_start3A_62 = arith.constant 9984 : i32
        %dma_start3A_63 = arith.constant 0 : i32
        %dma_start3A_64 = tpu.memref_slice %arg29[%dma_start3A_62, %dma_start3A_63] : memref<10000x64xf32, #tpu.memory_space<vmem_shared>> -> memref<16x64xf32, #tpu.memory_space<vmem_shared>>
        %dma_start3A_65 = arith.constant 0 : i32
        %dma_start3A_66 = arith.constant 0 : i32
        %dma_start3A_67 = tpu.memref_slice %arg17[%dma_start3A_65, %dma_start3A_66] : memref<128x64xf32, #tpu.memory_space<vmem>> -> memref<16x64xf32, #tpu.memory_space<vmem>>
        tpu.enqueue_dma source(%dma_start3A_67 : memref<16x64xf32, #tpu.memory_space<vmem>>) target(%dma_start3A_64 : memref<16x64xf32, #tpu.memory_space<vmem_shared>>) target_semaphore(%run_scoped3A_55 : memref<!tpu.dma_semaphore, #tpu.memory_space<semaphore_mem>>)
        %dma_wait3A_68 = arith.constant 0 : i32
        %dma_wait3A_69 = arith.constant 0 : i32
        %dma_wait3A_70 = tpu.memref_slice %arg17[%dma_wait3A_68, %dma_wait3A_69] : memref<128x64xf32, #tpu.memory_space<vmem>> -> memref<16x64xf32, #tpu.memory_space<vmem>>
        %dma_wait3A_71 = arith.constant 9984 : i32
        %dma_wait3A_72 = arith.constant 0 : i32
        %dma_wait3A_73 = tpu.memref_slice %arg29[%dma_wait3A_71, %dma_wait3A_72] : memref<10000x64xf32, #tpu.memory_space<vmem_shared>> -> memref<16x64xf32, #tpu.memory_space<vmem_shared>>
        %dma_wait3A_74 = arith.constant 9984 : i32
        %dma_wait3A_75 = arith.constant 0 : i32
        %dma_wait3A_76 = tpu.memref_slice %arg29[%dma_wait3A_74, %dma_wait3A_75] : memref<10000x64xf32, #tpu.memory_space<vmem_shared>> -> memref<16x64xf32, #tpu.memory_space<vmem_shared>>
        %dma_wait3A_77 = arith.constant 0 : i32
        %dma_wait3A_78 = arith.constant 0 : i32
        %dma_wait3A_79 = tpu.memref_slice %arg17[%dma_wait3A_77, %dma_wait3A_78] : memref<128x64xf32, #tpu.memory_space<vmem>> -> memref<16x64xf32, #tpu.memory_space<vmem>>
        tpu.wait_dma2 semaphore(%run_scoped3A_55 : memref<!tpu.dma_semaphore, #tpu.memory_space<semaphore_mem>>) src(%dma_wait3A_79 : memref<16x64xf32, #tpu.memory_space<vmem>>) dst(%dma_wait3A_76 : memref<16x64xf32, #tpu.memory_space<vmem_shared>>)
        tpu.yield
      }) : () -> ()
      "tpu.region"() ({
        %run_scoped3A_55 = tpu.sem_alloc : memref<!tpu.dma_semaphore, #tpu.memory_space<semaphore_mem>>
        %dma_start3A_56 = arith.constant 0 : i32
        %dma_start3A_57 = arith.constant 0 : i32
        %dma_start3A_58 = tpu.memref_slice %arg18[%dma_start3A_56, %dma_start3A_57] : memref<128x8xf32, #tpu.memory_space<vmem>> -> memref<16x8xf32, #tpu.memory_space<vmem>>
        %dma_start3A_59 = arith.constant 9984 : i32
        %dma_start3A_60 = arith.constant 0 : i32
        %dma_start3A_61 = tpu.memref_slice %arg30[%dma_start3A_59, %dma_start3A_60] : memref<10000x8xf32, #tpu.memory_space<vmem_shared>> -> memref<16x8xf32, #tpu.memory_space<vmem_shared>>
        %dma_start3A_62 = arith.constant 9984 : i32
        %dma_start3A_63 = arith.constant 0 : i32
        %dma_start3A_64 = tpu.memref_slice %arg30[%dma_start3A_62, %dma_start3A_63] : memref<10000x8xf32, #tpu.memory_space<vmem_shared>> -> memref<16x8xf32, #tpu.memory_space<vmem_shared>>
        %dma_start3A_65 = arith.constant 0 : i32
        %dma_start3A_66 = arith.constant 0 : i32
        %dma_start3A_67 = tpu.memref_slice %arg18[%dma_start3A_65, %dma_start3A_66] : memref<128x8xf32, #tpu.memory_space<vmem>> -> memref<16x8xf32, #tpu.memory_space<vmem>>
        tpu.enqueue_dma source(%dma_start3A_67 : memref<16x8xf32, #tpu.memory_space<vmem>>) target(%dma_start3A_64 : memref<16x8xf32, #tpu.memory_space<vmem_shared>>) target_semaphore(%run_scoped3A_55 : memref<!tpu.dma_semaphore, #tpu.memory_space<semaphore_mem>>)
        %dma_wait3A_68 = arith.constant 0 : i32
        %dma_wait3A_69 = arith.constant 0 : i32
        %dma_wait3A_70 = tpu.memref_slice %arg18[%dma_wait3A_68, %dma_wait3A_69] : memref<128x8xf32, #tpu.memory_space<vmem>> -> memref<16x8xf32, #tpu.memory_space<vmem>>
        %dma_wait3A_71 = arith.constant 9984 : i32
        %dma_wait3A_72 = arith.constant 0 : i32
        %dma_wait3A_73 = tpu.memref_slice %arg30[%dma_wait3A_71, %dma_wait3A_72] : memref<10000x8xf32, #tpu.memory_space<vmem_shared>> -> memref<16x8xf32, #tpu.memory_space<vmem_shared>>
        %dma_wait3A_74 = arith.constant 9984 : i32
        %dma_wait3A_75 = arith.constant 0 : i32
        %dma_wait3A_76 = tpu.memref_slice %arg30[%dma_wait3A_74, %dma_wait3A_75] : memref<10000x8xf32, #tpu.memory_space<vmem_shared>> -> memref<16x8xf32, #tpu.memory_space<vmem_shared>>
        %dma_wait3A_77 = arith.constant 0 : i32
        %dma_wait3A_78 = arith.constant 0 : i32
        %dma_wait3A_79 = tpu.memref_slice %arg18[%dma_wait3A_77, %dma_wait3A_78] : memref<128x8xf32, #tpu.memory_space<vmem>> -> memref<16x8xf32, #tpu.memory_space<vmem>>
        tpu.wait_dma2 semaphore(%run_scoped3A_55 : memref<!tpu.dma_semaphore, #tpu.memory_space<semaphore_mem>>) src(%dma_wait3A_79 : memref<16x8xf32, #tpu.memory_space<vmem>>) dst(%dma_wait3A_76 : memref<16x8xf32, #tpu.memory_space<vmem_shared>>)
        tpu.yield
      }) : () -> ()
    } else {
    }
    %barrier3A = arith.constant 0 : index
    tpu.barrier barrier_id(%barrier3A)
    %dma_wait3A = arith.constant 0 : i32
    %dma_wait3A_26 = tpu.memref_slice %arg5[%dma_wait3A] : memref<320000xi32, #tpu.memory_space<hbm>> -> memref<20000xi32, #tpu.memory_space<hbm>>
    %dma_wait3A_27 = arith.constant 0 : i32
    %dma_wait3A_28 = tpu.memref_slice %arg5[%dma_wait3A_27] : memref<320000xi32, #tpu.memory_space<hbm>> -> memref<20000xi32, #tpu.memory_space<hbm>>
    tpu.wait_dma2 semaphore(%arg28 : memref<!tpu.dma_semaphore, #tpu.memory_space<semaphore_mem>>) src(%dma_wait3A_28 : memref<20000xi32, #tpu.memory_space<hbm>>) dst(%arg11 : memref<20000xi32, #tpu.memory_space<vmem>>)
    %dma_wait3A_29 = arith.constant 0 : i32
    %dma_wait3A_30 = tpu.memref_slice %arg5[%dma_wait3A_29] : memref<320000xi32, #tpu.memory_space<hbm>> -> memref<20000xi32, #tpu.memory_space<hbm>>
    %dma_wait3A_31 = arith.constant 0 : i32
    %dma_wait3A_32 = tpu.memref_slice %arg5[%dma_wait3A_31] : memref<320000xi32, #tpu.memory_space<hbm>> -> memref<20000xi32, #tpu.memory_space<hbm>>
    tpu.wait_dma2 semaphore(%arg28 : memref<!tpu.dma_semaphore, #tpu.memory_space<semaphore_mem>>) src(%dma_wait3A_32 : memref<20000xi32, #tpu.memory_space<hbm>>) dst(%arg11 : memref<20000xi32, #tpu.memory_space<vmem>>)
    %eq3A_33 = arith.constant 0 : i32
    %eq3A_34 = arith.cmpi eq, %arg0, %eq3A_33 : i32
    %convert_element_type3A_35 = arith.extui %eq3A_34 : i1 to i32
    %cond3A_36 = arith.constant 0 : i32
    %cond3A_37 = arith.cmpi ne, %convert_element_type3A_35, %cond3A_36 : i32
    scf.if %cond3A_37 {
      %dma_start3A_55 = arith.constant 0 : i32
      %dma_start3A_56 = arith.constant 0 : i32
      %dma_start3A_57 = arith.constant 0 : i32
      %dma_start3A_58 = tpu.memref_slice %arg14[%dma_start3A_55, %dma_start3A_56, %dma_start3A_57] : memref<4x128x64xf32, #tpu.memory_space<vmem>> -> memref<1x128x64xf32, #tpu.memory_space<vmem>>
      %dma_start3A_59 = tpu.memref_squeeze %dma_start3A_58 : memref<1x128x64xf32, #tpu.memory_space<vmem>> -> memref<128x64xf32, #tpu.memory_space<vmem>>
      %dma_start3A_60 = arith.constant 0 : i32
      %dma_start3A_61 = tpu.memref_slice %arg11[%dma_start3A_60] : memref<20000xi32, #tpu.memory_space<vmem>> -> memref<128xi32, #tpu.memory_space<vmem>>
      %dma_start3A_62 = arith.constant 0 : i32
      %dma_start3A_63 = arith.constant 0 : i32
      %dma_start3A_64 = tpu.memref_slice %arg2[%dma_start3A_62, %dma_start3A_63] : memref<10000x64xf32, #tpu.memory_space<hbm>> -> memref<10000x64xf32, #tpu.memory_space<hbm>>
      tpu.enqueue_indirect_dma source(%dma_start3A_64 : memref<10000x64xf32, #tpu.memory_space<hbm>>) target(%dma_start3A_59 : memref<128x64xf32, #tpu.memory_space<vmem>>) offsets(%dma_start3A_61 : memref<128xi32, #tpu.memory_space<vmem>>) semaphore(%arg19 : memref<!tpu.dma_semaphore, #tpu.memory_space<semaphore_mem>>)
      %dma_start3A_65 = arith.constant 1 : i32
      %dma_start3A_66 = arith.constant 0 : i32
      %dma_start3A_67 = arith.constant 0 : i32
      %dma_start3A_68 = tpu.memref_slice %arg14[%dma_start3A_65, %dma_start3A_66, %dma_start3A_67] : memref<4x128x64xf32, #tpu.memory_space<vmem>> -> memref<1x128x64xf32, #tpu.memory_space<vmem>>
      %dma_start3A_69 = tpu.memref_squeeze %dma_start3A_68 : memref<1x128x64xf32, #tpu.memory_space<vmem>> -> memref<128x64xf32, #tpu.memory_space<vmem>>
      %dma_start3A_70 = arith.constant 128 : i32
      %dma_start3A_71 = tpu.memref_slice %arg11[%dma_start3A_70] : memref<20000xi32, #tpu.memory_space<vmem>> -> memref<128xi32, #tpu.memory_space<vmem>>
      %dma_start3A_72 = arith.constant 0 : i32
      %dma_start3A_73 = arith.constant 0 : i32
      %dma_start3A_74 = tpu.memref_slice %arg2[%dma_start3A_72, %dma_start3A_73] : memref<10000x64xf32, #tpu.memory_space<hbm>> -> memref<10000x64xf32, #tpu.memory_space<hbm>>
      tpu.enqueue_indirect_dma source(%dma_start3A_74 : memref<10000x64xf32, #tpu.memory_space<hbm>>) target(%dma_start3A_69 : memref<128x64xf32, #tpu.memory_space<vmem>>) offsets(%dma_start3A_71 : memref<128xi32, #tpu.memory_space<vmem>>) semaphore(%arg20 : memref<!tpu.dma_semaphore, #tpu.memory_space<semaphore_mem>>)
      %dma_start3A_75 = arith.constant 2 : i32
      %dma_start3A_76 = arith.constant 0 : i32
      %dma_start3A_77 = arith.constant 0 : i32
      %dma_start3A_78 = tpu.memref_slice %arg14[%dma_start3A_75, %dma_start3A_76, %dma_start3A_77] : memref<4x128x64xf32, #tpu.memory_space<vmem>> -> memref<1x128x64xf32, #tpu.memory_space<vmem>>
      %dma_start3A_79 = tpu.memref_squeeze %dma_start3A_78 : memref<1x128x64xf32, #tpu.memory_space<vmem>> -> memref<128x64xf32, #tpu.memory_space<vmem>>
      %dma_start3A_80 = arith.constant 256 : i32
      %dma_start3A_81 = tpu.memref_slice %arg11[%dma_start3A_80] : memref<20000xi32, #tpu.memory_space<vmem>> -> memref<128xi32, #tpu.memory_space<vmem>>
      %dma_start3A_82 = arith.constant 0 : i32
      %dma_start3A_83 = arith.constant 0 : i32
      %dma_start3A_84 = tpu.memref_slice %arg2[%dma_start3A_82, %dma_start3A_83] : memref<10000x64xf32, #tpu.memory_space<hbm>> -> memref<10000x64xf32, #tpu.memory_space<hbm>>
      tpu.enqueue_indirect_dma source(%dma_start3A_84 : memref<10000x64xf32, #tpu.memory_space<hbm>>) target(%dma_start3A_79 : memref<128x64xf32, #tpu.memory_space<vmem>>) offsets(%dma_start3A_81 : memref<128xi32, #tpu.memory_space<vmem>>) semaphore(%arg21 : memref<!tpu.dma_semaphore, #tpu.memory_space<semaphore_mem>>)
      %dma_start3A_85 = arith.constant 3 : i32
      %dma_start3A_86 = arith.constant 0 : i32
      %dma_start3A_87 = arith.constant 0 : i32
      %dma_start3A_88 = tpu.memref_slice %arg14[%dma_start3A_85, %dma_start3A_86, %dma_start3A_87] : memref<4x128x64xf32, #tpu.memory_space<vmem>> -> memref<1x128x64xf32, #tpu.memory_space<vmem>>
      %dma_start3A_89 = tpu.memref_squeeze %dma_start3A_88 : memref<1x128x64xf32, #tpu.memory_space<vmem>> -> memref<128x64xf32, #tpu.memory_space<vmem>>
      %dma_start3A_90 = arith.constant 384 : i32
      %dma_start3A_91 = tpu.memref_slice %arg11[%dma_start3A_90] : memref<20000xi32, #tpu.memory_space<vmem>> -> memref<128xi32, #tpu.memory_space<vmem>>
      %dma_start3A_92 = arith.constant 0 : i32
      %dma_start3A_93 = arith.constant 0 : i32
      %dma_start3A_94 = tpu.memref_slice %arg2[%dma_start3A_92, %dma_start3A_93] : memref<10000x64xf32, #tpu.memory_space<hbm>> -> memref<10000x64xf32, #tpu.memory_space<hbm>>
      tpu.enqueue_indirect_dma source(%dma_start3A_94 : memref<10000x64xf32, #tpu.memory_space<hbm>>) target(%dma_start3A_89 : memref<128x64xf32, #tpu.memory_space<vmem>>) offsets(%dma_start3A_91 : memref<128xi32, #tpu.memory_space<vmem>>) semaphore(%arg22 : memref<!tpu.dma_semaphore, #tpu.memory_space<semaphore_mem>>)
      %scan3A_95 = arith.constant 0 : i32
      %scan3A_96 = arith.constant 0 : i32
      %scan3A_97 = arith.constant 39 : i32
      %scan3A_98 = arith.addi %scan3A_96, %scan3A_97 : i32
      %scan3A_99 = arith.constant 1 : i32
      scf.for %scan3A_179 = %scan3A_96 to %scan3A_98 step %scan3A_99  : i32 {
        %mul3A_180 = arith.constant 4 : i32
        %mul3A_181 = arith.muli %scan3A_179, %mul3A_180 : i32
        %add3A_182 = arith.constant 0 : i32
        %add3A_183 = arith.addi %mul3A_181, %add3A_182 : i32
        %dma_wait3A_184 = arith.constant 0 : i32
        %dma_wait3A_185 = arith.constant 0 : i32
        %dma_wait3A_186 = arith.constant 0 : i32
        %dma_wait3A_187 = tpu.memref_slice %arg14[%dma_wait3A_184, %dma_wait3A_185, %dma_wait3A_186] : memref<4x128x64xf32, #tpu.memory_space<vmem>> -> memref<1x128x64xf32, #tpu.memory_space<vmem>>
        %dma_wait3A_188 = tpu.memref_squeeze %dma_wait3A_187 : memref<1x128x64xf32, #tpu.memory_space<vmem>> -> memref<128x64xf32, #tpu.memory_space<vmem>>
        %dma_wait3A_189 = arith.constant 0 : i32
        %dma_wait3A_190 = arith.constant 0 : i32
        %dma_wait3A_191 = tpu.memref_slice %arg2[%dma_wait3A_189, %dma_wait3A_190] : memref<10000x64xf32, #tpu.memory_space<hbm>> -> memref<128x64xf32, #tpu.memory_space<hbm>>
        %dma_wait3A_192 = arith.constant 0 : i32
        %dma_wait3A_193 = arith.constant 0 : i32
        %dma_wait3A_194 = tpu.memref_slice %arg14[%dma_wait3A_184, %dma_wait3A_192, %dma_wait3A_193] : memref<4x128x64xf32, #tpu.memory_space<vmem>> -> memref<1x128x64xf32, #tpu.memory_space<vmem>>
        %dma_wait3A_195 = tpu.memref_squeeze %dma_wait3A_194 : memref<1x128x64xf32, #tpu.memory_space<vmem>> -> memref<128x64xf32, #tpu.memory_space<vmem>>
        %dma_wait3A_196 = arith.constant 0 : i32
        %dma_wait3A_197 = arith.constant 0 : i32
        %dma_wait3A_198 = tpu.memref_slice %arg2[%dma_wait3A_196, %dma_wait3A_197] : memref<10000x64xf32, #tpu.memory_space<hbm>> -> memref<128x64xf32, #tpu.memory_space<hbm>>
        tpu.wait_dma2 semaphore(%arg19 : memref<!tpu.dma_semaphore, #tpu.memory_space<semaphore_mem>>) src(%dma_wait3A_198 : memref<128x64xf32, #tpu.memory_space<hbm>>) dst(%dma_wait3A_195 : memref<128x64xf32, #tpu.memory_space<vmem>>)
        %mul3A_199 = arith.constant 1 : i32
        %mul3A_200 = arith.muli %add3A_183, %mul3A_199 : i32
        %add3A_201 = arith.constant 0 : i32
        %add3A_202 = arith.addi %mul3A_200, %add3A_201 : i32
        %dma_start3A_203 = arith.constant 0 : i32
        %dma_start3A_204 = arith.constant 0 : i32
        %dma_start3A_205 = arith.constant 0 : i32
        %dma_start3A_206 = tpu.memref_slice %arg14[%dma_start3A_203, %dma_start3A_204, %dma_start3A_205] : memref<4x128x64xf32, #tpu.memory_space<vmem>> -> memref<1x128x64xf32, #tpu.memory_space<vmem>>
        %dma_start3A_207 = tpu.memref_squeeze %dma_start3A_206 : memref<1x128x64xf32, #tpu.memory_space<vmem>> -> memref<128x64xf32, #tpu.memory_space<vmem>>
        %dma_start3A_208 = arith.constant 0 : i32
        %dma_start3A_209 = tpu.memref_slice %arg12[%add3A_202, %dma_start3A_208] : memref<156x128xi32, #tpu.memory_space<vmem>> -> memref<1x128xi32, #tpu.memory_space<vmem>>
        %dma_start3A_210 = tpu.memref_squeeze %dma_start3A_209 : memref<1x128xi32, #tpu.memory_space<vmem>> -> memref<128xi32, #tpu.memory_space<vmem>>
        %dma_start3A_211 = arith.constant 0 : i32
        %dma_start3A_212 = arith.constant 0 : i32
        %dma_start3A_213 = tpu.memref_slice %arg29[%dma_start3A_211, %dma_start3A_212] : memref<10000x64xf32, #tpu.memory_space<vmem_shared>> -> memref<10000x64xf32, #tpu.memory_space<vmem_shared>>
        tpu.enqueue_indirect_dma source(%dma_start3A_207 : memref<128x64xf32, #tpu.memory_space<vmem>>) target(%dma_start3A_213 : memref<10000x64xf32, #tpu.memory_space<vmem_shared>>) offsets(%dma_start3A_210 : memref<128xi32, #tpu.memory_space<vmem>>) semaphore(%arg23 : memref<!tpu.dma_semaphore, #tpu.memory_space<semaphore_mem>>) {add = true}
        %dma_start3A_214 = arith.constant 0 : i32
        %dma_start3A_215 = tpu.memref_slice %arg12[%add3A_202, %dma_start3A_214] : memref<156x128xi32, #tpu.memory_space<vmem>> -> memref<1x128xi32, #tpu.memory_space<vmem>>
        %dma_start3A_216 = tpu.memref_squeeze %dma_start3A_215 : memref<1x128xi32, #tpu.memory_space<vmem>> -> memref<128xi32, #tpu.memory_space<vmem>>
        %dma_start3A_217 = arith.constant 0 : i32
        %dma_start3A_218 = arith.constant 0 : i32
        %dma_start3A_219 = tpu.memref_slice %arg30[%dma_start3A_217, %dma_start3A_218] : memref<10000x8xf32, #tpu.memory_space<vmem_shared>> -> memref<10000x8xf32, #tpu.memory_space<vmem_shared>>
        tpu.enqueue_indirect_dma source(%arg16 : memref<128x8xf32, #tpu.memory_space<vmem>>) target(%dma_start3A_219 : memref<10000x8xf32, #tpu.memory_space<vmem_shared>>) offsets(%dma_start3A_216 : memref<128xi32, #tpu.memory_space<vmem>>) semaphore(%arg27 : memref<!tpu.dma_semaphore, #tpu.memory_space<semaphore_mem>>) {add = true}
        %add3A_220 = arith.constant 4 : i32
        %add3A_221 = arith.addi %add3A_183, %add3A_220 : i32
        %lt3A = arith.constant 156 : i32
        %lt3A_222 = arith.cmpi slt, %add3A_221, %lt3A : i32
        %convert_element_type3A_223 = arith.extui %lt3A_222 : i1 to i32
        %cond3A_224 = arith.constant 0 : i32
        %cond3A_225 = arith.cmpi ne, %convert_element_type3A_223, %cond3A_224 : i32
        scf.if %cond3A_225 {
          %dma_wait3A_367 = arith.constant 0 : i32
          %dma_wait3A_368 = arith.constant 0 : i32
          %dma_wait3A_369 = arith.constant 0 : i32
          %dma_wait3A_370 = tpu.memref_slice %arg14[%dma_wait3A_367, %dma_wait3A_368, %dma_wait3A_369] : memref<4x128x64xf32, #tpu.memory_space<vmem>> -> memref<1x128x64xf32, #tpu.memory_space<vmem>>
          %dma_wait3A_371 = tpu.memref_squeeze %dma_wait3A_370 : memref<1x128x64xf32, #tpu.memory_space<vmem>> -> memref<128x64xf32, #tpu.memory_space<vmem>>
          %dma_wait3A_372 = arith.constant 0 : i32
          %dma_wait3A_373 = arith.constant 0 : i32
          %dma_wait3A_374 = tpu.memref_slice %arg2[%dma_wait3A_372, %dma_wait3A_373] : memref<10000x64xf32, #tpu.memory_space<hbm>> -> memref<128x64xf32, #tpu.memory_space<hbm>>
          %dma_wait3A_375 = arith.constant 0 : i32
          %dma_wait3A_376 = arith.constant 0 : i32
          %dma_wait3A_377 = tpu.memref_slice %arg14[%dma_wait3A_367, %dma_wait3A_375, %dma_wait3A_376] : memref<4x128x64xf32, #tpu.memory_space<vmem>> -> memref<1x128x64xf32, #tpu.memory_space<vmem>>
          %dma_wait3A_378 = tpu.memref_squeeze %dma_wait3A_377 : memref<1x128x64xf32, #tpu.memory_space<vmem>> -> memref<128x64xf32, #tpu.memory_space<vmem>>
          %dma_wait3A_379 = arith.constant 0 : i32
          %dma_wait3A_380 = arith.constant 0 : i32
          %dma_wait3A_381 = tpu.memref_slice %arg2[%dma_wait3A_379, %dma_wait3A_380] : memref<10000x64xf32, #tpu.memory_space<hbm>> -> memref<128x64xf32, #tpu.memory_space<hbm>>
          tpu.wait_dma2 semaphore(%arg23 : memref<!tpu.dma_semaphore, #tpu.memory_space<semaphore_mem>>) src(%dma_wait3A_381 : memref<128x64xf32, #tpu.memory_space<hbm>>) dst(%dma_wait3A_378 : memref<128x64xf32, #tpu.memory_space<vmem>>)
          %add3A_382 = arith.constant 4 : i32
          %add3A_383 = arith.addi %add3A_183, %add3A_382 : i32
          %mul3A_384 = arith.constant 128 : i32
          %mul3A_385 = arith.muli %add3A_383, %mul3A_384 : i32
          %dma_start3A_386 = arith.constant 0 : i32
          %dma_start3A_387 = arith.constant 0 : i32
          %dma_start3A_388 = arith.constant 0 : i32
          %dma_start3A_389 = tpu.memref_slice %arg14[%dma_start3A_386, %dma_start3A_387, %dma_start3A_388] : memref<4x128x64xf32, #tpu.memory_space<vmem>> -> memref<1x128x64xf32, #tpu.memory_space<vmem>>
          %dma_start3A_390 = tpu.memref_squeeze %dma_start3A_389 : memref<1x128x64xf32, #tpu.memory_space<vmem>> -> memref<128x64xf32, #tpu.memory_space<vmem>>
          %dma_start3A_391 = tpu.memref_slice %arg11[%mul3A_385] : memref<20000xi32, #tpu.memory_space<vmem>> -> memref<128xi32, #tpu.memory_space<vmem>>
          %dma_start3A_392 = arith.constant 0 : i32
          %dma_start3A_393 = arith.constant 0 : i32
          %dma_start3A_394 = tpu.memref_slice %arg2[%dma_start3A_392, %dma_start3A_393] : memref<10000x64xf32, #tpu.memory_space<hbm>> -> memref<10000x64xf32, #tpu.memory_space<hbm>>
          tpu.enqueue_indirect_dma source(%dma_start3A_394 : memref<10000x64xf32, #tpu.memory_space<hbm>>) target(%dma_start3A_390 : memref<128x64xf32, #tpu.memory_space<vmem>>) offsets(%dma_start3A_391 : memref<128xi32, #tpu.memory_space<vmem>>) semaphore(%arg19 : memref<!tpu.dma_semaphore, #tpu.memory_space<semaphore_mem>>)
        } else {
        }
        %mul3A_226 = arith.constant 4 : i32
        %mul3A_227 = arith.muli %scan3A_179, %mul3A_226 : i32
        %add3A_228 = arith.constant 1 : i32
        %add3A_229 = arith.addi %mul3A_227, %add3A_228 : i32
        %dma_wait3A_230 = arith.constant 1 : i32
        %dma_wait3A_231 = arith.constant 0 : i32
        %dma_wait3A_232 = arith.constant 0 : i32
        %dma_wait3A_233 = tpu.memref_slice %arg14[%dma_wait3A_230, %dma_wait3A_231, %dma_wait3A_232] : memref<4x128x64xf32, #tpu.memory_space<vmem>> -> memref<1x128x64xf32, #tpu.memory_space<vmem>>
        %dma_wait3A_234 = tpu.memref_squeeze %dma_wait3A_233 : memref<1x128x64xf32, #tpu.memory_space<vmem>> -> memref<128x64xf32, #tpu.memory_space<vmem>>
        %dma_wait3A_235 = arith.constant 0 : i32
        %dma_wait3A_236 = arith.constant 0 : i32
        %dma_wait3A_237 = tpu.memref_slice %arg2[%dma_wait3A_235, %dma_wait3A_236] : memref<10000x64xf32, #tpu.memory_space<hbm>> -> memref<128x64xf32, #tpu.memory_space<hbm>>
        %dma_wait3A_238 = arith.constant 0 : i32
        %dma_wait3A_239 = arith.constant 0 : i32
        %dma_wait3A_240 = tpu.memref_slice %arg14[%dma_wait3A_230, %dma_wait3A_238, %dma_wait3A_239] : memref<4x128x64xf32, #tpu.memory_space<vmem>> -> memref<1x128x64xf32, #tpu.memory_space<vmem>>
        %dma_wait3A_241 = tpu.memref_squeeze %dma_wait3A_240 : memref<1x128x64xf32, #tpu.memory_space<vmem>> -> memref<128x64xf32, #tpu.memory_space<vmem>>
        %dma_wait3A_242 = arith.constant 0 : i32
        %dma_wait3A_243 = arith.constant 0 : i32
        %dma_wait3A_244 = tpu.memref_slice %arg2[%dma_wait3A_242, %dma_wait3A_243] : memref<10000x64xf32, #tpu.memory_space<hbm>> -> memref<128x64xf32, #tpu.memory_space<hbm>>
        tpu.wait_dma2 semaphore(%arg20 : memref<!tpu.dma_semaphore, #tpu.memory_space<semaphore_mem>>) src(%dma_wait3A_244 : memref<128x64xf32, #tpu.memory_space<hbm>>) dst(%dma_wait3A_241 : memref<128x64xf32, #tpu.memory_space<vmem>>)
        %mul3A_245 = arith.constant 1 : i32
        %mul3A_246 = arith.muli %add3A_229, %mul3A_245 : i32
        %add3A_247 = arith.constant 0 : i32
        %add3A_248 = arith.addi %mul3A_246, %add3A_247 : i32
        %dma_start3A_249 = arith.constant 1 : i32
        %dma_start3A_250 = arith.constant 0 : i32
        %dma_start3A_251 = arith.constant 0 : i32
        %dma_start3A_252 = tpu.memref_slice %arg14[%dma_start3A_249, %dma_start3A_250, %dma_start3A_251] : memref<4x128x64xf32, #tpu.memory_space<vmem>> -> memref<1x128x64xf32, #tpu.memory_space<vmem>>
        %dma_start3A_253 = tpu.memref_squeeze %dma_start3A_252 : memref<1x128x64xf32, #tpu.memory_space<vmem>> -> memref<128x64xf32, #tpu.memory_space<vmem>>
        %dma_start3A_254 = arith.constant 0 : i32
        %dma_start3A_255 = tpu.memref_slice %arg12[%add3A_248, %dma_start3A_254] : memref<156x128xi32, #tpu.memory_space<vmem>> -> memref<1x128xi32, #tpu.memory_space<vmem>>
        %dma_start3A_256 = tpu.memref_squeeze %dma_start3A_255 : memref<1x128xi32, #tpu.memory_space<vmem>> -> memref<128xi32, #tpu.memory_space<vmem>>
        %dma_start3A_257 = arith.constant 0 : i32
        %dma_start3A_258 = arith.constant 0 : i32
        %dma_start3A_259 = tpu.memref_slice %arg29[%dma_start3A_257, %dma_start3A_258] : memref<10000x64xf32, #tpu.memory_space<vmem_shared>> -> memref<10000x64xf32, #tpu.memory_space<vmem_shared>>
        tpu.enqueue_indirect_dma source(%dma_start3A_253 : memref<128x64xf32, #tpu.memory_space<vmem>>) target(%dma_start3A_259 : memref<10000x64xf32, #tpu.memory_space<vmem_shared>>) offsets(%dma_start3A_256 : memref<128xi32, #tpu.memory_space<vmem>>) semaphore(%arg24 : memref<!tpu.dma_semaphore, #tpu.memory_space<semaphore_mem>>) {add = true}
        %dma_start3A_260 = arith.constant 0 : i32
        %dma_start3A_261 = tpu.memref_slice %arg12[%add3A_248, %dma_start3A_260] : memref<156x128xi32, #tpu.memory_space<vmem>> -> memref<1x128xi32, #tpu.memory_space<vmem>>
        %dma_start3A_262 = tpu.memref_squeeze %dma_start3A_261 : memref<1x128xi32, #tpu.memory_space<vmem>> -> memref<128xi32, #tpu.memory_space<vmem>>
        %dma_start3A_263 = arith.constant 0 : i32
        %dma_start3A_264 = arith.constant 0 : i32
        %dma_start3A_265 = tpu.memref_slice %arg30[%dma_start3A_263, %dma_start3A_264] : memref<10000x8xf32, #tpu.memory_space<vmem_shared>> -> memref<10000x8xf32, #tpu.memory_space<vmem_shared>>
        tpu.enqueue_indirect_dma source(%arg16 : memref<128x8xf32, #tpu.memory_space<vmem>>) target(%dma_start3A_265 : memref<10000x8xf32, #tpu.memory_space<vmem_shared>>) offsets(%dma_start3A_262 : memref<128xi32, #tpu.memory_space<vmem>>) semaphore(%arg27 : memref<!tpu.dma_semaphore, #tpu.memory_space<semaphore_mem>>) {add = true}
        %add3A_266 = arith.constant 4 : i32
        %add3A_267 = arith.addi %add3A_229, %add3A_266 : i32
        %lt3A_268 = arith.constant 156 : i32
        %lt3A_269 = arith.cmpi slt, %add3A_267, %lt3A_268 : i32
        %convert_element_type3A_270 = arith.extui %lt3A_269 : i1 to i32
        %cond3A_271 = arith.constant 0 : i32
        %cond3A_272 = arith.cmpi ne, %convert_element_type3A_270, %cond3A_271 : i32
        scf.if %cond3A_272 {
          %dma_wait3A_367 = arith.constant 1 : i32
          %dma_wait3A_368 = arith.constant 0 : i32
          %dma_wait3A_369 = arith.constant 0 : i32
          %dma_wait3A_370 = tpu.memref_slice %arg14[%dma_wait3A_367, %dma_wait3A_368, %dma_wait3A_369] : memref<4x128x64xf32, #tpu.memory_space<vmem>> -> memref<1x128x64xf32, #tpu.memory_space<vmem>>
          %dma_wait3A_371 = tpu.memref_squeeze %dma_wait3A_370 : memref<1x128x64xf32, #tpu.memory_space<vmem>> -> memref<128x64xf32, #tpu.memory_space<vmem>>
          %dma_wait3A_372 = arith.constant 0 : i32
          %dma_wait3A_373 = arith.constant 0 : i32
          %dma_wait3A_374 = tpu.memref_slice %arg2[%dma_wait3A_372, %dma_wait3A_373] : memref<10000x64xf32, #tpu.memory_space<hbm>> -> memref<128x64xf32, #tpu.memory_space<hbm>>
          %dma_wait3A_375 = arith.constant 0 : i32
          %dma_wait3A_376 = arith.constant 0 : i32
          %dma_wait3A_377 = tpu.memref_slice %arg14[%dma_wait3A_367, %dma_wait3A_375, %dma_wait3A_376] : memref<4x128x64xf32, #tpu.memory_space<vmem>> -> memref<1x128x64xf32, #tpu.memory_space<vmem>>
          %dma_wait3A_378 = tpu.memref_squeeze %dma_wait3A_377 : memref<1x128x64xf32, #tpu.memory_space<vmem>> -> memref<128x64xf32, #tpu.memory_space<vmem>>
          %dma_wait3A_379 = arith.constant 0 : i32
          %dma_wait3A_380 = arith.constant 0 : i32
          %dma_wait3A_381 = tpu.memref_slice %arg2[%dma_wait3A_379, %dma_wait3A_380] : memref<10000x64xf32, #tpu.memory_space<hbm>> -> memref<128x64xf32, #tpu.memory_space<hbm>>
          tpu.wait_dma2 semaphore(%arg24 : memref<!tpu.dma_semaphore, #tpu.memory_space<semaphore_mem>>) src(%dma_wait3A_381 : memref<128x64xf32, #tpu.memory_space<hbm>>) dst(%dma_wait3A_378 : memref<128x64xf32, #tpu.memory_space<vmem>>)
          %add3A_382 = arith.constant 4 : i32
          %add3A_383 = arith.addi %add3A_229, %add3A_382 : i32
          %mul3A_384 = arith.constant 128 : i32
          %mul3A_385 = arith.muli %add3A_383, %mul3A_384 : i32
          %dma_start3A_386 = arith.constant 1 : i32
          %dma_start3A_387 = arith.constant 0 : i32
          %dma_start3A_388 = arith.constant 0 : i32
          %dma_start3A_389 = tpu.memref_slice %arg14[%dma_start3A_386, %dma_start3A_387, %dma_start3A_388] : memref<4x128x64xf32, #tpu.memory_space<vmem>> -> memref<1x128x64xf32, #tpu.memory_space<vmem>>
          %dma_start3A_390 = tpu.memref_squeeze %dma_start3A_389 : memref<1x128x64xf32, #tpu.memory_space<vmem>> -> memref<128x64xf32, #tpu.memory_space<vmem>>
          %dma_start3A_391 = tpu.memref_slice %arg11[%mul3A_385] : memref<20000xi32, #tpu.memory_space<vmem>> -> memref<128xi32, #tpu.memory_space<vmem>>
          %dma_start3A_392 = arith.constant 0 : i32
          %dma_start3A_393 = arith.constant 0 : i32
          %dma_start3A_394 = tpu.memref_slice %arg2[%dma_start3A_392, %dma_start3A_393] : memref<10000x64xf32, #tpu.memory_space<hbm>> -> memref<10000x64xf32, #tpu.memory_space<hbm>>
          tpu.enqueue_indirect_dma source(%dma_start3A_394 : memref<10000x64xf32, #tpu.memory_space<hbm>>) target(%dma_start3A_390 : memref<128x64xf32, #tpu.memory_space<vmem>>) offsets(%dma_start3A_391 : memref<128xi32, #tpu.memory_space<vmem>>) semaphore(%arg20 : memref<!tpu.dma_semaphore, #tpu.memory_space<semaphore_mem>>)
        } else {
        }
        %mul3A_273 = arith.constant 4 : i32
        %mul3A_274 = arith.muli %scan3A_179, %mul3A_273 : i32
        %add3A_275 = arith.constant 2 : i32
        %add3A_276 = arith.addi %mul3A_274, %add3A_275 : i32
        %dma_wait3A_277 = arith.constant 2 : i32
        %dma_wait3A_278 = arith.constant 0 : i32
        %dma_wait3A_279 = arith.constant 0 : i32
        %dma_wait3A_280 = tpu.memref_slice %arg14[%dma_wait3A_277, %dma_wait3A_278, %dma_wait3A_279] : memref<4x128x64xf32, #tpu.memory_space<vmem>> -> memref<1x128x64xf32, #tpu.memory_space<vmem>>
        %dma_wait3A_281 = tpu.memref_squeeze %dma_wait3A_280 : memref<1x128x64xf32, #tpu.memory_space<vmem>> -> memref<128x64xf32, #tpu.memory_space<vmem>>
        %dma_wait3A_282 = arith.constant 0 : i32
        %dma_wait3A_283 = arith.constant 0 : i32
        %dma_wait3A_284 = tpu.memref_slice %arg2[%dma_wait3A_282, %dma_wait3A_283] : memref<10000x64xf32, #tpu.memory_space<hbm>> -> memref<128x64xf32, #tpu.memory_space<hbm>>
        %dma_wait3A_285 = arith.constant 0 : i32
        %dma_wait3A_286 = arith.constant 0 : i32
        %dma_wait3A_287 = tpu.memref_slice %arg14[%dma_wait3A_277, %dma_wait3A_285, %dma_wait3A_286] : memref<4x128x64xf32, #tpu.memory_space<vmem>> -> memref<1x128x64xf32, #tpu.memory_space<vmem>>
        %dma_wait3A_288 = tpu.memref_squeeze %dma_wait3A_287 : memref<1x128x64xf32, #tpu.memory_space<vmem>> -> memref<128x64xf32, #tpu.memory_space<vmem>>
        %dma_wait3A_289 = arith.constant 0 : i32
        %dma_wait3A_290 = arith.constant 0 : i32
        %dma_wait3A_291 = tpu.memref_slice %arg2[%dma_wait3A_289, %dma_wait3A_290] : memref<10000x64xf32, #tpu.memory_space<hbm>> -> memref<128x64xf32, #tpu.memory_space<hbm>>
        tpu.wait_dma2 semaphore(%arg21 : memref<!tpu.dma_semaphore, #tpu.memory_space<semaphore_mem>>) src(%dma_wait3A_291 : memref<128x64xf32, #tpu.memory_space<hbm>>) dst(%dma_wait3A_288 : memref<128x64xf32, #tpu.memory_space<vmem>>)
        %mul3A_292 = arith.constant 1 : i32
        %mul3A_293 = arith.muli %add3A_276, %mul3A_292 : i32
        %add3A_294 = arith.constant 0 : i32
        %add3A_295 = arith.addi %mul3A_293, %add3A_294 : i32
        %dma_start3A_296 = arith.constant 2 : i32
        %dma_start3A_297 = arith.constant 0 : i32
        %dma_start3A_298 = arith.constant 0 : i32
        %dma_start3A_299 = tpu.memref_slice %arg14[%dma_start3A_296, %dma_start3A_297, %dma_start3A_298] : memref<4x128x64xf32, #tpu.memory_space<vmem>> -> memref<1x128x64xf32, #tpu.memory_space<vmem>>
        %dma_start3A_300 = tpu.memref_squeeze %dma_start3A_299 : memref<1x128x64xf32, #tpu.memory_space<vmem>> -> memref<128x64xf32, #tpu.memory_space<vmem>>
        %dma_start3A_301 = arith.constant 0 : i32
        %dma_start3A_302 = tpu.memref_slice %arg12[%add3A_295, %dma_start3A_301] : memref<156x128xi32, #tpu.memory_space<vmem>> -> memref<1x128xi32, #tpu.memory_space<vmem>>
        %dma_start3A_303 = tpu.memref_squeeze %dma_start3A_302 : memref<1x128xi32, #tpu.memory_space<vmem>> -> memref<128xi32, #tpu.memory_space<vmem>>
        %dma_start3A_304 = arith.constant 0 : i32
        %dma_start3A_305 = arith.constant 0 : i32
        %dma_start3A_306 = tpu.memref_slice %arg29[%dma_start3A_304, %dma_start3A_305] : memref<10000x64xf32, #tpu.memory_space<vmem_shared>> -> memref<10000x64xf32, #tpu.memory_space<vmem_shared>>
        tpu.enqueue_indirect_dma source(%dma_start3A_300 : memref<128x64xf32, #tpu.memory_space<vmem>>) target(%dma_start3A_306 : memref<10000x64xf32, #tpu.memory_space<vmem_shared>>) offsets(%dma_start3A_303 : memref<128xi32, #tpu.memory_space<vmem>>) semaphore(%arg25 : memref<!tpu.dma_semaphore, #tpu.memory_space<semaphore_mem>>) {add = true}
        %dma_start3A_307 = arith.constant 0 : i32
        %dma_start3A_308 = tpu.memref_slice %arg12[%add3A_295, %dma_start3A_307] : memref<156x128xi32, #tpu.memory_space<vmem>> -> memref<1x128xi32, #tpu.memory_space<vmem>>
        %dma_start3A_309 = tpu.memref_squeeze %dma_start3A_308 : memref<1x128xi32, #tpu.memory_space<vmem>> -> memref<128xi32, #tpu.memory_space<vmem>>
        %dma_start3A_310 = arith.constant 0 : i32
        %dma_start3A_311 = arith.constant 0 : i32
        %dma_start3A_312 = tpu.memref_slice %arg30[%dma_start3A_310, %dma_start3A_311] : memref<10000x8xf32, #tpu.memory_space<vmem_shared>> -> memref<10000x8xf32, #tpu.memory_space<vmem_shared>>
        tpu.enqueue_indirect_dma source(%arg16 : memref<128x8xf32, #tpu.memory_space<vmem>>) target(%dma_start3A_312 : memref<10000x8xf32, #tpu.memory_space<vmem_shared>>) offsets(%dma_start3A_309 : memref<128xi32, #tpu.memory_space<vmem>>) semaphore(%arg27 : memref<!tpu.dma_semaphore, #tpu.memory_space<semaphore_mem>>) {add = true}
        %add3A_313 = arith.constant 4 : i32
        %add3A_314 = arith.addi %add3A_276, %add3A_313 : i32
        %lt3A_315 = arith.constant 156 : i32
        %lt3A_316 = arith.cmpi slt, %add3A_314, %lt3A_315 : i32
        %convert_element_type3A_317 = arith.extui %lt3A_316 : i1 to i32
        %cond3A_318 = arith.constant 0 : i32
        %cond3A_319 = arith.cmpi ne, %convert_element_type3A_317, %cond3A_318 : i32
        scf.if %cond3A_319 {
          %dma_wait3A_367 = arith.constant 2 : i32
          %dma_wait3A_368 = arith.constant 0 : i32
          %dma_wait3A_369 = arith.constant 0 : i32
          %dma_wait3A_370 = tpu.memref_slice %arg14[%dma_wait3A_367, %dma_wait3A_368, %dma_wait3A_369] : memref<4x128x64xf32, #tpu.memory_space<vmem>> -> memref<1x128x64xf32, #tpu.memory_space<vmem>>
          %dma_wait3A_371 = tpu.memref_squeeze %dma_wait3A_370 : memref<1x128x64xf32, #tpu.memory_space<vmem>> -> memref<128x64xf32, #tpu.memory_space<vmem>>
          %dma_wait3A_372 = arith.constant 0 : i32
          %dma_wait3A_373 = arith.constant 0 : i32
          %dma_wait3A_374 = tpu.memref_slice %arg2[%dma_wait3A_372, %dma_wait3A_373] : memref<10000x64xf32, #tpu.memory_space<hbm>> -> memref<128x64xf32, #tpu.memory_space<hbm>>
          %dma_wait3A_375 = arith.constant 0 : i32
          %dma_wait3A_376 = arith.constant 0 : i32
          %dma_wait3A_377 = tpu.memref_slice %arg14[%dma_wait3A_367, %dma_wait3A_375, %dma_wait3A_376] : memref<4x128x64xf32, #tpu.memory_space<vmem>> -> memref<1x128x64xf32, #tpu.memory_space<vmem>>
          %dma_wait3A_378 = tpu.memref_squeeze %dma_wait3A_377 : memref<1x128x64xf32, #tpu.memory_space<vmem>> -> memref<128x64xf32, #tpu.memory_space<vmem>>
          %dma_wait3A_379 = arith.constant 0 : i32
          %dma_wait3A_380 = arith.constant 0 : i32
          %dma_wait3A_381 = tpu.memref_slice %arg2[%dma_wait3A_379, %dma_wait3A_380] : memref<10000x64xf32, #tpu.memory_space<hbm>> -> memref<128x64xf32, #tpu.memory_space<hbm>>
          tpu.wait_dma2 semaphore(%arg25 : memref<!tpu.dma_semaphore, #tpu.memory_space<semaphore_mem>>) src(%dma_wait3A_381 : memref<128x64xf32, #tpu.memory_space<hbm>>) dst(%dma_wait3A_378 : memref<128x64xf32, #tpu.memory_space<vmem>>)
          %add3A_382 = arith.constant 4 : i32
          %add3A_383 = arith.addi %add3A_276, %add3A_382 : i32
          %mul3A_384 = arith.constant 128 : i32
          %mul3A_385 = arith.muli %add3A_383, %mul3A_384 : i32
          %dma_start3A_386 = arith.constant 2 : i32
          %dma_start3A_387 = arith.constant 0 : i32
          %dma_start3A_388 = arith.constant 0 : i32
          %dma_start3A_389 = tpu.memref_slice %arg14[%dma_start3A_386, %dma_start3A_387, %dma_start3A_388] : memref<4x128x64xf32, #tpu.memory_space<vmem>> -> memref<1x128x64xf32, #tpu.memory_space<vmem>>
          %dma_start3A_390 = tpu.memref_squeeze %dma_start3A_389 : memref<1x128x64xf32, #tpu.memory_space<vmem>> -> memref<128x64xf32, #tpu.memory_space<vmem>>
          %dma_start3A_391 = tpu.memref_slice %arg11[%mul3A_385] : memref<20000xi32, #tpu.memory_space<vmem>> -> memref<128xi32, #tpu.memory_space<vmem>>
          %dma_start3A_392 = arith.constant 0 : i32
          %dma_start3A_393 = arith.constant 0 : i32
          %dma_start3A_394 = tpu.memref_slice %arg2[%dma_start3A_392, %dma_start3A_393] : memref<10000x64xf32, #tpu.memory_space<hbm>> -> memref<10000x64xf32, #tpu.memory_space<hbm>>
          tpu.enqueue_indirect_dma source(%dma_start3A_394 : memref<10000x64xf32, #tpu.memory_space<hbm>>) target(%dma_start3A_390 : memref<128x64xf32, #tpu.memory_space<vmem>>) offsets(%dma_start3A_391 : memref<128xi32, #tpu.memory_space<vmem>>) semaphore(%arg21 : memref<!tpu.dma_semaphore, #tpu.memory_space<semaphore_mem>>)
        } else {
        }
        %mul3A_320 = arith.constant 4 : i32
        %mul3A_321 = arith.muli %scan3A_179, %mul3A_320 : i32
        %add3A_322 = arith.constant 3 : i32
        %add3A_323 = arith.addi %mul3A_321, %add3A_322 : i32
        %dma_wait3A_324 = arith.constant 3 : i32
        %dma_wait3A_325 = arith.constant 0 : i32
        %dma_wait3A_326 = arith.constant 0 : i32
        %dma_wait3A_327 = tpu.memref_slice %arg14[%dma_wait3A_324, %dma_wait3A_325, %dma_wait3A_326] : memref<4x128x64xf32, #tpu.memory_space<vmem>> -> memref<1x128x64xf32, #tpu.memory_space<vmem>>
        %dma_wait3A_328 = tpu.memref_squeeze %dma_wait3A_327 : memref<1x128x64xf32, #tpu.memory_space<vmem>> -> memref<128x64xf32, #tpu.memory_space<vmem>>
        %dma_wait3A_329 = arith.constant 0 : i32
        %dma_wait3A_330 = arith.constant 0 : i32
        %dma_wait3A_331 = tpu.memref_slice %arg2[%dma_wait3A_329, %dma_wait3A_330] : memref<10000x64xf32, #tpu.memory_space<hbm>> -> memref<128x64xf32, #tpu.memory_space<hbm>>
        %dma_wait3A_332 = arith.constant 0 : i32
        %dma_wait3A_333 = arith.constant 0 : i32
        %dma_wait3A_334 = tpu.memref_slice %arg14[%dma_wait3A_324, %dma_wait3A_332, %dma_wait3A_333] : memref<4x128x64xf32, #tpu.memory_space<vmem>> -> memref<1x128x64xf32, #tpu.memory_space<vmem>>
        %dma_wait3A_335 = tpu.memref_squeeze %dma_wait3A_334 : memref<1x128x64xf32, #tpu.memory_space<vmem>> -> memref<128x64xf32, #tpu.memory_space<vmem>>
        %dma_wait3A_336 = arith.constant 0 : i32
        %dma_wait3A_337 = arith.constant 0 : i32
        %dma_wait3A_338 = tpu.memref_slice %arg2[%dma_wait3A_336, %dma_wait3A_337] : memref<10000x64xf32, #tpu.memory_space<hbm>> -> memref<128x64xf32, #tpu.memory_space<hbm>>
        tpu.wait_dma2 semaphore(%arg22 : memref<!tpu.dma_semaphore, #tpu.memory_space<semaphore_mem>>) src(%dma_wait3A_338 : memref<128x64xf32, #tpu.memory_space<hbm>>) dst(%dma_wait3A_335 : memref<128x64xf32, #tpu.memory_space<vmem>>)
        %mul3A_339 = arith.constant 1 : i32
        %mul3A_340 = arith.muli %add3A_323, %mul3A_339 : i32
        %add3A_341 = arith.constant 0 : i32
        %add3A_342 = arith.addi %mul3A_340, %add3A_341 : i32
        %dma_start3A_343 = arith.constant 3 : i32
        %dma_start3A_344 = arith.constant 0 : i32
        %dma_start3A_345 = arith.constant 0 : i32
        %dma_start3A_346 = tpu.memref_slice %arg14[%dma_start3A_343, %dma_start3A_344, %dma_start3A_345] : memref<4x128x64xf32, #tpu.memory_space<vmem>> -> memref<1x128x64xf32, #tpu.memory_space<vmem>>
        %dma_start3A_347 = tpu.memref_squeeze %dma_start3A_346 : memref<1x128x64xf32, #tpu.memory_space<vmem>> -> memref<128x64xf32, #tpu.memory_space<vmem>>
        %dma_start3A_348 = arith.constant 0 : i32
        %dma_start3A_349 = tpu.memref_slice %arg12[%add3A_342, %dma_start3A_348] : memref<156x128xi32, #tpu.memory_space<vmem>> -> memref<1x128xi32, #tpu.memory_space<vmem>>
        %dma_start3A_350 = tpu.memref_squeeze %dma_start3A_349 : memref<1x128xi32, #tpu.memory_space<vmem>> -> memref<128xi32, #tpu.memory_space<vmem>>
        %dma_start3A_351 = arith.constant 0 : i32
        %dma_start3A_352 = arith.constant 0 : i32
        %dma_start3A_353 = tpu.memref_slice %arg29[%dma_start3A_351, %dma_start3A_352] : memref<10000x64xf32, #tpu.memory_space<vmem_shared>> -> memref<10000x64xf32, #tpu.memory_space<vmem_shared>>
        tpu.enqueue_indirect_dma source(%dma_start3A_347 : memref<128x64xf32, #tpu.memory_space<vmem>>) target(%dma_start3A_353 : memref<10000x64xf32, #tpu.memory_space<vmem_shared>>) offsets(%dma_start3A_350 : memref<128xi32, #tpu.memory_space<vmem>>) semaphore(%arg26 : memref<!tpu.dma_semaphore, #tpu.memory_space<semaphore_mem>>) {add = true}
        %dma_start3A_354 = arith.constant 0 : i32
        %dma_start3A_355 = tpu.memref_slice %arg12[%add3A_342, %dma_start3A_354] : memref<156x128xi32, #tpu.memory_space<vmem>> -> memref<1x128xi32, #tpu.memory_space<vmem>>
        %dma_start3A_356 = tpu.memref_squeeze %dma_start3A_355 : memref<1x128xi32, #tpu.memory_space<vmem>> -> memref<128xi32, #tpu.memory_space<vmem>>
        %dma_start3A_357 = arith.constant 0 : i32
        %dma_start3A_358 = arith.constant 0 : i32
        %dma_start3A_359 = tpu.memref_slice %arg30[%dma_start3A_357, %dma_start3A_358] : memref<10000x8xf32, #tpu.memory_space<vmem_shared>> -> memref<10000x8xf32, #tpu.memory_space<vmem_shared>>
        tpu.enqueue_indirect_dma source(%arg16 : memref<128x8xf32, #tpu.memory_space<vmem>>) target(%dma_start3A_359 : memref<10000x8xf32, #tpu.memory_space<vmem_shared>>) offsets(%dma_start3A_356 : memref<128xi32, #tpu.memory_space<vmem>>) semaphore(%arg27 : memref<!tpu.dma_semaphore, #tpu.memory_space<semaphore_mem>>) {add = true}
        %add3A_360 = arith.constant 4 : i32
        %add3A_361 = arith.addi %add3A_323, %add3A_360 : i32
        %lt3A_362 = arith.constant 156 : i32
        %lt3A_363 = arith.cmpi slt, %add3A_361, %lt3A_362 : i32
        %convert_element_type3A_364 = arith.extui %lt3A_363 : i1 to i32
        %cond3A_365 = arith.constant 0 : i32
        %cond3A_366 = arith.cmpi ne, %convert_element_type3A_364, %cond3A_365 : i32
        scf.if %cond3A_366 {
          %dma_wait3A_367 = arith.constant 3 : i32
          %dma_wait3A_368 = arith.constant 0 : i32
          %dma_wait3A_369 = arith.constant 0 : i32
          %dma_wait3A_370 = tpu.memref_slice %arg14[%dma_wait3A_367, %dma_wait3A_368, %dma_wait3A_369] : memref<4x128x64xf32, #tpu.memory_space<vmem>> -> memref<1x128x64xf32, #tpu.memory_space<vmem>>
          %dma_wait3A_371 = tpu.memref_squeeze %dma_wait3A_370 : memref<1x128x64xf32, #tpu.memory_space<vmem>> -> memref<128x64xf32, #tpu.memory_space<vmem>>
          %dma_wait3A_372 = arith.constant 0 : i32
          %dma_wait3A_373 = arith.constant 0 : i32
          %dma_wait3A_374 = tpu.memref_slice %arg2[%dma_wait3A_372, %dma_wait3A_373] : memref<10000x64xf32, #tpu.memory_space<hbm>> -> memref<128x64xf32, #tpu.memory_space<hbm>>
          %dma_wait3A_375 = arith.constant 0 : i32
          %dma_wait3A_376 = arith.constant 0 : i32
          %dma_wait3A_377 = tpu.memref_slice %arg14[%dma_wait3A_367, %dma_wait3A_375, %dma_wait3A_376] : memref<4x128x64xf32, #tpu.memory_space<vmem>> -> memref<1x128x64xf32, #tpu.memory_space<vmem>>
          %dma_wait3A_378 = tpu.memref_squeeze %dma_wait3A_377 : memref<1x128x64xf32, #tpu.memory_space<vmem>> -> memref<128x64xf32, #tpu.memory_space<vmem>>
          %dma_wait3A_379 = arith.constant 0 : i32
          %dma_wait3A_380 = arith.constant 0 : i32
          %dma_wait3A_381 = tpu.memref_slice %arg2[%dma_wait3A_379, %dma_wait3A_380] : memref<10000x64xf32, #tpu.memory_space<hbm>> -> memref<128x64xf32, #tpu.memory_space<hbm>>
          tpu.wait_dma2 semaphore(%arg26 : memref<!tpu.dma_semaphore, #tpu.memory_space<semaphore_mem>>) src(%dma_wait3A_381 : memref<128x64xf32, #tpu.memory_space<hbm>>) dst(%dma_wait3A_378 : memref<128x64xf32, #tpu.memory_space<vmem>>)
          %add3A_382 = arith.constant 4 : i32
          %add3A_383 = arith.addi %add3A_323, %add3A_382 : i32
          %mul3A_384 = arith.constant 128 : i32
          %mul3A_385 = arith.muli %add3A_383, %mul3A_384 : i32
          %dma_start3A_386 = arith.constant 3 : i32
          %dma_start3A_387 = arith.constant 0 : i32
          %dma_start3A_388 = arith.constant 0 : i32
          %dma_start3A_389 = tpu.memref_slice %arg14[%dma_start3A_386, %dma_start3A_387, %dma_start3A_388] : memref<4x128x64xf32, #tpu.memory_space<vmem>> -> memref<1x128x64xf32, #tpu.memory_space<vmem>>
          %dma_start3A_390 = tpu.memref_squeeze %dma_start3A_389 : memref<1x128x64xf32, #tpu.memory_space<vmem>> -> memref<128x64xf32, #tpu.memory_space<vmem>>
          %dma_start3A_391 = tpu.memref_slice %arg11[%mul3A_385] : memref<20000xi32, #tpu.memory_space<vmem>> -> memref<128xi32, #tpu.memory_space<vmem>>
          %dma_start3A_392 = arith.constant 0 : i32
          %dma_start3A_393 = arith.constant 0 : i32
          %dma_start3A_394 = tpu.memref_slice %arg2[%dma_start3A_392, %dma_start3A_393] : memref<10000x64xf32, #tpu.memory_space<hbm>> -> memref<10000x64xf32, #tpu.memory_space<hbm>>
          tpu.enqueue_indirect_dma source(%dma_start3A_394 : memref<10000x64xf32, #tpu.memory_space<hbm>>) target(%dma_start3A_390 : memref<128x64xf32, #tpu.memory_space<vmem>>) offsets(%dma_start3A_391 : memref<128xi32, #tpu.memory_space<vmem>>) semaphore(%arg22 : memref<!tpu.dma_semaphore, #tpu.memory_space<semaphore_mem>>)
        } else {
        }
      }
      %scan3A_100 = arith.constant 39 : i32
      %dma_wait3A_101 = arith.constant 0 : i32
      %dma_wait3A_102 = arith.constant 0 : i32
      %dma_wait3A_103 = arith.constant 0 : i32
      %dma_wait3A_104 = tpu.memref_slice %arg14[%dma_wait3A_101, %dma_wait3A_102, %dma_wait3A_103] : memref<4x128x64xf32, #tpu.memory_space<vmem>> -> memref<1x128x64xf32, #tpu.memory_space<vmem>>
      %dma_wait3A_105 = tpu.memref_squeeze %dma_wait3A_104 : memref<1x128x64xf32, #tpu.memory_space<vmem>> -> memref<128x64xf32, #tpu.memory_space<vmem>>
      %dma_wait3A_106 = arith.constant 0 : i32
      %dma_wait3A_107 = arith.constant 0 : i32
      %dma_wait3A_108 = tpu.memref_slice %arg2[%dma_wait3A_106, %dma_wait3A_107] : memref<10000x64xf32, #tpu.memory_space<hbm>> -> memref<128x64xf32, #tpu.memory_space<hbm>>
      %dma_wait3A_109 = arith.constant 0 : i32
      %dma_wait3A_110 = arith.constant 0 : i32
      %dma_wait3A_111 = tpu.memref_slice %arg14[%dma_wait3A_101, %dma_wait3A_109, %dma_wait3A_110] : memref<4x128x64xf32, #tpu.memory_space<vmem>> -> memref<1x128x64xf32, #tpu.memory_space<vmem>>
      %dma_wait3A_112 = tpu.memref_squeeze %dma_wait3A_111 : memref<1x128x64xf32, #tpu.memory_space<vmem>> -> memref<128x64xf32, #tpu.memory_space<vmem>>
      %dma_wait3A_113 = arith.constant 0 : i32
      %dma_wait3A_114 = arith.constant 0 : i32
      %dma_wait3A_115 = tpu.memref_slice %arg2[%dma_wait3A_113, %dma_wait3A_114] : memref<10000x64xf32, #tpu.memory_space<hbm>> -> memref<128x64xf32, #tpu.memory_space<hbm>>
      tpu.wait_dma2 semaphore(%arg23 : memref<!tpu.dma_semaphore, #tpu.memory_space<semaphore_mem>>) src(%dma_wait3A_115 : memref<128x64xf32, #tpu.memory_space<hbm>>) dst(%dma_wait3A_112 : memref<128x64xf32, #tpu.memory_space<vmem>>)
      %dma_wait3A_116 = arith.constant 1 : i32
      %dma_wait3A_117 = arith.constant 0 : i32
      %dma_wait3A_118 = arith.constant 0 : i32
      %dma_wait3A_119 = tpu.memref_slice %arg14[%dma_wait3A_116, %dma_wait3A_117, %dma_wait3A_118] : memref<4x128x64xf32, #tpu.memory_space<vmem>> -> memref<1x128x64xf32, #tpu.memory_space<vmem>>
      %dma_wait3A_120 = tpu.memref_squeeze %dma_wait3A_119 : memref<1x128x64xf32, #tpu.memory_space<vmem>> -> memref<128x64xf32, #tpu.memory_space<vmem>>
      %dma_wait3A_121 = arith.constant 0 : i32
      %dma_wait3A_122 = arith.constant 0 : i32
      %dma_wait3A_123 = tpu.memref_slice %arg2[%dma_wait3A_121, %dma_wait3A_122] : memref<10000x64xf32, #tpu.memory_space<hbm>> -> memref<128x64xf32, #tpu.memory_space<hbm>>
      %dma_wait3A_124 = arith.constant 0 : i32
      %dma_wait3A_125 = arith.constant 0 : i32
      %dma_wait3A_126 = tpu.memref_slice %arg14[%dma_wait3A_116, %dma_wait3A_124, %dma_wait3A_125] : memref<4x128x64xf32, #tpu.memory_space<vmem>> -> memref<1x128x64xf32, #tpu.memory_space<vmem>>
      %dma_wait3A_127 = tpu.memref_squeeze %dma_wait3A_126 : memref<1x128x64xf32, #tpu.memory_space<vmem>> -> memref<128x64xf32, #tpu.memory_space<vmem>>
      %dma_wait3A_128 = arith.constant 0 : i32
      %dma_wait3A_129 = arith.constant 0 : i32
      %dma_wait3A_130 = tpu.memref_slice %arg2[%dma_wait3A_128, %dma_wait3A_129] : memref<10000x64xf32, #tpu.memory_space<hbm>> -> memref<128x64xf32, #tpu.memory_space<hbm>>
      tpu.wait_dma2 semaphore(%arg24 : memref<!tpu.dma_semaphore, #tpu.memory_space<semaphore_mem>>) src(%dma_wait3A_130 : memref<128x64xf32, #tpu.memory_space<hbm>>) dst(%dma_wait3A_127 : memref<128x64xf32, #tpu.memory_space<vmem>>)
      %dma_wait3A_131 = arith.constant 2 : i32
      %dma_wait3A_132 = arith.constant 0 : i32
      %dma_wait3A_133 = arith.constant 0 : i32
      %dma_wait3A_134 = tpu.memref_slice %arg14[%dma_wait3A_131, %dma_wait3A_132, %dma_wait3A_133] : memref<4x128x64xf32, #tpu.memory_space<vmem>> -> memref<1x128x64xf32, #tpu.memory_space<vmem>>
      %dma_wait3A_135 = tpu.memref_squeeze %dma_wait3A_134 : memref<1x128x64xf32, #tpu.memory_space<vmem>> -> memref<128x64xf32, #tpu.memory_space<vmem>>
      %dma_wait3A_136 = arith.constant 0 : i32
      %dma_wait3A_137 = arith.constant 0 : i32
      %dma_wait3A_138 = tpu.memref_slice %arg2[%dma_wait3A_136, %dma_wait3A_137] : memref<10000x64xf32, #tpu.memory_space<hbm>> -> memref<128x64xf32, #tpu.memory_space<hbm>>
      %dma_wait3A_139 = arith.constant 0 : i32
      %dma_wait3A_140 = arith.constant 0 : i32
      %dma_wait3A_141 = tpu.memref_slice %arg14[%dma_wait3A_131, %dma_wait3A_139, %dma_wait3A_140] : memref<4x128x64xf32, #tpu.memory_space<vmem>> -> memref<1x128x64xf32, #tpu.memory_space<vmem>>
      %dma_wait3A_142 = tpu.memref_squeeze %dma_wait3A_141 : memref<1x128x64xf32, #tpu.memory_space<vmem>> -> memref<128x64xf32, #tpu.memory_space<vmem>>
      %dma_wait3A_143 = arith.constant 0 : i32
      %dma_wait3A_144 = arith.constant 0 : i32
      %dma_wait3A_145 = tpu.memref_slice %arg2[%dma_wait3A_143, %dma_wait3A_144] : memref<10000x64xf32, #tpu.memory_space<hbm>> -> memref<128x64xf32, #tpu.memory_space<hbm>>
      tpu.wait_dma2 semaphore(%arg25 : memref<!tpu.dma_semaphore, #tpu.memory_space<semaphore_mem>>) src(%dma_wait3A_145 : memref<128x64xf32, #tpu.memory_space<hbm>>) dst(%dma_wait3A_142 : memref<128x64xf32, #tpu.memory_space<vmem>>)
      %dma_wait3A_146 = arith.constant 3 : i32
      %dma_wait3A_147 = arith.constant 0 : i32
      %dma_wait3A_148 = arith.constant 0 : i32
      %dma_wait3A_149 = tpu.memref_slice %arg14[%dma_wait3A_146, %dma_wait3A_147, %dma_wait3A_148] : memref<4x128x64xf32, #tpu.memory_space<vmem>> -> memref<1x128x64xf32, #tpu.memory_space<vmem>>
      %dma_wait3A_150 = tpu.memref_squeeze %dma_wait3A_149 : memref<1x128x64xf32, #tpu.memory_space<vmem>> -> memref<128x64xf32, #tpu.memory_space<vmem>>
      %dma_wait3A_151 = arith.constant 0 : i32
      %dma_wait3A_152 = arith.constant 0 : i32
      %dma_wait3A_153 = tpu.memref_slice %arg2[%dma_wait3A_151, %dma_wait3A_152] : memref<10000x64xf32, #tpu.memory_space<hbm>> -> memref<128x64xf32, #tpu.memory_space<hbm>>
      %dma_wait3A_154 = arith.constant 0 : i32
      %dma_wait3A_155 = arith.constant 0 : i32
      %dma_wait3A_156 = tpu.memref_slice %arg14[%dma_wait3A_146, %dma_wait3A_154, %dma_wait3A_155] : memref<4x128x64xf32, #tpu.memory_space<vmem>> -> memref<1x128x64xf32, #tpu.memory_space<vmem>>
      %dma_wait3A_157 = tpu.memref_squeeze %dma_wait3A_156 : memref<1x128x64xf32, #tpu.memory_space<vmem>> -> memref<128x64xf32, #tpu.memory_space<vmem>>
      %dma_wait3A_158 = arith.constant 0 : i32
      %dma_wait3A_159 = arith.constant 0 : i32
      %dma_wait3A_160 = tpu.memref_slice %arg2[%dma_wait3A_158, %dma_wait3A_159] : memref<10000x64xf32, #tpu.memory_space<hbm>> -> memref<128x64xf32, #tpu.memory_space<hbm>>
      tpu.wait_dma2 semaphore(%arg26 : memref<!tpu.dma_semaphore, #tpu.memory_space<semaphore_mem>>) src(%dma_wait3A_160 : memref<128x64xf32, #tpu.memory_space<hbm>>) dst(%dma_wait3A_157 : memref<128x64xf32, #tpu.memory_space<vmem>>)
      %dma_wait3A_161 = arith.constant 0 : i32
      %dma_wait3A_162 = arith.constant 0 : i32
      %dma_wait3A_163 = tpu.memref_slice %arg29[%dma_wait3A_161, %dma_wait3A_162] : memref<10000x64xf32, #tpu.memory_space<vmem_shared>> -> memref<2496x64xf32, #tpu.memory_space<vmem_shared>>
      %dma_wait3A_164 = arith.constant 0 : i32
      %dma_wait3A_165 = arith.constant 0 : i32
      %dma_wait3A_166 = tpu.memref_slice %arg2[%dma_wait3A_164, %dma_wait3A_165] : memref<10000x64xf32, #tpu.memory_space<hbm>> -> memref<2496x64xf32, #tpu.memory_space<hbm>>
      tpu.wait_dma2 semaphore(%arg27 : memref<!tpu.dma_semaphore, #tpu.memory_space<semaphore_mem>>) src(%dma_wait3A_166 : memref<2496x64xf32, #tpu.memory_space<hbm>>) dst(%dma_wait3A_163 : memref<2496x64xf32, #tpu.memory_space<vmem_shared>>)
      %dma_start3A_167 = arith.constant 19968 : i32
      %dma_start3A_168 = tpu.memref_slice %arg11[%dma_start3A_167] : memref<20000xi32, #tpu.memory_space<vmem>> -> memref<32xi32, #tpu.memory_space<vmem>>
      %dma_start3A_169 = arith.constant 0 : i32
      %dma_start3A_170 = arith.constant 0 : i32
      %dma_start3A_171 = tpu.memref_slice %arg2[%dma_start3A_169, %dma_start3A_170] : memref<10000x64xf32, #tpu.memory_space<hbm>> -> memref<10000x64xf32, #tpu.memory_space<hbm>>
      tpu.enqueue_indirect_dma source(%dma_start3A_171 : memref<10000x64xf32, #tpu.memory_space<hbm>>) target(%arg15 : memref<32x64xf32, #tpu.memory_space<vmem>>) offsets(%dma_start3A_168 : memref<32xi32, #tpu.memory_space<vmem>>) semaphore(%arg19 : memref<!tpu.dma_semaphore, #tpu.memory_space<semaphore_mem>>)
      %dma_wait3A_172 = arith.constant 19968 : i32
      %dma_wait3A_173 = tpu.memref_slice %arg11[%dma_wait3A_172] : memref<20000xi32, #tpu.memory_space<vmem>> -> memref<32xi32, #tpu.memory_space<vmem>>
      %dma_wait3A_174 = arith.constant 0 : i32
      %dma_wait3A_175 = arith.constant 0 : i32
      %dma_wait3A_176 = tpu.memref_slice %arg2[%dma_wait3A_174, %dma_wait3A_175] : memref<10000x64xf32, #tpu.memory_space<hbm>> -> memref<10000x64xf32, #tpu.memory_space<hbm>>
      tpu.wait_indirect_dma semaphore(%arg19 : memref<!tpu.dma_semaphore, #tpu.memory_space<semaphore_mem>>) src(%dma_wait3A_176 : memref<10000x64xf32, #tpu.memory_space<hbm>>) dst(%arg15 : memref<32x64xf32, #tpu.memory_space<vmem>>)
      %run_scoped3A_177 = arith.constant 0 : i32
      "tpu.region"() ({
        %run_scoped3A_179 = tpu.sem_alloc : memref<!tpu.dma_semaphore, #tpu.memory_space<semaphore_mem>>
        %dma_start3A_180 = arith.constant 0 : i32
        %dma_start3A_181 = tpu.memref_slice %arg13[%run_scoped3A_177, %dma_start3A_180] : memref<1x32xi32, #tpu.memory_space<vmem>> -> memref<1x32xi32, #tpu.memory_space<vmem>>
        %dma_start3A_182 = tpu.memref_squeeze %dma_start3A_181 : memref<1x32xi32, #tpu.memory_space<vmem>> -> memref<32xi32, #tpu.memory_space<vmem>>
        %dma_start3A_183 = arith.constant 0 : i32
        %dma_start3A_184 = arith.constant 0 : i32
        %dma_start3A_185 = tpu.memref_slice %arg29[%dma_start3A_183, %dma_start3A_184] : memref<10000x64xf32, #tpu.memory_space<vmem_shared>> -> memref<10000x64xf32, #tpu.memory_space<vmem_shared>>
        tpu.enqueue_indirect_dma source(%arg15 : memref<32x64xf32, #tpu.memory_space<vmem>>) target(%dma_start3A_185 : memref<10000x64xf32, #tpu.memory_space<vmem_shared>>) offsets(%dma_start3A_182 : memref<32xi32, #tpu.memory_space<vmem>>) semaphore(%run_scoped3A_179 : memref<!tpu.dma_semaphore, #tpu.memory_space<semaphore_mem>>) {add = true}
        %dma_wait3A_186 = arith.constant 0 : i32
        %dma_wait3A_187 = tpu.memref_slice %arg13[%run_scoped3A_177, %dma_wait3A_186] : memref<1x32xi32, #tpu.memory_space<vmem>> -> memref<1x32xi32, #tpu.memory_space<vmem>>
        %dma_wait3A_188 = tpu.memref_squeeze %dma_wait3A_187 : memref<1x32xi32, #tpu.memory_space<vmem>> -> memref<32xi32, #tpu.memory_space<vmem>>
        %dma_wait3A_189 = arith.constant 0 : i32
        %dma_wait3A_190 = arith.constant 0 : i32
        %dma_wait3A_191 = tpu.memref_slice %arg29[%dma_wait3A_189, %dma_wait3A_190] : memref<10000x64xf32, #tpu.memory_space<vmem_shared>> -> memref<10000x64xf32, #tpu.memory_space<vmem_shared>>
        tpu.wait_indirect_dma semaphore(%run_scoped3A_179 : memref<!tpu.dma_semaphore, #tpu.memory_space<semaphore_mem>>) src(%arg15 : memref<32x64xf32, #tpu.memory_space<vmem>>) dst(%dma_wait3A_191 : memref<10000x64xf32, #tpu.memory_space<vmem_shared>>)
        tpu.yield
      }) : () -> ()
      %run_scoped3A_178 = arith.constant 0 : i32
      "tpu.region"() ({
        %run_scoped3A_179 = tpu.sem_alloc : memref<!tpu.dma_semaphore, #tpu.memory_space<semaphore_mem>>
        %dma_start3A_180 = arith.constant 0 : i32
        %dma_start3A_181 = arith.constant 0 : i32
        %dma_start3A_182 = tpu.memref_slice %arg16[%dma_start3A_180, %dma_start3A_181] : memref<128x8xf32, #tpu.memory_space<vmem>> -> memref<32x8xf32, #tpu.memory_space<vmem>>
        %dma_start3A_183 = arith.constant 0 : i32
        %dma_start3A_184 = tpu.memref_slice %arg13[%run_scoped3A_178, %dma_start3A_183] : memref<1x32xi32, #tpu.memory_space<vmem>> -> memref<1x32xi32, #tpu.memory_space<vmem>>
        %dma_start3A_185 = tpu.memref_squeeze %dma_start3A_184 : memref<1x32xi32, #tpu.memory_space<vmem>> -> memref<32xi32, #tpu.memory_space<vmem>>
        %dma_start3A_186 = arith.constant 0 : i32
        %dma_start3A_187 = arith.constant 0 : i32
        %dma_start3A_188 = tpu.memref_slice %arg30[%dma_start3A_186, %dma_start3A_187] : memref<10000x8xf32, #tpu.memory_space<vmem_shared>> -> memref<10000x8xf32, #tpu.memory_space<vmem_shared>>
        tpu.enqueue_indirect_dma source(%dma_start3A_182 : memref<32x8xf32, #tpu.memory_space<vmem>>) target(%dma_start3A_188 : memref<10000x8xf32, #tpu.memory_space<vmem_shared>>) offsets(%dma_start3A_185 : memref<32xi32, #tpu.memory_space<vmem>>) semaphore(%run_scoped3A_179 : memref<!tpu.dma_semaphore, #tpu.memory_space<semaphore_mem>>) {add = true}
        %dma_wait3A_189 = arith.constant 0 : i32
        %dma_wait3A_190 = arith.constant 0 : i32
        %dma_wait3A_191 = tpu.memref_slice %arg16[%dma_wait3A_189, %dma_wait3A_190] : memref<128x8xf32, #tpu.memory_space<vmem>> -> memref<32x8xf32, #tpu.memory_space<vmem>>
        %dma_wait3A_192 = arith.constant 0 : i32
        %dma_wait3A_193 = tpu.memref_slice %arg13[%run_scoped3A_178, %dma_wait3A_192] : memref<1x32xi32, #tpu.memory_space<vmem>> -> memref<1x32xi32, #tpu.memory_space<vmem>>
        %dma_wait3A_194 = tpu.memref_squeeze %dma_wait3A_193 : memref<1x32xi32, #tpu.memory_space<vmem>> -> memref<32xi32, #tpu.memory_space<vmem>>
        %dma_wait3A_195 = arith.constant 0 : i32
        %dma_wait3A_196 = arith.constant 0 : i32
        %dma_wait3A_197 = tpu.memref_slice %arg30[%dma_wait3A_195, %dma_wait3A_196] : memref<10000x8xf32, #tpu.memory_space<vmem_shared>> -> memref<10000x8xf32, #tpu.memory_space<vmem_shared>>
        tpu.wait_indirect_dma semaphore(%run_scoped3A_179 : memref<!tpu.dma_semaphore, #tpu.memory_space<semaphore_mem>>) src(%dma_wait3A_191 : memref<32x8xf32, #tpu.memory_space<vmem>>) dst(%dma_wait3A_197 : memref<10000x8xf32, #tpu.memory_space<vmem_shared>>)
        tpu.yield
      }) : () -> ()
    } else {
    }
    %eq3A_38 = arith.constant 1 : i32
    %eq3A_39 = arith.cmpi eq, %arg0, %eq3A_38 : i32
    %convert_element_type3A_40 = arith.extui %eq3A_39 : i1 to i32
    %cond3A_41 = arith.constant 0 : i32
    %cond3A_42 = arith.cmpi ne, %convert_element_type3A_40, %cond3A_41 : i32
    scf.if %cond3A_42 {
      %dma_start3A_55 = arith.constant 0 : i32
      %dma_start3A_56 = arith.constant 0 : i32
      %dma_start3A_57 = arith.constant 0 : i32
      %dma_start3A_58 = tpu.memref_slice %arg14[%dma_start3A_55, %dma_start3A_56, %dma_start3A_57] : memref<4x128x64xf32, #tpu.memory_space<vmem>> -> memref<1x128x64xf32, #tpu.memory_space<vmem>>
      %dma_start3A_59 = tpu.memref_squeeze %dma_start3A_58 : memref<1x128x64xf32, #tpu.memory_space<vmem>> -> memref<128x64xf32, #tpu.memory_space<vmem>>
      %dma_start3A_60 = arith.constant 0 : i32
      %dma_start3A_61 = tpu.memref_slice %arg11[%dma_start3A_60] : memref<20000xi32, #tpu.memory_space<vmem>> -> memref<128xi32, #tpu.memory_space<vmem>>
      %dma_start3A_62 = arith.constant 0 : i32
      %dma_start3A_63 = arith.constant 0 : i32
      %dma_start3A_64 = tpu.memref_slice %arg3[%dma_start3A_62, %dma_start3A_63] : memref<10000x64xf32, #tpu.memory_space<hbm>> -> memref<10000x64xf32, #tpu.memory_space<hbm>>
      tpu.enqueue_indirect_dma source(%dma_start3A_64 : memref<10000x64xf32, #tpu.memory_space<hbm>>) target(%dma_start3A_59 : memref<128x64xf32, #tpu.memory_space<vmem>>) offsets(%dma_start3A_61 : memref<128xi32, #tpu.memory_space<vmem>>) semaphore(%arg19 : memref<!tpu.dma_semaphore, #tpu.memory_space<semaphore_mem>>)
      %dma_start3A_65 = arith.constant 1 : i32
      %dma_start3A_66 = arith.constant 0 : i32
      %dma_start3A_67 = arith.constant 0 : i32
      %dma_start3A_68 = tpu.memref_slice %arg14[%dma_start3A_65, %dma_start3A_66, %dma_start3A_67] : memref<4x128x64xf32, #tpu.memory_space<vmem>> -> memref<1x128x64xf32, #tpu.memory_space<vmem>>
      %dma_start3A_69 = tpu.memref_squeeze %dma_start3A_68 : memref<1x128x64xf32, #tpu.memory_space<vmem>> -> memref<128x64xf32, #tpu.memory_space<vmem>>
      %dma_start3A_70 = arith.constant 128 : i32
      %dma_start3A_71 = tpu.memref_slice %arg11[%dma_start3A_70] : memref<20000xi32, #tpu.memory_space<vmem>> -> memref<128xi32, #tpu.memory_space<vmem>>
      %dma_start3A_72 = arith.constant 0 : i32
      %dma_start3A_73 = arith.constant 0 : i32
      %dma_start3A_74 = tpu.memref_slice %arg3[%dma_start3A_72, %dma_start3A_73] : memref<10000x64xf32, #tpu.memory_space<hbm>> -> memref<10000x64xf32, #tpu.memory_space<hbm>>
      tpu.enqueue_indirect_dma source(%dma_start3A_74 : memref<10000x64xf32, #tpu.memory_space<hbm>>) target(%dma_start3A_69 : memref<128x64xf32, #tpu.memory_space<vmem>>) offsets(%dma_start3A_71 : memref<128xi32, #tpu.memory_space<vmem>>) semaphore(%arg20 : memref<!tpu.dma_semaphore, #tpu.memory_space<semaphore_mem>>)
      %dma_start3A_75 = arith.constant 2 : i32
      %dma_start3A_76 = arith.constant 0 : i32
      %dma_start3A_77 = arith.constant 0 : i32
      %dma_start3A_78 = tpu.memref_slice %arg14[%dma_start3A_75, %dma_start3A_76, %dma_start3A_77] : memref<4x128x64xf32, #tpu.memory_space<vmem>> -> memref<1x128x64xf32, #tpu.memory_space<vmem>>
      %dma_start3A_79 = tpu.memref_squeeze %dma_start3A_78 : memref<1x128x64xf32, #tpu.memory_space<vmem>> -> memref<128x64xf32, #tpu.memory_space<vmem>>
      %dma_start3A_80 = arith.constant 256 : i32
      %dma_start3A_81 = tpu.memref_slice %arg11[%dma_start3A_80] : memref<20000xi32, #tpu.memory_space<vmem>> -> memref<128xi32, #tpu.memory_space<vmem>>
      %dma_start3A_82 = arith.constant 0 : i32
      %dma_start3A_83 = arith.constant 0 : i32
      %dma_start3A_84 = tpu.memref_slice %arg3[%dma_start3A_82, %dma_start3A_83] : memref<10000x64xf32, #tpu.memory_space<hbm>> -> memref<10000x64xf32, #tpu.memory_space<hbm>>
      tpu.enqueue_indirect_dma source(%dma_start3A_84 : memref<10000x64xf32, #tpu.memory_space<hbm>>) target(%dma_start3A_79 : memref<128x64xf32, #tpu.memory_space<vmem>>) offsets(%dma_start3A_81 : memref<128xi32, #tpu.memory_space<vmem>>) semaphore(%arg21 : memref<!tpu.dma_semaphore, #tpu.memory_space<semaphore_mem>>)
      %dma_start3A_85 = arith.constant 3 : i32
      %dma_start3A_86 = arith.constant 0 : i32
      %dma_start3A_87 = arith.constant 0 : i32
      %dma_start3A_88 = tpu.memref_slice %arg14[%dma_start3A_85, %dma_start3A_86, %dma_start3A_87] : memref<4x128x64xf32, #tpu.memory_space<vmem>> -> memref<1x128x64xf32, #tpu.memory_space<vmem>>
      %dma_start3A_89 = tpu.memref_squeeze %dma_start3A_88 : memref<1x128x64xf32, #tpu.memory_space<vmem>> -> memref<128x64xf32, #tpu.memory_space<vmem>>
      %dma_start3A_90 = arith.constant 384 : i32
      %dma_start3A_91 = tpu.memref_slice %arg11[%dma_start3A_90] : memref<20000xi32, #tpu.memory_space<vmem>> -> memref<128xi32, #tpu.memory_space<vmem>>
      %dma_start3A_92 = arith.constant 0 : i32
      %dma_start3A_93 = arith.constant 0 : i32
      %dma_start3A_94 = tpu.memref_slice %arg3[%dma_start3A_92, %dma_start3A_93] : memref<10000x64xf32, #tpu.memory_space<hbm>> -> memref<10000x64xf32, #tpu.memory_space<hbm>>
      tpu.enqueue_indirect_dma source(%dma_start3A_94 : memref<10000x64xf32, #tpu.memory_space<hbm>>) target(%dma_start3A_89 : memref<128x64xf32, #tpu.memory_space<vmem>>) offsets(%dma_start3A_91 : memref<128xi32, #tpu.memory_space<vmem>>) semaphore(%arg22 : memref<!tpu.dma_semaphore, #tpu.memory_space<semaphore_mem>>)
      %scan3A_95 = arith.constant 0 : i32
      %scan3A_96 = arith.constant 0 : i32
      %scan3A_97 = arith.constant 39 : i32
      %scan3A_98 = arith.addi %scan3A_96, %scan3A_97 : i32
      %scan3A_99 = arith.constant 1 : i32
      scf.for %scan3A_172 = %scan3A_96 to %scan3A_98 step %scan3A_99  : i32 {
        %mul3A_173 = arith.constant 4 : i32
        %mul3A_174 = arith.muli %scan3A_172, %mul3A_173 : i32
        %add3A_175 = arith.constant 0 : i32
        %add3A_176 = arith.addi %mul3A_174, %add3A_175 : i32
        %dma_wait3A_177 = arith.constant 0 : i32
        %dma_wait3A_178 = arith.constant 0 : i32
        %dma_wait3A_179 = arith.constant 0 : i32
        %dma_wait3A_180 = tpu.memref_slice %arg14[%dma_wait3A_177, %dma_wait3A_178, %dma_wait3A_179] : memref<4x128x64xf32, #tpu.memory_space<vmem>> -> memref<1x128x64xf32, #tpu.memory_space<vmem>>
        %dma_wait3A_181 = tpu.memref_squeeze %dma_wait3A_180 : memref<1x128x64xf32, #tpu.memory_space<vmem>> -> memref<128x64xf32, #tpu.memory_space<vmem>>
        %dma_wait3A_182 = arith.constant 0 : i32
        %dma_wait3A_183 = arith.constant 0 : i32
        %dma_wait3A_184 = tpu.memref_slice %arg3[%dma_wait3A_182, %dma_wait3A_183] : memref<10000x64xf32, #tpu.memory_space<hbm>> -> memref<128x64xf32, #tpu.memory_space<hbm>>
        %dma_wait3A_185 = arith.constant 0 : i32
        %dma_wait3A_186 = arith.constant 0 : i32
        %dma_wait3A_187 = tpu.memref_slice %arg14[%dma_wait3A_177, %dma_wait3A_185, %dma_wait3A_186] : memref<4x128x64xf32, #tpu.memory_space<vmem>> -> memref<1x128x64xf32, #tpu.memory_space<vmem>>
        %dma_wait3A_188 = tpu.memref_squeeze %dma_wait3A_187 : memref<1x128x64xf32, #tpu.memory_space<vmem>> -> memref<128x64xf32, #tpu.memory_space<vmem>>
        %dma_wait3A_189 = arith.constant 0 : i32
        %dma_wait3A_190 = arith.constant 0 : i32
        %dma_wait3A_191 = tpu.memref_slice %arg3[%dma_wait3A_189, %dma_wait3A_190] : memref<10000x64xf32, #tpu.memory_space<hbm>> -> memref<128x64xf32, #tpu.memory_space<hbm>>
        tpu.wait_dma2 semaphore(%arg19 : memref<!tpu.dma_semaphore, #tpu.memory_space<semaphore_mem>>) src(%dma_wait3A_191 : memref<128x64xf32, #tpu.memory_space<hbm>>) dst(%dma_wait3A_188 : memref<128x64xf32, #tpu.memory_space<vmem>>)
        %mul3A_192 = arith.constant 1 : i32
        %mul3A_193 = arith.muli %add3A_176, %mul3A_192 : i32
        %add3A_194 = arith.constant 0 : i32
        %add3A_195 = arith.addi %mul3A_193, %add3A_194 : i32
        %dma_start3A_196 = arith.constant 0 : i32
        %dma_start3A_197 = arith.constant 0 : i32
        %dma_start3A_198 = arith.constant 0 : i32
        %dma_start3A_199 = tpu.memref_slice %arg14[%dma_start3A_196, %dma_start3A_197, %dma_start3A_198] : memref<4x128x64xf32, #tpu.memory_space<vmem>> -> memref<1x128x64xf32, #tpu.memory_space<vmem>>
        %dma_start3A_200 = tpu.memref_squeeze %dma_start3A_199 : memref<1x128x64xf32, #tpu.memory_space<vmem>> -> memref<128x64xf32, #tpu.memory_space<vmem>>
        %dma_start3A_201 = arith.constant 0 : i32
        %dma_start3A_202 = tpu.memref_slice %arg12[%add3A_195, %dma_start3A_201] : memref<156x128xi32, #tpu.memory_space<vmem>> -> memref<1x128xi32, #tpu.memory_space<vmem>>
        %dma_start3A_203 = tpu.memref_squeeze %dma_start3A_202 : memref<1x128xi32, #tpu.memory_space<vmem>> -> memref<128xi32, #tpu.memory_space<vmem>>
        %dma_start3A_204 = arith.constant 0 : i32
        %dma_start3A_205 = arith.constant 0 : i32
        %dma_start3A_206 = tpu.memref_slice %arg29[%dma_start3A_204, %dma_start3A_205] : memref<10000x64xf32, #tpu.memory_space<vmem_shared>> -> memref<10000x64xf32, #tpu.memory_space<vmem_shared>>
        tpu.enqueue_indirect_dma source(%dma_start3A_200 : memref<128x64xf32, #tpu.memory_space<vmem>>) target(%dma_start3A_206 : memref<10000x64xf32, #tpu.memory_space<vmem_shared>>) offsets(%dma_start3A_203 : memref<128xi32, #tpu.memory_space<vmem>>) semaphore(%arg23 : memref<!tpu.dma_semaphore, #tpu.memory_space<semaphore_mem>>) {add = true}
        %add3A_207 = arith.constant 4 : i32
        %add3A_208 = arith.addi %add3A_176, %add3A_207 : i32
        %lt3A = arith.constant 156 : i32
        %lt3A_209 = arith.cmpi slt, %add3A_208, %lt3A : i32
        %convert_element_type3A_210 = arith.extui %lt3A_209 : i1 to i32
        %cond3A_211 = arith.constant 0 : i32
        %cond3A_212 = arith.cmpi ne, %convert_element_type3A_210, %cond3A_211 : i32
        scf.if %cond3A_212 {
          %dma_wait3A_336 = arith.constant 0 : i32
          %dma_wait3A_337 = arith.constant 0 : i32
          %dma_wait3A_338 = arith.constant 0 : i32
          %dma_wait3A_339 = tpu.memref_slice %arg14[%dma_wait3A_336, %dma_wait3A_337, %dma_wait3A_338] : memref<4x128x64xf32, #tpu.memory_space<vmem>> -> memref<1x128x64xf32, #tpu.memory_space<vmem>>
          %dma_wait3A_340 = tpu.memref_squeeze %dma_wait3A_339 : memref<1x128x64xf32, #tpu.memory_space<vmem>> -> memref<128x64xf32, #tpu.memory_space<vmem>>
          %dma_wait3A_341 = arith.constant 0 : i32
          %dma_wait3A_342 = arith.constant 0 : i32
          %dma_wait3A_343 = tpu.memref_slice %arg3[%dma_wait3A_341, %dma_wait3A_342] : memref<10000x64xf32, #tpu.memory_space<hbm>> -> memref<128x64xf32, #tpu.memory_space<hbm>>
          %dma_wait3A_344 = arith.constant 0 : i32
          %dma_wait3A_345 = arith.constant 0 : i32
          %dma_wait3A_346 = tpu.memref_slice %arg14[%dma_wait3A_336, %dma_wait3A_344, %dma_wait3A_345] : memref<4x128x64xf32, #tpu.memory_space<vmem>> -> memref<1x128x64xf32, #tpu.memory_space<vmem>>
          %dma_wait3A_347 = tpu.memref_squeeze %dma_wait3A_346 : memref<1x128x64xf32, #tpu.memory_space<vmem>> -> memref<128x64xf32, #tpu.memory_space<vmem>>
          %dma_wait3A_348 = arith.constant 0 : i32
          %dma_wait3A_349 = arith.constant 0 : i32
          %dma_wait3A_350 = tpu.memref_slice %arg3[%dma_wait3A_348, %dma_wait3A_349] : memref<10000x64xf32, #tpu.memory_space<hbm>> -> memref<128x64xf32, #tpu.memory_space<hbm>>
          tpu.wait_dma2 semaphore(%arg23 : memref<!tpu.dma_semaphore, #tpu.memory_space<semaphore_mem>>) src(%dma_wait3A_350 : memref<128x64xf32, #tpu.memory_space<hbm>>) dst(%dma_wait3A_347 : memref<128x64xf32, #tpu.memory_space<vmem>>)
          %add3A_351 = arith.constant 4 : i32
          %add3A_352 = arith.addi %add3A_176, %add3A_351 : i32
          %mul3A_353 = arith.constant 128 : i32
          %mul3A_354 = arith.muli %add3A_352, %mul3A_353 : i32
          %dma_start3A_355 = arith.constant 0 : i32
          %dma_start3A_356 = arith.constant 0 : i32
          %dma_start3A_357 = arith.constant 0 : i32
          %dma_start3A_358 = tpu.memref_slice %arg14[%dma_start3A_355, %dma_start3A_356, %dma_start3A_357] : memref<4x128x64xf32, #tpu.memory_space<vmem>> -> memref<1x128x64xf32, #tpu.memory_space<vmem>>
          %dma_start3A_359 = tpu.memref_squeeze %dma_start3A_358 : memref<1x128x64xf32, #tpu.memory_space<vmem>> -> memref<128x64xf32, #tpu.memory_space<vmem>>
          %dma_start3A_360 = tpu.memref_slice %arg11[%mul3A_354] : memref<20000xi32, #tpu.memory_space<vmem>> -> memref<128xi32, #tpu.memory_space<vmem>>
          %dma_start3A_361 = arith.constant 0 : i32
          %dma_start3A_362 = arith.constant 0 : i32
          %dma_start3A_363 = tpu.memref_slice %arg3[%dma_start3A_361, %dma_start3A_362] : memref<10000x64xf32, #tpu.memory_space<hbm>> -> memref<10000x64xf32, #tpu.memory_space<hbm>>
          tpu.enqueue_indirect_dma source(%dma_start3A_363 : memref<10000x64xf32, #tpu.memory_space<hbm>>) target(%dma_start3A_359 : memref<128x64xf32, #tpu.memory_space<vmem>>) offsets(%dma_start3A_360 : memref<128xi32, #tpu.memory_space<vmem>>) semaphore(%arg19 : memref<!tpu.dma_semaphore, #tpu.memory_space<semaphore_mem>>)
        } else {
        }
        %mul3A_213 = arith.constant 4 : i32
        %mul3A_214 = arith.muli %scan3A_172, %mul3A_213 : i32
        %add3A_215 = arith.constant 1 : i32
        %add3A_216 = arith.addi %mul3A_214, %add3A_215 : i32
        %dma_wait3A_217 = arith.constant 1 : i32
        %dma_wait3A_218 = arith.constant 0 : i32
        %dma_wait3A_219 = arith.constant 0 : i32
        %dma_wait3A_220 = tpu.memref_slice %arg14[%dma_wait3A_217, %dma_wait3A_218, %dma_wait3A_219] : memref<4x128x64xf32, #tpu.memory_space<vmem>> -> memref<1x128x64xf32, #tpu.memory_space<vmem>>
        %dma_wait3A_221 = tpu.memref_squeeze %dma_wait3A_220 : memref<1x128x64xf32, #tpu.memory_space<vmem>> -> memref<128x64xf32, #tpu.memory_space<vmem>>
        %dma_wait3A_222 = arith.constant 0 : i32
        %dma_wait3A_223 = arith.constant 0 : i32
        %dma_wait3A_224 = tpu.memref_slice %arg3[%dma_wait3A_222, %dma_wait3A_223] : memref<10000x64xf32, #tpu.memory_space<hbm>> -> memref<128x64xf32, #tpu.memory_space<hbm>>
        %dma_wait3A_225 = arith.constant 0 : i32
        %dma_wait3A_226 = arith.constant 0 : i32
        %dma_wait3A_227 = tpu.memref_slice %arg14[%dma_wait3A_217, %dma_wait3A_225, %dma_wait3A_226] : memref<4x128x64xf32, #tpu.memory_space<vmem>> -> memref<1x128x64xf32, #tpu.memory_space<vmem>>
        %dma_wait3A_228 = tpu.memref_squeeze %dma_wait3A_227 : memref<1x128x64xf32, #tpu.memory_space<vmem>> -> memref<128x64xf32, #tpu.memory_space<vmem>>
        %dma_wait3A_229 = arith.constant 0 : i32
        %dma_wait3A_230 = arith.constant 0 : i32
        %dma_wait3A_231 = tpu.memref_slice %arg3[%dma_wait3A_229, %dma_wait3A_230] : memref<10000x64xf32, #tpu.memory_space<hbm>> -> memref<128x64xf32, #tpu.memory_space<hbm>>
        tpu.wait_dma2 semaphore(%arg20 : memref<!tpu.dma_semaphore, #tpu.memory_space<semaphore_mem>>) src(%dma_wait3A_231 : memref<128x64xf32, #tpu.memory_space<hbm>>) dst(%dma_wait3A_228 : memref<128x64xf32, #tpu.memory_space<vmem>>)
        %mul3A_232 = arith.constant 1 : i32
        %mul3A_233 = arith.muli %add3A_216, %mul3A_232 : i32
        %add3A_234 = arith.constant 0 : i32
        %add3A_235 = arith.addi %mul3A_233, %add3A_234 : i32
        %dma_start3A_236 = arith.constant 1 : i32
        %dma_start3A_237 = arith.constant 0 : i32
        %dma_start3A_238 = arith.constant 0 : i32
        %dma_start3A_239 = tpu.memref_slice %arg14[%dma_start3A_236, %dma_start3A_237, %dma_start3A_238] : memref<4x128x64xf32, #tpu.memory_space<vmem>> -> memref<1x128x64xf32, #tpu.memory_space<vmem>>
        %dma_start3A_240 = tpu.memref_squeeze %dma_start3A_239 : memref<1x128x64xf32, #tpu.memory_space<vmem>> -> memref<128x64xf32, #tpu.memory_space<vmem>>
        %dma_start3A_241 = arith.constant 0 : i32
        %dma_start3A_242 = tpu.memref_slice %arg12[%add3A_235, %dma_start3A_241] : memref<156x128xi32, #tpu.memory_space<vmem>> -> memref<1x128xi32, #tpu.memory_space<vmem>>
        %dma_start3A_243 = tpu.memref_squeeze %dma_start3A_242 : memref<1x128xi32, #tpu.memory_space<vmem>> -> memref<128xi32, #tpu.memory_space<vmem>>
        %dma_start3A_244 = arith.constant 0 : i32
        %dma_start3A_245 = arith.constant 0 : i32
        %dma_start3A_246 = tpu.memref_slice %arg29[%dma_start3A_244, %dma_start3A_245] : memref<10000x64xf32, #tpu.memory_space<vmem_shared>> -> memref<10000x64xf32, #tpu.memory_space<vmem_shared>>
        tpu.enqueue_indirect_dma source(%dma_start3A_240 : memref<128x64xf32, #tpu.memory_space<vmem>>) target(%dma_start3A_246 : memref<10000x64xf32, #tpu.memory_space<vmem_shared>>) offsets(%dma_start3A_243 : memref<128xi32, #tpu.memory_space<vmem>>) semaphore(%arg24 : memref<!tpu.dma_semaphore, #tpu.memory_space<semaphore_mem>>) {add = true}
        %add3A_247 = arith.constant 4 : i32
        %add3A_248 = arith.addi %add3A_216, %add3A_247 : i32
        %lt3A_249 = arith.constant 156 : i32
        %lt3A_250 = arith.cmpi slt, %add3A_248, %lt3A_249 : i32
        %convert_element_type3A_251 = arith.extui %lt3A_250 : i1 to i32
        %cond3A_252 = arith.constant 0 : i32
        %cond3A_253 = arith.cmpi ne, %convert_element_type3A_251, %cond3A_252 : i32
        scf.if %cond3A_253 {
          %dma_wait3A_336 = arith.constant 1 : i32
          %dma_wait3A_337 = arith.constant 0 : i32
          %dma_wait3A_338 = arith.constant 0 : i32
          %dma_wait3A_339 = tpu.memref_slice %arg14[%dma_wait3A_336, %dma_wait3A_337, %dma_wait3A_338] : memref<4x128x64xf32, #tpu.memory_space<vmem>> -> memref<1x128x64xf32, #tpu.memory_space<vmem>>
          %dma_wait3A_340 = tpu.memref_squeeze %dma_wait3A_339 : memref<1x128x64xf32, #tpu.memory_space<vmem>> -> memref<128x64xf32, #tpu.memory_space<vmem>>
          %dma_wait3A_341 = arith.constant 0 : i32
          %dma_wait3A_342 = arith.constant 0 : i32
          %dma_wait3A_343 = tpu.memref_slice %arg3[%dma_wait3A_341, %dma_wait3A_342] : memref<10000x64xf32, #tpu.memory_space<hbm>> -> memref<128x64xf32, #tpu.memory_space<hbm>>
          %dma_wait3A_344 = arith.constant 0 : i32
          %dma_wait3A_345 = arith.constant 0 : i32
          %dma_wait3A_346 = tpu.memref_slice %arg14[%dma_wait3A_336, %dma_wait3A_344, %dma_wait3A_345] : memref<4x128x64xf32, #tpu.memory_space<vmem>> -> memref<1x128x64xf32, #tpu.memory_space<vmem>>
          %dma_wait3A_347 = tpu.memref_squeeze %dma_wait3A_346 : memref<1x128x64xf32, #tpu.memory_space<vmem>> -> memref<128x64xf32, #tpu.memory_space<vmem>>
          %dma_wait3A_348 = arith.constant 0 : i32
          %dma_wait3A_349 = arith.constant 0 : i32
          %dma_wait3A_350 = tpu.memref_slice %arg3[%dma_wait3A_348, %dma_wait3A_349] : memref<10000x64xf32, #tpu.memory_space<hbm>> -> memref<128x64xf32, #tpu.memory_space<hbm>>
          tpu.wait_dma2 semaphore(%arg24 : memref<!tpu.dma_semaphore, #tpu.memory_space<semaphore_mem>>) src(%dma_wait3A_350 : memref<128x64xf32, #tpu.memory_space<hbm>>) dst(%dma_wait3A_347 : memref<128x64xf32, #tpu.memory_space<vmem>>)
          %add3A_351 = arith.constant 4 : i32
          %add3A_352 = arith.addi %add3A_216, %add3A_351 : i32
          %mul3A_353 = arith.constant 128 : i32
          %mul3A_354 = arith.muli %add3A_352, %mul3A_353 : i32
          %dma_start3A_355 = arith.constant 1 : i32
          %dma_start3A_356 = arith.constant 0 : i32
          %dma_start3A_357 = arith.constant 0 : i32
          %dma_start3A_358 = tpu.memref_slice %arg14[%dma_start3A_355, %dma_start3A_356, %dma_start3A_357] : memref<4x128x64xf32, #tpu.memory_space<vmem>> -> memref<1x128x64xf32, #tpu.memory_space<vmem>>
          %dma_start3A_359 = tpu.memref_squeeze %dma_start3A_358 : memref<1x128x64xf32, #tpu.memory_space<vmem>> -> memref<128x64xf32, #tpu.memory_space<vmem>>
          %dma_start3A_360 = tpu.memref_slice %arg11[%mul3A_354] : memref<20000xi32, #tpu.memory_space<vmem>> -> memref<128xi32, #tpu.memory_space<vmem>>
          %dma_start3A_361 = arith.constant 0 : i32
          %dma_start3A_362 = arith.constant 0 : i32
          %dma_start3A_363 = tpu.memref_slice %arg3[%dma_start3A_361, %dma_start3A_362] : memref<10000x64xf32, #tpu.memory_space<hbm>> -> memref<10000x64xf32, #tpu.memory_space<hbm>>
          tpu.enqueue_indirect_dma source(%dma_start3A_363 : memref<10000x64xf32, #tpu.memory_space<hbm>>) target(%dma_start3A_359 : memref<128x64xf32, #tpu.memory_space<vmem>>) offsets(%dma_start3A_360 : memref<128xi32, #tpu.memory_space<vmem>>) semaphore(%arg20 : memref<!tpu.dma_semaphore, #tpu.memory_space<semaphore_mem>>)
        } else {
        }
        %mul3A_254 = arith.constant 4 : i32
        %mul3A_255 = arith.muli %scan3A_172, %mul3A_254 : i32
        %add3A_256 = arith.constant 2 : i32
        %add3A_257 = arith.addi %mul3A_255, %add3A_256 : i32
        %dma_wait3A_258 = arith.constant 2 : i32
        %dma_wait3A_259 = arith.constant 0 : i32
        %dma_wait3A_260 = arith.constant 0 : i32
        %dma_wait3A_261 = tpu.memref_slice %arg14[%dma_wait3A_258, %dma_wait3A_259, %dma_wait3A_260] : memref<4x128x64xf32, #tpu.memory_space<vmem>> -> memref<1x128x64xf32, #tpu.memory_space<vmem>>
        %dma_wait3A_262 = tpu.memref_squeeze %dma_wait3A_261 : memref<1x128x64xf32, #tpu.memory_space<vmem>> -> memref<128x64xf32, #tpu.memory_space<vmem>>
        %dma_wait3A_263 = arith.constant 0 : i32
        %dma_wait3A_264 = arith.constant 0 : i32
        %dma_wait3A_265 = tpu.memref_slice %arg3[%dma_wait3A_263, %dma_wait3A_264] : memref<10000x64xf32, #tpu.memory_space<hbm>> -> memref<128x64xf32, #tpu.memory_space<hbm>>
        %dma_wait3A_266 = arith.constant 0 : i32
        %dma_wait3A_267 = arith.constant 0 : i32
        %dma_wait3A_268 = tpu.memref_slice %arg14[%dma_wait3A_258, %dma_wait3A_266, %dma_wait3A_267] : memref<4x128x64xf32, #tpu.memory_space<vmem>> -> memref<1x128x64xf32, #tpu.memory_space<vmem>>
        %dma_wait3A_269 = tpu.memref_squeeze %dma_wait3A_268 : memref<1x128x64xf32, #tpu.memory_space<vmem>> -> memref<128x64xf32, #tpu.memory_space<vmem>>
        %dma_wait3A_270 = arith.constant 0 : i32
        %dma_wait3A_271 = arith.constant 0 : i32
        %dma_wait3A_272 = tpu.memref_slice %arg3[%dma_wait3A_270, %dma_wait3A_271] : memref<10000x64xf32, #tpu.memory_space<hbm>> -> memref<128x64xf32, #tpu.memory_space<hbm>>
        tpu.wait_dma2 semaphore(%arg21 : memref<!tpu.dma_semaphore, #tpu.memory_space<semaphore_mem>>) src(%dma_wait3A_272 : memref<128x64xf32, #tpu.memory_space<hbm>>) dst(%dma_wait3A_269 : memref<128x64xf32, #tpu.memory_space<vmem>>)
        %mul3A_273 = arith.constant 1 : i32
        %mul3A_274 = arith.muli %add3A_257, %mul3A_273 : i32
        %add3A_275 = arith.constant 0 : i32
        %add3A_276 = arith.addi %mul3A_274, %add3A_275 : i32
        %dma_start3A_277 = arith.constant 2 : i32
        %dma_start3A_278 = arith.constant 0 : i32
        %dma_start3A_279 = arith.constant 0 : i32
        %dma_start3A_280 = tpu.memref_slice %arg14[%dma_start3A_277, %dma_start3A_278, %dma_start3A_279] : memref<4x128x64xf32, #tpu.memory_space<vmem>> -> memref<1x128x64xf32, #tpu.memory_space<vmem>>
        %dma_start3A_281 = tpu.memref_squeeze %dma_start3A_280 : memref<1x128x64xf32, #tpu.memory_space<vmem>> -> memref<128x64xf32, #tpu.memory_space<vmem>>
        %dma_start3A_282 = arith.constant 0 : i32
        %dma_start3A_283 = tpu.memref_slice %arg12[%add3A_276, %dma_start3A_282] : memref<156x128xi32, #tpu.memory_space<vmem>> -> memref<1x128xi32, #tpu.memory_space<vmem>>
        %dma_start3A_284 = tpu.memref_squeeze %dma_start3A_283 : memref<1x128xi32, #tpu.memory_space<vmem>> -> memref<128xi32, #tpu.memory_space<vmem>>
        %dma_start3A_285 = arith.constant 0 : i32
        %dma_start3A_286 = arith.constant 0 : i32
        %dma_start3A_287 = tpu.memref_slice %arg29[%dma_start3A_285, %dma_start3A_286] : memref<10000x64xf32, #tpu.memory_space<vmem_shared>> -> memref<10000x64xf32, #tpu.memory_space<vmem_shared>>
        tpu.enqueue_indirect_dma source(%dma_start3A_281 : memref<128x64xf32, #tpu.memory_space<vmem>>) target(%dma_start3A_287 : memref<10000x64xf32, #tpu.memory_space<vmem_shared>>) offsets(%dma_start3A_284 : memref<128xi32, #tpu.memory_space<vmem>>) semaphore(%arg25 : memref<!tpu.dma_semaphore, #tpu.memory_space<semaphore_mem>>) {add = true}
        %add3A_288 = arith.constant 4 : i32
        %add3A_289 = arith.addi %add3A_257, %add3A_288 : i32
        %lt3A_290 = arith.constant 156 : i32
        %lt3A_291 = arith.cmpi slt, %add3A_289, %lt3A_290 : i32
        %convert_element_type3A_292 = arith.extui %lt3A_291 : i1 to i32
        %cond3A_293 = arith.constant 0 : i32
        %cond3A_294 = arith.cmpi ne, %convert_element_type3A_292, %cond3A_293 : i32
        scf.if %cond3A_294 {
          %dma_wait3A_336 = arith.constant 2 : i32
          %dma_wait3A_337 = arith.constant 0 : i32
          %dma_wait3A_338 = arith.constant 0 : i32
          %dma_wait3A_339 = tpu.memref_slice %arg14[%dma_wait3A_336, %dma_wait3A_337, %dma_wait3A_338] : memref<4x128x64xf32, #tpu.memory_space<vmem>> -> memref<1x128x64xf32, #tpu.memory_space<vmem>>
          %dma_wait3A_340 = tpu.memref_squeeze %dma_wait3A_339 : memref<1x128x64xf32, #tpu.memory_space<vmem>> -> memref<128x64xf32, #tpu.memory_space<vmem>>
          %dma_wait3A_341 = arith.constant 0 : i32
          %dma_wait3A_342 = arith.constant 0 : i32
          %dma_wait3A_343 = tpu.memref_slice %arg3[%dma_wait3A_341, %dma_wait3A_342] : memref<10000x64xf32, #tpu.memory_space<hbm>> -> memref<128x64xf32, #tpu.memory_space<hbm>>
          %dma_wait3A_344 = arith.constant 0 : i32
          %dma_wait3A_345 = arith.constant 0 : i32
          %dma_wait3A_346 = tpu.memref_slice %arg14[%dma_wait3A_336, %dma_wait3A_344, %dma_wait3A_345] : memref<4x128x64xf32, #tpu.memory_space<vmem>> -> memref<1x128x64xf32, #tpu.memory_space<vmem>>
          %dma_wait3A_347 = tpu.memref_squeeze %dma_wait3A_346 : memref<1x128x64xf32, #tpu.memory_space<vmem>> -> memref<128x64xf32, #tpu.memory_space<vmem>>
          %dma_wait3A_348 = arith.constant 0 : i32
          %dma_wait3A_349 = arith.constant 0 : i32
          %dma_wait3A_350 = tpu.memref_slice %arg3[%dma_wait3A_348, %dma_wait3A_349] : memref<10000x64xf32, #tpu.memory_space<hbm>> -> memref<128x64xf32, #tpu.memory_space<hbm>>
          tpu.wait_dma2 semaphore(%arg25 : memref<!tpu.dma_semaphore, #tpu.memory_space<semaphore_mem>>) src(%dma_wait3A_350 : memref<128x64xf32, #tpu.memory_space<hbm>>) dst(%dma_wait3A_347 : memref<128x64xf32, #tpu.memory_space<vmem>>)
          %add3A_351 = arith.constant 4 : i32
          %add3A_352 = arith.addi %add3A_257, %add3A_351 : i32
          %mul3A_353 = arith.constant 128 : i32
          %mul3A_354 = arith.muli %add3A_352, %mul3A_353 : i32
          %dma_start3A_355 = arith.constant 2 : i32
          %dma_start3A_356 = arith.constant 0 : i32
          %dma_start3A_357 = arith.constant 0 : i32
          %dma_start3A_358 = tpu.memref_slice %arg14[%dma_start3A_355, %dma_start3A_356, %dma_start3A_357] : memref<4x128x64xf32, #tpu.memory_space<vmem>> -> memref<1x128x64xf32, #tpu.memory_space<vmem>>
          %dma_start3A_359 = tpu.memref_squeeze %dma_start3A_358 : memref<1x128x64xf32, #tpu.memory_space<vmem>> -> memref<128x64xf32, #tpu.memory_space<vmem>>
          %dma_start3A_360 = tpu.memref_slice %arg11[%mul3A_354] : memref<20000xi32, #tpu.memory_space<vmem>> -> memref<128xi32, #tpu.memory_space<vmem>>
          %dma_start3A_361 = arith.constant 0 : i32
          %dma_start3A_362 = arith.constant 0 : i32
          %dma_start3A_363 = tpu.memref_slice %arg3[%dma_start3A_361, %dma_start3A_362] : memref<10000x64xf32, #tpu.memory_space<hbm>> -> memref<10000x64xf32, #tpu.memory_space<hbm>>
          tpu.enqueue_indirect_dma source(%dma_start3A_363 : memref<10000x64xf32, #tpu.memory_space<hbm>>) target(%dma_start3A_359 : memref<128x64xf32, #tpu.memory_space<vmem>>) offsets(%dma_start3A_360 : memref<128xi32, #tpu.memory_space<vmem>>) semaphore(%arg21 : memref<!tpu.dma_semaphore, #tpu.memory_space<semaphore_mem>>)
        } else {
        }
        %mul3A_295 = arith.constant 4 : i32
        %mul3A_296 = arith.muli %scan3A_172, %mul3A_295 : i32
        %add3A_297 = arith.constant 3 : i32
        %add3A_298 = arith.addi %mul3A_296, %add3A_297 : i32
        %dma_wait3A_299 = arith.constant 3 : i32
        %dma_wait3A_300 = arith.constant 0 : i32
        %dma_wait3A_301 = arith.constant 0 : i32
        %dma_wait3A_302 = tpu.memref_slice %arg14[%dma_wait3A_299, %dma_wait3A_300, %dma_wait3A_301] : memref<4x128x64xf32, #tpu.memory_space<vmem>> -> memref<1x128x64xf32, #tpu.memory_space<vmem>>
        %dma_wait3A_303 = tpu.memref_squeeze %dma_wait3A_302 : memref<1x128x64xf32, #tpu.memory_space<vmem>> -> memref<128x64xf32, #tpu.memory_space<vmem>>
        %dma_wait3A_304 = arith.constant 0 : i32
        %dma_wait3A_305 = arith.constant 0 : i32
        %dma_wait3A_306 = tpu.memref_slice %arg3[%dma_wait3A_304, %dma_wait3A_305] : memref<10000x64xf32, #tpu.memory_space<hbm>> -> memref<128x64xf32, #tpu.memory_space<hbm>>
        %dma_wait3A_307 = arith.constant 0 : i32
        %dma_wait3A_308 = arith.constant 0 : i32
        %dma_wait3A_309 = tpu.memref_slice %arg14[%dma_wait3A_299, %dma_wait3A_307, %dma_wait3A_308] : memref<4x128x64xf32, #tpu.memory_space<vmem>> -> memref<1x128x64xf32, #tpu.memory_space<vmem>>
        %dma_wait3A_310 = tpu.memref_squeeze %dma_wait3A_309 : memref<1x128x64xf32, #tpu.memory_space<vmem>> -> memref<128x64xf32, #tpu.memory_space<vmem>>
        %dma_wait3A_311 = arith.constant 0 : i32
        %dma_wait3A_312 = arith.constant 0 : i32
        %dma_wait3A_313 = tpu.memref_slice %arg3[%dma_wait3A_311, %dma_wait3A_312] : memref<10000x64xf32, #tpu.memory_space<hbm>> -> memref<128x64xf32, #tpu.memory_space<hbm>>
        tpu.wait_dma2 semaphore(%arg22 : memref<!tpu.dma_semaphore, #tpu.memory_space<semaphore_mem>>) src(%dma_wait3A_313 : memref<128x64xf32, #tpu.memory_space<hbm>>) dst(%dma_wait3A_310 : memref<128x64xf32, #tpu.memory_space<vmem>>)
        %mul3A_314 = arith.constant 1 : i32
        %mul3A_315 = arith.muli %add3A_298, %mul3A_314 : i32
        %add3A_316 = arith.constant 0 : i32
        %add3A_317 = arith.addi %mul3A_315, %add3A_316 : i32
        %dma_start3A_318 = arith.constant 3 : i32
        %dma_start3A_319 = arith.constant 0 : i32
        %dma_start3A_320 = arith.constant 0 : i32
        %dma_start3A_321 = tpu.memref_slice %arg14[%dma_start3A_318, %dma_start3A_319, %dma_start3A_320] : memref<4x128x64xf32, #tpu.memory_space<vmem>> -> memref<1x128x64xf32, #tpu.memory_space<vmem>>
        %dma_start3A_322 = tpu.memref_squeeze %dma_start3A_321 : memref<1x128x64xf32, #tpu.memory_space<vmem>> -> memref<128x64xf32, #tpu.memory_space<vmem>>
        %dma_start3A_323 = arith.constant 0 : i32
        %dma_start3A_324 = tpu.memref_slice %arg12[%add3A_317, %dma_start3A_323] : memref<156x128xi32, #tpu.memory_space<vmem>> -> memref<1x128xi32, #tpu.memory_space<vmem>>
        %dma_start3A_325 = tpu.memref_squeeze %dma_start3A_324 : memref<1x128xi32, #tpu.memory_space<vmem>> -> memref<128xi32, #tpu.memory_space<vmem>>
        %dma_start3A_326 = arith.constant 0 : i32
        %dma_start3A_327 = arith.constant 0 : i32
        %dma_start3A_328 = tpu.memref_slice %arg29[%dma_start3A_326, %dma_start3A_327] : memref<10000x64xf32, #tpu.memory_space<vmem_shared>> -> memref<10000x64xf32, #tpu.memory_space<vmem_shared>>
        tpu.enqueue_indirect_dma source(%dma_start3A_322 : memref<128x64xf32, #tpu.memory_space<vmem>>) target(%dma_start3A_328 : memref<10000x64xf32, #tpu.memory_space<vmem_shared>>) offsets(%dma_start3A_325 : memref<128xi32, #tpu.memory_space<vmem>>) semaphore(%arg26 : memref<!tpu.dma_semaphore, #tpu.memory_space<semaphore_mem>>) {add = true}
        %add3A_329 = arith.constant 4 : i32
        %add3A_330 = arith.addi %add3A_298, %add3A_329 : i32
        %lt3A_331 = arith.constant 156 : i32
        %lt3A_332 = arith.cmpi slt, %add3A_330, %lt3A_331 : i32
        %convert_element_type3A_333 = arith.extui %lt3A_332 : i1 to i32
        %cond3A_334 = arith.constant 0 : i32
        %cond3A_335 = arith.cmpi ne, %convert_element_type3A_333, %cond3A_334 : i32
        scf.if %cond3A_335 {
          %dma_wait3A_336 = arith.constant 3 : i32
          %dma_wait3A_337 = arith.constant 0 : i32
          %dma_wait3A_338 = arith.constant 0 : i32
          %dma_wait3A_339 = tpu.memref_slice %arg14[%dma_wait3A_336, %dma_wait3A_337, %dma_wait3A_338] : memref<4x128x64xf32, #tpu.memory_space<vmem>> -> memref<1x128x64xf32, #tpu.memory_space<vmem>>
          %dma_wait3A_340 = tpu.memref_squeeze %dma_wait3A_339 : memref<1x128x64xf32, #tpu.memory_space<vmem>> -> memref<128x64xf32, #tpu.memory_space<vmem>>
          %dma_wait3A_341 = arith.constant 0 : i32
          %dma_wait3A_342 = arith.constant 0 : i32
          %dma_wait3A_343 = tpu.memref_slice %arg3[%dma_wait3A_341, %dma_wait3A_342] : memref<10000x64xf32, #tpu.memory_space<hbm>> -> memref<128x64xf32, #tpu.memory_space<hbm>>
          %dma_wait3A_344 = arith.constant 0 : i32
          %dma_wait3A_345 = arith.constant 0 : i32
          %dma_wait3A_346 = tpu.memref_slice %arg14[%dma_wait3A_336, %dma_wait3A_344, %dma_wait3A_345] : memref<4x128x64xf32, #tpu.memory_space<vmem>> -> memref<1x128x64xf32, #tpu.memory_space<vmem>>
          %dma_wait3A_347 = tpu.memref_squeeze %dma_wait3A_346 : memref<1x128x64xf32, #tpu.memory_space<vmem>> -> memref<128x64xf32, #tpu.memory_space<vmem>>
          %dma_wait3A_348 = arith.constant 0 : i32
          %dma_wait3A_349 = arith.constant 0 : i32
          %dma_wait3A_350 = tpu.memref_slice %arg3[%dma_wait3A_348, %dma_wait3A_349] : memref<10000x64xf32, #tpu.memory_space<hbm>> -> memref<128x64xf32, #tpu.memory_space<hbm>>
          tpu.wait_dma2 semaphore(%arg26 : memref<!tpu.dma_semaphore, #tpu.memory_space<semaphore_mem>>) src(%dma_wait3A_350 : memref<128x64xf32, #tpu.memory_space<hbm>>) dst(%dma_wait3A_347 : memref<128x64xf32, #tpu.memory_space<vmem>>)
          %add3A_351 = arith.constant 4 : i32
          %add3A_352 = arith.addi %add3A_298, %add3A_351 : i32
          %mul3A_353 = arith.constant 128 : i32
          %mul3A_354 = arith.muli %add3A_352, %mul3A_353 : i32
          %dma_start3A_355 = arith.constant 3 : i32
          %dma_start3A_356 = arith.constant 0 : i32
          %dma_start3A_357 = arith.constant 0 : i32
          %dma_start3A_358 = tpu.memref_slice %arg14[%dma_start3A_355, %dma_start3A_356, %dma_start3A_357] : memref<4x128x64xf32, #tpu.memory_space<vmem>> -> memref<1x128x64xf32, #tpu.memory_space<vmem>>
          %dma_start3A_359 = tpu.memref_squeeze %dma_start3A_358 : memref<1x128x64xf32, #tpu.memory_space<vmem>> -> memref<128x64xf32, #tpu.memory_space<vmem>>
          %dma_start3A_360 = tpu.memref_slice %arg11[%mul3A_354] : memref<20000xi32, #tpu.memory_space<vmem>> -> memref<128xi32, #tpu.memory_space<vmem>>
          %dma_start3A_361 = arith.constant 0 : i32
          %dma_start3A_362 = arith.constant 0 : i32
          %dma_start3A_363 = tpu.memref_slice %arg3[%dma_start3A_361, %dma_start3A_362] : memref<10000x64xf32, #tpu.memory_space<hbm>> -> memref<10000x64xf32, #tpu.memory_space<hbm>>
          tpu.enqueue_indirect_dma source(%dma_start3A_363 : memref<10000x64xf32, #tpu.memory_space<hbm>>) target(%dma_start3A_359 : memref<128x64xf32, #tpu.memory_space<vmem>>) offsets(%dma_start3A_360 : memref<128xi32, #tpu.memory_space<vmem>>) semaphore(%arg22 : memref<!tpu.dma_semaphore, #tpu.memory_space<semaphore_mem>>)
        } else {
        }
      }
      %scan3A_100 = arith.constant 39 : i32
      %dma_wait3A_101 = arith.constant 0 : i32
      %dma_wait3A_102 = arith.constant 0 : i32
      %dma_wait3A_103 = arith.constant 0 : i32
      %dma_wait3A_104 = tpu.memref_slice %arg14[%dma_wait3A_101, %dma_wait3A_102, %dma_wait3A_103] : memref<4x128x64xf32, #tpu.memory_space<vmem>> -> memref<1x128x64xf32, #tpu.memory_space<vmem>>
      %dma_wait3A_105 = tpu.memref_squeeze %dma_wait3A_104 : memref<1x128x64xf32, #tpu.memory_space<vmem>> -> memref<128x64xf32, #tpu.memory_space<vmem>>
      %dma_wait3A_106 = arith.constant 0 : i32
      %dma_wait3A_107 = arith.constant 0 : i32
      %dma_wait3A_108 = tpu.memref_slice %arg3[%dma_wait3A_106, %dma_wait3A_107] : memref<10000x64xf32, #tpu.memory_space<hbm>> -> memref<128x64xf32, #tpu.memory_space<hbm>>
      %dma_wait3A_109 = arith.constant 0 : i32
      %dma_wait3A_110 = arith.constant 0 : i32
      %dma_wait3A_111 = tpu.memref_slice %arg14[%dma_wait3A_101, %dma_wait3A_109, %dma_wait3A_110] : memref<4x128x64xf32, #tpu.memory_space<vmem>> -> memref<1x128x64xf32, #tpu.memory_space<vmem>>
      %dma_wait3A_112 = tpu.memref_squeeze %dma_wait3A_111 : memref<1x128x64xf32, #tpu.memory_space<vmem>> -> memref<128x64xf32, #tpu.memory_space<vmem>>
      %dma_wait3A_113 = arith.constant 0 : i32
      %dma_wait3A_114 = arith.constant 0 : i32
      %dma_wait3A_115 = tpu.memref_slice %arg3[%dma_wait3A_113, %dma_wait3A_114] : memref<10000x64xf32, #tpu.memory_space<hbm>> -> memref<128x64xf32, #tpu.memory_space<hbm>>
      tpu.wait_dma2 semaphore(%arg23 : memref<!tpu.dma_semaphore, #tpu.memory_space<semaphore_mem>>) src(%dma_wait3A_115 : memref<128x64xf32, #tpu.memory_space<hbm>>) dst(%dma_wait3A_112 : memref<128x64xf32, #tpu.memory_space<vmem>>)
      %dma_wait3A_116 = arith.constant 1 : i32
      %dma_wait3A_117 = arith.constant 0 : i32
      %dma_wait3A_118 = arith.constant 0 : i32
      %dma_wait3A_119 = tpu.memref_slice %arg14[%dma_wait3A_116, %dma_wait3A_117, %dma_wait3A_118] : memref<4x128x64xf32, #tpu.memory_space<vmem>> -> memref<1x128x64xf32, #tpu.memory_space<vmem>>
      %dma_wait3A_120 = tpu.memref_squeeze %dma_wait3A_119 : memref<1x128x64xf32, #tpu.memory_space<vmem>> -> memref<128x64xf32, #tpu.memory_space<vmem>>
      %dma_wait3A_121 = arith.constant 0 : i32
      %dma_wait3A_122 = arith.constant 0 : i32
      %dma_wait3A_123 = tpu.memref_slice %arg3[%dma_wait3A_121, %dma_wait3A_122] : memref<10000x64xf32, #tpu.memory_space<hbm>> -> memref<128x64xf32, #tpu.memory_space<hbm>>
      %dma_wait3A_124 = arith.constant 0 : i32
      %dma_wait3A_125 = arith.constant 0 : i32
      %dma_wait3A_126 = tpu.memref_slice %arg14[%dma_wait3A_116, %dma_wait3A_124, %dma_wait3A_125] : memref<4x128x64xf32, #tpu.memory_space<vmem>> -> memref<1x128x64xf32, #tpu.memory_space<vmem>>
      %dma_wait3A_127 = tpu.memref_squeeze %dma_wait3A_126 : memref<1x128x64xf32, #tpu.memory_space<vmem>> -> memref<128x64xf32, #tpu.memory_space<vmem>>
      %dma_wait3A_128 = arith.constant 0 : i32
      %dma_wait3A_129 = arith.constant 0 : i32
      %dma_wait3A_130 = tpu.memref_slice %arg3[%dma_wait3A_128, %dma_wait3A_129] : memref<10000x64xf32, #tpu.memory_space<hbm>> -> memref<128x64xf32, #tpu.memory_space<hbm>>
      tpu.wait_dma2 semaphore(%arg24 : memref<!tpu.dma_semaphore, #tpu.memory_space<semaphore_mem>>) src(%dma_wait3A_130 : memref<128x64xf32, #tpu.memory_space<hbm>>) dst(%dma_wait3A_127 : memref<128x64xf32, #tpu.memory_space<vmem>>)
      %dma_wait3A_131 = arith.constant 2 : i32
      %dma_wait3A_132 = arith.constant 0 : i32
      %dma_wait3A_133 = arith.constant 0 : i32
      %dma_wait3A_134 = tpu.memref_slice %arg14[%dma_wait3A_131, %dma_wait3A_132, %dma_wait3A_133] : memref<4x128x64xf32, #tpu.memory_space<vmem>> -> memref<1x128x64xf32, #tpu.memory_space<vmem>>
      %dma_wait3A_135 = tpu.memref_squeeze %dma_wait3A_134 : memref<1x128x64xf32, #tpu.memory_space<vmem>> -> memref<128x64xf32, #tpu.memory_space<vmem>>
      %dma_wait3A_136 = arith.constant 0 : i32
      %dma_wait3A_137 = arith.constant 0 : i32
      %dma_wait3A_138 = tpu.memref_slice %arg3[%dma_wait3A_136, %dma_wait3A_137] : memref<10000x64xf32, #tpu.memory_space<hbm>> -> memref<128x64xf32, #tpu.memory_space<hbm>>
      %dma_wait3A_139 = arith.constant 0 : i32
      %dma_wait3A_140 = arith.constant 0 : i32
      %dma_wait3A_141 = tpu.memref_slice %arg14[%dma_wait3A_131, %dma_wait3A_139, %dma_wait3A_140] : memref<4x128x64xf32, #tpu.memory_space<vmem>> -> memref<1x128x64xf32, #tpu.memory_space<vmem>>
      %dma_wait3A_142 = tpu.memref_squeeze %dma_wait3A_141 : memref<1x128x64xf32, #tpu.memory_space<vmem>> -> memref<128x64xf32, #tpu.memory_space<vmem>>
      %dma_wait3A_143 = arith.constant 0 : i32
      %dma_wait3A_144 = arith.constant 0 : i32
      %dma_wait3A_145 = tpu.memref_slice %arg3[%dma_wait3A_143, %dma_wait3A_144] : memref<10000x64xf32, #tpu.memory_space<hbm>> -> memref<128x64xf32, #tpu.memory_space<hbm>>
      tpu.wait_dma2 semaphore(%arg25 : memref<!tpu.dma_semaphore, #tpu.memory_space<semaphore_mem>>) src(%dma_wait3A_145 : memref<128x64xf32, #tpu.memory_space<hbm>>) dst(%dma_wait3A_142 : memref<128x64xf32, #tpu.memory_space<vmem>>)
      %dma_wait3A_146 = arith.constant 3 : i32
      %dma_wait3A_147 = arith.constant 0 : i32
      %dma_wait3A_148 = arith.constant 0 : i32
      %dma_wait3A_149 = tpu.memref_slice %arg14[%dma_wait3A_146, %dma_wait3A_147, %dma_wait3A_148] : memref<4x128x64xf32, #tpu.memory_space<vmem>> -> memref<1x128x64xf32, #tpu.memory_space<vmem>>
      %dma_wait3A_150 = tpu.memref_squeeze %dma_wait3A_149 : memref<1x128x64xf32, #tpu.memory_space<vmem>> -> memref<128x64xf32, #tpu.memory_space<vmem>>
      %dma_wait3A_151 = arith.constant 0 : i32
      %dma_wait3A_152 = arith.constant 0 : i32
      %dma_wait3A_153 = tpu.memref_slice %arg3[%dma_wait3A_151, %dma_wait3A_152] : memref<10000x64xf32, #tpu.memory_space<hbm>> -> memref<128x64xf32, #tpu.memory_space<hbm>>
      %dma_wait3A_154 = arith.constant 0 : i32
      %dma_wait3A_155 = arith.constant 0 : i32
      %dma_wait3A_156 = tpu.memref_slice %arg14[%dma_wait3A_146, %dma_wait3A_154, %dma_wait3A_155] : memref<4x128x64xf32, #tpu.memory_space<vmem>> -> memref<1x128x64xf32, #tpu.memory_space<vmem>>
      %dma_wait3A_157 = tpu.memref_squeeze %dma_wait3A_156 : memref<1x128x64xf32, #tpu.memory_space<vmem>> -> memref<128x64xf32, #tpu.memory_space<vmem>>
      %dma_wait3A_158 = arith.constant 0 : i32
      %dma_wait3A_159 = arith.constant 0 : i32
      %dma_wait3A_160 = tpu.memref_slice %arg3[%dma_wait3A_158, %dma_wait3A_159] : memref<10000x64xf32, #tpu.memory_space<hbm>> -> memref<128x64xf32, #tpu.memory_space<hbm>>
      tpu.wait_dma2 semaphore(%arg26 : memref<!tpu.dma_semaphore, #tpu.memory_space<semaphore_mem>>) src(%dma_wait3A_160 : memref<128x64xf32, #tpu.memory_space<hbm>>) dst(%dma_wait3A_157 : memref<128x64xf32, #tpu.memory_space<vmem>>)
      %dma_start3A_161 = arith.constant 19968 : i32
      %dma_start3A_162 = tpu.memref_slice %arg11[%dma_start3A_161] : memref<20000xi32, #tpu.memory_space<vmem>> -> memref<32xi32, #tpu.memory_space<vmem>>
      %dma_start3A_163 = arith.constant 0 : i32
      %dma_start3A_164 = arith.constant 0 : i32
      %dma_start3A_165 = tpu.memref_slice %arg3[%dma_start3A_163, %dma_start3A_164] : memref<10000x64xf32, #tpu.memory_space<hbm>> -> memref<10000x64xf32, #tpu.memory_space<hbm>>
      tpu.enqueue_indirect_dma source(%dma_start3A_165 : memref<10000x64xf32, #tpu.memory_space<hbm>>) target(%arg15 : memref<32x64xf32, #tpu.memory_space<vmem>>) offsets(%dma_start3A_162 : memref<32xi32, #tpu.memory_space<vmem>>) semaphore(%arg19 : memref<!tpu.dma_semaphore, #tpu.memory_space<semaphore_mem>>)
      %dma_wait3A_166 = arith.constant 19968 : i32
      %dma_wait3A_167 = tpu.memref_slice %arg11[%dma_wait3A_166] : memref<20000xi32, #tpu.memory_space<vmem>> -> memref<32xi32, #tpu.memory_space<vmem>>
      %dma_wait3A_168 = arith.constant 0 : i32
      %dma_wait3A_169 = arith.constant 0 : i32
      %dma_wait3A_170 = tpu.memref_slice %arg3[%dma_wait3A_168, %dma_wait3A_169] : memref<10000x64xf32, #tpu.memory_space<hbm>> -> memref<10000x64xf32, #tpu.memory_space<hbm>>
      tpu.wait_indirect_dma semaphore(%arg19 : memref<!tpu.dma_semaphore, #tpu.memory_space<semaphore_mem>>) src(%dma_wait3A_170 : memref<10000x64xf32, #tpu.memory_space<hbm>>) dst(%arg15 : memref<32x64xf32, #tpu.memory_space<vmem>>)
      %run_scoped3A_171 = arith.constant 0 : i32
      "tpu.region"() ({
        %run_scoped3A_172 = tpu.sem_alloc : memref<!tpu.dma_semaphore, #tpu.memory_space<semaphore_mem>>
        %dma_start3A_173 = arith.constant 0 : i32
        %dma_start3A_174 = tpu.memref_slice %arg13[%run_scoped3A_171, %dma_start3A_173] : memref<1x32xi32, #tpu.memory_space<vmem>> -> memref<1x32xi32, #tpu.memory_space<vmem>>
        %dma_start3A_175 = tpu.memref_squeeze %dma_start3A_174 : memref<1x32xi32, #tpu.memory_space<vmem>> -> memref<32xi32, #tpu.memory_space<vmem>>
        %dma_start3A_176 = arith.constant 0 : i32
        %dma_start3A_177 = arith.constant 0 : i32
        %dma_start3A_178 = tpu.memref_slice %arg29[%dma_start3A_176, %dma_start3A_177] : memref<10000x64xf32, #tpu.memory_space<vmem_shared>> -> memref<10000x64xf32, #tpu.memory_space<vmem_shared>>
        tpu.enqueue_indirect_dma source(%arg15 : memref<32x64xf32, #tpu.memory_space<vmem>>) target(%dma_start3A_178 : memref<10000x64xf32, #tpu.memory_space<vmem_shared>>) offsets(%dma_start3A_175 : memref<32xi32, #tpu.memory_space<vmem>>) semaphore(%run_scoped3A_172 : memref<!tpu.dma_semaphore, #tpu.memory_space<semaphore_mem>>) {add = true}
        %dma_wait3A_179 = arith.constant 0 : i32
        %dma_wait3A_180 = tpu.memref_slice %arg13[%run_scoped3A_171, %dma_wait3A_179] : memref<1x32xi32, #tpu.memory_space<vmem>> -> memref<1x32xi32, #tpu.memory_space<vmem>>
        %dma_wait3A_181 = tpu.memref_squeeze %dma_wait3A_180 : memref<1x32xi32, #tpu.memory_space<vmem>> -> memref<32xi32, #tpu.memory_space<vmem>>
        %dma_wait3A_182 = arith.constant 0 : i32
        %dma_wait3A_183 = arith.constant 0 : i32
        %dma_wait3A_184 = tpu.memref_slice %arg29[%dma_wait3A_182, %dma_wait3A_183] : memref<10000x64xf32, #tpu.memory_space<vmem_shared>> -> memref<10000x64xf32, #tpu.memory_space<vmem_shared>>
        tpu.wait_indirect_dma semaphore(%run_scoped3A_172 : memref<!tpu.dma_semaphore, #tpu.memory_space<semaphore_mem>>) src(%arg15 : memref<32x64xf32, #tpu.memory_space<vmem>>) dst(%dma_wait3A_184 : memref<10000x64xf32, #tpu.memory_space<vmem_shared>>)
        tpu.yield
      }) : () -> ()
    } else {
    }
    %barrier3A_43 = arith.constant 0 : index
    tpu.barrier barrier_id(%barrier3A_43)
    %scan3A_44 = arith.constant 0 : i32
    %scan3A_45 = arith.constant 0 : i32
    %scan3A_46 = arith.constant 78 : i32
    %scan3A_47 = arith.addi %scan3A_45, %scan3A_46 : i32
    %scan3A_48 = arith.constant 1 : i32
    scf.for %scan3A_55 = %scan3A_45 to %scan3A_47 step %scan3A_48  : i32 {
      %jit3A = arith.constant 16 : i32
      %eq3A_56 = arith.constant 0 : i32
      %eq3A_57 = arith.cmpi eq, %jit3A, %eq3A_56 : i32
      %jit3A_58 = arith.constant 1 : i32
      %select_n3A = arith.select %eq3A_57, %jit3A_58, %jit3A : i32
      %rem3A = arith.remsi %scan3A_55, %select_n3A : i32
      %ne3A = arith.constant 0 : i32
      %ne3A_59 = arith.cmpi ne, %rem3A, %ne3A : i32
      %lt3A = arith.constant 0 : i32
      %lt3A_60 = arith.cmpi slt, %rem3A, %lt3A : i32
      %lt3A_61 = arith.constant 0 : i32
      %lt3A_62 = arith.cmpi slt, %select_n3A, %lt3A_61 : i32
      %ne3A_63 = arith.xori %lt3A_60, %lt3A_62 : i1
      %and3A = arith.andi %ne3A_63, %ne3A_59 : i1
      %add3A_64 = arith.addi %rem3A, %select_n3A : i32
      %select_n3A_65 = arith.select %and3A, %add3A_64, %rem3A : i32
      %eq3A_66 = arith.cmpi eq, %select_n3A_65, %arg1 : i32
      %convert_element_type3A_67 = arith.extui %eq3A_66 : i1 to i32
      %cond3A_68 = arith.constant 0 : i32
      %cond3A_69 = arith.cmpi ne, %convert_element_type3A_67, %cond3A_68 : i32
      scf.if %cond3A_69 {
        %eq3A_70 = arith.constant 0 : i32
        %eq3A_71 = arith.cmpi eq, %arg0, %eq3A_70 : i32
        %convert_element_type3A_72 = arith.extui %eq3A_71 : i1 to i32
        %cond3A_73 = arith.constant 0 : i32
        %cond3A_74 = arith.cmpi ne, %convert_element_type3A_72, %cond3A_73 : i32
        scf.if %cond3A_74 {
          %mul3A_80 = arith.constant 128 : i32
          %mul3A_81 = arith.muli %scan3A_55, %mul3A_80 : i32
          %mul3A_82 = arith.constant 128 : i32
          %mul3A_83 = arith.muli %scan3A_55, %mul3A_82 : i32
          "tpu.region"() ({
            %run_scoped3A_88 = tpu.sem_alloc : memref<!tpu.dma_semaphore, #tpu.memory_space<semaphore_mem>>
            %dma_start3A_89 = arith.constant 0 : i32
            %dma_start3A_90 = tpu.memref_slice %arg8[%mul3A_83, %dma_start3A_89] : memref<10000x64xf32, #tpu.memory_space<hbm>> -> memref<128x64xf32, #tpu.memory_space<hbm>>
            %dma_start3A_91 = arith.constant 0 : i32
            %dma_start3A_92 = tpu.memref_slice %arg29[%mul3A_81, %dma_start3A_91] : memref<10000x64xf32, #tpu.memory_space<vmem_shared>> -> memref<128x64xf32, #tpu.memory_space<vmem_shared>>
            tpu.enqueue_dma source(%dma_start3A_92 : memref<128x64xf32, #tpu.memory_space<vmem_shared>>) target(%dma_start3A_90 : memref<128x64xf32, #tpu.memory_space<hbm>>) target_semaphore(%run_scoped3A_88 : memref<!tpu.dma_semaphore, #tpu.memory_space<semaphore_mem>>)
            %dma_wait3A_93 = arith.constant 0 : i32
            %dma_wait3A_94 = tpu.memref_slice %arg8[%mul3A_83, %dma_wait3A_93] : memref<10000x64xf32, #tpu.memory_space<hbm>> -> memref<128x64xf32, #tpu.memory_space<hbm>>
            %dma_wait3A_95 = arith.constant 0 : i32
            %dma_wait3A_96 = tpu.memref_slice %arg29[%mul3A_81, %dma_wait3A_95] : memref<10000x64xf32, #tpu.memory_space<vmem_shared>> -> memref<128x64xf32, #tpu.memory_space<vmem_shared>>
            tpu.wait_dma2 semaphore(%run_scoped3A_88 : memref<!tpu.dma_semaphore, #tpu.memory_space<semaphore_mem>>) src(%dma_wait3A_96 : memref<128x64xf32, #tpu.memory_space<vmem_shared>>) dst(%dma_wait3A_94 : memref<128x64xf32, #tpu.memory_space<hbm>>)
            tpu.yield
          }) : () -> ()
          %mul3A_84 = arith.constant 128 : i32
          %mul3A_85 = arith.muli %scan3A_55, %mul3A_84 : i32
          %mul3A_86 = arith.constant 128 : i32
          %mul3A_87 = arith.muli %scan3A_55, %mul3A_86 : i32
          "tpu.region"() ({
            %run_scoped3A_88 = tpu.sem_alloc : memref<!tpu.dma_semaphore, #tpu.memory_space<semaphore_mem>>
            %dma_start3A_89 = arith.constant 0 : i32
            %dma_start3A_90 = tpu.memref_slice %arg10[%mul3A_87, %dma_start3A_89] : memref<10000x8xf32, #tpu.memory_space<hbm>> -> memref<128x8xf32, #tpu.memory_space<hbm>>
            %dma_start3A_91 = arith.constant 0 : i32
            %dma_start3A_92 = tpu.memref_slice %arg30[%mul3A_85, %dma_start3A_91] : memref<10000x8xf32, #tpu.memory_space<vmem_shared>> -> memref<128x8xf32, #tpu.memory_space<vmem_shared>>
            tpu.enqueue_dma source(%dma_start3A_92 : memref<128x8xf32, #tpu.memory_space<vmem_shared>>) target(%dma_start3A_90 : memref<128x8xf32, #tpu.memory_space<hbm>>) target_semaphore(%run_scoped3A_88 : memref<!tpu.dma_semaphore, #tpu.memory_space<semaphore_mem>>)
            %dma_wait3A_93 = arith.constant 0 : i32
            %dma_wait3A_94 = tpu.memref_slice %arg10[%mul3A_87, %dma_wait3A_93] : memref<10000x8xf32, #tpu.memory_space<hbm>> -> memref<128x8xf32, #tpu.memory_space<hbm>>
            %dma_wait3A_95 = arith.constant 0 : i32
            %dma_wait3A_96 = tpu.memref_slice %arg30[%mul3A_85, %dma_wait3A_95] : memref<10000x8xf32, #tpu.memory_space<vmem_shared>> -> memref<128x8xf32, #tpu.memory_space<vmem_shared>>
            tpu.wait_dma2 semaphore(%run_scoped3A_88 : memref<!tpu.dma_semaphore, #tpu.memory_space<semaphore_mem>>) src(%dma_wait3A_96 : memref<128x8xf32, #tpu.memory_space<vmem_shared>>) dst(%dma_wait3A_94 : memref<128x8xf32, #tpu.memory_space<hbm>>)
            tpu.yield
          }) : () -> ()
        } else {
        }
        %eq3A_75 = arith.constant 1 : i32
        %eq3A_76 = arith.cmpi eq, %arg0, %eq3A_75 : i32
        %convert_element_type3A_77 = arith.extui %eq3A_76 : i1 to i32
        %cond3A_78 = arith.constant 0 : i32
        %cond3A_79 = arith.cmpi ne, %convert_element_type3A_77, %cond3A_78 : i32
        scf.if %cond3A_79 {
          %mul3A_80 = arith.constant 128 : i32
          %mul3A_81 = arith.muli %scan3A_55, %mul3A_80 : i32
          %mul3A_82 = arith.constant 128 : i32
          %mul3A_83 = arith.muli %scan3A_55, %mul3A_82 : i32
          "tpu.region"() ({
            %run_scoped3A_84 = tpu.sem_alloc : memref<!tpu.dma_semaphore, #tpu.memory_space<semaphore_mem>>
            %dma_start3A_85 = arith.constant 0 : i32
            %dma_start3A_86 = tpu.memref_slice %arg9[%mul3A_83, %dma_start3A_85] : memref<10000x64xf32, #tpu.memory_space<hbm>> -> memref<128x64xf32, #tpu.memory_space<hbm>>
            %dma_start3A_87 = arith.constant 0 : i32
            %dma_start3A_88 = tpu.memref_slice %arg29[%mul3A_81, %dma_start3A_87] : memref<10000x64xf32, #tpu.memory_space<vmem_shared>> -> memref<128x64xf32, #tpu.memory_space<vmem_shared>>
            tpu.enqueue_dma source(%dma_start3A_88 : memref<128x64xf32, #tpu.memory_space<vmem_shared>>) target(%dma_start3A_86 : memref<128x64xf32, #tpu.memory_space<hbm>>) target_semaphore(%run_scoped3A_84 : memref<!tpu.dma_semaphore, #tpu.memory_space<semaphore_mem>>)
            %dma_wait3A_89 = arith.constant 0 : i32
            %dma_wait3A_90 = tpu.memref_slice %arg9[%mul3A_83, %dma_wait3A_89] : memref<10000x64xf32, #tpu.memory_space<hbm>> -> memref<128x64xf32, #tpu.memory_space<hbm>>
            %dma_wait3A_91 = arith.constant 0 : i32
            %dma_wait3A_92 = tpu.memref_slice %arg29[%mul3A_81, %dma_wait3A_91] : memref<10000x64xf32, #tpu.memory_space<vmem_shared>> -> memref<128x64xf32, #tpu.memory_space<vmem_shared>>
            tpu.wait_dma2 semaphore(%run_scoped3A_84 : memref<!tpu.dma_semaphore, #tpu.memory_space<semaphore_mem>>) src(%dma_wait3A_92 : memref<128x64xf32, #tpu.memory_space<vmem_shared>>) dst(%dma_wait3A_90 : memref<128x64xf32, #tpu.memory_space<hbm>>)
            tpu.yield
          }) : () -> ()
        } else {
        }
      } else {
      }
    }
    %scan3A_49 = arith.constant 78 : i32
    %eq3A_50 = arith.constant 14 : i32
    %eq3A_51 = arith.cmpi eq, %arg1, %eq3A_50 : i32
    %convert_element_type3A_52 = arith.extui %eq3A_51 : i1 to i32
    %cond3A_53 = arith.constant 0 : i32
    %cond3A_54 = arith.cmpi ne, %convert_element_type3A_52, %cond3A_53 : i32
    scf.if %cond3A_54 {
      %eq3A_55 = arith.constant 0 : i32
      %eq3A_56 = arith.cmpi eq, %arg0, %eq3A_55 : i32
      %convert_element_type3A_57 = arith.extui %eq3A_56 : i1 to i32
      %cond3A_58 = arith.constant 0 : i32
      %cond3A_59 = arith.cmpi ne, %convert_element_type3A_57, %cond3A_58 : i32
      scf.if %cond3A_59 {
        "tpu.region"() ({
          %run_scoped3A_65 = tpu.sem_alloc : memref<!tpu.dma_semaphore, #tpu.memory_space<semaphore_mem>>
          %dma_start3A_66 = arith.constant 9984 : i32
          %dma_start3A_67 = arith.constant 0 : i32
          %dma_start3A_68 = tpu.memref_slice %arg8[%dma_start3A_66, %dma_start3A_67] : memref<10000x64xf32, #tpu.memory_space<hbm>> -> memref<16x64xf32, #tpu.memory_space<hbm>>
          %dma_start3A_69 = arith.constant 9984 : i32
          %dma_start3A_70 = arith.constant 0 : i32
          %dma_start3A_71 = tpu.memref_slice %arg29[%dma_start3A_69, %dma_start3A_70] : memref<10000x64xf32, #tpu.memory_space<vmem_shared>> -> memref<16x64xf32, #tpu.memory_space<vmem_shared>>
          tpu.enqueue_dma source(%dma_start3A_71 : memref<16x64xf32, #tpu.memory_space<vmem_shared>>) target(%dma_start3A_68 : memref<16x64xf32, #tpu.memory_space<hbm>>) target_semaphore(%run_scoped3A_65 : memref<!tpu.dma_semaphore, #tpu.memory_space<semaphore_mem>>)
          %dma_wait3A_72 = arith.constant 9984 : i32
          %dma_wait3A_73 = arith.constant 0 : i32
          %dma_wait3A_74 = tpu.memref_slice %arg8[%dma_wait3A_72, %dma_wait3A_73] : memref<10000x64xf32, #tpu.memory_space<hbm>> -> memref<16x64xf32, #tpu.memory_space<hbm>>
          %dma_wait3A_75 = arith.constant 9984 : i32
          %dma_wait3A_76 = arith.constant 0 : i32
          %dma_wait3A_77 = tpu.memref_slice %arg29[%dma_wait3A_75, %dma_wait3A_76] : memref<10000x64xf32, #tpu.memory_space<vmem_shared>> -> memref<16x64xf32, #tpu.memory_space<vmem_shared>>
          tpu.wait_dma2 semaphore(%run_scoped3A_65 : memref<!tpu.dma_semaphore, #tpu.memory_space<semaphore_mem>>) src(%dma_wait3A_77 : memref<16x64xf32, #tpu.memory_space<vmem_shared>>) dst(%dma_wait3A_74 : memref<16x64xf32, #tpu.memory_space<hbm>>)
          tpu.yield
        }) : () -> ()
        "tpu.region"() ({
          %run_scoped3A_65 = tpu.sem_alloc : memref<!tpu.dma_semaphore, #tpu.memory_space<semaphore_mem>>
          %dma_start3A_66 = arith.constant 9984 : i32
          %dma_start3A_67 = arith.constant 0 : i32
          %dma_start3A_68 = tpu.memref_slice %arg10[%dma_start3A_66, %dma_start3A_67] : memref<10000x8xf32, #tpu.memory_space<hbm>> -> memref<16x8xf32, #tpu.memory_space<hbm>>
          %dma_start3A_69 = arith.constant 9984 : i32
          %dma_start3A_70 = arith.constant 0 : i32
          %dma_start3A_71 = tpu.memref_slice %arg30[%dma_start3A_69, %dma_start3A_70] : memref<10000x8xf32, #tpu.memory_space<vmem_shared>> -> memref<16x8xf32, #tpu.memory_space<vmem_shared>>
          tpu.enqueue_dma source(%dma_start3A_71 : memref<16x8xf32, #tpu.memory_space<vmem_shared>>) target(%dma_start3A_68 : memref<16x8xf32, #tpu.memory_space<hbm>>) target_semaphore(%run_scoped3A_65 : memref<!tpu.dma_semaphore, #tpu.memory_space<semaphore_mem>>)
          %dma_wait3A_72 = arith.constant 9984 : i32
          %dma_wait3A_73 = arith.constant 0 : i32
          %dma_wait3A_74 = tpu.memref_slice %arg10[%dma_wait3A_72, %dma_wait3A_73] : memref<10000x8xf32, #tpu.memory_space<hbm>> -> memref<16x8xf32, #tpu.memory_space<hbm>>
          %dma_wait3A_75 = arith.constant 9984 : i32
          %dma_wait3A_76 = arith.constant 0 : i32
          %dma_wait3A_77 = tpu.memref_slice %arg30[%dma_wait3A_75, %dma_wait3A_76] : memref<10000x8xf32, #tpu.memory_space<vmem_shared>> -> memref<16x8xf32, #tpu.memory_space<vmem_shared>>
          tpu.wait_dma2 semaphore(%run_scoped3A_65 : memref<!tpu.dma_semaphore, #tpu.memory_space<semaphore_mem>>) src(%dma_wait3A_77 : memref<16x8xf32, #tpu.memory_space<vmem_shared>>) dst(%dma_wait3A_74 : memref<16x8xf32, #tpu.memory_space<hbm>>)
          tpu.yield
        }) : () -> ()
      } else {
      }
      %eq3A_60 = arith.constant 1 : i32
      %eq3A_61 = arith.cmpi eq, %arg0, %eq3A_60 : i32
      %convert_element_type3A_62 = arith.extui %eq3A_61 : i1 to i32
      %cond3A_63 = arith.constant 0 : i32
      %cond3A_64 = arith.cmpi ne, %convert_element_type3A_62, %cond3A_63 : i32
      scf.if %cond3A_64 {
        "tpu.region"() ({
          %run_scoped3A_65 = tpu.sem_alloc : memref<!tpu.dma_semaphore, #tpu.memory_space<semaphore_mem>>
          %dma_start3A_66 = arith.constant 9984 : i32
          %dma_start3A_67 = arith.constant 0 : i32
          %dma_start3A_68 = tpu.memref_slice %arg9[%dma_start3A_66, %dma_start3A_67] : memref<10000x64xf32, #tpu.memory_space<hbm>> -> memref<16x64xf32, #tpu.memory_space<hbm>>
          %dma_start3A_69 = arith.constant 9984 : i32
          %dma_start3A_70 = arith.constant 0 : i32
          %dma_start3A_71 = tpu.memref_slice %arg29[%dma_start3A_69, %dma_start3A_70] : memref<10000x64xf32, #tpu.memory_space<vmem_shared>> -> memref<16x64xf32, #tpu.memory_space<vmem_shared>>
          tpu.enqueue_dma source(%dma_start3A_71 : memref<16x64xf32, #tpu.memory_space<vmem_shared>>) target(%dma_start3A_68 : memref<16x64xf32, #tpu.memory_space<hbm>>) target_semaphore(%run_scoped3A_65 : memref<!tpu.dma_semaphore, #tpu.memory_space<semaphore_mem>>)
          %dma_wait3A_72 = arith.constant 9984 : i32
          %dma_wait3A_73 = arith.constant 0 : i32
          %dma_wait3A_74 = tpu.memref_slice %arg9[%dma_wait3A_72, %dma_wait3A_73] : memref<10000x64xf32, #tpu.memory_space<hbm>> -> memref<16x64xf32, #tpu.memory_space<hbm>>
          %dma_wait3A_75 = arith.constant 9984 : i32
          %dma_wait3A_76 = arith.constant 0 : i32
          %dma_wait3A_77 = tpu.memref_slice %arg29[%dma_wait3A_75, %dma_wait3A_76] : memref<10000x64xf32, #tpu.memory_space<vmem_shared>> -> memref<16x64xf32, #tpu.memory_space<vmem_shared>>
          tpu.wait_dma2 semaphore(%run_scoped3A_65 : memref<!tpu.dma_semaphore, #tpu.memory_space<semaphore_mem>>) src(%dma_wait3A_77 : memref<16x64xf32, #tpu.memory_space<vmem_shared>>) dst(%dma_wait3A_74 : memref<16x64xf32, #tpu.memory_space<hbm>>)
          tpu.yield
        }) : () -> ()
      } else {
      }
    } else {
    }
    return
  }
}

#map = affine_map<(d0, d1) -> (0, 0)>
#map1 = affine_map<(d0, d1) -> (0)>
module attributes {stable_mosaic.version = 14 : i64} {
  func.func @gin_agg(%arg0: i32, %arg1: i32, %arg2: memref<10000x64xf32, #tpu.memory_space<hbm>>, %arg3: memref<10000x64xf32, #tpu.memory_space<hbm>>, %arg4: memref<320000xi32, #tpu.memory_space<hbm>>, %arg5: memref<320000xi32, #tpu.memory_space<hbm>>, %arg6: memref<128x64xf32, #tpu.memory_space<hbm>>, %arg7: memref<10000x64xf32, #tpu.memory_space<hbm>>, %arg8: memref<10000x64xf32, #tpu.memory_space<hbm>>, %arg9: memref<20000xi32, #tpu.memory_space<vmem>>, %arg10: memref<156x128xi32, #tpu.memory_space<vmem>>, %arg11: memref<1x32xi32, #tpu.memory_space<vmem>>, %arg12: memref<4x128x64xf32, #tpu.memory_space<vmem>>, %arg13: memref<32x64xf32, #tpu.memory_space<vmem>>, %arg14: memref<128x64xf32, #tpu.memory_space<vmem>>, %arg15: memref<!tpu.dma_semaphore, #tpu.memory_space<semaphore_mem>>, %arg16: memref<!tpu.dma_semaphore, #tpu.memory_space<semaphore_mem>>, %arg17: memref<!tpu.dma_semaphore, #tpu.memory_space<semaphore_mem>>, %arg18: memref<!tpu.dma_semaphore, #tpu.memory_space<semaphore_mem>>, %arg19: memref<!tpu.dma_semaphore, #tpu.memory_space<semaphore_mem>>, %arg20: memref<!tpu.dma_semaphore, #tpu.memory_space<semaphore_mem>>, %arg21: memref<!tpu.dma_semaphore, #tpu.memory_space<semaphore_mem>>, %arg22: memref<!tpu.dma_semaphore, #tpu.memory_space<semaphore_mem>>, %arg23: memref<!tpu.dma_semaphore, #tpu.memory_space<semaphore_mem>>, %arg24: memref<10000x64xf32, #tpu.memory_space<vmem_shared>>) attributes {dimension_semantics = [#tpu.dimension_semantics<core_parallel>, #tpu.dimension_semantics<subcore_parallel>], iteration_bounds = array<i64: 2, 16>, scalar_prefetch = 0 : i64, scratch_operands = 16 : i64, tpu.core_type = #tpu.core_type<sc_vector_subcore>, window_params = [{transform_indices = #map}, {transform_indices = #map}, {transform_indices = #map1}, {transform_indices = #map1}, {transform_indices = #map}, {transform_indices = #map}, {transform_indices = #map}]} {
    "tpu.region"() ({
      %run_scoped3A = tpu.sem_alloc : memref<!tpu.dma_semaphore, #tpu.memory_space<semaphore_mem>>
      tpu.enqueue_dma source(%arg6 : memref<128x64xf32, #tpu.memory_space<hbm>>) target(%arg14 : memref<128x64xf32, #tpu.memory_space<vmem>>) target_semaphore(%run_scoped3A : memref<!tpu.dma_semaphore, #tpu.memory_space<semaphore_mem>>)
      tpu.wait_dma2 semaphore(%run_scoped3A : memref<!tpu.dma_semaphore, #tpu.memory_space<semaphore_mem>>) src(%arg6 : memref<128x64xf32, #tpu.memory_space<hbm>>) dst(%arg14 : memref<128x64xf32, #tpu.memory_space<vmem>>)
      tpu.yield
    }) : () -> ()
    %mul3A = arith.constant 20000 : i32
    %mul3A_0 = arith.muli %arg1, %mul3A : i32
    %dma_start3A = tpu.memref_slice %arg4[%mul3A_0] : memref<320000xi32, #tpu.memory_space<hbm>> -> memref<20000xi32, #tpu.memory_space<hbm>>
    %dma_start3A_1 = tpu.memref_slice %arg4[%mul3A_0] : memref<320000xi32, #tpu.memory_space<hbm>> -> memref<20000xi32, #tpu.memory_space<hbm>>
    tpu.enqueue_dma source(%dma_start3A_1 : memref<20000xi32, #tpu.memory_space<hbm>>) target(%arg9 : memref<20000xi32, #tpu.memory_space<vmem>>) target_semaphore(%arg23 : memref<!tpu.dma_semaphore, #tpu.memory_space<semaphore_mem>>)
    %scan3A = arith.constant 0 : i32
    %scan3A_2 = arith.constant 0 : i32
    %scan3A_3 = arith.constant 156 : i32
    %scan3A_4 = arith.addi %scan3A_2, %scan3A_3 : i32
    %scan3A_5 = arith.constant 1 : i32
    scf.for %scan3A_54 = %scan3A_2 to %scan3A_4 step %scan3A_5  : i32 {
      %mul3A_55 = arith.constant 128 : i32
      %mul3A_56 = arith.muli %scan3A_54, %mul3A_55 : i32
      %add3A_57 = arith.addi %mul3A_0, %mul3A_56 : i32
      %dma_start3A_58 = arith.constant 0 : i32
      %dma_start3A_59 = tpu.memref_slice %arg10[%scan3A_54, %dma_start3A_58] : memref<156x128xi32, #tpu.memory_space<vmem>> -> memref<1x128xi32, #tpu.memory_space<vmem>>
      %dma_start3A_60 = tpu.memref_squeeze %dma_start3A_59 : memref<1x128xi32, #tpu.memory_space<vmem>> -> memref<128xi32, #tpu.memory_space<vmem>>
      %dma_start3A_61 = tpu.memref_slice %arg5[%add3A_57] : memref<320000xi32, #tpu.memory_space<hbm>> -> memref<128xi32, #tpu.memory_space<hbm>>
      %dma_start3A_62 = arith.constant 0 : i32
      %dma_start3A_63 = tpu.memref_slice %arg10[%scan3A_54, %dma_start3A_62] : memref<156x128xi32, #tpu.memory_space<vmem>> -> memref<1x128xi32, #tpu.memory_space<vmem>>
      %dma_start3A_64 = tpu.memref_squeeze %dma_start3A_63 : memref<1x128xi32, #tpu.memory_space<vmem>> -> memref<128xi32, #tpu.memory_space<vmem>>
      %dma_start3A_65 = tpu.memref_slice %arg5[%add3A_57] : memref<320000xi32, #tpu.memory_space<hbm>> -> memref<128xi32, #tpu.memory_space<hbm>>
      tpu.enqueue_dma source(%dma_start3A_65 : memref<128xi32, #tpu.memory_space<hbm>>) target(%dma_start3A_64 : memref<128xi32, #tpu.memory_space<vmem>>) target_semaphore(%arg23 : memref<!tpu.dma_semaphore, #tpu.memory_space<semaphore_mem>>)
    }
    %scan3A_6 = arith.constant 156 : i32
    %add3A = arith.constant 19968 : i32
    %add3A_7 = arith.addi %mul3A_0, %add3A : i32
    %dma_start3A_8 = arith.constant 0 : i32
    %dma_start3A_9 = arith.constant 0 : i32
    %dma_start3A_10 = tpu.memref_slice %arg11[%dma_start3A_8, %dma_start3A_9] : memref<1x32xi32, #tpu.memory_space<vmem>> -> memref<1x32xi32, #tpu.memory_space<vmem>>
    %dma_start3A_11 = tpu.memref_squeeze %dma_start3A_10 : memref<1x32xi32, #tpu.memory_space<vmem>> -> memref<32xi32, #tpu.memory_space<vmem>>
    %dma_start3A_12 = tpu.memref_slice %arg5[%add3A_7] : memref<320000xi32, #tpu.memory_space<hbm>> -> memref<32xi32, #tpu.memory_space<hbm>>
    %dma_start3A_13 = arith.constant 0 : i32
    %dma_start3A_14 = tpu.memref_slice %arg11[%dma_start3A_8, %dma_start3A_13] : memref<1x32xi32, #tpu.memory_space<vmem>> -> memref<1x32xi32, #tpu.memory_space<vmem>>
    %dma_start3A_15 = tpu.memref_squeeze %dma_start3A_14 : memref<1x32xi32, #tpu.memory_space<vmem>> -> memref<32xi32, #tpu.memory_space<vmem>>
    %dma_start3A_16 = tpu.memref_slice %arg5[%add3A_7] : memref<320000xi32, #tpu.memory_space<hbm>> -> memref<32xi32, #tpu.memory_space<hbm>>
    tpu.enqueue_dma source(%dma_start3A_16 : memref<32xi32, #tpu.memory_space<hbm>>) target(%dma_start3A_15 : memref<32xi32, #tpu.memory_space<vmem>>) target_semaphore(%arg23 : memref<!tpu.dma_semaphore, #tpu.memory_space<semaphore_mem>>)
    %scan3A_17 = arith.constant 0 : i32
    %scan3A_18 = arith.constant 0 : i32
    %scan3A_19 = arith.constant 78 : i32
    %scan3A_20 = arith.addi %scan3A_18, %scan3A_19 : i32
    %scan3A_21 = arith.constant 1 : i32
    scf.for %scan3A_54 = %scan3A_18 to %scan3A_20 step %scan3A_21  : i32 {
      %jit3A = arith.constant 16 : i32
      %eq3A_55 = arith.constant 0 : i32
      %eq3A_56 = arith.cmpi eq, %jit3A, %eq3A_55 : i32
      %jit3A_57 = arith.constant 1 : i32
      %select_n3A = arith.select %eq3A_56, %jit3A_57, %jit3A : i32
      %rem3A = arith.remsi %scan3A_54, %select_n3A : i32
      %ne3A = arith.constant 0 : i32
      %ne3A_58 = arith.cmpi ne, %rem3A, %ne3A : i32
      %lt3A = arith.constant 0 : i32
      %lt3A_59 = arith.cmpi slt, %rem3A, %lt3A : i32
      %lt3A_60 = arith.constant 0 : i32
      %lt3A_61 = arith.cmpi slt, %select_n3A, %lt3A_60 : i32
      %ne3A_62 = arith.xori %lt3A_59, %lt3A_61 : i1
      %and3A = arith.andi %ne3A_62, %ne3A_58 : i1
      %add3A_63 = arith.addi %rem3A, %select_n3A : i32
      %select_n3A_64 = arith.select %and3A, %add3A_63, %rem3A : i32
      %eq3A_65 = arith.cmpi eq, %select_n3A_64, %arg1 : i32
      %convert_element_type3A_66 = arith.extui %eq3A_65 : i1 to i32
      %cond3A_67 = arith.constant 0 : i32
      %cond3A_68 = arith.cmpi ne, %convert_element_type3A_66, %cond3A_67 : i32
      scf.if %cond3A_68 {
        %mul3A_69 = arith.constant 128 : i32
        %mul3A_70 = arith.muli %scan3A_54, %mul3A_69 : i32
        "tpu.region"() ({
          %run_scoped3A = tpu.sem_alloc : memref<!tpu.dma_semaphore, #tpu.memory_space<semaphore_mem>>
          %dma_start3A_71 = arith.constant 0 : i32
          %dma_start3A_72 = tpu.memref_slice %arg24[%mul3A_70, %dma_start3A_71] : memref<10000x64xf32, #tpu.memory_space<vmem_shared>> -> memref<128x64xf32, #tpu.memory_space<vmem_shared>>
          %dma_start3A_73 = arith.constant 0 : i32
          %dma_start3A_74 = tpu.memref_slice %arg24[%mul3A_70, %dma_start3A_73] : memref<10000x64xf32, #tpu.memory_space<vmem_shared>> -> memref<128x64xf32, #tpu.memory_space<vmem_shared>>
          tpu.enqueue_dma source(%arg14 : memref<128x64xf32, #tpu.memory_space<vmem>>) target(%dma_start3A_74 : memref<128x64xf32, #tpu.memory_space<vmem_shared>>) target_semaphore(%run_scoped3A : memref<!tpu.dma_semaphore, #tpu.memory_space<semaphore_mem>>)
          %dma_wait3A_75 = arith.constant 0 : i32
          %dma_wait3A_76 = tpu.memref_slice %arg24[%mul3A_70, %dma_wait3A_75] : memref<10000x64xf32, #tpu.memory_space<vmem_shared>> -> memref<128x64xf32, #tpu.memory_space<vmem_shared>>
          %dma_wait3A_77 = arith.constant 0 : i32
          %dma_wait3A_78 = tpu.memref_slice %arg24[%mul3A_70, %dma_wait3A_77] : memref<10000x64xf32, #tpu.memory_space<vmem_shared>> -> memref<128x64xf32, #tpu.memory_space<vmem_shared>>
          tpu.wait_dma2 semaphore(%run_scoped3A : memref<!tpu.dma_semaphore, #tpu.memory_space<semaphore_mem>>) src(%arg14 : memref<128x64xf32, #tpu.memory_space<vmem>>) dst(%dma_wait3A_78 : memref<128x64xf32, #tpu.memory_space<vmem_shared>>)
          tpu.yield
        }) : () -> ()
      } else {
      }
    }
    %scan3A_22 = arith.constant 78 : i32
    %eq3A = arith.constant 14 : i32
    %eq3A_23 = arith.cmpi eq, %arg1, %eq3A : i32
    %convert_element_type3A = arith.extui %eq3A_23 : i1 to i32
    %cond3A = arith.constant 0 : i32
    %cond3A_24 = arith.cmpi ne, %convert_element_type3A, %cond3A : i32
    scf.if %cond3A_24 {
      "tpu.region"() ({
        %run_scoped3A = tpu.sem_alloc : memref<!tpu.dma_semaphore, #tpu.memory_space<semaphore_mem>>
        %dma_start3A_54 = arith.constant 0 : i32
        %dma_start3A_55 = arith.constant 0 : i32
        %dma_start3A_56 = tpu.memref_slice %arg14[%dma_start3A_54, %dma_start3A_55] : memref<128x64xf32, #tpu.memory_space<vmem>> -> memref<16x64xf32, #tpu.memory_space<vmem>>
        %dma_start3A_57 = arith.constant 9984 : i32
        %dma_start3A_58 = arith.constant 0 : i32
        %dma_start3A_59 = tpu.memref_slice %arg24[%dma_start3A_57, %dma_start3A_58] : memref<10000x64xf32, #tpu.memory_space<vmem_shared>> -> memref<16x64xf32, #tpu.memory_space<vmem_shared>>
        %dma_start3A_60 = arith.constant 9984 : i32
        %dma_start3A_61 = arith.constant 0 : i32
        %dma_start3A_62 = tpu.memref_slice %arg24[%dma_start3A_60, %dma_start3A_61] : memref<10000x64xf32, #tpu.memory_space<vmem_shared>> -> memref<16x64xf32, #tpu.memory_space<vmem_shared>>
        %dma_start3A_63 = arith.constant 0 : i32
        %dma_start3A_64 = arith.constant 0 : i32
        %dma_start3A_65 = tpu.memref_slice %arg14[%dma_start3A_63, %dma_start3A_64] : memref<128x64xf32, #tpu.memory_space<vmem>> -> memref<16x64xf32, #tpu.memory_space<vmem>>
        tpu.enqueue_dma source(%dma_start3A_65 : memref<16x64xf32, #tpu.memory_space<vmem>>) target(%dma_start3A_62 : memref<16x64xf32, #tpu.memory_space<vmem_shared>>) target_semaphore(%run_scoped3A : memref<!tpu.dma_semaphore, #tpu.memory_space<semaphore_mem>>)
        %dma_wait3A_66 = arith.constant 0 : i32
        %dma_wait3A_67 = arith.constant 0 : i32
        %dma_wait3A_68 = tpu.memref_slice %arg14[%dma_wait3A_66, %dma_wait3A_67] : memref<128x64xf32, #tpu.memory_space<vmem>> -> memref<16x64xf32, #tpu.memory_space<vmem>>
        %dma_wait3A_69 = arith.constant 9984 : i32
        %dma_wait3A_70 = arith.constant 0 : i32
        %dma_wait3A_71 = tpu.memref_slice %arg24[%dma_wait3A_69, %dma_wait3A_70] : memref<10000x64xf32, #tpu.memory_space<vmem_shared>> -> memref<16x64xf32, #tpu.memory_space<vmem_shared>>
        %dma_wait3A_72 = arith.constant 9984 : i32
        %dma_wait3A_73 = arith.constant 0 : i32
        %dma_wait3A_74 = tpu.memref_slice %arg24[%dma_wait3A_72, %dma_wait3A_73] : memref<10000x64xf32, #tpu.memory_space<vmem_shared>> -> memref<16x64xf32, #tpu.memory_space<vmem_shared>>
        %dma_wait3A_75 = arith.constant 0 : i32
        %dma_wait3A_76 = arith.constant 0 : i32
        %dma_wait3A_77 = tpu.memref_slice %arg14[%dma_wait3A_75, %dma_wait3A_76] : memref<128x64xf32, #tpu.memory_space<vmem>> -> memref<16x64xf32, #tpu.memory_space<vmem>>
        tpu.wait_dma2 semaphore(%run_scoped3A : memref<!tpu.dma_semaphore, #tpu.memory_space<semaphore_mem>>) src(%dma_wait3A_77 : memref<16x64xf32, #tpu.memory_space<vmem>>) dst(%dma_wait3A_74 : memref<16x64xf32, #tpu.memory_space<vmem_shared>>)
        tpu.yield
      }) : () -> ()
    } else {
    }
    %barrier3A = arith.constant 0 : index
    tpu.barrier barrier_id(%barrier3A)
    %dma_wait3A = arith.constant 0 : i32
    %dma_wait3A_25 = tpu.memref_slice %arg5[%dma_wait3A] : memref<320000xi32, #tpu.memory_space<hbm>> -> memref<20000xi32, #tpu.memory_space<hbm>>
    %dma_wait3A_26 = arith.constant 0 : i32
    %dma_wait3A_27 = tpu.memref_slice %arg5[%dma_wait3A_26] : memref<320000xi32, #tpu.memory_space<hbm>> -> memref<20000xi32, #tpu.memory_space<hbm>>
    tpu.wait_dma2 semaphore(%arg23 : memref<!tpu.dma_semaphore, #tpu.memory_space<semaphore_mem>>) src(%dma_wait3A_27 : memref<20000xi32, #tpu.memory_space<hbm>>) dst(%arg9 : memref<20000xi32, #tpu.memory_space<vmem>>)
    %dma_wait3A_28 = arith.constant 0 : i32
    %dma_wait3A_29 = tpu.memref_slice %arg5[%dma_wait3A_28] : memref<320000xi32, #tpu.memory_space<hbm>> -> memref<20000xi32, #tpu.memory_space<hbm>>
    %dma_wait3A_30 = arith.constant 0 : i32
    %dma_wait3A_31 = tpu.memref_slice %arg5[%dma_wait3A_30] : memref<320000xi32, #tpu.memory_space<hbm>> -> memref<20000xi32, #tpu.memory_space<hbm>>
    tpu.wait_dma2 semaphore(%arg23 : memref<!tpu.dma_semaphore, #tpu.memory_space<semaphore_mem>>) src(%dma_wait3A_31 : memref<20000xi32, #tpu.memory_space<hbm>>) dst(%arg9 : memref<20000xi32, #tpu.memory_space<vmem>>)
    %eq3A_32 = arith.constant 0 : i32
    %eq3A_33 = arith.cmpi eq, %arg0, %eq3A_32 : i32
    %convert_element_type3A_34 = arith.extui %eq3A_33 : i1 to i32
    %cond3A_35 = arith.constant 0 : i32
    %cond3A_36 = arith.cmpi ne, %convert_element_type3A_34, %cond3A_35 : i32
    scf.if %cond3A_36 {
      %dma_start3A_54 = arith.constant 0 : i32
      %dma_start3A_55 = arith.constant 0 : i32
      %dma_start3A_56 = arith.constant 0 : i32
      %dma_start3A_57 = tpu.memref_slice %arg12[%dma_start3A_54, %dma_start3A_55, %dma_start3A_56] : memref<4x128x64xf32, #tpu.memory_space<vmem>> -> memref<1x128x64xf32, #tpu.memory_space<vmem>>
      %dma_start3A_58 = tpu.memref_squeeze %dma_start3A_57 : memref<1x128x64xf32, #tpu.memory_space<vmem>> -> memref<128x64xf32, #tpu.memory_space<vmem>>
      %dma_start3A_59 = arith.constant 0 : i32
      %dma_start3A_60 = tpu.memref_slice %arg9[%dma_start3A_59] : memref<20000xi32, #tpu.memory_space<vmem>> -> memref<128xi32, #tpu.memory_space<vmem>>
      %dma_start3A_61 = arith.constant 0 : i32
      %dma_start3A_62 = arith.constant 0 : i32
      %dma_start3A_63 = tpu.memref_slice %arg2[%dma_start3A_61, %dma_start3A_62] : memref<10000x64xf32, #tpu.memory_space<hbm>> -> memref<10000x64xf32, #tpu.memory_space<hbm>>
      tpu.enqueue_indirect_dma source(%dma_start3A_63 : memref<10000x64xf32, #tpu.memory_space<hbm>>) target(%dma_start3A_58 : memref<128x64xf32, #tpu.memory_space<vmem>>) offsets(%dma_start3A_60 : memref<128xi32, #tpu.memory_space<vmem>>) semaphore(%arg15 : memref<!tpu.dma_semaphore, #tpu.memory_space<semaphore_mem>>)
      %dma_start3A_64 = arith.constant 1 : i32
      %dma_start3A_65 = arith.constant 0 : i32
      %dma_start3A_66 = arith.constant 0 : i32
      %dma_start3A_67 = tpu.memref_slice %arg12[%dma_start3A_64, %dma_start3A_65, %dma_start3A_66] : memref<4x128x64xf32, #tpu.memory_space<vmem>> -> memref<1x128x64xf32, #tpu.memory_space<vmem>>
      %dma_start3A_68 = tpu.memref_squeeze %dma_start3A_67 : memref<1x128x64xf32, #tpu.memory_space<vmem>> -> memref<128x64xf32, #tpu.memory_space<vmem>>
      %dma_start3A_69 = arith.constant 128 : i32
      %dma_start3A_70 = tpu.memref_slice %arg9[%dma_start3A_69] : memref<20000xi32, #tpu.memory_space<vmem>> -> memref<128xi32, #tpu.memory_space<vmem>>
      %dma_start3A_71 = arith.constant 0 : i32
      %dma_start3A_72 = arith.constant 0 : i32
      %dma_start3A_73 = tpu.memref_slice %arg2[%dma_start3A_71, %dma_start3A_72] : memref<10000x64xf32, #tpu.memory_space<hbm>> -> memref<10000x64xf32, #tpu.memory_space<hbm>>
      tpu.enqueue_indirect_dma source(%dma_start3A_73 : memref<10000x64xf32, #tpu.memory_space<hbm>>) target(%dma_start3A_68 : memref<128x64xf32, #tpu.memory_space<vmem>>) offsets(%dma_start3A_70 : memref<128xi32, #tpu.memory_space<vmem>>) semaphore(%arg16 : memref<!tpu.dma_semaphore, #tpu.memory_space<semaphore_mem>>)
      %dma_start3A_74 = arith.constant 2 : i32
      %dma_start3A_75 = arith.constant 0 : i32
      %dma_start3A_76 = arith.constant 0 : i32
      %dma_start3A_77 = tpu.memref_slice %arg12[%dma_start3A_74, %dma_start3A_75, %dma_start3A_76] : memref<4x128x64xf32, #tpu.memory_space<vmem>> -> memref<1x128x64xf32, #tpu.memory_space<vmem>>
      %dma_start3A_78 = tpu.memref_squeeze %dma_start3A_77 : memref<1x128x64xf32, #tpu.memory_space<vmem>> -> memref<128x64xf32, #tpu.memory_space<vmem>>
      %dma_start3A_79 = arith.constant 256 : i32
      %dma_start3A_80 = tpu.memref_slice %arg9[%dma_start3A_79] : memref<20000xi32, #tpu.memory_space<vmem>> -> memref<128xi32, #tpu.memory_space<vmem>>
      %dma_start3A_81 = arith.constant 0 : i32
      %dma_start3A_82 = arith.constant 0 : i32
      %dma_start3A_83 = tpu.memref_slice %arg2[%dma_start3A_81, %dma_start3A_82] : memref<10000x64xf32, #tpu.memory_space<hbm>> -> memref<10000x64xf32, #tpu.memory_space<hbm>>
      tpu.enqueue_indirect_dma source(%dma_start3A_83 : memref<10000x64xf32, #tpu.memory_space<hbm>>) target(%dma_start3A_78 : memref<128x64xf32, #tpu.memory_space<vmem>>) offsets(%dma_start3A_80 : memref<128xi32, #tpu.memory_space<vmem>>) semaphore(%arg17 : memref<!tpu.dma_semaphore, #tpu.memory_space<semaphore_mem>>)
      %dma_start3A_84 = arith.constant 3 : i32
      %dma_start3A_85 = arith.constant 0 : i32
      %dma_start3A_86 = arith.constant 0 : i32
      %dma_start3A_87 = tpu.memref_slice %arg12[%dma_start3A_84, %dma_start3A_85, %dma_start3A_86] : memref<4x128x64xf32, #tpu.memory_space<vmem>> -> memref<1x128x64xf32, #tpu.memory_space<vmem>>
      %dma_start3A_88 = tpu.memref_squeeze %dma_start3A_87 : memref<1x128x64xf32, #tpu.memory_space<vmem>> -> memref<128x64xf32, #tpu.memory_space<vmem>>
      %dma_start3A_89 = arith.constant 384 : i32
      %dma_start3A_90 = tpu.memref_slice %arg9[%dma_start3A_89] : memref<20000xi32, #tpu.memory_space<vmem>> -> memref<128xi32, #tpu.memory_space<vmem>>
      %dma_start3A_91 = arith.constant 0 : i32
      %dma_start3A_92 = arith.constant 0 : i32
      %dma_start3A_93 = tpu.memref_slice %arg2[%dma_start3A_91, %dma_start3A_92] : memref<10000x64xf32, #tpu.memory_space<hbm>> -> memref<10000x64xf32, #tpu.memory_space<hbm>>
      tpu.enqueue_indirect_dma source(%dma_start3A_93 : memref<10000x64xf32, #tpu.memory_space<hbm>>) target(%dma_start3A_88 : memref<128x64xf32, #tpu.memory_space<vmem>>) offsets(%dma_start3A_90 : memref<128xi32, #tpu.memory_space<vmem>>) semaphore(%arg18 : memref<!tpu.dma_semaphore, #tpu.memory_space<semaphore_mem>>)
      %scan3A_94 = arith.constant 0 : i32
      %scan3A_95 = arith.constant 0 : i32
      %scan3A_96 = arith.constant 39 : i32
      %scan3A_97 = arith.addi %scan3A_95, %scan3A_96 : i32
      %scan3A_98 = arith.constant 1 : i32
      scf.for %scan3A_170 = %scan3A_95 to %scan3A_97 step %scan3A_98  : i32 {
        %mul3A_171 = arith.constant 4 : i32
        %mul3A_172 = arith.muli %scan3A_170, %mul3A_171 : i32
        %add3A_173 = arith.constant 0 : i32
        %add3A_174 = arith.addi %mul3A_172, %add3A_173 : i32
        %dma_wait3A_175 = arith.constant 0 : i32
        %dma_wait3A_176 = arith.constant 0 : i32
        %dma_wait3A_177 = arith.constant 0 : i32
        %dma_wait3A_178 = tpu.memref_slice %arg12[%dma_wait3A_175, %dma_wait3A_176, %dma_wait3A_177] : memref<4x128x64xf32, #tpu.memory_space<vmem>> -> memref<1x128x64xf32, #tpu.memory_space<vmem>>
        %dma_wait3A_179 = tpu.memref_squeeze %dma_wait3A_178 : memref<1x128x64xf32, #tpu.memory_space<vmem>> -> memref<128x64xf32, #tpu.memory_space<vmem>>
        %dma_wait3A_180 = arith.constant 0 : i32
        %dma_wait3A_181 = arith.constant 0 : i32
        %dma_wait3A_182 = tpu.memref_slice %arg2[%dma_wait3A_180, %dma_wait3A_181] : memref<10000x64xf32, #tpu.memory_space<hbm>> -> memref<128x64xf32, #tpu.memory_space<hbm>>
        %dma_wait3A_183 = arith.constant 0 : i32
        %dma_wait3A_184 = arith.constant 0 : i32
        %dma_wait3A_185 = tpu.memref_slice %arg12[%dma_wait3A_175, %dma_wait3A_183, %dma_wait3A_184] : memref<4x128x64xf32, #tpu.memory_space<vmem>> -> memref<1x128x64xf32, #tpu.memory_space<vmem>>
        %dma_wait3A_186 = tpu.memref_squeeze %dma_wait3A_185 : memref<1x128x64xf32, #tpu.memory_space<vmem>> -> memref<128x64xf32, #tpu.memory_space<vmem>>
        %dma_wait3A_187 = arith.constant 0 : i32
        %dma_wait3A_188 = arith.constant 0 : i32
        %dma_wait3A_189 = tpu.memref_slice %arg2[%dma_wait3A_187, %dma_wait3A_188] : memref<10000x64xf32, #tpu.memory_space<hbm>> -> memref<128x64xf32, #tpu.memory_space<hbm>>
        tpu.wait_dma2 semaphore(%arg15 : memref<!tpu.dma_semaphore, #tpu.memory_space<semaphore_mem>>) src(%dma_wait3A_189 : memref<128x64xf32, #tpu.memory_space<hbm>>) dst(%dma_wait3A_186 : memref<128x64xf32, #tpu.memory_space<vmem>>)
        %mul3A_190 = arith.constant 1 : i32
        %mul3A_191 = arith.muli %add3A_174, %mul3A_190 : i32
        %add3A_192 = arith.constant 0 : i32
        %add3A_193 = arith.addi %mul3A_191, %add3A_192 : i32
        %dma_start3A_194 = arith.constant 0 : i32
        %dma_start3A_195 = arith.constant 0 : i32
        %dma_start3A_196 = arith.constant 0 : i32
        %dma_start3A_197 = tpu.memref_slice %arg12[%dma_start3A_194, %dma_start3A_195, %dma_start3A_196] : memref<4x128x64xf32, #tpu.memory_space<vmem>> -> memref<1x128x64xf32, #tpu.memory_space<vmem>>
        %dma_start3A_198 = tpu.memref_squeeze %dma_start3A_197 : memref<1x128x64xf32, #tpu.memory_space<vmem>> -> memref<128x64xf32, #tpu.memory_space<vmem>>
        %dma_start3A_199 = arith.constant 0 : i32
        %dma_start3A_200 = tpu.memref_slice %arg10[%add3A_193, %dma_start3A_199] : memref<156x128xi32, #tpu.memory_space<vmem>> -> memref<1x128xi32, #tpu.memory_space<vmem>>
        %dma_start3A_201 = tpu.memref_squeeze %dma_start3A_200 : memref<1x128xi32, #tpu.memory_space<vmem>> -> memref<128xi32, #tpu.memory_space<vmem>>
        %dma_start3A_202 = arith.constant 0 : i32
        %dma_start3A_203 = arith.constant 0 : i32
        %dma_start3A_204 = tpu.memref_slice %arg24[%dma_start3A_202, %dma_start3A_203] : memref<10000x64xf32, #tpu.memory_space<vmem_shared>> -> memref<10000x64xf32, #tpu.memory_space<vmem_shared>>
        tpu.enqueue_indirect_dma source(%dma_start3A_198 : memref<128x64xf32, #tpu.memory_space<vmem>>) target(%dma_start3A_204 : memref<10000x64xf32, #tpu.memory_space<vmem_shared>>) offsets(%dma_start3A_201 : memref<128xi32, #tpu.memory_space<vmem>>) semaphore(%arg19 : memref<!tpu.dma_semaphore, #tpu.memory_space<semaphore_mem>>) {add = true}
        %add3A_205 = arith.constant 4 : i32
        %add3A_206 = arith.addi %add3A_174, %add3A_205 : i32
        %lt3A = arith.constant 156 : i32
        %lt3A_207 = arith.cmpi slt, %add3A_206, %lt3A : i32
        %convert_element_type3A_208 = arith.extui %lt3A_207 : i1 to i32
        %cond3A_209 = arith.constant 0 : i32
        %cond3A_210 = arith.cmpi ne, %convert_element_type3A_208, %cond3A_209 : i32
        scf.if %cond3A_210 {
          %dma_wait3A_334 = arith.constant 0 : i32
          %dma_wait3A_335 = arith.constant 0 : i32
          %dma_wait3A_336 = arith.constant 0 : i32
          %dma_wait3A_337 = tpu.memref_slice %arg12[%dma_wait3A_334, %dma_wait3A_335, %dma_wait3A_336] : memref<4x128x64xf32, #tpu.memory_space<vmem>> -> memref<1x128x64xf32, #tpu.memory_space<vmem>>
          %dma_wait3A_338 = tpu.memref_squeeze %dma_wait3A_337 : memref<1x128x64xf32, #tpu.memory_space<vmem>> -> memref<128x64xf32, #tpu.memory_space<vmem>>
          %dma_wait3A_339 = arith.constant 0 : i32
          %dma_wait3A_340 = arith.constant 0 : i32
          %dma_wait3A_341 = tpu.memref_slice %arg2[%dma_wait3A_339, %dma_wait3A_340] : memref<10000x64xf32, #tpu.memory_space<hbm>> -> memref<128x64xf32, #tpu.memory_space<hbm>>
          %dma_wait3A_342 = arith.constant 0 : i32
          %dma_wait3A_343 = arith.constant 0 : i32
          %dma_wait3A_344 = tpu.memref_slice %arg12[%dma_wait3A_334, %dma_wait3A_342, %dma_wait3A_343] : memref<4x128x64xf32, #tpu.memory_space<vmem>> -> memref<1x128x64xf32, #tpu.memory_space<vmem>>
          %dma_wait3A_345 = tpu.memref_squeeze %dma_wait3A_344 : memref<1x128x64xf32, #tpu.memory_space<vmem>> -> memref<128x64xf32, #tpu.memory_space<vmem>>
          %dma_wait3A_346 = arith.constant 0 : i32
          %dma_wait3A_347 = arith.constant 0 : i32
          %dma_wait3A_348 = tpu.memref_slice %arg2[%dma_wait3A_346, %dma_wait3A_347] : memref<10000x64xf32, #tpu.memory_space<hbm>> -> memref<128x64xf32, #tpu.memory_space<hbm>>
          tpu.wait_dma2 semaphore(%arg19 : memref<!tpu.dma_semaphore, #tpu.memory_space<semaphore_mem>>) src(%dma_wait3A_348 : memref<128x64xf32, #tpu.memory_space<hbm>>) dst(%dma_wait3A_345 : memref<128x64xf32, #tpu.memory_space<vmem>>)
          %add3A_349 = arith.constant 4 : i32
          %add3A_350 = arith.addi %add3A_174, %add3A_349 : i32
          %mul3A_351 = arith.constant 128 : i32
          %mul3A_352 = arith.muli %add3A_350, %mul3A_351 : i32
          %dma_start3A_353 = arith.constant 0 : i32
          %dma_start3A_354 = arith.constant 0 : i32
          %dma_start3A_355 = arith.constant 0 : i32
          %dma_start3A_356 = tpu.memref_slice %arg12[%dma_start3A_353, %dma_start3A_354, %dma_start3A_355] : memref<4x128x64xf32, #tpu.memory_space<vmem>> -> memref<1x128x64xf32, #tpu.memory_space<vmem>>
          %dma_start3A_357 = tpu.memref_squeeze %dma_start3A_356 : memref<1x128x64xf32, #tpu.memory_space<vmem>> -> memref<128x64xf32, #tpu.memory_space<vmem>>
          %dma_start3A_358 = tpu.memref_slice %arg9[%mul3A_352] : memref<20000xi32, #tpu.memory_space<vmem>> -> memref<128xi32, #tpu.memory_space<vmem>>
          %dma_start3A_359 = arith.constant 0 : i32
          %dma_start3A_360 = arith.constant 0 : i32
          %dma_start3A_361 = tpu.memref_slice %arg2[%dma_start3A_359, %dma_start3A_360] : memref<10000x64xf32, #tpu.memory_space<hbm>> -> memref<10000x64xf32, #tpu.memory_space<hbm>>
          tpu.enqueue_indirect_dma source(%dma_start3A_361 : memref<10000x64xf32, #tpu.memory_space<hbm>>) target(%dma_start3A_357 : memref<128x64xf32, #tpu.memory_space<vmem>>) offsets(%dma_start3A_358 : memref<128xi32, #tpu.memory_space<vmem>>) semaphore(%arg15 : memref<!tpu.dma_semaphore, #tpu.memory_space<semaphore_mem>>)
        } else {
        }
        %mul3A_211 = arith.constant 4 : i32
        %mul3A_212 = arith.muli %scan3A_170, %mul3A_211 : i32
        %add3A_213 = arith.constant 1 : i32
        %add3A_214 = arith.addi %mul3A_212, %add3A_213 : i32
        %dma_wait3A_215 = arith.constant 1 : i32
        %dma_wait3A_216 = arith.constant 0 : i32
        %dma_wait3A_217 = arith.constant 0 : i32
        %dma_wait3A_218 = tpu.memref_slice %arg12[%dma_wait3A_215, %dma_wait3A_216, %dma_wait3A_217] : memref<4x128x64xf32, #tpu.memory_space<vmem>> -> memref<1x128x64xf32, #tpu.memory_space<vmem>>
        %dma_wait3A_219 = tpu.memref_squeeze %dma_wait3A_218 : memref<1x128x64xf32, #tpu.memory_space<vmem>> -> memref<128x64xf32, #tpu.memory_space<vmem>>
        %dma_wait3A_220 = arith.constant 0 : i32
        %dma_wait3A_221 = arith.constant 0 : i32
        %dma_wait3A_222 = tpu.memref_slice %arg2[%dma_wait3A_220, %dma_wait3A_221] : memref<10000x64xf32, #tpu.memory_space<hbm>> -> memref<128x64xf32, #tpu.memory_space<hbm>>
        %dma_wait3A_223 = arith.constant 0 : i32
        %dma_wait3A_224 = arith.constant 0 : i32
        %dma_wait3A_225 = tpu.memref_slice %arg12[%dma_wait3A_215, %dma_wait3A_223, %dma_wait3A_224] : memref<4x128x64xf32, #tpu.memory_space<vmem>> -> memref<1x128x64xf32, #tpu.memory_space<vmem>>
        %dma_wait3A_226 = tpu.memref_squeeze %dma_wait3A_225 : memref<1x128x64xf32, #tpu.memory_space<vmem>> -> memref<128x64xf32, #tpu.memory_space<vmem>>
        %dma_wait3A_227 = arith.constant 0 : i32
        %dma_wait3A_228 = arith.constant 0 : i32
        %dma_wait3A_229 = tpu.memref_slice %arg2[%dma_wait3A_227, %dma_wait3A_228] : memref<10000x64xf32, #tpu.memory_space<hbm>> -> memref<128x64xf32, #tpu.memory_space<hbm>>
        tpu.wait_dma2 semaphore(%arg16 : memref<!tpu.dma_semaphore, #tpu.memory_space<semaphore_mem>>) src(%dma_wait3A_229 : memref<128x64xf32, #tpu.memory_space<hbm>>) dst(%dma_wait3A_226 : memref<128x64xf32, #tpu.memory_space<vmem>>)
        %mul3A_230 = arith.constant 1 : i32
        %mul3A_231 = arith.muli %add3A_214, %mul3A_230 : i32
        %add3A_232 = arith.constant 0 : i32
        %add3A_233 = arith.addi %mul3A_231, %add3A_232 : i32
        %dma_start3A_234 = arith.constant 1 : i32
        %dma_start3A_235 = arith.constant 0 : i32
        %dma_start3A_236 = arith.constant 0 : i32
        %dma_start3A_237 = tpu.memref_slice %arg12[%dma_start3A_234, %dma_start3A_235, %dma_start3A_236] : memref<4x128x64xf32, #tpu.memory_space<vmem>> -> memref<1x128x64xf32, #tpu.memory_space<vmem>>
        %dma_start3A_238 = tpu.memref_squeeze %dma_start3A_237 : memref<1x128x64xf32, #tpu.memory_space<vmem>> -> memref<128x64xf32, #tpu.memory_space<vmem>>
        %dma_start3A_239 = arith.constant 0 : i32
        %dma_start3A_240 = tpu.memref_slice %arg10[%add3A_233, %dma_start3A_239] : memref<156x128xi32, #tpu.memory_space<vmem>> -> memref<1x128xi32, #tpu.memory_space<vmem>>
        %dma_start3A_241 = tpu.memref_squeeze %dma_start3A_240 : memref<1x128xi32, #tpu.memory_space<vmem>> -> memref<128xi32, #tpu.memory_space<vmem>>
        %dma_start3A_242 = arith.constant 0 : i32
        %dma_start3A_243 = arith.constant 0 : i32
        %dma_start3A_244 = tpu.memref_slice %arg24[%dma_start3A_242, %dma_start3A_243] : memref<10000x64xf32, #tpu.memory_space<vmem_shared>> -> memref<10000x64xf32, #tpu.memory_space<vmem_shared>>
        tpu.enqueue_indirect_dma source(%dma_start3A_238 : memref<128x64xf32, #tpu.memory_space<vmem>>) target(%dma_start3A_244 : memref<10000x64xf32, #tpu.memory_space<vmem_shared>>) offsets(%dma_start3A_241 : memref<128xi32, #tpu.memory_space<vmem>>) semaphore(%arg20 : memref<!tpu.dma_semaphore, #tpu.memory_space<semaphore_mem>>) {add = true}
        %add3A_245 = arith.constant 4 : i32
        %add3A_246 = arith.addi %add3A_214, %add3A_245 : i32
        %lt3A_247 = arith.constant 156 : i32
        %lt3A_248 = arith.cmpi slt, %add3A_246, %lt3A_247 : i32
        %convert_element_type3A_249 = arith.extui %lt3A_248 : i1 to i32
        %cond3A_250 = arith.constant 0 : i32
        %cond3A_251 = arith.cmpi ne, %convert_element_type3A_249, %cond3A_250 : i32
        scf.if %cond3A_251 {
          %dma_wait3A_334 = arith.constant 1 : i32
          %dma_wait3A_335 = arith.constant 0 : i32
          %dma_wait3A_336 = arith.constant 0 : i32
          %dma_wait3A_337 = tpu.memref_slice %arg12[%dma_wait3A_334, %dma_wait3A_335, %dma_wait3A_336] : memref<4x128x64xf32, #tpu.memory_space<vmem>> -> memref<1x128x64xf32, #tpu.memory_space<vmem>>
          %dma_wait3A_338 = tpu.memref_squeeze %dma_wait3A_337 : memref<1x128x64xf32, #tpu.memory_space<vmem>> -> memref<128x64xf32, #tpu.memory_space<vmem>>
          %dma_wait3A_339 = arith.constant 0 : i32
          %dma_wait3A_340 = arith.constant 0 : i32
          %dma_wait3A_341 = tpu.memref_slice %arg2[%dma_wait3A_339, %dma_wait3A_340] : memref<10000x64xf32, #tpu.memory_space<hbm>> -> memref<128x64xf32, #tpu.memory_space<hbm>>
          %dma_wait3A_342 = arith.constant 0 : i32
          %dma_wait3A_343 = arith.constant 0 : i32
          %dma_wait3A_344 = tpu.memref_slice %arg12[%dma_wait3A_334, %dma_wait3A_342, %dma_wait3A_343] : memref<4x128x64xf32, #tpu.memory_space<vmem>> -> memref<1x128x64xf32, #tpu.memory_space<vmem>>
          %dma_wait3A_345 = tpu.memref_squeeze %dma_wait3A_344 : memref<1x128x64xf32, #tpu.memory_space<vmem>> -> memref<128x64xf32, #tpu.memory_space<vmem>>
          %dma_wait3A_346 = arith.constant 0 : i32
          %dma_wait3A_347 = arith.constant 0 : i32
          %dma_wait3A_348 = tpu.memref_slice %arg2[%dma_wait3A_346, %dma_wait3A_347] : memref<10000x64xf32, #tpu.memory_space<hbm>> -> memref<128x64xf32, #tpu.memory_space<hbm>>
          tpu.wait_dma2 semaphore(%arg20 : memref<!tpu.dma_semaphore, #tpu.memory_space<semaphore_mem>>) src(%dma_wait3A_348 : memref<128x64xf32, #tpu.memory_space<hbm>>) dst(%dma_wait3A_345 : memref<128x64xf32, #tpu.memory_space<vmem>>)
          %add3A_349 = arith.constant 4 : i32
          %add3A_350 = arith.addi %add3A_214, %add3A_349 : i32
          %mul3A_351 = arith.constant 128 : i32
          %mul3A_352 = arith.muli %add3A_350, %mul3A_351 : i32
          %dma_start3A_353 = arith.constant 1 : i32
          %dma_start3A_354 = arith.constant 0 : i32
          %dma_start3A_355 = arith.constant 0 : i32
          %dma_start3A_356 = tpu.memref_slice %arg12[%dma_start3A_353, %dma_start3A_354, %dma_start3A_355] : memref<4x128x64xf32, #tpu.memory_space<vmem>> -> memref<1x128x64xf32, #tpu.memory_space<vmem>>
          %dma_start3A_357 = tpu.memref_squeeze %dma_start3A_356 : memref<1x128x64xf32, #tpu.memory_space<vmem>> -> memref<128x64xf32, #tpu.memory_space<vmem>>
          %dma_start3A_358 = tpu.memref_slice %arg9[%mul3A_352] : memref<20000xi32, #tpu.memory_space<vmem>> -> memref<128xi32, #tpu.memory_space<vmem>>
          %dma_start3A_359 = arith.constant 0 : i32
          %dma_start3A_360 = arith.constant 0 : i32
          %dma_start3A_361 = tpu.memref_slice %arg2[%dma_start3A_359, %dma_start3A_360] : memref<10000x64xf32, #tpu.memory_space<hbm>> -> memref<10000x64xf32, #tpu.memory_space<hbm>>
          tpu.enqueue_indirect_dma source(%dma_start3A_361 : memref<10000x64xf32, #tpu.memory_space<hbm>>) target(%dma_start3A_357 : memref<128x64xf32, #tpu.memory_space<vmem>>) offsets(%dma_start3A_358 : memref<128xi32, #tpu.memory_space<vmem>>) semaphore(%arg16 : memref<!tpu.dma_semaphore, #tpu.memory_space<semaphore_mem>>)
        } else {
        }
        %mul3A_252 = arith.constant 4 : i32
        %mul3A_253 = arith.muli %scan3A_170, %mul3A_252 : i32
        %add3A_254 = arith.constant 2 : i32
        %add3A_255 = arith.addi %mul3A_253, %add3A_254 : i32
        %dma_wait3A_256 = arith.constant 2 : i32
        %dma_wait3A_257 = arith.constant 0 : i32
        %dma_wait3A_258 = arith.constant 0 : i32
        %dma_wait3A_259 = tpu.memref_slice %arg12[%dma_wait3A_256, %dma_wait3A_257, %dma_wait3A_258] : memref<4x128x64xf32, #tpu.memory_space<vmem>> -> memref<1x128x64xf32, #tpu.memory_space<vmem>>
        %dma_wait3A_260 = tpu.memref_squeeze %dma_wait3A_259 : memref<1x128x64xf32, #tpu.memory_space<vmem>> -> memref<128x64xf32, #tpu.memory_space<vmem>>
        %dma_wait3A_261 = arith.constant 0 : i32
        %dma_wait3A_262 = arith.constant 0 : i32
        %dma_wait3A_263 = tpu.memref_slice %arg2[%dma_wait3A_261, %dma_wait3A_262] : memref<10000x64xf32, #tpu.memory_space<hbm>> -> memref<128x64xf32, #tpu.memory_space<hbm>>
        %dma_wait3A_264 = arith.constant 0 : i32
        %dma_wait3A_265 = arith.constant 0 : i32
        %dma_wait3A_266 = tpu.memref_slice %arg12[%dma_wait3A_256, %dma_wait3A_264, %dma_wait3A_265] : memref<4x128x64xf32, #tpu.memory_space<vmem>> -> memref<1x128x64xf32, #tpu.memory_space<vmem>>
        %dma_wait3A_267 = tpu.memref_squeeze %dma_wait3A_266 : memref<1x128x64xf32, #tpu.memory_space<vmem>> -> memref<128x64xf32, #tpu.memory_space<vmem>>
        %dma_wait3A_268 = arith.constant 0 : i32
        %dma_wait3A_269 = arith.constant 0 : i32
        %dma_wait3A_270 = tpu.memref_slice %arg2[%dma_wait3A_268, %dma_wait3A_269] : memref<10000x64xf32, #tpu.memory_space<hbm>> -> memref<128x64xf32, #tpu.memory_space<hbm>>
        tpu.wait_dma2 semaphore(%arg17 : memref<!tpu.dma_semaphore, #tpu.memory_space<semaphore_mem>>) src(%dma_wait3A_270 : memref<128x64xf32, #tpu.memory_space<hbm>>) dst(%dma_wait3A_267 : memref<128x64xf32, #tpu.memory_space<vmem>>)
        %mul3A_271 = arith.constant 1 : i32
        %mul3A_272 = arith.muli %add3A_255, %mul3A_271 : i32
        %add3A_273 = arith.constant 0 : i32
        %add3A_274 = arith.addi %mul3A_272, %add3A_273 : i32
        %dma_start3A_275 = arith.constant 2 : i32
        %dma_start3A_276 = arith.constant 0 : i32
        %dma_start3A_277 = arith.constant 0 : i32
        %dma_start3A_278 = tpu.memref_slice %arg12[%dma_start3A_275, %dma_start3A_276, %dma_start3A_277] : memref<4x128x64xf32, #tpu.memory_space<vmem>> -> memref<1x128x64xf32, #tpu.memory_space<vmem>>
        %dma_start3A_279 = tpu.memref_squeeze %dma_start3A_278 : memref<1x128x64xf32, #tpu.memory_space<vmem>> -> memref<128x64xf32, #tpu.memory_space<vmem>>
        %dma_start3A_280 = arith.constant 0 : i32
        %dma_start3A_281 = tpu.memref_slice %arg10[%add3A_274, %dma_start3A_280] : memref<156x128xi32, #tpu.memory_space<vmem>> -> memref<1x128xi32, #tpu.memory_space<vmem>>
        %dma_start3A_282 = tpu.memref_squeeze %dma_start3A_281 : memref<1x128xi32, #tpu.memory_space<vmem>> -> memref<128xi32, #tpu.memory_space<vmem>>
        %dma_start3A_283 = arith.constant 0 : i32
        %dma_start3A_284 = arith.constant 0 : i32
        %dma_start3A_285 = tpu.memref_slice %arg24[%dma_start3A_283, %dma_start3A_284] : memref<10000x64xf32, #tpu.memory_space<vmem_shared>> -> memref<10000x64xf32, #tpu.memory_space<vmem_shared>>
        tpu.enqueue_indirect_dma source(%dma_start3A_279 : memref<128x64xf32, #tpu.memory_space<vmem>>) target(%dma_start3A_285 : memref<10000x64xf32, #tpu.memory_space<vmem_shared>>) offsets(%dma_start3A_282 : memref<128xi32, #tpu.memory_space<vmem>>) semaphore(%arg21 : memref<!tpu.dma_semaphore, #tpu.memory_space<semaphore_mem>>) {add = true}
        %add3A_286 = arith.constant 4 : i32
        %add3A_287 = arith.addi %add3A_255, %add3A_286 : i32
        %lt3A_288 = arith.constant 156 : i32
        %lt3A_289 = arith.cmpi slt, %add3A_287, %lt3A_288 : i32
        %convert_element_type3A_290 = arith.extui %lt3A_289 : i1 to i32
        %cond3A_291 = arith.constant 0 : i32
        %cond3A_292 = arith.cmpi ne, %convert_element_type3A_290, %cond3A_291 : i32
        scf.if %cond3A_292 {
          %dma_wait3A_334 = arith.constant 2 : i32
          %dma_wait3A_335 = arith.constant 0 : i32
          %dma_wait3A_336 = arith.constant 0 : i32
          %dma_wait3A_337 = tpu.memref_slice %arg12[%dma_wait3A_334, %dma_wait3A_335, %dma_wait3A_336] : memref<4x128x64xf32, #tpu.memory_space<vmem>> -> memref<1x128x64xf32, #tpu.memory_space<vmem>>
          %dma_wait3A_338 = tpu.memref_squeeze %dma_wait3A_337 : memref<1x128x64xf32, #tpu.memory_space<vmem>> -> memref<128x64xf32, #tpu.memory_space<vmem>>
          %dma_wait3A_339 = arith.constant 0 : i32
          %dma_wait3A_340 = arith.constant 0 : i32
          %dma_wait3A_341 = tpu.memref_slice %arg2[%dma_wait3A_339, %dma_wait3A_340] : memref<10000x64xf32, #tpu.memory_space<hbm>> -> memref<128x64xf32, #tpu.memory_space<hbm>>
          %dma_wait3A_342 = arith.constant 0 : i32
          %dma_wait3A_343 = arith.constant 0 : i32
          %dma_wait3A_344 = tpu.memref_slice %arg12[%dma_wait3A_334, %dma_wait3A_342, %dma_wait3A_343] : memref<4x128x64xf32, #tpu.memory_space<vmem>> -> memref<1x128x64xf32, #tpu.memory_space<vmem>>
          %dma_wait3A_345 = tpu.memref_squeeze %dma_wait3A_344 : memref<1x128x64xf32, #tpu.memory_space<vmem>> -> memref<128x64xf32, #tpu.memory_space<vmem>>
          %dma_wait3A_346 = arith.constant 0 : i32
          %dma_wait3A_347 = arith.constant 0 : i32
          %dma_wait3A_348 = tpu.memref_slice %arg2[%dma_wait3A_346, %dma_wait3A_347] : memref<10000x64xf32, #tpu.memory_space<hbm>> -> memref<128x64xf32, #tpu.memory_space<hbm>>
          tpu.wait_dma2 semaphore(%arg21 : memref<!tpu.dma_semaphore, #tpu.memory_space<semaphore_mem>>) src(%dma_wait3A_348 : memref<128x64xf32, #tpu.memory_space<hbm>>) dst(%dma_wait3A_345 : memref<128x64xf32, #tpu.memory_space<vmem>>)
          %add3A_349 = arith.constant 4 : i32
          %add3A_350 = arith.addi %add3A_255, %add3A_349 : i32
          %mul3A_351 = arith.constant 128 : i32
          %mul3A_352 = arith.muli %add3A_350, %mul3A_351 : i32
          %dma_start3A_353 = arith.constant 2 : i32
          %dma_start3A_354 = arith.constant 0 : i32
          %dma_start3A_355 = arith.constant 0 : i32
          %dma_start3A_356 = tpu.memref_slice %arg12[%dma_start3A_353, %dma_start3A_354, %dma_start3A_355] : memref<4x128x64xf32, #tpu.memory_space<vmem>> -> memref<1x128x64xf32, #tpu.memory_space<vmem>>
          %dma_start3A_357 = tpu.memref_squeeze %dma_start3A_356 : memref<1x128x64xf32, #tpu.memory_space<vmem>> -> memref<128x64xf32, #tpu.memory_space<vmem>>
          %dma_start3A_358 = tpu.memref_slice %arg9[%mul3A_352] : memref<20000xi32, #tpu.memory_space<vmem>> -> memref<128xi32, #tpu.memory_space<vmem>>
          %dma_start3A_359 = arith.constant 0 : i32
          %dma_start3A_360 = arith.constant 0 : i32
          %dma_start3A_361 = tpu.memref_slice %arg2[%dma_start3A_359, %dma_start3A_360] : memref<10000x64xf32, #tpu.memory_space<hbm>> -> memref<10000x64xf32, #tpu.memory_space<hbm>>
          tpu.enqueue_indirect_dma source(%dma_start3A_361 : memref<10000x64xf32, #tpu.memory_space<hbm>>) target(%dma_start3A_357 : memref<128x64xf32, #tpu.memory_space<vmem>>) offsets(%dma_start3A_358 : memref<128xi32, #tpu.memory_space<vmem>>) semaphore(%arg17 : memref<!tpu.dma_semaphore, #tpu.memory_space<semaphore_mem>>)
        } else {
        }
        %mul3A_293 = arith.constant 4 : i32
        %mul3A_294 = arith.muli %scan3A_170, %mul3A_293 : i32
        %add3A_295 = arith.constant 3 : i32
        %add3A_296 = arith.addi %mul3A_294, %add3A_295 : i32
        %dma_wait3A_297 = arith.constant 3 : i32
        %dma_wait3A_298 = arith.constant 0 : i32
        %dma_wait3A_299 = arith.constant 0 : i32
        %dma_wait3A_300 = tpu.memref_slice %arg12[%dma_wait3A_297, %dma_wait3A_298, %dma_wait3A_299] : memref<4x128x64xf32, #tpu.memory_space<vmem>> -> memref<1x128x64xf32, #tpu.memory_space<vmem>>
        %dma_wait3A_301 = tpu.memref_squeeze %dma_wait3A_300 : memref<1x128x64xf32, #tpu.memory_space<vmem>> -> memref<128x64xf32, #tpu.memory_space<vmem>>
        %dma_wait3A_302 = arith.constant 0 : i32
        %dma_wait3A_303 = arith.constant 0 : i32
        %dma_wait3A_304 = tpu.memref_slice %arg2[%dma_wait3A_302, %dma_wait3A_303] : memref<10000x64xf32, #tpu.memory_space<hbm>> -> memref<128x64xf32, #tpu.memory_space<hbm>>
        %dma_wait3A_305 = arith.constant 0 : i32
        %dma_wait3A_306 = arith.constant 0 : i32
        %dma_wait3A_307 = tpu.memref_slice %arg12[%dma_wait3A_297, %dma_wait3A_305, %dma_wait3A_306] : memref<4x128x64xf32, #tpu.memory_space<vmem>> -> memref<1x128x64xf32, #tpu.memory_space<vmem>>
        %dma_wait3A_308 = tpu.memref_squeeze %dma_wait3A_307 : memref<1x128x64xf32, #tpu.memory_space<vmem>> -> memref<128x64xf32, #tpu.memory_space<vmem>>
        %dma_wait3A_309 = arith.constant 0 : i32
        %dma_wait3A_310 = arith.constant 0 : i32
        %dma_wait3A_311 = tpu.memref_slice %arg2[%dma_wait3A_309, %dma_wait3A_310] : memref<10000x64xf32, #tpu.memory_space<hbm>> -> memref<128x64xf32, #tpu.memory_space<hbm>>
        tpu.wait_dma2 semaphore(%arg18 : memref<!tpu.dma_semaphore, #tpu.memory_space<semaphore_mem>>) src(%dma_wait3A_311 : memref<128x64xf32, #tpu.memory_space<hbm>>) dst(%dma_wait3A_308 : memref<128x64xf32, #tpu.memory_space<vmem>>)
        %mul3A_312 = arith.constant 1 : i32
        %mul3A_313 = arith.muli %add3A_296, %mul3A_312 : i32
        %add3A_314 = arith.constant 0 : i32
        %add3A_315 = arith.addi %mul3A_313, %add3A_314 : i32
        %dma_start3A_316 = arith.constant 3 : i32
        %dma_start3A_317 = arith.constant 0 : i32
        %dma_start3A_318 = arith.constant 0 : i32
        %dma_start3A_319 = tpu.memref_slice %arg12[%dma_start3A_316, %dma_start3A_317, %dma_start3A_318] : memref<4x128x64xf32, #tpu.memory_space<vmem>> -> memref<1x128x64xf32, #tpu.memory_space<vmem>>
        %dma_start3A_320 = tpu.memref_squeeze %dma_start3A_319 : memref<1x128x64xf32, #tpu.memory_space<vmem>> -> memref<128x64xf32, #tpu.memory_space<vmem>>
        %dma_start3A_321 = arith.constant 0 : i32
        %dma_start3A_322 = tpu.memref_slice %arg10[%add3A_315, %dma_start3A_321] : memref<156x128xi32, #tpu.memory_space<vmem>> -> memref<1x128xi32, #tpu.memory_space<vmem>>
        %dma_start3A_323 = tpu.memref_squeeze %dma_start3A_322 : memref<1x128xi32, #tpu.memory_space<vmem>> -> memref<128xi32, #tpu.memory_space<vmem>>
        %dma_start3A_324 = arith.constant 0 : i32
        %dma_start3A_325 = arith.constant 0 : i32
        %dma_start3A_326 = tpu.memref_slice %arg24[%dma_start3A_324, %dma_start3A_325] : memref<10000x64xf32, #tpu.memory_space<vmem_shared>> -> memref<10000x64xf32, #tpu.memory_space<vmem_shared>>
        tpu.enqueue_indirect_dma source(%dma_start3A_320 : memref<128x64xf32, #tpu.memory_space<vmem>>) target(%dma_start3A_326 : memref<10000x64xf32, #tpu.memory_space<vmem_shared>>) offsets(%dma_start3A_323 : memref<128xi32, #tpu.memory_space<vmem>>) semaphore(%arg22 : memref<!tpu.dma_semaphore, #tpu.memory_space<semaphore_mem>>) {add = true}
        %add3A_327 = arith.constant 4 : i32
        %add3A_328 = arith.addi %add3A_296, %add3A_327 : i32
        %lt3A_329 = arith.constant 156 : i32
        %lt3A_330 = arith.cmpi slt, %add3A_328, %lt3A_329 : i32
        %convert_element_type3A_331 = arith.extui %lt3A_330 : i1 to i32
        %cond3A_332 = arith.constant 0 : i32
        %cond3A_333 = arith.cmpi ne, %convert_element_type3A_331, %cond3A_332 : i32
        scf.if %cond3A_333 {
          %dma_wait3A_334 = arith.constant 3 : i32
          %dma_wait3A_335 = arith.constant 0 : i32
          %dma_wait3A_336 = arith.constant 0 : i32
          %dma_wait3A_337 = tpu.memref_slice %arg12[%dma_wait3A_334, %dma_wait3A_335, %dma_wait3A_336] : memref<4x128x64xf32, #tpu.memory_space<vmem>> -> memref<1x128x64xf32, #tpu.memory_space<vmem>>
          %dma_wait3A_338 = tpu.memref_squeeze %dma_wait3A_337 : memref<1x128x64xf32, #tpu.memory_space<vmem>> -> memref<128x64xf32, #tpu.memory_space<vmem>>
          %dma_wait3A_339 = arith.constant 0 : i32
          %dma_wait3A_340 = arith.constant 0 : i32
          %dma_wait3A_341 = tpu.memref_slice %arg2[%dma_wait3A_339, %dma_wait3A_340] : memref<10000x64xf32, #tpu.memory_space<hbm>> -> memref<128x64xf32, #tpu.memory_space<hbm>>
          %dma_wait3A_342 = arith.constant 0 : i32
          %dma_wait3A_343 = arith.constant 0 : i32
          %dma_wait3A_344 = tpu.memref_slice %arg12[%dma_wait3A_334, %dma_wait3A_342, %dma_wait3A_343] : memref<4x128x64xf32, #tpu.memory_space<vmem>> -> memref<1x128x64xf32, #tpu.memory_space<vmem>>
          %dma_wait3A_345 = tpu.memref_squeeze %dma_wait3A_344 : memref<1x128x64xf32, #tpu.memory_space<vmem>> -> memref<128x64xf32, #tpu.memory_space<vmem>>
          %dma_wait3A_346 = arith.constant 0 : i32
          %dma_wait3A_347 = arith.constant 0 : i32
          %dma_wait3A_348 = tpu.memref_slice %arg2[%dma_wait3A_346, %dma_wait3A_347] : memref<10000x64xf32, #tpu.memory_space<hbm>> -> memref<128x64xf32, #tpu.memory_space<hbm>>
          tpu.wait_dma2 semaphore(%arg22 : memref<!tpu.dma_semaphore, #tpu.memory_space<semaphore_mem>>) src(%dma_wait3A_348 : memref<128x64xf32, #tpu.memory_space<hbm>>) dst(%dma_wait3A_345 : memref<128x64xf32, #tpu.memory_space<vmem>>)
          %add3A_349 = arith.constant 4 : i32
          %add3A_350 = arith.addi %add3A_296, %add3A_349 : i32
          %mul3A_351 = arith.constant 128 : i32
          %mul3A_352 = arith.muli %add3A_350, %mul3A_351 : i32
          %dma_start3A_353 = arith.constant 3 : i32
          %dma_start3A_354 = arith.constant 0 : i32
          %dma_start3A_355 = arith.constant 0 : i32
          %dma_start3A_356 = tpu.memref_slice %arg12[%dma_start3A_353, %dma_start3A_354, %dma_start3A_355] : memref<4x128x64xf32, #tpu.memory_space<vmem>> -> memref<1x128x64xf32, #tpu.memory_space<vmem>>
          %dma_start3A_357 = tpu.memref_squeeze %dma_start3A_356 : memref<1x128x64xf32, #tpu.memory_space<vmem>> -> memref<128x64xf32, #tpu.memory_space<vmem>>
          %dma_start3A_358 = tpu.memref_slice %arg9[%mul3A_352] : memref<20000xi32, #tpu.memory_space<vmem>> -> memref<128xi32, #tpu.memory_space<vmem>>
          %dma_start3A_359 = arith.constant 0 : i32
          %dma_start3A_360 = arith.constant 0 : i32
          %dma_start3A_361 = tpu.memref_slice %arg2[%dma_start3A_359, %dma_start3A_360] : memref<10000x64xf32, #tpu.memory_space<hbm>> -> memref<10000x64xf32, #tpu.memory_space<hbm>>
          tpu.enqueue_indirect_dma source(%dma_start3A_361 : memref<10000x64xf32, #tpu.memory_space<hbm>>) target(%dma_start3A_357 : memref<128x64xf32, #tpu.memory_space<vmem>>) offsets(%dma_start3A_358 : memref<128xi32, #tpu.memory_space<vmem>>) semaphore(%arg18 : memref<!tpu.dma_semaphore, #tpu.memory_space<semaphore_mem>>)
        } else {
        }
      }
      %scan3A_99 = arith.constant 39 : i32
      %dma_wait3A_100 = arith.constant 0 : i32
      %dma_wait3A_101 = arith.constant 0 : i32
      %dma_wait3A_102 = arith.constant 0 : i32
      %dma_wait3A_103 = tpu.memref_slice %arg12[%dma_wait3A_100, %dma_wait3A_101, %dma_wait3A_102] : memref<4x128x64xf32, #tpu.memory_space<vmem>> -> memref<1x128x64xf32, #tpu.memory_space<vmem>>
      %dma_wait3A_104 = tpu.memref_squeeze %dma_wait3A_103 : memref<1x128x64xf32, #tpu.memory_space<vmem>> -> memref<128x64xf32, #tpu.memory_space<vmem>>
      %dma_wait3A_105 = arith.constant 0 : i32
      %dma_wait3A_106 = arith.constant 0 : i32
      %dma_wait3A_107 = tpu.memref_slice %arg2[%dma_wait3A_105, %dma_wait3A_106] : memref<10000x64xf32, #tpu.memory_space<hbm>> -> memref<128x64xf32, #tpu.memory_space<hbm>>
      %dma_wait3A_108 = arith.constant 0 : i32
      %dma_wait3A_109 = arith.constant 0 : i32
      %dma_wait3A_110 = tpu.memref_slice %arg12[%dma_wait3A_100, %dma_wait3A_108, %dma_wait3A_109] : memref<4x128x64xf32, #tpu.memory_space<vmem>> -> memref<1x128x64xf32, #tpu.memory_space<vmem>>
      %dma_wait3A_111 = tpu.memref_squeeze %dma_wait3A_110 : memref<1x128x64xf32, #tpu.memory_space<vmem>> -> memref<128x64xf32, #tpu.memory_space<vmem>>
      %dma_wait3A_112 = arith.constant 0 : i32
      %dma_wait3A_113 = arith.constant 0 : i32
      %dma_wait3A_114 = tpu.memref_slice %arg2[%dma_wait3A_112, %dma_wait3A_113] : memref<10000x64xf32, #tpu.memory_space<hbm>> -> memref<128x64xf32, #tpu.memory_space<hbm>>
      tpu.wait_dma2 semaphore(%arg19 : memref<!tpu.dma_semaphore, #tpu.memory_space<semaphore_mem>>) src(%dma_wait3A_114 : memref<128x64xf32, #tpu.memory_space<hbm>>) dst(%dma_wait3A_111 : memref<128x64xf32, #tpu.memory_space<vmem>>)
      %dma_wait3A_115 = arith.constant 1 : i32
      %dma_wait3A_116 = arith.constant 0 : i32
      %dma_wait3A_117 = arith.constant 0 : i32
      %dma_wait3A_118 = tpu.memref_slice %arg12[%dma_wait3A_115, %dma_wait3A_116, %dma_wait3A_117] : memref<4x128x64xf32, #tpu.memory_space<vmem>> -> memref<1x128x64xf32, #tpu.memory_space<vmem>>
      %dma_wait3A_119 = tpu.memref_squeeze %dma_wait3A_118 : memref<1x128x64xf32, #tpu.memory_space<vmem>> -> memref<128x64xf32, #tpu.memory_space<vmem>>
      %dma_wait3A_120 = arith.constant 0 : i32
      %dma_wait3A_121 = arith.constant 0 : i32
      %dma_wait3A_122 = tpu.memref_slice %arg2[%dma_wait3A_120, %dma_wait3A_121] : memref<10000x64xf32, #tpu.memory_space<hbm>> -> memref<128x64xf32, #tpu.memory_space<hbm>>
      %dma_wait3A_123 = arith.constant 0 : i32
      %dma_wait3A_124 = arith.constant 0 : i32
      %dma_wait3A_125 = tpu.memref_slice %arg12[%dma_wait3A_115, %dma_wait3A_123, %dma_wait3A_124] : memref<4x128x64xf32, #tpu.memory_space<vmem>> -> memref<1x128x64xf32, #tpu.memory_space<vmem>>
      %dma_wait3A_126 = tpu.memref_squeeze %dma_wait3A_125 : memref<1x128x64xf32, #tpu.memory_space<vmem>> -> memref<128x64xf32, #tpu.memory_space<vmem>>
      %dma_wait3A_127 = arith.constant 0 : i32
      %dma_wait3A_128 = arith.constant 0 : i32
      %dma_wait3A_129 = tpu.memref_slice %arg2[%dma_wait3A_127, %dma_wait3A_128] : memref<10000x64xf32, #tpu.memory_space<hbm>> -> memref<128x64xf32, #tpu.memory_space<hbm>>
      tpu.wait_dma2 semaphore(%arg20 : memref<!tpu.dma_semaphore, #tpu.memory_space<semaphore_mem>>) src(%dma_wait3A_129 : memref<128x64xf32, #tpu.memory_space<hbm>>) dst(%dma_wait3A_126 : memref<128x64xf32, #tpu.memory_space<vmem>>)
      %dma_wait3A_130 = arith.constant 2 : i32
      %dma_wait3A_131 = arith.constant 0 : i32
      %dma_wait3A_132 = arith.constant 0 : i32
      %dma_wait3A_133 = tpu.memref_slice %arg12[%dma_wait3A_130, %dma_wait3A_131, %dma_wait3A_132] : memref<4x128x64xf32, #tpu.memory_space<vmem>> -> memref<1x128x64xf32, #tpu.memory_space<vmem>>
      %dma_wait3A_134 = tpu.memref_squeeze %dma_wait3A_133 : memref<1x128x64xf32, #tpu.memory_space<vmem>> -> memref<128x64xf32, #tpu.memory_space<vmem>>
      %dma_wait3A_135 = arith.constant 0 : i32
      %dma_wait3A_136 = arith.constant 0 : i32
      %dma_wait3A_137 = tpu.memref_slice %arg2[%dma_wait3A_135, %dma_wait3A_136] : memref<10000x64xf32, #tpu.memory_space<hbm>> -> memref<128x64xf32, #tpu.memory_space<hbm>>
      %dma_wait3A_138 = arith.constant 0 : i32
      %dma_wait3A_139 = arith.constant 0 : i32
      %dma_wait3A_140 = tpu.memref_slice %arg12[%dma_wait3A_130, %dma_wait3A_138, %dma_wait3A_139] : memref<4x128x64xf32, #tpu.memory_space<vmem>> -> memref<1x128x64xf32, #tpu.memory_space<vmem>>
      %dma_wait3A_141 = tpu.memref_squeeze %dma_wait3A_140 : memref<1x128x64xf32, #tpu.memory_space<vmem>> -> memref<128x64xf32, #tpu.memory_space<vmem>>
      %dma_wait3A_142 = arith.constant 0 : i32
      %dma_wait3A_143 = arith.constant 0 : i32
      %dma_wait3A_144 = tpu.memref_slice %arg2[%dma_wait3A_142, %dma_wait3A_143] : memref<10000x64xf32, #tpu.memory_space<hbm>> -> memref<128x64xf32, #tpu.memory_space<hbm>>
      tpu.wait_dma2 semaphore(%arg21 : memref<!tpu.dma_semaphore, #tpu.memory_space<semaphore_mem>>) src(%dma_wait3A_144 : memref<128x64xf32, #tpu.memory_space<hbm>>) dst(%dma_wait3A_141 : memref<128x64xf32, #tpu.memory_space<vmem>>)
      %dma_wait3A_145 = arith.constant 3 : i32
      %dma_wait3A_146 = arith.constant 0 : i32
      %dma_wait3A_147 = arith.constant 0 : i32
      %dma_wait3A_148 = tpu.memref_slice %arg12[%dma_wait3A_145, %dma_wait3A_146, %dma_wait3A_147] : memref<4x128x64xf32, #tpu.memory_space<vmem>> -> memref<1x128x64xf32, #tpu.memory_space<vmem>>
      %dma_wait3A_149 = tpu.memref_squeeze %dma_wait3A_148 : memref<1x128x64xf32, #tpu.memory_space<vmem>> -> memref<128x64xf32, #tpu.memory_space<vmem>>
      %dma_wait3A_150 = arith.constant 0 : i32
      %dma_wait3A_151 = arith.constant 0 : i32
      %dma_wait3A_152 = tpu.memref_slice %arg2[%dma_wait3A_150, %dma_wait3A_151] : memref<10000x64xf32, #tpu.memory_space<hbm>> -> memref<128x64xf32, #tpu.memory_space<hbm>>
      %dma_wait3A_153 = arith.constant 0 : i32
      %dma_wait3A_154 = arith.constant 0 : i32
      %dma_wait3A_155 = tpu.memref_slice %arg12[%dma_wait3A_145, %dma_wait3A_153, %dma_wait3A_154] : memref<4x128x64xf32, #tpu.memory_space<vmem>> -> memref<1x128x64xf32, #tpu.memory_space<vmem>>
      %dma_wait3A_156 = tpu.memref_squeeze %dma_wait3A_155 : memref<1x128x64xf32, #tpu.memory_space<vmem>> -> memref<128x64xf32, #tpu.memory_space<vmem>>
      %dma_wait3A_157 = arith.constant 0 : i32
      %dma_wait3A_158 = arith.constant 0 : i32
      %dma_wait3A_159 = tpu.memref_slice %arg2[%dma_wait3A_157, %dma_wait3A_158] : memref<10000x64xf32, #tpu.memory_space<hbm>> -> memref<128x64xf32, #tpu.memory_space<hbm>>
      tpu.wait_dma2 semaphore(%arg22 : memref<!tpu.dma_semaphore, #tpu.memory_space<semaphore_mem>>) src(%dma_wait3A_159 : memref<128x64xf32, #tpu.memory_space<hbm>>) dst(%dma_wait3A_156 : memref<128x64xf32, #tpu.memory_space<vmem>>)
      %dma_start3A_160 = arith.constant 19968 : i32
      %dma_start3A_161 = tpu.memref_slice %arg9[%dma_start3A_160] : memref<20000xi32, #tpu.memory_space<vmem>> -> memref<32xi32, #tpu.memory_space<vmem>>
      %dma_start3A_162 = arith.constant 0 : i32
      %dma_start3A_163 = arith.constant 0 : i32
      %dma_start3A_164 = tpu.memref_slice %arg2[%dma_start3A_162, %dma_start3A_163] : memref<10000x64xf32, #tpu.memory_space<hbm>> -> memref<10000x64xf32, #tpu.memory_space<hbm>>
      tpu.enqueue_indirect_dma source(%dma_start3A_164 : memref<10000x64xf32, #tpu.memory_space<hbm>>) target(%arg13 : memref<32x64xf32, #tpu.memory_space<vmem>>) offsets(%dma_start3A_161 : memref<32xi32, #tpu.memory_space<vmem>>) semaphore(%arg15 : memref<!tpu.dma_semaphore, #tpu.memory_space<semaphore_mem>>)
      %dma_wait3A_165 = arith.constant 19968 : i32
      %dma_wait3A_166 = tpu.memref_slice %arg9[%dma_wait3A_165] : memref<20000xi32, #tpu.memory_space<vmem>> -> memref<32xi32, #tpu.memory_space<vmem>>
      %dma_wait3A_167 = arith.constant 0 : i32
      %dma_wait3A_168 = arith.constant 0 : i32
      %dma_wait3A_169 = tpu.memref_slice %arg2[%dma_wait3A_167, %dma_wait3A_168] : memref<10000x64xf32, #tpu.memory_space<hbm>> -> memref<10000x64xf32, #tpu.memory_space<hbm>>
      tpu.wait_indirect_dma semaphore(%arg15 : memref<!tpu.dma_semaphore, #tpu.memory_space<semaphore_mem>>) src(%dma_wait3A_169 : memref<10000x64xf32, #tpu.memory_space<hbm>>) dst(%arg13 : memref<32x64xf32, #tpu.memory_space<vmem>>)
      %run_scoped3A = arith.constant 0 : i32
      "tpu.region"() ({
        %run_scoped3A_170 = tpu.sem_alloc : memref<!tpu.dma_semaphore, #tpu.memory_space<semaphore_mem>>
        %dma_start3A_171 = arith.constant 0 : i32
        %dma_start3A_172 = tpu.memref_slice %arg11[%run_scoped3A, %dma_start3A_171] : memref<1x32xi32, #tpu.memory_space<vmem>> -> memref<1x32xi32, #tpu.memory_space<vmem>>
        %dma_start3A_173 = tpu.memref_squeeze %dma_start3A_172 : memref<1x32xi32, #tpu.memory_space<vmem>> -> memref<32xi32, #tpu.memory_space<vmem>>
        %dma_start3A_174 = arith.constant 0 : i32
        %dma_start3A_175 = arith.constant 0 : i32
        %dma_start3A_176 = tpu.memref_slice %arg24[%dma_start3A_174, %dma_start3A_175] : memref<10000x64xf32, #tpu.memory_space<vmem_shared>> -> memref<10000x64xf32, #tpu.memory_space<vmem_shared>>
        tpu.enqueue_indirect_dma source(%arg13 : memref<32x64xf32, #tpu.memory_space<vmem>>) target(%dma_start3A_176 : memref<10000x64xf32, #tpu.memory_space<vmem_shared>>) offsets(%dma_start3A_173 : memref<32xi32, #tpu.memory_space<vmem>>) semaphore(%run_scoped3A_170 : memref<!tpu.dma_semaphore, #tpu.memory_space<semaphore_mem>>) {add = true}
        %dma_wait3A_177 = arith.constant 0 : i32
        %dma_wait3A_178 = tpu.memref_slice %arg11[%run_scoped3A, %dma_wait3A_177] : memref<1x32xi32, #tpu.memory_space<vmem>> -> memref<1x32xi32, #tpu.memory_space<vmem>>
        %dma_wait3A_179 = tpu.memref_squeeze %dma_wait3A_178 : memref<1x32xi32, #tpu.memory_space<vmem>> -> memref<32xi32, #tpu.memory_space<vmem>>
        %dma_wait3A_180 = arith.constant 0 : i32
        %dma_wait3A_181 = arith.constant 0 : i32
        %dma_wait3A_182 = tpu.memref_slice %arg24[%dma_wait3A_180, %dma_wait3A_181] : memref<10000x64xf32, #tpu.memory_space<vmem_shared>> -> memref<10000x64xf32, #tpu.memory_space<vmem_shared>>
        tpu.wait_indirect_dma semaphore(%run_scoped3A_170 : memref<!tpu.dma_semaphore, #tpu.memory_space<semaphore_mem>>) src(%arg13 : memref<32x64xf32, #tpu.memory_space<vmem>>) dst(%dma_wait3A_182 : memref<10000x64xf32, #tpu.memory_space<vmem_shared>>)
        tpu.yield
      }) : () -> ()
    } else {
    }
    %eq3A_37 = arith.constant 1 : i32
    %eq3A_38 = arith.cmpi eq, %arg0, %eq3A_37 : i32
    %convert_element_type3A_39 = arith.extui %eq3A_38 : i1 to i32
    %cond3A_40 = arith.constant 0 : i32
    %cond3A_41 = arith.cmpi ne, %convert_element_type3A_39, %cond3A_40 : i32
    scf.if %cond3A_41 {
      %dma_start3A_54 = arith.constant 0 : i32
      %dma_start3A_55 = arith.constant 0 : i32
      %dma_start3A_56 = arith.constant 0 : i32
      %dma_start3A_57 = tpu.memref_slice %arg12[%dma_start3A_54, %dma_start3A_55, %dma_start3A_56] : memref<4x128x64xf32, #tpu.memory_space<vmem>> -> memref<1x128x64xf32, #tpu.memory_space<vmem>>
      %dma_start3A_58 = tpu.memref_squeeze %dma_start3A_57 : memref<1x128x64xf32, #tpu.memory_space<vmem>> -> memref<128x64xf32, #tpu.memory_space<vmem>>
      %dma_start3A_59 = arith.constant 0 : i32
      %dma_start3A_60 = tpu.memref_slice %arg9[%dma_start3A_59] : memref<20000xi32, #tpu.memory_space<vmem>> -> memref<128xi32, #tpu.memory_space<vmem>>
      %dma_start3A_61 = arith.constant 0 : i32
      %dma_start3A_62 = arith.constant 0 : i32
      %dma_start3A_63 = tpu.memref_slice %arg3[%dma_start3A_61, %dma_start3A_62] : memref<10000x64xf32, #tpu.memory_space<hbm>> -> memref<10000x64xf32, #tpu.memory_space<hbm>>
      tpu.enqueue_indirect_dma source(%dma_start3A_63 : memref<10000x64xf32, #tpu.memory_space<hbm>>) target(%dma_start3A_58 : memref<128x64xf32, #tpu.memory_space<vmem>>) offsets(%dma_start3A_60 : memref<128xi32, #tpu.memory_space<vmem>>) semaphore(%arg15 : memref<!tpu.dma_semaphore, #tpu.memory_space<semaphore_mem>>)
      %dma_start3A_64 = arith.constant 1 : i32
      %dma_start3A_65 = arith.constant 0 : i32
      %dma_start3A_66 = arith.constant 0 : i32
      %dma_start3A_67 = tpu.memref_slice %arg12[%dma_start3A_64, %dma_start3A_65, %dma_start3A_66] : memref<4x128x64xf32, #tpu.memory_space<vmem>> -> memref<1x128x64xf32, #tpu.memory_space<vmem>>
      %dma_start3A_68 = tpu.memref_squeeze %dma_start3A_67 : memref<1x128x64xf32, #tpu.memory_space<vmem>> -> memref<128x64xf32, #tpu.memory_space<vmem>>
      %dma_start3A_69 = arith.constant 128 : i32
      %dma_start3A_70 = tpu.memref_slice %arg9[%dma_start3A_69] : memref<20000xi32, #tpu.memory_space<vmem>> -> memref<128xi32, #tpu.memory_space<vmem>>
      %dma_start3A_71 = arith.constant 0 : i32
      %dma_start3A_72 = arith.constant 0 : i32
      %dma_start3A_73 = tpu.memref_slice %arg3[%dma_start3A_71, %dma_start3A_72] : memref<10000x64xf32, #tpu.memory_space<hbm>> -> memref<10000x64xf32, #tpu.memory_space<hbm>>
      tpu.enqueue_indirect_dma source(%dma_start3A_73 : memref<10000x64xf32, #tpu.memory_space<hbm>>) target(%dma_start3A_68 : memref<128x64xf32, #tpu.memory_space<vmem>>) offsets(%dma_start3A_70 : memref<128xi32, #tpu.memory_space<vmem>>) semaphore(%arg16 : memref<!tpu.dma_semaphore, #tpu.memory_space<semaphore_mem>>)
      %dma_start3A_74 = arith.constant 2 : i32
      %dma_start3A_75 = arith.constant 0 : i32
      %dma_start3A_76 = arith.constant 0 : i32
      %dma_start3A_77 = tpu.memref_slice %arg12[%dma_start3A_74, %dma_start3A_75, %dma_start3A_76] : memref<4x128x64xf32, #tpu.memory_space<vmem>> -> memref<1x128x64xf32, #tpu.memory_space<vmem>>
      %dma_start3A_78 = tpu.memref_squeeze %dma_start3A_77 : memref<1x128x64xf32, #tpu.memory_space<vmem>> -> memref<128x64xf32, #tpu.memory_space<vmem>>
      %dma_start3A_79 = arith.constant 256 : i32
      %dma_start3A_80 = tpu.memref_slice %arg9[%dma_start3A_79] : memref<20000xi32, #tpu.memory_space<vmem>> -> memref<128xi32, #tpu.memory_space<vmem>>
      %dma_start3A_81 = arith.constant 0 : i32
      %dma_start3A_82 = arith.constant 0 : i32
      %dma_start3A_83 = tpu.memref_slice %arg3[%dma_start3A_81, %dma_start3A_82] : memref<10000x64xf32, #tpu.memory_space<hbm>> -> memref<10000x64xf32, #tpu.memory_space<hbm>>
      tpu.enqueue_indirect_dma source(%dma_start3A_83 : memref<10000x64xf32, #tpu.memory_space<hbm>>) target(%dma_start3A_78 : memref<128x64xf32, #tpu.memory_space<vmem>>) offsets(%dma_start3A_80 : memref<128xi32, #tpu.memory_space<vmem>>) semaphore(%arg17 : memref<!tpu.dma_semaphore, #tpu.memory_space<semaphore_mem>>)
      %dma_start3A_84 = arith.constant 3 : i32
      %dma_start3A_85 = arith.constant 0 : i32
      %dma_start3A_86 = arith.constant 0 : i32
      %dma_start3A_87 = tpu.memref_slice %arg12[%dma_start3A_84, %dma_start3A_85, %dma_start3A_86] : memref<4x128x64xf32, #tpu.memory_space<vmem>> -> memref<1x128x64xf32, #tpu.memory_space<vmem>>
      %dma_start3A_88 = tpu.memref_squeeze %dma_start3A_87 : memref<1x128x64xf32, #tpu.memory_space<vmem>> -> memref<128x64xf32, #tpu.memory_space<vmem>>
      %dma_start3A_89 = arith.constant 384 : i32
      %dma_start3A_90 = tpu.memref_slice %arg9[%dma_start3A_89] : memref<20000xi32, #tpu.memory_space<vmem>> -> memref<128xi32, #tpu.memory_space<vmem>>
      %dma_start3A_91 = arith.constant 0 : i32
      %dma_start3A_92 = arith.constant 0 : i32
      %dma_start3A_93 = tpu.memref_slice %arg3[%dma_start3A_91, %dma_start3A_92] : memref<10000x64xf32, #tpu.memory_space<hbm>> -> memref<10000x64xf32, #tpu.memory_space<hbm>>
      tpu.enqueue_indirect_dma source(%dma_start3A_93 : memref<10000x64xf32, #tpu.memory_space<hbm>>) target(%dma_start3A_88 : memref<128x64xf32, #tpu.memory_space<vmem>>) offsets(%dma_start3A_90 : memref<128xi32, #tpu.memory_space<vmem>>) semaphore(%arg18 : memref<!tpu.dma_semaphore, #tpu.memory_space<semaphore_mem>>)
      %scan3A_94 = arith.constant 0 : i32
      %scan3A_95 = arith.constant 0 : i32
      %scan3A_96 = arith.constant 39 : i32
      %scan3A_97 = arith.addi %scan3A_95, %scan3A_96 : i32
      %scan3A_98 = arith.constant 1 : i32
      scf.for %scan3A_170 = %scan3A_95 to %scan3A_97 step %scan3A_98  : i32 {
        %mul3A_171 = arith.constant 4 : i32
        %mul3A_172 = arith.muli %scan3A_170, %mul3A_171 : i32
        %add3A_173 = arith.constant 0 : i32
        %add3A_174 = arith.addi %mul3A_172, %add3A_173 : i32
        %dma_wait3A_175 = arith.constant 0 : i32
        %dma_wait3A_176 = arith.constant 0 : i32
        %dma_wait3A_177 = arith.constant 0 : i32
        %dma_wait3A_178 = tpu.memref_slice %arg12[%dma_wait3A_175, %dma_wait3A_176, %dma_wait3A_177] : memref<4x128x64xf32, #tpu.memory_space<vmem>> -> memref<1x128x64xf32, #tpu.memory_space<vmem>>
        %dma_wait3A_179 = tpu.memref_squeeze %dma_wait3A_178 : memref<1x128x64xf32, #tpu.memory_space<vmem>> -> memref<128x64xf32, #tpu.memory_space<vmem>>
        %dma_wait3A_180 = arith.constant 0 : i32
        %dma_wait3A_181 = arith.constant 0 : i32
        %dma_wait3A_182 = tpu.memref_slice %arg3[%dma_wait3A_180, %dma_wait3A_181] : memref<10000x64xf32, #tpu.memory_space<hbm>> -> memref<128x64xf32, #tpu.memory_space<hbm>>
        %dma_wait3A_183 = arith.constant 0 : i32
        %dma_wait3A_184 = arith.constant 0 : i32
        %dma_wait3A_185 = tpu.memref_slice %arg12[%dma_wait3A_175, %dma_wait3A_183, %dma_wait3A_184] : memref<4x128x64xf32, #tpu.memory_space<vmem>> -> memref<1x128x64xf32, #tpu.memory_space<vmem>>
        %dma_wait3A_186 = tpu.memref_squeeze %dma_wait3A_185 : memref<1x128x64xf32, #tpu.memory_space<vmem>> -> memref<128x64xf32, #tpu.memory_space<vmem>>
        %dma_wait3A_187 = arith.constant 0 : i32
        %dma_wait3A_188 = arith.constant 0 : i32
        %dma_wait3A_189 = tpu.memref_slice %arg3[%dma_wait3A_187, %dma_wait3A_188] : memref<10000x64xf32, #tpu.memory_space<hbm>> -> memref<128x64xf32, #tpu.memory_space<hbm>>
        tpu.wait_dma2 semaphore(%arg15 : memref<!tpu.dma_semaphore, #tpu.memory_space<semaphore_mem>>) src(%dma_wait3A_189 : memref<128x64xf32, #tpu.memory_space<hbm>>) dst(%dma_wait3A_186 : memref<128x64xf32, #tpu.memory_space<vmem>>)
        %mul3A_190 = arith.constant 1 : i32
        %mul3A_191 = arith.muli %add3A_174, %mul3A_190 : i32
        %add3A_192 = arith.constant 0 : i32
        %add3A_193 = arith.addi %mul3A_191, %add3A_192 : i32
        %dma_start3A_194 = arith.constant 0 : i32
        %dma_start3A_195 = arith.constant 0 : i32
        %dma_start3A_196 = arith.constant 0 : i32
        %dma_start3A_197 = tpu.memref_slice %arg12[%dma_start3A_194, %dma_start3A_195, %dma_start3A_196] : memref<4x128x64xf32, #tpu.memory_space<vmem>> -> memref<1x128x64xf32, #tpu.memory_space<vmem>>
        %dma_start3A_198 = tpu.memref_squeeze %dma_start3A_197 : memref<1x128x64xf32, #tpu.memory_space<vmem>> -> memref<128x64xf32, #tpu.memory_space<vmem>>
        %dma_start3A_199 = arith.constant 0 : i32
        %dma_start3A_200 = tpu.memref_slice %arg10[%add3A_193, %dma_start3A_199] : memref<156x128xi32, #tpu.memory_space<vmem>> -> memref<1x128xi32, #tpu.memory_space<vmem>>
        %dma_start3A_201 = tpu.memref_squeeze %dma_start3A_200 : memref<1x128xi32, #tpu.memory_space<vmem>> -> memref<128xi32, #tpu.memory_space<vmem>>
        %dma_start3A_202 = arith.constant 0 : i32
        %dma_start3A_203 = arith.constant 0 : i32
        %dma_start3A_204 = tpu.memref_slice %arg24[%dma_start3A_202, %dma_start3A_203] : memref<10000x64xf32, #tpu.memory_space<vmem_shared>> -> memref<10000x64xf32, #tpu.memory_space<vmem_shared>>
        tpu.enqueue_indirect_dma source(%dma_start3A_198 : memref<128x64xf32, #tpu.memory_space<vmem>>) target(%dma_start3A_204 : memref<10000x64xf32, #tpu.memory_space<vmem_shared>>) offsets(%dma_start3A_201 : memref<128xi32, #tpu.memory_space<vmem>>) semaphore(%arg19 : memref<!tpu.dma_semaphore, #tpu.memory_space<semaphore_mem>>) {add = true}
        %add3A_205 = arith.constant 4 : i32
        %add3A_206 = arith.addi %add3A_174, %add3A_205 : i32
        %lt3A = arith.constant 156 : i32
        %lt3A_207 = arith.cmpi slt, %add3A_206, %lt3A : i32
        %convert_element_type3A_208 = arith.extui %lt3A_207 : i1 to i32
        %cond3A_209 = arith.constant 0 : i32
        %cond3A_210 = arith.cmpi ne, %convert_element_type3A_208, %cond3A_209 : i32
        scf.if %cond3A_210 {
          %dma_wait3A_334 = arith.constant 0 : i32
          %dma_wait3A_335 = arith.constant 0 : i32
          %dma_wait3A_336 = arith.constant 0 : i32
          %dma_wait3A_337 = tpu.memref_slice %arg12[%dma_wait3A_334, %dma_wait3A_335, %dma_wait3A_336] : memref<4x128x64xf32, #tpu.memory_space<vmem>> -> memref<1x128x64xf32, #tpu.memory_space<vmem>>
          %dma_wait3A_338 = tpu.memref_squeeze %dma_wait3A_337 : memref<1x128x64xf32, #tpu.memory_space<vmem>> -> memref<128x64xf32, #tpu.memory_space<vmem>>
          %dma_wait3A_339 = arith.constant 0 : i32
          %dma_wait3A_340 = arith.constant 0 : i32
          %dma_wait3A_341 = tpu.memref_slice %arg3[%dma_wait3A_339, %dma_wait3A_340] : memref<10000x64xf32, #tpu.memory_space<hbm>> -> memref<128x64xf32, #tpu.memory_space<hbm>>
          %dma_wait3A_342 = arith.constant 0 : i32
          %dma_wait3A_343 = arith.constant 0 : i32
          %dma_wait3A_344 = tpu.memref_slice %arg12[%dma_wait3A_334, %dma_wait3A_342, %dma_wait3A_343] : memref<4x128x64xf32, #tpu.memory_space<vmem>> -> memref<1x128x64xf32, #tpu.memory_space<vmem>>
          %dma_wait3A_345 = tpu.memref_squeeze %dma_wait3A_344 : memref<1x128x64xf32, #tpu.memory_space<vmem>> -> memref<128x64xf32, #tpu.memory_space<vmem>>
          %dma_wait3A_346 = arith.constant 0 : i32
          %dma_wait3A_347 = arith.constant 0 : i32
          %dma_wait3A_348 = tpu.memref_slice %arg3[%dma_wait3A_346, %dma_wait3A_347] : memref<10000x64xf32, #tpu.memory_space<hbm>> -> memref<128x64xf32, #tpu.memory_space<hbm>>
          tpu.wait_dma2 semaphore(%arg19 : memref<!tpu.dma_semaphore, #tpu.memory_space<semaphore_mem>>) src(%dma_wait3A_348 : memref<128x64xf32, #tpu.memory_space<hbm>>) dst(%dma_wait3A_345 : memref<128x64xf32, #tpu.memory_space<vmem>>)
          %add3A_349 = arith.constant 4 : i32
          %add3A_350 = arith.addi %add3A_174, %add3A_349 : i32
          %mul3A_351 = arith.constant 128 : i32
          %mul3A_352 = arith.muli %add3A_350, %mul3A_351 : i32
          %dma_start3A_353 = arith.constant 0 : i32
          %dma_start3A_354 = arith.constant 0 : i32
          %dma_start3A_355 = arith.constant 0 : i32
          %dma_start3A_356 = tpu.memref_slice %arg12[%dma_start3A_353, %dma_start3A_354, %dma_start3A_355] : memref<4x128x64xf32, #tpu.memory_space<vmem>> -> memref<1x128x64xf32, #tpu.memory_space<vmem>>
          %dma_start3A_357 = tpu.memref_squeeze %dma_start3A_356 : memref<1x128x64xf32, #tpu.memory_space<vmem>> -> memref<128x64xf32, #tpu.memory_space<vmem>>
          %dma_start3A_358 = tpu.memref_slice %arg9[%mul3A_352] : memref<20000xi32, #tpu.memory_space<vmem>> -> memref<128xi32, #tpu.memory_space<vmem>>
          %dma_start3A_359 = arith.constant 0 : i32
          %dma_start3A_360 = arith.constant 0 : i32
          %dma_start3A_361 = tpu.memref_slice %arg3[%dma_start3A_359, %dma_start3A_360] : memref<10000x64xf32, #tpu.memory_space<hbm>> -> memref<10000x64xf32, #tpu.memory_space<hbm>>
          tpu.enqueue_indirect_dma source(%dma_start3A_361 : memref<10000x64xf32, #tpu.memory_space<hbm>>) target(%dma_start3A_357 : memref<128x64xf32, #tpu.memory_space<vmem>>) offsets(%dma_start3A_358 : memref<128xi32, #tpu.memory_space<vmem>>) semaphore(%arg15 : memref<!tpu.dma_semaphore, #tpu.memory_space<semaphore_mem>>)
        } else {
        }
        %mul3A_211 = arith.constant 4 : i32
        %mul3A_212 = arith.muli %scan3A_170, %mul3A_211 : i32
        %add3A_213 = arith.constant 1 : i32
        %add3A_214 = arith.addi %mul3A_212, %add3A_213 : i32
        %dma_wait3A_215 = arith.constant 1 : i32
        %dma_wait3A_216 = arith.constant 0 : i32
        %dma_wait3A_217 = arith.constant 0 : i32
        %dma_wait3A_218 = tpu.memref_slice %arg12[%dma_wait3A_215, %dma_wait3A_216, %dma_wait3A_217] : memref<4x128x64xf32, #tpu.memory_space<vmem>> -> memref<1x128x64xf32, #tpu.memory_space<vmem>>
        %dma_wait3A_219 = tpu.memref_squeeze %dma_wait3A_218 : memref<1x128x64xf32, #tpu.memory_space<vmem>> -> memref<128x64xf32, #tpu.memory_space<vmem>>
        %dma_wait3A_220 = arith.constant 0 : i32
        %dma_wait3A_221 = arith.constant 0 : i32
        %dma_wait3A_222 = tpu.memref_slice %arg3[%dma_wait3A_220, %dma_wait3A_221] : memref<10000x64xf32, #tpu.memory_space<hbm>> -> memref<128x64xf32, #tpu.memory_space<hbm>>
        %dma_wait3A_223 = arith.constant 0 : i32
        %dma_wait3A_224 = arith.constant 0 : i32
        %dma_wait3A_225 = tpu.memref_slice %arg12[%dma_wait3A_215, %dma_wait3A_223, %dma_wait3A_224] : memref<4x128x64xf32, #tpu.memory_space<vmem>> -> memref<1x128x64xf32, #tpu.memory_space<vmem>>
        %dma_wait3A_226 = tpu.memref_squeeze %dma_wait3A_225 : memref<1x128x64xf32, #tpu.memory_space<vmem>> -> memref<128x64xf32, #tpu.memory_space<vmem>>
        %dma_wait3A_227 = arith.constant 0 : i32
        %dma_wait3A_228 = arith.constant 0 : i32
        %dma_wait3A_229 = tpu.memref_slice %arg3[%dma_wait3A_227, %dma_wait3A_228] : memref<10000x64xf32, #tpu.memory_space<hbm>> -> memref<128x64xf32, #tpu.memory_space<hbm>>
        tpu.wait_dma2 semaphore(%arg16 : memref<!tpu.dma_semaphore, #tpu.memory_space<semaphore_mem>>) src(%dma_wait3A_229 : memref<128x64xf32, #tpu.memory_space<hbm>>) dst(%dma_wait3A_226 : memref<128x64xf32, #tpu.memory_space<vmem>>)
        %mul3A_230 = arith.constant 1 : i32
        %mul3A_231 = arith.muli %add3A_214, %mul3A_230 : i32
        %add3A_232 = arith.constant 0 : i32
        %add3A_233 = arith.addi %mul3A_231, %add3A_232 : i32
        %dma_start3A_234 = arith.constant 1 : i32
        %dma_start3A_235 = arith.constant 0 : i32
        %dma_start3A_236 = arith.constant 0 : i32
        %dma_start3A_237 = tpu.memref_slice %arg12[%dma_start3A_234, %dma_start3A_235, %dma_start3A_236] : memref<4x128x64xf32, #tpu.memory_space<vmem>> -> memref<1x128x64xf32, #tpu.memory_space<vmem>>
        %dma_start3A_238 = tpu.memref_squeeze %dma_start3A_237 : memref<1x128x64xf32, #tpu.memory_space<vmem>> -> memref<128x64xf32, #tpu.memory_space<vmem>>
        %dma_start3A_239 = arith.constant 0 : i32
        %dma_start3A_240 = tpu.memref_slice %arg10[%add3A_233, %dma_start3A_239] : memref<156x128xi32, #tpu.memory_space<vmem>> -> memref<1x128xi32, #tpu.memory_space<vmem>>
        %dma_start3A_241 = tpu.memref_squeeze %dma_start3A_240 : memref<1x128xi32, #tpu.memory_space<vmem>> -> memref<128xi32, #tpu.memory_space<vmem>>
        %dma_start3A_242 = arith.constant 0 : i32
        %dma_start3A_243 = arith.constant 0 : i32
        %dma_start3A_244 = tpu.memref_slice %arg24[%dma_start3A_242, %dma_start3A_243] : memref<10000x64xf32, #tpu.memory_space<vmem_shared>> -> memref<10000x64xf32, #tpu.memory_space<vmem_shared>>
        tpu.enqueue_indirect_dma source(%dma_start3A_238 : memref<128x64xf32, #tpu.memory_space<vmem>>) target(%dma_start3A_244 : memref<10000x64xf32, #tpu.memory_space<vmem_shared>>) offsets(%dma_start3A_241 : memref<128xi32, #tpu.memory_space<vmem>>) semaphore(%arg20 : memref<!tpu.dma_semaphore, #tpu.memory_space<semaphore_mem>>) {add = true}
        %add3A_245 = arith.constant 4 : i32
        %add3A_246 = arith.addi %add3A_214, %add3A_245 : i32
        %lt3A_247 = arith.constant 156 : i32
        %lt3A_248 = arith.cmpi slt, %add3A_246, %lt3A_247 : i32
        %convert_element_type3A_249 = arith.extui %lt3A_248 : i1 to i32
        %cond3A_250 = arith.constant 0 : i32
        %cond3A_251 = arith.cmpi ne, %convert_element_type3A_249, %cond3A_250 : i32
        scf.if %cond3A_251 {
          %dma_wait3A_334 = arith.constant 1 : i32
          %dma_wait3A_335 = arith.constant 0 : i32
          %dma_wait3A_336 = arith.constant 0 : i32
          %dma_wait3A_337 = tpu.memref_slice %arg12[%dma_wait3A_334, %dma_wait3A_335, %dma_wait3A_336] : memref<4x128x64xf32, #tpu.memory_space<vmem>> -> memref<1x128x64xf32, #tpu.memory_space<vmem>>
          %dma_wait3A_338 = tpu.memref_squeeze %dma_wait3A_337 : memref<1x128x64xf32, #tpu.memory_space<vmem>> -> memref<128x64xf32, #tpu.memory_space<vmem>>
          %dma_wait3A_339 = arith.constant 0 : i32
          %dma_wait3A_340 = arith.constant 0 : i32
          %dma_wait3A_341 = tpu.memref_slice %arg3[%dma_wait3A_339, %dma_wait3A_340] : memref<10000x64xf32, #tpu.memory_space<hbm>> -> memref<128x64xf32, #tpu.memory_space<hbm>>
          %dma_wait3A_342 = arith.constant 0 : i32
          %dma_wait3A_343 = arith.constant 0 : i32
          %dma_wait3A_344 = tpu.memref_slice %arg12[%dma_wait3A_334, %dma_wait3A_342, %dma_wait3A_343] : memref<4x128x64xf32, #tpu.memory_space<vmem>> -> memref<1x128x64xf32, #tpu.memory_space<vmem>>
          %dma_wait3A_345 = tpu.memref_squeeze %dma_wait3A_344 : memref<1x128x64xf32, #tpu.memory_space<vmem>> -> memref<128x64xf32, #tpu.memory_space<vmem>>
          %dma_wait3A_346 = arith.constant 0 : i32
          %dma_wait3A_347 = arith.constant 0 : i32
          %dma_wait3A_348 = tpu.memref_slice %arg3[%dma_wait3A_346, %dma_wait3A_347] : memref<10000x64xf32, #tpu.memory_space<hbm>> -> memref<128x64xf32, #tpu.memory_space<hbm>>
          tpu.wait_dma2 semaphore(%arg20 : memref<!tpu.dma_semaphore, #tpu.memory_space<semaphore_mem>>) src(%dma_wait3A_348 : memref<128x64xf32, #tpu.memory_space<hbm>>) dst(%dma_wait3A_345 : memref<128x64xf32, #tpu.memory_space<vmem>>)
          %add3A_349 = arith.constant 4 : i32
          %add3A_350 = arith.addi %add3A_214, %add3A_349 : i32
          %mul3A_351 = arith.constant 128 : i32
          %mul3A_352 = arith.muli %add3A_350, %mul3A_351 : i32
          %dma_start3A_353 = arith.constant 1 : i32
          %dma_start3A_354 = arith.constant 0 : i32
          %dma_start3A_355 = arith.constant 0 : i32
          %dma_start3A_356 = tpu.memref_slice %arg12[%dma_start3A_353, %dma_start3A_354, %dma_start3A_355] : memref<4x128x64xf32, #tpu.memory_space<vmem>> -> memref<1x128x64xf32, #tpu.memory_space<vmem>>
          %dma_start3A_357 = tpu.memref_squeeze %dma_start3A_356 : memref<1x128x64xf32, #tpu.memory_space<vmem>> -> memref<128x64xf32, #tpu.memory_space<vmem>>
          %dma_start3A_358 = tpu.memref_slice %arg9[%mul3A_352] : memref<20000xi32, #tpu.memory_space<vmem>> -> memref<128xi32, #tpu.memory_space<vmem>>
          %dma_start3A_359 = arith.constant 0 : i32
          %dma_start3A_360 = arith.constant 0 : i32
          %dma_start3A_361 = tpu.memref_slice %arg3[%dma_start3A_359, %dma_start3A_360] : memref<10000x64xf32, #tpu.memory_space<hbm>> -> memref<10000x64xf32, #tpu.memory_space<hbm>>
          tpu.enqueue_indirect_dma source(%dma_start3A_361 : memref<10000x64xf32, #tpu.memory_space<hbm>>) target(%dma_start3A_357 : memref<128x64xf32, #tpu.memory_space<vmem>>) offsets(%dma_start3A_358 : memref<128xi32, #tpu.memory_space<vmem>>) semaphore(%arg16 : memref<!tpu.dma_semaphore, #tpu.memory_space<semaphore_mem>>)
        } else {
        }
        %mul3A_252 = arith.constant 4 : i32
        %mul3A_253 = arith.muli %scan3A_170, %mul3A_252 : i32
        %add3A_254 = arith.constant 2 : i32
        %add3A_255 = arith.addi %mul3A_253, %add3A_254 : i32
        %dma_wait3A_256 = arith.constant 2 : i32
        %dma_wait3A_257 = arith.constant 0 : i32
        %dma_wait3A_258 = arith.constant 0 : i32
        %dma_wait3A_259 = tpu.memref_slice %arg12[%dma_wait3A_256, %dma_wait3A_257, %dma_wait3A_258] : memref<4x128x64xf32, #tpu.memory_space<vmem>> -> memref<1x128x64xf32, #tpu.memory_space<vmem>>
        %dma_wait3A_260 = tpu.memref_squeeze %dma_wait3A_259 : memref<1x128x64xf32, #tpu.memory_space<vmem>> -> memref<128x64xf32, #tpu.memory_space<vmem>>
        %dma_wait3A_261 = arith.constant 0 : i32
        %dma_wait3A_262 = arith.constant 0 : i32
        %dma_wait3A_263 = tpu.memref_slice %arg3[%dma_wait3A_261, %dma_wait3A_262] : memref<10000x64xf32, #tpu.memory_space<hbm>> -> memref<128x64xf32, #tpu.memory_space<hbm>>
        %dma_wait3A_264 = arith.constant 0 : i32
        %dma_wait3A_265 = arith.constant 0 : i32
        %dma_wait3A_266 = tpu.memref_slice %arg12[%dma_wait3A_256, %dma_wait3A_264, %dma_wait3A_265] : memref<4x128x64xf32, #tpu.memory_space<vmem>> -> memref<1x128x64xf32, #tpu.memory_space<vmem>>
        %dma_wait3A_267 = tpu.memref_squeeze %dma_wait3A_266 : memref<1x128x64xf32, #tpu.memory_space<vmem>> -> memref<128x64xf32, #tpu.memory_space<vmem>>
        %dma_wait3A_268 = arith.constant 0 : i32
        %dma_wait3A_269 = arith.constant 0 : i32
        %dma_wait3A_270 = tpu.memref_slice %arg3[%dma_wait3A_268, %dma_wait3A_269] : memref<10000x64xf32, #tpu.memory_space<hbm>> -> memref<128x64xf32, #tpu.memory_space<hbm>>
        tpu.wait_dma2 semaphore(%arg17 : memref<!tpu.dma_semaphore, #tpu.memory_space<semaphore_mem>>) src(%dma_wait3A_270 : memref<128x64xf32, #tpu.memory_space<hbm>>) dst(%dma_wait3A_267 : memref<128x64xf32, #tpu.memory_space<vmem>>)
        %mul3A_271 = arith.constant 1 : i32
        %mul3A_272 = arith.muli %add3A_255, %mul3A_271 : i32
        %add3A_273 = arith.constant 0 : i32
        %add3A_274 = arith.addi %mul3A_272, %add3A_273 : i32
        %dma_start3A_275 = arith.constant 2 : i32
        %dma_start3A_276 = arith.constant 0 : i32
        %dma_start3A_277 = arith.constant 0 : i32
        %dma_start3A_278 = tpu.memref_slice %arg12[%dma_start3A_275, %dma_start3A_276, %dma_start3A_277] : memref<4x128x64xf32, #tpu.memory_space<vmem>> -> memref<1x128x64xf32, #tpu.memory_space<vmem>>
        %dma_start3A_279 = tpu.memref_squeeze %dma_start3A_278 : memref<1x128x64xf32, #tpu.memory_space<vmem>> -> memref<128x64xf32, #tpu.memory_space<vmem>>
        %dma_start3A_280 = arith.constant 0 : i32
        %dma_start3A_281 = tpu.memref_slice %arg10[%add3A_274, %dma_start3A_280] : memref<156x128xi32, #tpu.memory_space<vmem>> -> memref<1x128xi32, #tpu.memory_space<vmem>>
        %dma_start3A_282 = tpu.memref_squeeze %dma_start3A_281 : memref<1x128xi32, #tpu.memory_space<vmem>> -> memref<128xi32, #tpu.memory_space<vmem>>
        %dma_start3A_283 = arith.constant 0 : i32
        %dma_start3A_284 = arith.constant 0 : i32
        %dma_start3A_285 = tpu.memref_slice %arg24[%dma_start3A_283, %dma_start3A_284] : memref<10000x64xf32, #tpu.memory_space<vmem_shared>> -> memref<10000x64xf32, #tpu.memory_space<vmem_shared>>
        tpu.enqueue_indirect_dma source(%dma_start3A_279 : memref<128x64xf32, #tpu.memory_space<vmem>>) target(%dma_start3A_285 : memref<10000x64xf32, #tpu.memory_space<vmem_shared>>) offsets(%dma_start3A_282 : memref<128xi32, #tpu.memory_space<vmem>>) semaphore(%arg21 : memref<!tpu.dma_semaphore, #tpu.memory_space<semaphore_mem>>) {add = true}
        %add3A_286 = arith.constant 4 : i32
        %add3A_287 = arith.addi %add3A_255, %add3A_286 : i32
        %lt3A_288 = arith.constant 156 : i32
        %lt3A_289 = arith.cmpi slt, %add3A_287, %lt3A_288 : i32
        %convert_element_type3A_290 = arith.extui %lt3A_289 : i1 to i32
        %cond3A_291 = arith.constant 0 : i32
        %cond3A_292 = arith.cmpi ne, %convert_element_type3A_290, %cond3A_291 : i32
        scf.if %cond3A_292 {
          %dma_wait3A_334 = arith.constant 2 : i32
          %dma_wait3A_335 = arith.constant 0 : i32
          %dma_wait3A_336 = arith.constant 0 : i32
          %dma_wait3A_337 = tpu.memref_slice %arg12[%dma_wait3A_334, %dma_wait3A_335, %dma_wait3A_336] : memref<4x128x64xf32, #tpu.memory_space<vmem>> -> memref<1x128x64xf32, #tpu.memory_space<vmem>>
          %dma_wait3A_338 = tpu.memref_squeeze %dma_wait3A_337 : memref<1x128x64xf32, #tpu.memory_space<vmem>> -> memref<128x64xf32, #tpu.memory_space<vmem>>
          %dma_wait3A_339 = arith.constant 0 : i32
          %dma_wait3A_340 = arith.constant 0 : i32
          %dma_wait3A_341 = tpu.memref_slice %arg3[%dma_wait3A_339, %dma_wait3A_340] : memref<10000x64xf32, #tpu.memory_space<hbm>> -> memref<128x64xf32, #tpu.memory_space<hbm>>
          %dma_wait3A_342 = arith.constant 0 : i32
          %dma_wait3A_343 = arith.constant 0 : i32
          %dma_wait3A_344 = tpu.memref_slice %arg12[%dma_wait3A_334, %dma_wait3A_342, %dma_wait3A_343] : memref<4x128x64xf32, #tpu.memory_space<vmem>> -> memref<1x128x64xf32, #tpu.memory_space<vmem>>
          %dma_wait3A_345 = tpu.memref_squeeze %dma_wait3A_344 : memref<1x128x64xf32, #tpu.memory_space<vmem>> -> memref<128x64xf32, #tpu.memory_space<vmem>>
          %dma_wait3A_346 = arith.constant 0 : i32
          %dma_wait3A_347 = arith.constant 0 : i32
          %dma_wait3A_348 = tpu.memref_slice %arg3[%dma_wait3A_346, %dma_wait3A_347] : memref<10000x64xf32, #tpu.memory_space<hbm>> -> memref<128x64xf32, #tpu.memory_space<hbm>>
          tpu.wait_dma2 semaphore(%arg21 : memref<!tpu.dma_semaphore, #tpu.memory_space<semaphore_mem>>) src(%dma_wait3A_348 : memref<128x64xf32, #tpu.memory_space<hbm>>) dst(%dma_wait3A_345 : memref<128x64xf32, #tpu.memory_space<vmem>>)
          %add3A_349 = arith.constant 4 : i32
          %add3A_350 = arith.addi %add3A_255, %add3A_349 : i32
          %mul3A_351 = arith.constant 128 : i32
          %mul3A_352 = arith.muli %add3A_350, %mul3A_351 : i32
          %dma_start3A_353 = arith.constant 2 : i32
          %dma_start3A_354 = arith.constant 0 : i32
          %dma_start3A_355 = arith.constant 0 : i32
          %dma_start3A_356 = tpu.memref_slice %arg12[%dma_start3A_353, %dma_start3A_354, %dma_start3A_355] : memref<4x128x64xf32, #tpu.memory_space<vmem>> -> memref<1x128x64xf32, #tpu.memory_space<vmem>>
          %dma_start3A_357 = tpu.memref_squeeze %dma_start3A_356 : memref<1x128x64xf32, #tpu.memory_space<vmem>> -> memref<128x64xf32, #tpu.memory_space<vmem>>
          %dma_start3A_358 = tpu.memref_slice %arg9[%mul3A_352] : memref<20000xi32, #tpu.memory_space<vmem>> -> memref<128xi32, #tpu.memory_space<vmem>>
          %dma_start3A_359 = arith.constant 0 : i32
          %dma_start3A_360 = arith.constant 0 : i32
          %dma_start3A_361 = tpu.memref_slice %arg3[%dma_start3A_359, %dma_start3A_360] : memref<10000x64xf32, #tpu.memory_space<hbm>> -> memref<10000x64xf32, #tpu.memory_space<hbm>>
          tpu.enqueue_indirect_dma source(%dma_start3A_361 : memref<10000x64xf32, #tpu.memory_space<hbm>>) target(%dma_start3A_357 : memref<128x64xf32, #tpu.memory_space<vmem>>) offsets(%dma_start3A_358 : memref<128xi32, #tpu.memory_space<vmem>>) semaphore(%arg17 : memref<!tpu.dma_semaphore, #tpu.memory_space<semaphore_mem>>)
        } else {
        }
        %mul3A_293 = arith.constant 4 : i32
        %mul3A_294 = arith.muli %scan3A_170, %mul3A_293 : i32
        %add3A_295 = arith.constant 3 : i32
        %add3A_296 = arith.addi %mul3A_294, %add3A_295 : i32
        %dma_wait3A_297 = arith.constant 3 : i32
        %dma_wait3A_298 = arith.constant 0 : i32
        %dma_wait3A_299 = arith.constant 0 : i32
        %dma_wait3A_300 = tpu.memref_slice %arg12[%dma_wait3A_297, %dma_wait3A_298, %dma_wait3A_299] : memref<4x128x64xf32, #tpu.memory_space<vmem>> -> memref<1x128x64xf32, #tpu.memory_space<vmem>>
        %dma_wait3A_301 = tpu.memref_squeeze %dma_wait3A_300 : memref<1x128x64xf32, #tpu.memory_space<vmem>> -> memref<128x64xf32, #tpu.memory_space<vmem>>
        %dma_wait3A_302 = arith.constant 0 : i32
        %dma_wait3A_303 = arith.constant 0 : i32
        %dma_wait3A_304 = tpu.memref_slice %arg3[%dma_wait3A_302, %dma_wait3A_303] : memref<10000x64xf32, #tpu.memory_space<hbm>> -> memref<128x64xf32, #tpu.memory_space<hbm>>
        %dma_wait3A_305 = arith.constant 0 : i32
        %dma_wait3A_306 = arith.constant 0 : i32
        %dma_wait3A_307 = tpu.memref_slice %arg12[%dma_wait3A_297, %dma_wait3A_305, %dma_wait3A_306] : memref<4x128x64xf32, #tpu.memory_space<vmem>> -> memref<1x128x64xf32, #tpu.memory_space<vmem>>
        %dma_wait3A_308 = tpu.memref_squeeze %dma_wait3A_307 : memref<1x128x64xf32, #tpu.memory_space<vmem>> -> memref<128x64xf32, #tpu.memory_space<vmem>>
        %dma_wait3A_309 = arith.constant 0 : i32
        %dma_wait3A_310 = arith.constant 0 : i32
        %dma_wait3A_311 = tpu.memref_slice %arg3[%dma_wait3A_309, %dma_wait3A_310] : memref<10000x64xf32, #tpu.memory_space<hbm>> -> memref<128x64xf32, #tpu.memory_space<hbm>>
        tpu.wait_dma2 semaphore(%arg18 : memref<!tpu.dma_semaphore, #tpu.memory_space<semaphore_mem>>) src(%dma_wait3A_311 : memref<128x64xf32, #tpu.memory_space<hbm>>) dst(%dma_wait3A_308 : memref<128x64xf32, #tpu.memory_space<vmem>>)
        %mul3A_312 = arith.constant 1 : i32
        %mul3A_313 = arith.muli %add3A_296, %mul3A_312 : i32
        %add3A_314 = arith.constant 0 : i32
        %add3A_315 = arith.addi %mul3A_313, %add3A_314 : i32
        %dma_start3A_316 = arith.constant 3 : i32
        %dma_start3A_317 = arith.constant 0 : i32
        %dma_start3A_318 = arith.constant 0 : i32
        %dma_start3A_319 = tpu.memref_slice %arg12[%dma_start3A_316, %dma_start3A_317, %dma_start3A_318] : memref<4x128x64xf32, #tpu.memory_space<vmem>> -> memref<1x128x64xf32, #tpu.memory_space<vmem>>
        %dma_start3A_320 = tpu.memref_squeeze %dma_start3A_319 : memref<1x128x64xf32, #tpu.memory_space<vmem>> -> memref<128x64xf32, #tpu.memory_space<vmem>>
        %dma_start3A_321 = arith.constant 0 : i32
        %dma_start3A_322 = tpu.memref_slice %arg10[%add3A_315, %dma_start3A_321] : memref<156x128xi32, #tpu.memory_space<vmem>> -> memref<1x128xi32, #tpu.memory_space<vmem>>
        %dma_start3A_323 = tpu.memref_squeeze %dma_start3A_322 : memref<1x128xi32, #tpu.memory_space<vmem>> -> memref<128xi32, #tpu.memory_space<vmem>>
        %dma_start3A_324 = arith.constant 0 : i32
        %dma_start3A_325 = arith.constant 0 : i32
        %dma_start3A_326 = tpu.memref_slice %arg24[%dma_start3A_324, %dma_start3A_325] : memref<10000x64xf32, #tpu.memory_space<vmem_shared>> -> memref<10000x64xf32, #tpu.memory_space<vmem_shared>>
        tpu.enqueue_indirect_dma source(%dma_start3A_320 : memref<128x64xf32, #tpu.memory_space<vmem>>) target(%dma_start3A_326 : memref<10000x64xf32, #tpu.memory_space<vmem_shared>>) offsets(%dma_start3A_323 : memref<128xi32, #tpu.memory_space<vmem>>) semaphore(%arg22 : memref<!tpu.dma_semaphore, #tpu.memory_space<semaphore_mem>>) {add = true}
        %add3A_327 = arith.constant 4 : i32
        %add3A_328 = arith.addi %add3A_296, %add3A_327 : i32
        %lt3A_329 = arith.constant 156 : i32
        %lt3A_330 = arith.cmpi slt, %add3A_328, %lt3A_329 : i32
        %convert_element_type3A_331 = arith.extui %lt3A_330 : i1 to i32
        %cond3A_332 = arith.constant 0 : i32
        %cond3A_333 = arith.cmpi ne, %convert_element_type3A_331, %cond3A_332 : i32
        scf.if %cond3A_333 {
          %dma_wait3A_334 = arith.constant 3 : i32
          %dma_wait3A_335 = arith.constant 0 : i32
          %dma_wait3A_336 = arith.constant 0 : i32
          %dma_wait3A_337 = tpu.memref_slice %arg12[%dma_wait3A_334, %dma_wait3A_335, %dma_wait3A_336] : memref<4x128x64xf32, #tpu.memory_space<vmem>> -> memref<1x128x64xf32, #tpu.memory_space<vmem>>
          %dma_wait3A_338 = tpu.memref_squeeze %dma_wait3A_337 : memref<1x128x64xf32, #tpu.memory_space<vmem>> -> memref<128x64xf32, #tpu.memory_space<vmem>>
          %dma_wait3A_339 = arith.constant 0 : i32
          %dma_wait3A_340 = arith.constant 0 : i32
          %dma_wait3A_341 = tpu.memref_slice %arg3[%dma_wait3A_339, %dma_wait3A_340] : memref<10000x64xf32, #tpu.memory_space<hbm>> -> memref<128x64xf32, #tpu.memory_space<hbm>>
          %dma_wait3A_342 = arith.constant 0 : i32
          %dma_wait3A_343 = arith.constant 0 : i32
          %dma_wait3A_344 = tpu.memref_slice %arg12[%dma_wait3A_334, %dma_wait3A_342, %dma_wait3A_343] : memref<4x128x64xf32, #tpu.memory_space<vmem>> -> memref<1x128x64xf32, #tpu.memory_space<vmem>>
          %dma_wait3A_345 = tpu.memref_squeeze %dma_wait3A_344 : memref<1x128x64xf32, #tpu.memory_space<vmem>> -> memref<128x64xf32, #tpu.memory_space<vmem>>
          %dma_wait3A_346 = arith.constant 0 : i32
          %dma_wait3A_347 = arith.constant 0 : i32
          %dma_wait3A_348 = tpu.memref_slice %arg3[%dma_wait3A_346, %dma_wait3A_347] : memref<10000x64xf32, #tpu.memory_space<hbm>> -> memref<128x64xf32, #tpu.memory_space<hbm>>
          tpu.wait_dma2 semaphore(%arg22 : memref<!tpu.dma_semaphore, #tpu.memory_space<semaphore_mem>>) src(%dma_wait3A_348 : memref<128x64xf32, #tpu.memory_space<hbm>>) dst(%dma_wait3A_345 : memref<128x64xf32, #tpu.memory_space<vmem>>)
          %add3A_349 = arith.constant 4 : i32
          %add3A_350 = arith.addi %add3A_296, %add3A_349 : i32
          %mul3A_351 = arith.constant 128 : i32
          %mul3A_352 = arith.muli %add3A_350, %mul3A_351 : i32
          %dma_start3A_353 = arith.constant 3 : i32
          %dma_start3A_354 = arith.constant 0 : i32
          %dma_start3A_355 = arith.constant 0 : i32
          %dma_start3A_356 = tpu.memref_slice %arg12[%dma_start3A_353, %dma_start3A_354, %dma_start3A_355] : memref<4x128x64xf32, #tpu.memory_space<vmem>> -> memref<1x128x64xf32, #tpu.memory_space<vmem>>
          %dma_start3A_357 = tpu.memref_squeeze %dma_start3A_356 : memref<1x128x64xf32, #tpu.memory_space<vmem>> -> memref<128x64xf32, #tpu.memory_space<vmem>>
          %dma_start3A_358 = tpu.memref_slice %arg9[%mul3A_352] : memref<20000xi32, #tpu.memory_space<vmem>> -> memref<128xi32, #tpu.memory_space<vmem>>
          %dma_start3A_359 = arith.constant 0 : i32
          %dma_start3A_360 = arith.constant 0 : i32
          %dma_start3A_361 = tpu.memref_slice %arg3[%dma_start3A_359, %dma_start3A_360] : memref<10000x64xf32, #tpu.memory_space<hbm>> -> memref<10000x64xf32, #tpu.memory_space<hbm>>
          tpu.enqueue_indirect_dma source(%dma_start3A_361 : memref<10000x64xf32, #tpu.memory_space<hbm>>) target(%dma_start3A_357 : memref<128x64xf32, #tpu.memory_space<vmem>>) offsets(%dma_start3A_358 : memref<128xi32, #tpu.memory_space<vmem>>) semaphore(%arg18 : memref<!tpu.dma_semaphore, #tpu.memory_space<semaphore_mem>>)
        } else {
        }
      }
      %scan3A_99 = arith.constant 39 : i32
      %dma_wait3A_100 = arith.constant 0 : i32
      %dma_wait3A_101 = arith.constant 0 : i32
      %dma_wait3A_102 = arith.constant 0 : i32
      %dma_wait3A_103 = tpu.memref_slice %arg12[%dma_wait3A_100, %dma_wait3A_101, %dma_wait3A_102] : memref<4x128x64xf32, #tpu.memory_space<vmem>> -> memref<1x128x64xf32, #tpu.memory_space<vmem>>
      %dma_wait3A_104 = tpu.memref_squeeze %dma_wait3A_103 : memref<1x128x64xf32, #tpu.memory_space<vmem>> -> memref<128x64xf32, #tpu.memory_space<vmem>>
      %dma_wait3A_105 = arith.constant 0 : i32
      %dma_wait3A_106 = arith.constant 0 : i32
      %dma_wait3A_107 = tpu.memref_slice %arg3[%dma_wait3A_105, %dma_wait3A_106] : memref<10000x64xf32, #tpu.memory_space<hbm>> -> memref<128x64xf32, #tpu.memory_space<hbm>>
      %dma_wait3A_108 = arith.constant 0 : i32
      %dma_wait3A_109 = arith.constant 0 : i32
      %dma_wait3A_110 = tpu.memref_slice %arg12[%dma_wait3A_100, %dma_wait3A_108, %dma_wait3A_109] : memref<4x128x64xf32, #tpu.memory_space<vmem>> -> memref<1x128x64xf32, #tpu.memory_space<vmem>>
      %dma_wait3A_111 = tpu.memref_squeeze %dma_wait3A_110 : memref<1x128x64xf32, #tpu.memory_space<vmem>> -> memref<128x64xf32, #tpu.memory_space<vmem>>
      %dma_wait3A_112 = arith.constant 0 : i32
      %dma_wait3A_113 = arith.constant 0 : i32
      %dma_wait3A_114 = tpu.memref_slice %arg3[%dma_wait3A_112, %dma_wait3A_113] : memref<10000x64xf32, #tpu.memory_space<hbm>> -> memref<128x64xf32, #tpu.memory_space<hbm>>
      tpu.wait_dma2 semaphore(%arg19 : memref<!tpu.dma_semaphore, #tpu.memory_space<semaphore_mem>>) src(%dma_wait3A_114 : memref<128x64xf32, #tpu.memory_space<hbm>>) dst(%dma_wait3A_111 : memref<128x64xf32, #tpu.memory_space<vmem>>)
      %dma_wait3A_115 = arith.constant 1 : i32
      %dma_wait3A_116 = arith.constant 0 : i32
      %dma_wait3A_117 = arith.constant 0 : i32
      %dma_wait3A_118 = tpu.memref_slice %arg12[%dma_wait3A_115, %dma_wait3A_116, %dma_wait3A_117] : memref<4x128x64xf32, #tpu.memory_space<vmem>> -> memref<1x128x64xf32, #tpu.memory_space<vmem>>
      %dma_wait3A_119 = tpu.memref_squeeze %dma_wait3A_118 : memref<1x128x64xf32, #tpu.memory_space<vmem>> -> memref<128x64xf32, #tpu.memory_space<vmem>>
      %dma_wait3A_120 = arith.constant 0 : i32
      %dma_wait3A_121 = arith.constant 0 : i32
      %dma_wait3A_122 = tpu.memref_slice %arg3[%dma_wait3A_120, %dma_wait3A_121] : memref<10000x64xf32, #tpu.memory_space<hbm>> -> memref<128x64xf32, #tpu.memory_space<hbm>>
      %dma_wait3A_123 = arith.constant 0 : i32
      %dma_wait3A_124 = arith.constant 0 : i32
      %dma_wait3A_125 = tpu.memref_slice %arg12[%dma_wait3A_115, %dma_wait3A_123, %dma_wait3A_124] : memref<4x128x64xf32, #tpu.memory_space<vmem>> -> memref<1x128x64xf32, #tpu.memory_space<vmem>>
      %dma_wait3A_126 = tpu.memref_squeeze %dma_wait3A_125 : memref<1x128x64xf32, #tpu.memory_space<vmem>> -> memref<128x64xf32, #tpu.memory_space<vmem>>
      %dma_wait3A_127 = arith.constant 0 : i32
      %dma_wait3A_128 = arith.constant 0 : i32
      %dma_wait3A_129 = tpu.memref_slice %arg3[%dma_wait3A_127, %dma_wait3A_128] : memref<10000x64xf32, #tpu.memory_space<hbm>> -> memref<128x64xf32, #tpu.memory_space<hbm>>
      tpu.wait_dma2 semaphore(%arg20 : memref<!tpu.dma_semaphore, #tpu.memory_space<semaphore_mem>>) src(%dma_wait3A_129 : memref<128x64xf32, #tpu.memory_space<hbm>>) dst(%dma_wait3A_126 : memref<128x64xf32, #tpu.memory_space<vmem>>)
      %dma_wait3A_130 = arith.constant 2 : i32
      %dma_wait3A_131 = arith.constant 0 : i32
      %dma_wait3A_132 = arith.constant 0 : i32
      %dma_wait3A_133 = tpu.memref_slice %arg12[%dma_wait3A_130, %dma_wait3A_131, %dma_wait3A_132] : memref<4x128x64xf32, #tpu.memory_space<vmem>> -> memref<1x128x64xf32, #tpu.memory_space<vmem>>
      %dma_wait3A_134 = tpu.memref_squeeze %dma_wait3A_133 : memref<1x128x64xf32, #tpu.memory_space<vmem>> -> memref<128x64xf32, #tpu.memory_space<vmem>>
      %dma_wait3A_135 = arith.constant 0 : i32
      %dma_wait3A_136 = arith.constant 0 : i32
      %dma_wait3A_137 = tpu.memref_slice %arg3[%dma_wait3A_135, %dma_wait3A_136] : memref<10000x64xf32, #tpu.memory_space<hbm>> -> memref<128x64xf32, #tpu.memory_space<hbm>>
      %dma_wait3A_138 = arith.constant 0 : i32
      %dma_wait3A_139 = arith.constant 0 : i32
      %dma_wait3A_140 = tpu.memref_slice %arg12[%dma_wait3A_130, %dma_wait3A_138, %dma_wait3A_139] : memref<4x128x64xf32, #tpu.memory_space<vmem>> -> memref<1x128x64xf32, #tpu.memory_space<vmem>>
      %dma_wait3A_141 = tpu.memref_squeeze %dma_wait3A_140 : memref<1x128x64xf32, #tpu.memory_space<vmem>> -> memref<128x64xf32, #tpu.memory_space<vmem>>
      %dma_wait3A_142 = arith.constant 0 : i32
      %dma_wait3A_143 = arith.constant 0 : i32
      %dma_wait3A_144 = tpu.memref_slice %arg3[%dma_wait3A_142, %dma_wait3A_143] : memref<10000x64xf32, #tpu.memory_space<hbm>> -> memref<128x64xf32, #tpu.memory_space<hbm>>
      tpu.wait_dma2 semaphore(%arg21 : memref<!tpu.dma_semaphore, #tpu.memory_space<semaphore_mem>>) src(%dma_wait3A_144 : memref<128x64xf32, #tpu.memory_space<hbm>>) dst(%dma_wait3A_141 : memref<128x64xf32, #tpu.memory_space<vmem>>)
      %dma_wait3A_145 = arith.constant 3 : i32
      %dma_wait3A_146 = arith.constant 0 : i32
      %dma_wait3A_147 = arith.constant 0 : i32
      %dma_wait3A_148 = tpu.memref_slice %arg12[%dma_wait3A_145, %dma_wait3A_146, %dma_wait3A_147] : memref<4x128x64xf32, #tpu.memory_space<vmem>> -> memref<1x128x64xf32, #tpu.memory_space<vmem>>
      %dma_wait3A_149 = tpu.memref_squeeze %dma_wait3A_148 : memref<1x128x64xf32, #tpu.memory_space<vmem>> -> memref<128x64xf32, #tpu.memory_space<vmem>>
      %dma_wait3A_150 = arith.constant 0 : i32
      %dma_wait3A_151 = arith.constant 0 : i32
      %dma_wait3A_152 = tpu.memref_slice %arg3[%dma_wait3A_150, %dma_wait3A_151] : memref<10000x64xf32, #tpu.memory_space<hbm>> -> memref<128x64xf32, #tpu.memory_space<hbm>>
      %dma_wait3A_153 = arith.constant 0 : i32
      %dma_wait3A_154 = arith.constant 0 : i32
      %dma_wait3A_155 = tpu.memref_slice %arg12[%dma_wait3A_145, %dma_wait3A_153, %dma_wait3A_154] : memref<4x128x64xf32, #tpu.memory_space<vmem>> -> memref<1x128x64xf32, #tpu.memory_space<vmem>>
      %dma_wait3A_156 = tpu.memref_squeeze %dma_wait3A_155 : memref<1x128x64xf32, #tpu.memory_space<vmem>> -> memref<128x64xf32, #tpu.memory_space<vmem>>
      %dma_wait3A_157 = arith.constant 0 : i32
      %dma_wait3A_158 = arith.constant 0 : i32
      %dma_wait3A_159 = tpu.memref_slice %arg3[%dma_wait3A_157, %dma_wait3A_158] : memref<10000x64xf32, #tpu.memory_space<hbm>> -> memref<128x64xf32, #tpu.memory_space<hbm>>
      tpu.wait_dma2 semaphore(%arg22 : memref<!tpu.dma_semaphore, #tpu.memory_space<semaphore_mem>>) src(%dma_wait3A_159 : memref<128x64xf32, #tpu.memory_space<hbm>>) dst(%dma_wait3A_156 : memref<128x64xf32, #tpu.memory_space<vmem>>)
      %dma_start3A_160 = arith.constant 19968 : i32
      %dma_start3A_161 = tpu.memref_slice %arg9[%dma_start3A_160] : memref<20000xi32, #tpu.memory_space<vmem>> -> memref<32xi32, #tpu.memory_space<vmem>>
      %dma_start3A_162 = arith.constant 0 : i32
      %dma_start3A_163 = arith.constant 0 : i32
      %dma_start3A_164 = tpu.memref_slice %arg3[%dma_start3A_162, %dma_start3A_163] : memref<10000x64xf32, #tpu.memory_space<hbm>> -> memref<10000x64xf32, #tpu.memory_space<hbm>>
      tpu.enqueue_indirect_dma source(%dma_start3A_164 : memref<10000x64xf32, #tpu.memory_space<hbm>>) target(%arg13 : memref<32x64xf32, #tpu.memory_space<vmem>>) offsets(%dma_start3A_161 : memref<32xi32, #tpu.memory_space<vmem>>) semaphore(%arg15 : memref<!tpu.dma_semaphore, #tpu.memory_space<semaphore_mem>>)
      %dma_wait3A_165 = arith.constant 19968 : i32
      %dma_wait3A_166 = tpu.memref_slice %arg9[%dma_wait3A_165] : memref<20000xi32, #tpu.memory_space<vmem>> -> memref<32xi32, #tpu.memory_space<vmem>>
      %dma_wait3A_167 = arith.constant 0 : i32
      %dma_wait3A_168 = arith.constant 0 : i32
      %dma_wait3A_169 = tpu.memref_slice %arg3[%dma_wait3A_167, %dma_wait3A_168] : memref<10000x64xf32, #tpu.memory_space<hbm>> -> memref<10000x64xf32, #tpu.memory_space<hbm>>
      tpu.wait_indirect_dma semaphore(%arg15 : memref<!tpu.dma_semaphore, #tpu.memory_space<semaphore_mem>>) src(%dma_wait3A_169 : memref<10000x64xf32, #tpu.memory_space<hbm>>) dst(%arg13 : memref<32x64xf32, #tpu.memory_space<vmem>>)
      %run_scoped3A = arith.constant 0 : i32
      "tpu.region"() ({
        %run_scoped3A_170 = tpu.sem_alloc : memref<!tpu.dma_semaphore, #tpu.memory_space<semaphore_mem>>
        %dma_start3A_171 = arith.constant 0 : i32
        %dma_start3A_172 = tpu.memref_slice %arg11[%run_scoped3A, %dma_start3A_171] : memref<1x32xi32, #tpu.memory_space<vmem>> -> memref<1x32xi32, #tpu.memory_space<vmem>>
        %dma_start3A_173 = tpu.memref_squeeze %dma_start3A_172 : memref<1x32xi32, #tpu.memory_space<vmem>> -> memref<32xi32, #tpu.memory_space<vmem>>
        %dma_start3A_174 = arith.constant 0 : i32
        %dma_start3A_175 = arith.constant 0 : i32
        %dma_start3A_176 = tpu.memref_slice %arg24[%dma_start3A_174, %dma_start3A_175] : memref<10000x64xf32, #tpu.memory_space<vmem_shared>> -> memref<10000x64xf32, #tpu.memory_space<vmem_shared>>
        tpu.enqueue_indirect_dma source(%arg13 : memref<32x64xf32, #tpu.memory_space<vmem>>) target(%dma_start3A_176 : memref<10000x64xf32, #tpu.memory_space<vmem_shared>>) offsets(%dma_start3A_173 : memref<32xi32, #tpu.memory_space<vmem>>) semaphore(%run_scoped3A_170 : memref<!tpu.dma_semaphore, #tpu.memory_space<semaphore_mem>>) {add = true}
        %dma_wait3A_177 = arith.constant 0 : i32
        %dma_wait3A_178 = tpu.memref_slice %arg11[%run_scoped3A, %dma_wait3A_177] : memref<1x32xi32, #tpu.memory_space<vmem>> -> memref<1x32xi32, #tpu.memory_space<vmem>>
        %dma_wait3A_179 = tpu.memref_squeeze %dma_wait3A_178 : memref<1x32xi32, #tpu.memory_space<vmem>> -> memref<32xi32, #tpu.memory_space<vmem>>
        %dma_wait3A_180 = arith.constant 0 : i32
        %dma_wait3A_181 = arith.constant 0 : i32
        %dma_wait3A_182 = tpu.memref_slice %arg24[%dma_wait3A_180, %dma_wait3A_181] : memref<10000x64xf32, #tpu.memory_space<vmem_shared>> -> memref<10000x64xf32, #tpu.memory_space<vmem_shared>>
        tpu.wait_indirect_dma semaphore(%run_scoped3A_170 : memref<!tpu.dma_semaphore, #tpu.memory_space<semaphore_mem>>) src(%arg13 : memref<32x64xf32, #tpu.memory_space<vmem>>) dst(%dma_wait3A_182 : memref<10000x64xf32, #tpu.memory_space<vmem_shared>>)
        tpu.yield
      }) : () -> ()
    } else {
    }
    %barrier3A_42 = arith.constant 0 : index
    tpu.barrier barrier_id(%barrier3A_42)
    %scan3A_43 = arith.constant 0 : i32
    %scan3A_44 = arith.constant 0 : i32
    %scan3A_45 = arith.constant 78 : i32
    %scan3A_46 = arith.addi %scan3A_44, %scan3A_45 : i32
    %scan3A_47 = arith.constant 1 : i32
    scf.for %scan3A_54 = %scan3A_44 to %scan3A_46 step %scan3A_47  : i32 {
      %jit3A = arith.constant 16 : i32
      %eq3A_55 = arith.constant 0 : i32
      %eq3A_56 = arith.cmpi eq, %jit3A, %eq3A_55 : i32
      %jit3A_57 = arith.constant 1 : i32
      %select_n3A = arith.select %eq3A_56, %jit3A_57, %jit3A : i32
      %rem3A = arith.remsi %scan3A_54, %select_n3A : i32
      %ne3A = arith.constant 0 : i32
      %ne3A_58 = arith.cmpi ne, %rem3A, %ne3A : i32
      %lt3A = arith.constant 0 : i32
      %lt3A_59 = arith.cmpi slt, %rem3A, %lt3A : i32
      %lt3A_60 = arith.constant 0 : i32
      %lt3A_61 = arith.cmpi slt, %select_n3A, %lt3A_60 : i32
      %ne3A_62 = arith.xori %lt3A_59, %lt3A_61 : i1
      %and3A = arith.andi %ne3A_62, %ne3A_58 : i1
      %add3A_63 = arith.addi %rem3A, %select_n3A : i32
      %select_n3A_64 = arith.select %and3A, %add3A_63, %rem3A : i32
      %eq3A_65 = arith.cmpi eq, %select_n3A_64, %arg1 : i32
      %convert_element_type3A_66 = arith.extui %eq3A_65 : i1 to i32
      %cond3A_67 = arith.constant 0 : i32
      %cond3A_68 = arith.cmpi ne, %convert_element_type3A_66, %cond3A_67 : i32
      scf.if %cond3A_68 {
        %eq3A_69 = arith.constant 0 : i32
        %eq3A_70 = arith.cmpi eq, %arg0, %eq3A_69 : i32
        %convert_element_type3A_71 = arith.extui %eq3A_70 : i1 to i32
        %cond3A_72 = arith.constant 0 : i32
        %cond3A_73 = arith.cmpi ne, %convert_element_type3A_71, %cond3A_72 : i32
        scf.if %cond3A_73 {
          %mul3A_79 = arith.constant 128 : i32
          %mul3A_80 = arith.muli %scan3A_54, %mul3A_79 : i32
          %mul3A_81 = arith.constant 128 : i32
          %mul3A_82 = arith.muli %scan3A_54, %mul3A_81 : i32
          "tpu.region"() ({
            %run_scoped3A = tpu.sem_alloc : memref<!tpu.dma_semaphore, #tpu.memory_space<semaphore_mem>>
            %dma_start3A_83 = arith.constant 0 : i32
            %dma_start3A_84 = tpu.memref_slice %arg7[%mul3A_82, %dma_start3A_83] : memref<10000x64xf32, #tpu.memory_space<hbm>> -> memref<128x64xf32, #tpu.memory_space<hbm>>
            %dma_start3A_85 = arith.constant 0 : i32
            %dma_start3A_86 = tpu.memref_slice %arg24[%mul3A_80, %dma_start3A_85] : memref<10000x64xf32, #tpu.memory_space<vmem_shared>> -> memref<128x64xf32, #tpu.memory_space<vmem_shared>>
            tpu.enqueue_dma source(%dma_start3A_86 : memref<128x64xf32, #tpu.memory_space<vmem_shared>>) target(%dma_start3A_84 : memref<128x64xf32, #tpu.memory_space<hbm>>) target_semaphore(%run_scoped3A : memref<!tpu.dma_semaphore, #tpu.memory_space<semaphore_mem>>)
            %dma_wait3A_87 = arith.constant 0 : i32
            %dma_wait3A_88 = tpu.memref_slice %arg7[%mul3A_82, %dma_wait3A_87] : memref<10000x64xf32, #tpu.memory_space<hbm>> -> memref<128x64xf32, #tpu.memory_space<hbm>>
            %dma_wait3A_89 = arith.constant 0 : i32
            %dma_wait3A_90 = tpu.memref_slice %arg24[%mul3A_80, %dma_wait3A_89] : memref<10000x64xf32, #tpu.memory_space<vmem_shared>> -> memref<128x64xf32, #tpu.memory_space<vmem_shared>>
            tpu.wait_dma2 semaphore(%run_scoped3A : memref<!tpu.dma_semaphore, #tpu.memory_space<semaphore_mem>>) src(%dma_wait3A_90 : memref<128x64xf32, #tpu.memory_space<vmem_shared>>) dst(%dma_wait3A_88 : memref<128x64xf32, #tpu.memory_space<hbm>>)
            tpu.yield
          }) : () -> ()
        } else {
        }
        %eq3A_74 = arith.constant 1 : i32
        %eq3A_75 = arith.cmpi eq, %arg0, %eq3A_74 : i32
        %convert_element_type3A_76 = arith.extui %eq3A_75 : i1 to i32
        %cond3A_77 = arith.constant 0 : i32
        %cond3A_78 = arith.cmpi ne, %convert_element_type3A_76, %cond3A_77 : i32
        scf.if %cond3A_78 {
          %mul3A_79 = arith.constant 128 : i32
          %mul3A_80 = arith.muli %scan3A_54, %mul3A_79 : i32
          %mul3A_81 = arith.constant 128 : i32
          %mul3A_82 = arith.muli %scan3A_54, %mul3A_81 : i32
          "tpu.region"() ({
            %run_scoped3A = tpu.sem_alloc : memref<!tpu.dma_semaphore, #tpu.memory_space<semaphore_mem>>
            %dma_start3A_83 = arith.constant 0 : i32
            %dma_start3A_84 = tpu.memref_slice %arg8[%mul3A_82, %dma_start3A_83] : memref<10000x64xf32, #tpu.memory_space<hbm>> -> memref<128x64xf32, #tpu.memory_space<hbm>>
            %dma_start3A_85 = arith.constant 0 : i32
            %dma_start3A_86 = tpu.memref_slice %arg24[%mul3A_80, %dma_start3A_85] : memref<10000x64xf32, #tpu.memory_space<vmem_shared>> -> memref<128x64xf32, #tpu.memory_space<vmem_shared>>
            tpu.enqueue_dma source(%dma_start3A_86 : memref<128x64xf32, #tpu.memory_space<vmem_shared>>) target(%dma_start3A_84 : memref<128x64xf32, #tpu.memory_space<hbm>>) target_semaphore(%run_scoped3A : memref<!tpu.dma_semaphore, #tpu.memory_space<semaphore_mem>>)
            %dma_wait3A_87 = arith.constant 0 : i32
            %dma_wait3A_88 = tpu.memref_slice %arg8[%mul3A_82, %dma_wait3A_87] : memref<10000x64xf32, #tpu.memory_space<hbm>> -> memref<128x64xf32, #tpu.memory_space<hbm>>
            %dma_wait3A_89 = arith.constant 0 : i32
            %dma_wait3A_90 = tpu.memref_slice %arg24[%mul3A_80, %dma_wait3A_89] : memref<10000x64xf32, #tpu.memory_space<vmem_shared>> -> memref<128x64xf32, #tpu.memory_space<vmem_shared>>
            tpu.wait_dma2 semaphore(%run_scoped3A : memref<!tpu.dma_semaphore, #tpu.memory_space<semaphore_mem>>) src(%dma_wait3A_90 : memref<128x64xf32, #tpu.memory_space<vmem_shared>>) dst(%dma_wait3A_88 : memref<128x64xf32, #tpu.memory_space<hbm>>)
            tpu.yield
          }) : () -> ()
        } else {
        }
      } else {
      }
    }
    %scan3A_48 = arith.constant 78 : i32
    %eq3A_49 = arith.constant 14 : i32
    %eq3A_50 = arith.cmpi eq, %arg1, %eq3A_49 : i32
    %convert_element_type3A_51 = arith.extui %eq3A_50 : i1 to i32
    %cond3A_52 = arith.constant 0 : i32
    %cond3A_53 = arith.cmpi ne, %convert_element_type3A_51, %cond3A_52 : i32
    scf.if %cond3A_53 {
      %eq3A_54 = arith.constant 0 : i32
      %eq3A_55 = arith.cmpi eq, %arg0, %eq3A_54 : i32
      %convert_element_type3A_56 = arith.extui %eq3A_55 : i1 to i32
      %cond3A_57 = arith.constant 0 : i32
      %cond3A_58 = arith.cmpi ne, %convert_element_type3A_56, %cond3A_57 : i32
      scf.if %cond3A_58 {
        "tpu.region"() ({
          %run_scoped3A = tpu.sem_alloc : memref<!tpu.dma_semaphore, #tpu.memory_space<semaphore_mem>>
          %dma_start3A_64 = arith.constant 9984 : i32
          %dma_start3A_65 = arith.constant 0 : i32
          %dma_start3A_66 = tpu.memref_slice %arg7[%dma_start3A_64, %dma_start3A_65] : memref<10000x64xf32, #tpu.memory_space<hbm>> -> memref<16x64xf32, #tpu.memory_space<hbm>>
          %dma_start3A_67 = arith.constant 9984 : i32
          %dma_start3A_68 = arith.constant 0 : i32
          %dma_start3A_69 = tpu.memref_slice %arg24[%dma_start3A_67, %dma_start3A_68] : memref<10000x64xf32, #tpu.memory_space<vmem_shared>> -> memref<16x64xf32, #tpu.memory_space<vmem_shared>>
          tpu.enqueue_dma source(%dma_start3A_69 : memref<16x64xf32, #tpu.memory_space<vmem_shared>>) target(%dma_start3A_66 : memref<16x64xf32, #tpu.memory_space<hbm>>) target_semaphore(%run_scoped3A : memref<!tpu.dma_semaphore, #tpu.memory_space<semaphore_mem>>)
          %dma_wait3A_70 = arith.constant 9984 : i32
          %dma_wait3A_71 = arith.constant 0 : i32
          %dma_wait3A_72 = tpu.memref_slice %arg7[%dma_wait3A_70, %dma_wait3A_71] : memref<10000x64xf32, #tpu.memory_space<hbm>> -> memref<16x64xf32, #tpu.memory_space<hbm>>
          %dma_wait3A_73 = arith.constant 9984 : i32
          %dma_wait3A_74 = arith.constant 0 : i32
          %dma_wait3A_75 = tpu.memref_slice %arg24[%dma_wait3A_73, %dma_wait3A_74] : memref<10000x64xf32, #tpu.memory_space<vmem_shared>> -> memref<16x64xf32, #tpu.memory_space<vmem_shared>>
          tpu.wait_dma2 semaphore(%run_scoped3A : memref<!tpu.dma_semaphore, #tpu.memory_space<semaphore_mem>>) src(%dma_wait3A_75 : memref<16x64xf32, #tpu.memory_space<vmem_shared>>) dst(%dma_wait3A_72 : memref<16x64xf32, #tpu.memory_space<hbm>>)
          tpu.yield
        }) : () -> ()
      } else {
      }
      %eq3A_59 = arith.constant 1 : i32
      %eq3A_60 = arith.cmpi eq, %arg0, %eq3A_59 : i32
      %convert_element_type3A_61 = arith.extui %eq3A_60 : i1 to i32
      %cond3A_62 = arith.constant 0 : i32
      %cond3A_63 = arith.cmpi ne, %convert_element_type3A_61, %cond3A_62 : i32
      scf.if %cond3A_63 {
        "tpu.region"() ({
          %run_scoped3A = tpu.sem_alloc : memref<!tpu.dma_semaphore, #tpu.memory_space<semaphore_mem>>
          %dma_start3A_64 = arith.constant 9984 : i32
          %dma_start3A_65 = arith.constant 0 : i32
          %dma_start3A_66 = tpu.memref_slice %arg8[%dma_start3A_64, %dma_start3A_65] : memref<10000x64xf32, #tpu.memory_space<hbm>> -> memref<16x64xf32, #tpu.memory_space<hbm>>
          %dma_start3A_67 = arith.constant 9984 : i32
          %dma_start3A_68 = arith.constant 0 : i32
          %dma_start3A_69 = tpu.memref_slice %arg24[%dma_start3A_67, %dma_start3A_68] : memref<10000x64xf32, #tpu.memory_space<vmem_shared>> -> memref<16x64xf32, #tpu.memory_space<vmem_shared>>
          tpu.enqueue_dma source(%dma_start3A_69 : memref<16x64xf32, #tpu.memory_space<vmem_shared>>) target(%dma_start3A_66 : memref<16x64xf32, #tpu.memory_space<hbm>>) target_semaphore(%run_scoped3A : memref<!tpu.dma_semaphore, #tpu.memory_space<semaphore_mem>>)
          %dma_wait3A_70 = arith.constant 9984 : i32
          %dma_wait3A_71 = arith.constant 0 : i32
          %dma_wait3A_72 = tpu.memref_slice %arg8[%dma_wait3A_70, %dma_wait3A_71] : memref<10000x64xf32, #tpu.memory_space<hbm>> -> memref<16x64xf32, #tpu.memory_space<hbm>>
          %dma_wait3A_73 = arith.constant 9984 : i32
          %dma_wait3A_74 = arith.constant 0 : i32
          %dma_wait3A_75 = tpu.memref_slice %arg24[%dma_wait3A_73, %dma_wait3A_74] : memref<10000x64xf32, #tpu.memory_space<vmem_shared>> -> memref<16x64xf32, #tpu.memory_space<vmem_shared>>
          tpu.wait_dma2 semaphore(%run_scoped3A : memref<!tpu.dma_semaphore, #tpu.memory_space<semaphore_mem>>) src(%dma_wait3A_75 : memref<16x64xf32, #tpu.memory_space<vmem_shared>>) dst(%dma_wait3A_72 : memref<16x64xf32, #tpu.memory_space<hbm>>)
          tpu.yield
        }) : () -> ()
      } else {
      }
    } else {
    }
    return
  }
}

#map = affine_map<(d0, d1) -> (0, 0)>
#map1 = affine_map<(d0, d1) -> (0)>
module attributes {stable_mosaic.version = 14 : i64} {
  func.func @gin_agg(%arg0: i32, %arg1: i32, %arg2: memref<10000x32xf32, #tpu.memory_space<hbm>>, %arg3: memref<10000x32xf32, #tpu.memory_space<hbm>>, %arg4: memref<320000xi32, #tpu.memory_space<hbm>>, %arg5: memref<320000xi32, #tpu.memory_space<hbm>>, %arg6: memref<128x32xf32, #tpu.memory_space<hbm>>, %arg7: memref<10000x32xf32, #tpu.memory_space<hbm>>, %arg8: memref<10000x32xf32, #tpu.memory_space<hbm>>, %arg9: memref<20000xi32, #tpu.memory_space<vmem>>, %arg10: memref<156x128xi32, #tpu.memory_space<vmem>>, %arg11: memref<1x32xi32, #tpu.memory_space<vmem>>, %arg12: memref<4x128x32xf32, #tpu.memory_space<vmem>>, %arg13: memref<32x32xf32, #tpu.memory_space<vmem>>, %arg14: memref<128x32xf32, #tpu.memory_space<vmem>>, %arg15: memref<!tpu.dma_semaphore, #tpu.memory_space<semaphore_mem>>, %arg16: memref<!tpu.dma_semaphore, #tpu.memory_space<semaphore_mem>>, %arg17: memref<!tpu.dma_semaphore, #tpu.memory_space<semaphore_mem>>, %arg18: memref<!tpu.dma_semaphore, #tpu.memory_space<semaphore_mem>>, %arg19: memref<!tpu.dma_semaphore, #tpu.memory_space<semaphore_mem>>, %arg20: memref<!tpu.dma_semaphore, #tpu.memory_space<semaphore_mem>>, %arg21: memref<!tpu.dma_semaphore, #tpu.memory_space<semaphore_mem>>, %arg22: memref<!tpu.dma_semaphore, #tpu.memory_space<semaphore_mem>>, %arg23: memref<!tpu.dma_semaphore, #tpu.memory_space<semaphore_mem>>, %arg24: memref<10000x32xf32, #tpu.memory_space<vmem_shared>>) attributes {dimension_semantics = [#tpu.dimension_semantics<core_parallel>, #tpu.dimension_semantics<subcore_parallel>], iteration_bounds = array<i64: 2, 16>, scalar_prefetch = 0 : i64, scratch_operands = 16 : i64, tpu.core_type = #tpu.core_type<sc_vector_subcore>, window_params = [{transform_indices = #map}, {transform_indices = #map}, {transform_indices = #map1}, {transform_indices = #map1}, {transform_indices = #map}, {transform_indices = #map}, {transform_indices = #map}]} {
    "tpu.region"() ({
      %run_scoped3A = tpu.sem_alloc : memref<!tpu.dma_semaphore, #tpu.memory_space<semaphore_mem>>
      tpu.enqueue_dma source(%arg6 : memref<128x32xf32, #tpu.memory_space<hbm>>) target(%arg14 : memref<128x32xf32, #tpu.memory_space<vmem>>) target_semaphore(%run_scoped3A : memref<!tpu.dma_semaphore, #tpu.memory_space<semaphore_mem>>)
      tpu.wait_dma2 semaphore(%run_scoped3A : memref<!tpu.dma_semaphore, #tpu.memory_space<semaphore_mem>>) src(%arg6 : memref<128x32xf32, #tpu.memory_space<hbm>>) dst(%arg14 : memref<128x32xf32, #tpu.memory_space<vmem>>)
      tpu.yield
    }) : () -> ()
    %mul3A = arith.constant 20000 : i32
    %mul3A_0 = arith.muli %arg1, %mul3A : i32
    %dma_start3A = tpu.memref_slice %arg4[%mul3A_0] : memref<320000xi32, #tpu.memory_space<hbm>> -> memref<20000xi32, #tpu.memory_space<hbm>>
    %dma_start3A_1 = tpu.memref_slice %arg4[%mul3A_0] : memref<320000xi32, #tpu.memory_space<hbm>> -> memref<20000xi32, #tpu.memory_space<hbm>>
    tpu.enqueue_dma source(%dma_start3A_1 : memref<20000xi32, #tpu.memory_space<hbm>>) target(%arg9 : memref<20000xi32, #tpu.memory_space<vmem>>) target_semaphore(%arg23 : memref<!tpu.dma_semaphore, #tpu.memory_space<semaphore_mem>>)
    %scan3A = arith.constant 0 : i32
    %scan3A_2 = arith.constant 0 : i32
    %scan3A_3 = arith.constant 156 : i32
    %scan3A_4 = arith.addi %scan3A_2, %scan3A_3 : i32
    %scan3A_5 = arith.constant 1 : i32
    scf.for %scan3A_54 = %scan3A_2 to %scan3A_4 step %scan3A_5  : i32 {
      %mul3A_55 = arith.constant 128 : i32
      %mul3A_56 = arith.muli %scan3A_54, %mul3A_55 : i32
      %add3A_57 = arith.addi %mul3A_0, %mul3A_56 : i32
      %dma_start3A_58 = arith.constant 0 : i32
      %dma_start3A_59 = tpu.memref_slice %arg10[%scan3A_54, %dma_start3A_58] : memref<156x128xi32, #tpu.memory_space<vmem>> -> memref<1x128xi32, #tpu.memory_space<vmem>>
      %dma_start3A_60 = tpu.memref_squeeze %dma_start3A_59 : memref<1x128xi32, #tpu.memory_space<vmem>> -> memref<128xi32, #tpu.memory_space<vmem>>
      %dma_start3A_61 = tpu.memref_slice %arg5[%add3A_57] : memref<320000xi32, #tpu.memory_space<hbm>> -> memref<128xi32, #tpu.memory_space<hbm>>
      %dma_start3A_62 = arith.constant 0 : i32
      %dma_start3A_63 = tpu.memref_slice %arg10[%scan3A_54, %dma_start3A_62] : memref<156x128xi32, #tpu.memory_space<vmem>> -> memref<1x128xi32, #tpu.memory_space<vmem>>
      %dma_start3A_64 = tpu.memref_squeeze %dma_start3A_63 : memref<1x128xi32, #tpu.memory_space<vmem>> -> memref<128xi32, #tpu.memory_space<vmem>>
      %dma_start3A_65 = tpu.memref_slice %arg5[%add3A_57] : memref<320000xi32, #tpu.memory_space<hbm>> -> memref<128xi32, #tpu.memory_space<hbm>>
      tpu.enqueue_dma source(%dma_start3A_65 : memref<128xi32, #tpu.memory_space<hbm>>) target(%dma_start3A_64 : memref<128xi32, #tpu.memory_space<vmem>>) target_semaphore(%arg23 : memref<!tpu.dma_semaphore, #tpu.memory_space<semaphore_mem>>)
    }
    %scan3A_6 = arith.constant 156 : i32
    %add3A = arith.constant 19968 : i32
    %add3A_7 = arith.addi %mul3A_0, %add3A : i32
    %dma_start3A_8 = arith.constant 0 : i32
    %dma_start3A_9 = arith.constant 0 : i32
    %dma_start3A_10 = tpu.memref_slice %arg11[%dma_start3A_8, %dma_start3A_9] : memref<1x32xi32, #tpu.memory_space<vmem>> -> memref<1x32xi32, #tpu.memory_space<vmem>>
    %dma_start3A_11 = tpu.memref_squeeze %dma_start3A_10 : memref<1x32xi32, #tpu.memory_space<vmem>> -> memref<32xi32, #tpu.memory_space<vmem>>
    %dma_start3A_12 = tpu.memref_slice %arg5[%add3A_7] : memref<320000xi32, #tpu.memory_space<hbm>> -> memref<32xi32, #tpu.memory_space<hbm>>
    %dma_start3A_13 = arith.constant 0 : i32
    %dma_start3A_14 = tpu.memref_slice %arg11[%dma_start3A_8, %dma_start3A_13] : memref<1x32xi32, #tpu.memory_space<vmem>> -> memref<1x32xi32, #tpu.memory_space<vmem>>
    %dma_start3A_15 = tpu.memref_squeeze %dma_start3A_14 : memref<1x32xi32, #tpu.memory_space<vmem>> -> memref<32xi32, #tpu.memory_space<vmem>>
    %dma_start3A_16 = tpu.memref_slice %arg5[%add3A_7] : memref<320000xi32, #tpu.memory_space<hbm>> -> memref<32xi32, #tpu.memory_space<hbm>>
    tpu.enqueue_dma source(%dma_start3A_16 : memref<32xi32, #tpu.memory_space<hbm>>) target(%dma_start3A_15 : memref<32xi32, #tpu.memory_space<vmem>>) target_semaphore(%arg23 : memref<!tpu.dma_semaphore, #tpu.memory_space<semaphore_mem>>)
    %scan3A_17 = arith.constant 0 : i32
    %scan3A_18 = arith.constant 0 : i32
    %scan3A_19 = arith.constant 78 : i32
    %scan3A_20 = arith.addi %scan3A_18, %scan3A_19 : i32
    %scan3A_21 = arith.constant 1 : i32
    scf.for %scan3A_54 = %scan3A_18 to %scan3A_20 step %scan3A_21  : i32 {
      %jit3A = arith.constant 16 : i32
      %eq3A_55 = arith.constant 0 : i32
      %eq3A_56 = arith.cmpi eq, %jit3A, %eq3A_55 : i32
      %jit3A_57 = arith.constant 1 : i32
      %select_n3A = arith.select %eq3A_56, %jit3A_57, %jit3A : i32
      %rem3A = arith.remsi %scan3A_54, %select_n3A : i32
      %ne3A = arith.constant 0 : i32
      %ne3A_58 = arith.cmpi ne, %rem3A, %ne3A : i32
      %lt3A = arith.constant 0 : i32
      %lt3A_59 = arith.cmpi slt, %rem3A, %lt3A : i32
      %lt3A_60 = arith.constant 0 : i32
      %lt3A_61 = arith.cmpi slt, %select_n3A, %lt3A_60 : i32
      %ne3A_62 = arith.xori %lt3A_59, %lt3A_61 : i1
      %and3A = arith.andi %ne3A_62, %ne3A_58 : i1
      %add3A_63 = arith.addi %rem3A, %select_n3A : i32
      %select_n3A_64 = arith.select %and3A, %add3A_63, %rem3A : i32
      %eq3A_65 = arith.cmpi eq, %select_n3A_64, %arg1 : i32
      %convert_element_type3A_66 = arith.extui %eq3A_65 : i1 to i32
      %cond3A_67 = arith.constant 0 : i32
      %cond3A_68 = arith.cmpi ne, %convert_element_type3A_66, %cond3A_67 : i32
      scf.if %cond3A_68 {
        %mul3A_69 = arith.constant 128 : i32
        %mul3A_70 = arith.muli %scan3A_54, %mul3A_69 : i32
        "tpu.region"() ({
          %run_scoped3A = tpu.sem_alloc : memref<!tpu.dma_semaphore, #tpu.memory_space<semaphore_mem>>
          %dma_start3A_71 = arith.constant 0 : i32
          %dma_start3A_72 = tpu.memref_slice %arg24[%mul3A_70, %dma_start3A_71] : memref<10000x32xf32, #tpu.memory_space<vmem_shared>> -> memref<128x32xf32, #tpu.memory_space<vmem_shared>>
          %dma_start3A_73 = arith.constant 0 : i32
          %dma_start3A_74 = tpu.memref_slice %arg24[%mul3A_70, %dma_start3A_73] : memref<10000x32xf32, #tpu.memory_space<vmem_shared>> -> memref<128x32xf32, #tpu.memory_space<vmem_shared>>
          tpu.enqueue_dma source(%arg14 : memref<128x32xf32, #tpu.memory_space<vmem>>) target(%dma_start3A_74 : memref<128x32xf32, #tpu.memory_space<vmem_shared>>) target_semaphore(%run_scoped3A : memref<!tpu.dma_semaphore, #tpu.memory_space<semaphore_mem>>)
          %dma_wait3A_75 = arith.constant 0 : i32
          %dma_wait3A_76 = tpu.memref_slice %arg24[%mul3A_70, %dma_wait3A_75] : memref<10000x32xf32, #tpu.memory_space<vmem_shared>> -> memref<128x32xf32, #tpu.memory_space<vmem_shared>>
          %dma_wait3A_77 = arith.constant 0 : i32
          %dma_wait3A_78 = tpu.memref_slice %arg24[%mul3A_70, %dma_wait3A_77] : memref<10000x32xf32, #tpu.memory_space<vmem_shared>> -> memref<128x32xf32, #tpu.memory_space<vmem_shared>>
          tpu.wait_dma2 semaphore(%run_scoped3A : memref<!tpu.dma_semaphore, #tpu.memory_space<semaphore_mem>>) src(%arg14 : memref<128x32xf32, #tpu.memory_space<vmem>>) dst(%dma_wait3A_78 : memref<128x32xf32, #tpu.memory_space<vmem_shared>>)
          tpu.yield
        }) : () -> ()
      } else {
      }
    }
    %scan3A_22 = arith.constant 78 : i32
    %eq3A = arith.constant 14 : i32
    %eq3A_23 = arith.cmpi eq, %arg1, %eq3A : i32
    %convert_element_type3A = arith.extui %eq3A_23 : i1 to i32
    %cond3A = arith.constant 0 : i32
    %cond3A_24 = arith.cmpi ne, %convert_element_type3A, %cond3A : i32
    scf.if %cond3A_24 {
      "tpu.region"() ({
        %run_scoped3A = tpu.sem_alloc : memref<!tpu.dma_semaphore, #tpu.memory_space<semaphore_mem>>
        %dma_start3A_54 = arith.constant 0 : i32
        %dma_start3A_55 = arith.constant 0 : i32
        %dma_start3A_56 = tpu.memref_slice %arg14[%dma_start3A_54, %dma_start3A_55] : memref<128x32xf32, #tpu.memory_space<vmem>> -> memref<16x32xf32, #tpu.memory_space<vmem>>
        %dma_start3A_57 = arith.constant 9984 : i32
        %dma_start3A_58 = arith.constant 0 : i32
        %dma_start3A_59 = tpu.memref_slice %arg24[%dma_start3A_57, %dma_start3A_58] : memref<10000x32xf32, #tpu.memory_space<vmem_shared>> -> memref<16x32xf32, #tpu.memory_space<vmem_shared>>
        %dma_start3A_60 = arith.constant 9984 : i32
        %dma_start3A_61 = arith.constant 0 : i32
        %dma_start3A_62 = tpu.memref_slice %arg24[%dma_start3A_60, %dma_start3A_61] : memref<10000x32xf32, #tpu.memory_space<vmem_shared>> -> memref<16x32xf32, #tpu.memory_space<vmem_shared>>
        %dma_start3A_63 = arith.constant 0 : i32
        %dma_start3A_64 = arith.constant 0 : i32
        %dma_start3A_65 = tpu.memref_slice %arg14[%dma_start3A_63, %dma_start3A_64] : memref<128x32xf32, #tpu.memory_space<vmem>> -> memref<16x32xf32, #tpu.memory_space<vmem>>
        tpu.enqueue_dma source(%dma_start3A_65 : memref<16x32xf32, #tpu.memory_space<vmem>>) target(%dma_start3A_62 : memref<16x32xf32, #tpu.memory_space<vmem_shared>>) target_semaphore(%run_scoped3A : memref<!tpu.dma_semaphore, #tpu.memory_space<semaphore_mem>>)
        %dma_wait3A_66 = arith.constant 0 : i32
        %dma_wait3A_67 = arith.constant 0 : i32
        %dma_wait3A_68 = tpu.memref_slice %arg14[%dma_wait3A_66, %dma_wait3A_67] : memref<128x32xf32, #tpu.memory_space<vmem>> -> memref<16x32xf32, #tpu.memory_space<vmem>>
        %dma_wait3A_69 = arith.constant 9984 : i32
        %dma_wait3A_70 = arith.constant 0 : i32
        %dma_wait3A_71 = tpu.memref_slice %arg24[%dma_wait3A_69, %dma_wait3A_70] : memref<10000x32xf32, #tpu.memory_space<vmem_shared>> -> memref<16x32xf32, #tpu.memory_space<vmem_shared>>
        %dma_wait3A_72 = arith.constant 9984 : i32
        %dma_wait3A_73 = arith.constant 0 : i32
        %dma_wait3A_74 = tpu.memref_slice %arg24[%dma_wait3A_72, %dma_wait3A_73] : memref<10000x32xf32, #tpu.memory_space<vmem_shared>> -> memref<16x32xf32, #tpu.memory_space<vmem_shared>>
        %dma_wait3A_75 = arith.constant 0 : i32
        %dma_wait3A_76 = arith.constant 0 : i32
        %dma_wait3A_77 = tpu.memref_slice %arg14[%dma_wait3A_75, %dma_wait3A_76] : memref<128x32xf32, #tpu.memory_space<vmem>> -> memref<16x32xf32, #tpu.memory_space<vmem>>
        tpu.wait_dma2 semaphore(%run_scoped3A : memref<!tpu.dma_semaphore, #tpu.memory_space<semaphore_mem>>) src(%dma_wait3A_77 : memref<16x32xf32, #tpu.memory_space<vmem>>) dst(%dma_wait3A_74 : memref<16x32xf32, #tpu.memory_space<vmem_shared>>)
        tpu.yield
      }) : () -> ()
    } else {
    }
    %barrier3A = arith.constant 0 : index
    tpu.barrier barrier_id(%barrier3A)
    %dma_wait3A = arith.constant 0 : i32
    %dma_wait3A_25 = tpu.memref_slice %arg5[%dma_wait3A] : memref<320000xi32, #tpu.memory_space<hbm>> -> memref<20000xi32, #tpu.memory_space<hbm>>
    %dma_wait3A_26 = arith.constant 0 : i32
    %dma_wait3A_27 = tpu.memref_slice %arg5[%dma_wait3A_26] : memref<320000xi32, #tpu.memory_space<hbm>> -> memref<20000xi32, #tpu.memory_space<hbm>>
    tpu.wait_dma2 semaphore(%arg23 : memref<!tpu.dma_semaphore, #tpu.memory_space<semaphore_mem>>) src(%dma_wait3A_27 : memref<20000xi32, #tpu.memory_space<hbm>>) dst(%arg9 : memref<20000xi32, #tpu.memory_space<vmem>>)
    %dma_wait3A_28 = arith.constant 0 : i32
    %dma_wait3A_29 = tpu.memref_slice %arg5[%dma_wait3A_28] : memref<320000xi32, #tpu.memory_space<hbm>> -> memref<20000xi32, #tpu.memory_space<hbm>>
    %dma_wait3A_30 = arith.constant 0 : i32
    %dma_wait3A_31 = tpu.memref_slice %arg5[%dma_wait3A_30] : memref<320000xi32, #tpu.memory_space<hbm>> -> memref<20000xi32, #tpu.memory_space<hbm>>
    tpu.wait_dma2 semaphore(%arg23 : memref<!tpu.dma_semaphore, #tpu.memory_space<semaphore_mem>>) src(%dma_wait3A_31 : memref<20000xi32, #tpu.memory_space<hbm>>) dst(%arg9 : memref<20000xi32, #tpu.memory_space<vmem>>)
    %eq3A_32 = arith.constant 0 : i32
    %eq3A_33 = arith.cmpi eq, %arg0, %eq3A_32 : i32
    %convert_element_type3A_34 = arith.extui %eq3A_33 : i1 to i32
    %cond3A_35 = arith.constant 0 : i32
    %cond3A_36 = arith.cmpi ne, %convert_element_type3A_34, %cond3A_35 : i32
    scf.if %cond3A_36 {
      %dma_start3A_54 = arith.constant 0 : i32
      %dma_start3A_55 = arith.constant 0 : i32
      %dma_start3A_56 = arith.constant 0 : i32
      %dma_start3A_57 = tpu.memref_slice %arg12[%dma_start3A_54, %dma_start3A_55, %dma_start3A_56] : memref<4x128x32xf32, #tpu.memory_space<vmem>> -> memref<1x128x32xf32, #tpu.memory_space<vmem>>
      %dma_start3A_58 = tpu.memref_squeeze %dma_start3A_57 : memref<1x128x32xf32, #tpu.memory_space<vmem>> -> memref<128x32xf32, #tpu.memory_space<vmem>>
      %dma_start3A_59 = arith.constant 0 : i32
      %dma_start3A_60 = tpu.memref_slice %arg9[%dma_start3A_59] : memref<20000xi32, #tpu.memory_space<vmem>> -> memref<128xi32, #tpu.memory_space<vmem>>
      %dma_start3A_61 = arith.constant 0 : i32
      %dma_start3A_62 = arith.constant 0 : i32
      %dma_start3A_63 = tpu.memref_slice %arg2[%dma_start3A_61, %dma_start3A_62] : memref<10000x32xf32, #tpu.memory_space<hbm>> -> memref<10000x32xf32, #tpu.memory_space<hbm>>
      tpu.enqueue_indirect_dma source(%dma_start3A_63 : memref<10000x32xf32, #tpu.memory_space<hbm>>) target(%dma_start3A_58 : memref<128x32xf32, #tpu.memory_space<vmem>>) offsets(%dma_start3A_60 : memref<128xi32, #tpu.memory_space<vmem>>) semaphore(%arg15 : memref<!tpu.dma_semaphore, #tpu.memory_space<semaphore_mem>>)
      %dma_start3A_64 = arith.constant 1 : i32
      %dma_start3A_65 = arith.constant 0 : i32
      %dma_start3A_66 = arith.constant 0 : i32
      %dma_start3A_67 = tpu.memref_slice %arg12[%dma_start3A_64, %dma_start3A_65, %dma_start3A_66] : memref<4x128x32xf32, #tpu.memory_space<vmem>> -> memref<1x128x32xf32, #tpu.memory_space<vmem>>
      %dma_start3A_68 = tpu.memref_squeeze %dma_start3A_67 : memref<1x128x32xf32, #tpu.memory_space<vmem>> -> memref<128x32xf32, #tpu.memory_space<vmem>>
      %dma_start3A_69 = arith.constant 128 : i32
      %dma_start3A_70 = tpu.memref_slice %arg9[%dma_start3A_69] : memref<20000xi32, #tpu.memory_space<vmem>> -> memref<128xi32, #tpu.memory_space<vmem>>
      %dma_start3A_71 = arith.constant 0 : i32
      %dma_start3A_72 = arith.constant 0 : i32
      %dma_start3A_73 = tpu.memref_slice %arg2[%dma_start3A_71, %dma_start3A_72] : memref<10000x32xf32, #tpu.memory_space<hbm>> -> memref<10000x32xf32, #tpu.memory_space<hbm>>
      tpu.enqueue_indirect_dma source(%dma_start3A_73 : memref<10000x32xf32, #tpu.memory_space<hbm>>) target(%dma_start3A_68 : memref<128x32xf32, #tpu.memory_space<vmem>>) offsets(%dma_start3A_70 : memref<128xi32, #tpu.memory_space<vmem>>) semaphore(%arg16 : memref<!tpu.dma_semaphore, #tpu.memory_space<semaphore_mem>>)
      %dma_start3A_74 = arith.constant 2 : i32
      %dma_start3A_75 = arith.constant 0 : i32
      %dma_start3A_76 = arith.constant 0 : i32
      %dma_start3A_77 = tpu.memref_slice %arg12[%dma_start3A_74, %dma_start3A_75, %dma_start3A_76] : memref<4x128x32xf32, #tpu.memory_space<vmem>> -> memref<1x128x32xf32, #tpu.memory_space<vmem>>
      %dma_start3A_78 = tpu.memref_squeeze %dma_start3A_77 : memref<1x128x32xf32, #tpu.memory_space<vmem>> -> memref<128x32xf32, #tpu.memory_space<vmem>>
      %dma_start3A_79 = arith.constant 256 : i32
      %dma_start3A_80 = tpu.memref_slice %arg9[%dma_start3A_79] : memref<20000xi32, #tpu.memory_space<vmem>> -> memref<128xi32, #tpu.memory_space<vmem>>
      %dma_start3A_81 = arith.constant 0 : i32
      %dma_start3A_82 = arith.constant 0 : i32
      %dma_start3A_83 = tpu.memref_slice %arg2[%dma_start3A_81, %dma_start3A_82] : memref<10000x32xf32, #tpu.memory_space<hbm>> -> memref<10000x32xf32, #tpu.memory_space<hbm>>
      tpu.enqueue_indirect_dma source(%dma_start3A_83 : memref<10000x32xf32, #tpu.memory_space<hbm>>) target(%dma_start3A_78 : memref<128x32xf32, #tpu.memory_space<vmem>>) offsets(%dma_start3A_80 : memref<128xi32, #tpu.memory_space<vmem>>) semaphore(%arg17 : memref<!tpu.dma_semaphore, #tpu.memory_space<semaphore_mem>>)
      %dma_start3A_84 = arith.constant 3 : i32
      %dma_start3A_85 = arith.constant 0 : i32
      %dma_start3A_86 = arith.constant 0 : i32
      %dma_start3A_87 = tpu.memref_slice %arg12[%dma_start3A_84, %dma_start3A_85, %dma_start3A_86] : memref<4x128x32xf32, #tpu.memory_space<vmem>> -> memref<1x128x32xf32, #tpu.memory_space<vmem>>
      %dma_start3A_88 = tpu.memref_squeeze %dma_start3A_87 : memref<1x128x32xf32, #tpu.memory_space<vmem>> -> memref<128x32xf32, #tpu.memory_space<vmem>>
      %dma_start3A_89 = arith.constant 384 : i32
      %dma_start3A_90 = tpu.memref_slice %arg9[%dma_start3A_89] : memref<20000xi32, #tpu.memory_space<vmem>> -> memref<128xi32, #tpu.memory_space<vmem>>
      %dma_start3A_91 = arith.constant 0 : i32
      %dma_start3A_92 = arith.constant 0 : i32
      %dma_start3A_93 = tpu.memref_slice %arg2[%dma_start3A_91, %dma_start3A_92] : memref<10000x32xf32, #tpu.memory_space<hbm>> -> memref<10000x32xf32, #tpu.memory_space<hbm>>
      tpu.enqueue_indirect_dma source(%dma_start3A_93 : memref<10000x32xf32, #tpu.memory_space<hbm>>) target(%dma_start3A_88 : memref<128x32xf32, #tpu.memory_space<vmem>>) offsets(%dma_start3A_90 : memref<128xi32, #tpu.memory_space<vmem>>) semaphore(%arg18 : memref<!tpu.dma_semaphore, #tpu.memory_space<semaphore_mem>>)
      %scan3A_94 = arith.constant 0 : i32
      %scan3A_95 = arith.constant 0 : i32
      %scan3A_96 = arith.constant 39 : i32
      %scan3A_97 = arith.addi %scan3A_95, %scan3A_96 : i32
      %scan3A_98 = arith.constant 1 : i32
      scf.for %scan3A_170 = %scan3A_95 to %scan3A_97 step %scan3A_98  : i32 {
        %mul3A_171 = arith.constant 4 : i32
        %mul3A_172 = arith.muli %scan3A_170, %mul3A_171 : i32
        %add3A_173 = arith.constant 0 : i32
        %add3A_174 = arith.addi %mul3A_172, %add3A_173 : i32
        %dma_wait3A_175 = arith.constant 0 : i32
        %dma_wait3A_176 = arith.constant 0 : i32
        %dma_wait3A_177 = arith.constant 0 : i32
        %dma_wait3A_178 = tpu.memref_slice %arg12[%dma_wait3A_175, %dma_wait3A_176, %dma_wait3A_177] : memref<4x128x32xf32, #tpu.memory_space<vmem>> -> memref<1x128x32xf32, #tpu.memory_space<vmem>>
        %dma_wait3A_179 = tpu.memref_squeeze %dma_wait3A_178 : memref<1x128x32xf32, #tpu.memory_space<vmem>> -> memref<128x32xf32, #tpu.memory_space<vmem>>
        %dma_wait3A_180 = arith.constant 0 : i32
        %dma_wait3A_181 = arith.constant 0 : i32
        %dma_wait3A_182 = tpu.memref_slice %arg2[%dma_wait3A_180, %dma_wait3A_181] : memref<10000x32xf32, #tpu.memory_space<hbm>> -> memref<128x32xf32, #tpu.memory_space<hbm>>
        %dma_wait3A_183 = arith.constant 0 : i32
        %dma_wait3A_184 = arith.constant 0 : i32
        %dma_wait3A_185 = tpu.memref_slice %arg12[%dma_wait3A_175, %dma_wait3A_183, %dma_wait3A_184] : memref<4x128x32xf32, #tpu.memory_space<vmem>> -> memref<1x128x32xf32, #tpu.memory_space<vmem>>
        %dma_wait3A_186 = tpu.memref_squeeze %dma_wait3A_185 : memref<1x128x32xf32, #tpu.memory_space<vmem>> -> memref<128x32xf32, #tpu.memory_space<vmem>>
        %dma_wait3A_187 = arith.constant 0 : i32
        %dma_wait3A_188 = arith.constant 0 : i32
        %dma_wait3A_189 = tpu.memref_slice %arg2[%dma_wait3A_187, %dma_wait3A_188] : memref<10000x32xf32, #tpu.memory_space<hbm>> -> memref<128x32xf32, #tpu.memory_space<hbm>>
        tpu.wait_dma2 semaphore(%arg15 : memref<!tpu.dma_semaphore, #tpu.memory_space<semaphore_mem>>) src(%dma_wait3A_189 : memref<128x32xf32, #tpu.memory_space<hbm>>) dst(%dma_wait3A_186 : memref<128x32xf32, #tpu.memory_space<vmem>>)
        %mul3A_190 = arith.constant 1 : i32
        %mul3A_191 = arith.muli %add3A_174, %mul3A_190 : i32
        %add3A_192 = arith.constant 0 : i32
        %add3A_193 = arith.addi %mul3A_191, %add3A_192 : i32
        %dma_start3A_194 = arith.constant 0 : i32
        %dma_start3A_195 = arith.constant 0 : i32
        %dma_start3A_196 = arith.constant 0 : i32
        %dma_start3A_197 = tpu.memref_slice %arg12[%dma_start3A_194, %dma_start3A_195, %dma_start3A_196] : memref<4x128x32xf32, #tpu.memory_space<vmem>> -> memref<1x128x32xf32, #tpu.memory_space<vmem>>
        %dma_start3A_198 = tpu.memref_squeeze %dma_start3A_197 : memref<1x128x32xf32, #tpu.memory_space<vmem>> -> memref<128x32xf32, #tpu.memory_space<vmem>>
        %dma_start3A_199 = arith.constant 0 : i32
        %dma_start3A_200 = tpu.memref_slice %arg10[%add3A_193, %dma_start3A_199] : memref<156x128xi32, #tpu.memory_space<vmem>> -> memref<1x128xi32, #tpu.memory_space<vmem>>
        %dma_start3A_201 = tpu.memref_squeeze %dma_start3A_200 : memref<1x128xi32, #tpu.memory_space<vmem>> -> memref<128xi32, #tpu.memory_space<vmem>>
        %dma_start3A_202 = arith.constant 0 : i32
        %dma_start3A_203 = arith.constant 0 : i32
        %dma_start3A_204 = tpu.memref_slice %arg24[%dma_start3A_202, %dma_start3A_203] : memref<10000x32xf32, #tpu.memory_space<vmem_shared>> -> memref<10000x32xf32, #tpu.memory_space<vmem_shared>>
        tpu.enqueue_indirect_dma source(%dma_start3A_198 : memref<128x32xf32, #tpu.memory_space<vmem>>) target(%dma_start3A_204 : memref<10000x32xf32, #tpu.memory_space<vmem_shared>>) offsets(%dma_start3A_201 : memref<128xi32, #tpu.memory_space<vmem>>) semaphore(%arg19 : memref<!tpu.dma_semaphore, #tpu.memory_space<semaphore_mem>>) {add = true}
        %add3A_205 = arith.constant 4 : i32
        %add3A_206 = arith.addi %add3A_174, %add3A_205 : i32
        %lt3A = arith.constant 156 : i32
        %lt3A_207 = arith.cmpi slt, %add3A_206, %lt3A : i32
        %convert_element_type3A_208 = arith.extui %lt3A_207 : i1 to i32
        %cond3A_209 = arith.constant 0 : i32
        %cond3A_210 = arith.cmpi ne, %convert_element_type3A_208, %cond3A_209 : i32
        scf.if %cond3A_210 {
          %dma_wait3A_334 = arith.constant 0 : i32
          %dma_wait3A_335 = arith.constant 0 : i32
          %dma_wait3A_336 = arith.constant 0 : i32
          %dma_wait3A_337 = tpu.memref_slice %arg12[%dma_wait3A_334, %dma_wait3A_335, %dma_wait3A_336] : memref<4x128x32xf32, #tpu.memory_space<vmem>> -> memref<1x128x32xf32, #tpu.memory_space<vmem>>
          %dma_wait3A_338 = tpu.memref_squeeze %dma_wait3A_337 : memref<1x128x32xf32, #tpu.memory_space<vmem>> -> memref<128x32xf32, #tpu.memory_space<vmem>>
          %dma_wait3A_339 = arith.constant 0 : i32
          %dma_wait3A_340 = arith.constant 0 : i32
          %dma_wait3A_341 = tpu.memref_slice %arg2[%dma_wait3A_339, %dma_wait3A_340] : memref<10000x32xf32, #tpu.memory_space<hbm>> -> memref<128x32xf32, #tpu.memory_space<hbm>>
          %dma_wait3A_342 = arith.constant 0 : i32
          %dma_wait3A_343 = arith.constant 0 : i32
          %dma_wait3A_344 = tpu.memref_slice %arg12[%dma_wait3A_334, %dma_wait3A_342, %dma_wait3A_343] : memref<4x128x32xf32, #tpu.memory_space<vmem>> -> memref<1x128x32xf32, #tpu.memory_space<vmem>>
          %dma_wait3A_345 = tpu.memref_squeeze %dma_wait3A_344 : memref<1x128x32xf32, #tpu.memory_space<vmem>> -> memref<128x32xf32, #tpu.memory_space<vmem>>
          %dma_wait3A_346 = arith.constant 0 : i32
          %dma_wait3A_347 = arith.constant 0 : i32
          %dma_wait3A_348 = tpu.memref_slice %arg2[%dma_wait3A_346, %dma_wait3A_347] : memref<10000x32xf32, #tpu.memory_space<hbm>> -> memref<128x32xf32, #tpu.memory_space<hbm>>
          tpu.wait_dma2 semaphore(%arg19 : memref<!tpu.dma_semaphore, #tpu.memory_space<semaphore_mem>>) src(%dma_wait3A_348 : memref<128x32xf32, #tpu.memory_space<hbm>>) dst(%dma_wait3A_345 : memref<128x32xf32, #tpu.memory_space<vmem>>)
          %add3A_349 = arith.constant 4 : i32
          %add3A_350 = arith.addi %add3A_174, %add3A_349 : i32
          %mul3A_351 = arith.constant 128 : i32
          %mul3A_352 = arith.muli %add3A_350, %mul3A_351 : i32
          %dma_start3A_353 = arith.constant 0 : i32
          %dma_start3A_354 = arith.constant 0 : i32
          %dma_start3A_355 = arith.constant 0 : i32
          %dma_start3A_356 = tpu.memref_slice %arg12[%dma_start3A_353, %dma_start3A_354, %dma_start3A_355] : memref<4x128x32xf32, #tpu.memory_space<vmem>> -> memref<1x128x32xf32, #tpu.memory_space<vmem>>
          %dma_start3A_357 = tpu.memref_squeeze %dma_start3A_356 : memref<1x128x32xf32, #tpu.memory_space<vmem>> -> memref<128x32xf32, #tpu.memory_space<vmem>>
          %dma_start3A_358 = tpu.memref_slice %arg9[%mul3A_352] : memref<20000xi32, #tpu.memory_space<vmem>> -> memref<128xi32, #tpu.memory_space<vmem>>
          %dma_start3A_359 = arith.constant 0 : i32
          %dma_start3A_360 = arith.constant 0 : i32
          %dma_start3A_361 = tpu.memref_slice %arg2[%dma_start3A_359, %dma_start3A_360] : memref<10000x32xf32, #tpu.memory_space<hbm>> -> memref<10000x32xf32, #tpu.memory_space<hbm>>
          tpu.enqueue_indirect_dma source(%dma_start3A_361 : memref<10000x32xf32, #tpu.memory_space<hbm>>) target(%dma_start3A_357 : memref<128x32xf32, #tpu.memory_space<vmem>>) offsets(%dma_start3A_358 : memref<128xi32, #tpu.memory_space<vmem>>) semaphore(%arg15 : memref<!tpu.dma_semaphore, #tpu.memory_space<semaphore_mem>>)
        } else {
        }
        %mul3A_211 = arith.constant 4 : i32
        %mul3A_212 = arith.muli %scan3A_170, %mul3A_211 : i32
        %add3A_213 = arith.constant 1 : i32
        %add3A_214 = arith.addi %mul3A_212, %add3A_213 : i32
        %dma_wait3A_215 = arith.constant 1 : i32
        %dma_wait3A_216 = arith.constant 0 : i32
        %dma_wait3A_217 = arith.constant 0 : i32
        %dma_wait3A_218 = tpu.memref_slice %arg12[%dma_wait3A_215, %dma_wait3A_216, %dma_wait3A_217] : memref<4x128x32xf32, #tpu.memory_space<vmem>> -> memref<1x128x32xf32, #tpu.memory_space<vmem>>
        %dma_wait3A_219 = tpu.memref_squeeze %dma_wait3A_218 : memref<1x128x32xf32, #tpu.memory_space<vmem>> -> memref<128x32xf32, #tpu.memory_space<vmem>>
        %dma_wait3A_220 = arith.constant 0 : i32
        %dma_wait3A_221 = arith.constant 0 : i32
        %dma_wait3A_222 = tpu.memref_slice %arg2[%dma_wait3A_220, %dma_wait3A_221] : memref<10000x32xf32, #tpu.memory_space<hbm>> -> memref<128x32xf32, #tpu.memory_space<hbm>>
        %dma_wait3A_223 = arith.constant 0 : i32
        %dma_wait3A_224 = arith.constant 0 : i32
        %dma_wait3A_225 = tpu.memref_slice %arg12[%dma_wait3A_215, %dma_wait3A_223, %dma_wait3A_224] : memref<4x128x32xf32, #tpu.memory_space<vmem>> -> memref<1x128x32xf32, #tpu.memory_space<vmem>>
        %dma_wait3A_226 = tpu.memref_squeeze %dma_wait3A_225 : memref<1x128x32xf32, #tpu.memory_space<vmem>> -> memref<128x32xf32, #tpu.memory_space<vmem>>
        %dma_wait3A_227 = arith.constant 0 : i32
        %dma_wait3A_228 = arith.constant 0 : i32
        %dma_wait3A_229 = tpu.memref_slice %arg2[%dma_wait3A_227, %dma_wait3A_228] : memref<10000x32xf32, #tpu.memory_space<hbm>> -> memref<128x32xf32, #tpu.memory_space<hbm>>
        tpu.wait_dma2 semaphore(%arg16 : memref<!tpu.dma_semaphore, #tpu.memory_space<semaphore_mem>>) src(%dma_wait3A_229 : memref<128x32xf32, #tpu.memory_space<hbm>>) dst(%dma_wait3A_226 : memref<128x32xf32, #tpu.memory_space<vmem>>)
        %mul3A_230 = arith.constant 1 : i32
        %mul3A_231 = arith.muli %add3A_214, %mul3A_230 : i32
        %add3A_232 = arith.constant 0 : i32
        %add3A_233 = arith.addi %mul3A_231, %add3A_232 : i32
        %dma_start3A_234 = arith.constant 1 : i32
        %dma_start3A_235 = arith.constant 0 : i32
        %dma_start3A_236 = arith.constant 0 : i32
        %dma_start3A_237 = tpu.memref_slice %arg12[%dma_start3A_234, %dma_start3A_235, %dma_start3A_236] : memref<4x128x32xf32, #tpu.memory_space<vmem>> -> memref<1x128x32xf32, #tpu.memory_space<vmem>>
        %dma_start3A_238 = tpu.memref_squeeze %dma_start3A_237 : memref<1x128x32xf32, #tpu.memory_space<vmem>> -> memref<128x32xf32, #tpu.memory_space<vmem>>
        %dma_start3A_239 = arith.constant 0 : i32
        %dma_start3A_240 = tpu.memref_slice %arg10[%add3A_233, %dma_start3A_239] : memref<156x128xi32, #tpu.memory_space<vmem>> -> memref<1x128xi32, #tpu.memory_space<vmem>>
        %dma_start3A_241 = tpu.memref_squeeze %dma_start3A_240 : memref<1x128xi32, #tpu.memory_space<vmem>> -> memref<128xi32, #tpu.memory_space<vmem>>
        %dma_start3A_242 = arith.constant 0 : i32
        %dma_start3A_243 = arith.constant 0 : i32
        %dma_start3A_244 = tpu.memref_slice %arg24[%dma_start3A_242, %dma_start3A_243] : memref<10000x32xf32, #tpu.memory_space<vmem_shared>> -> memref<10000x32xf32, #tpu.memory_space<vmem_shared>>
        tpu.enqueue_indirect_dma source(%dma_start3A_238 : memref<128x32xf32, #tpu.memory_space<vmem>>) target(%dma_start3A_244 : memref<10000x32xf32, #tpu.memory_space<vmem_shared>>) offsets(%dma_start3A_241 : memref<128xi32, #tpu.memory_space<vmem>>) semaphore(%arg20 : memref<!tpu.dma_semaphore, #tpu.memory_space<semaphore_mem>>) {add = true}
        %add3A_245 = arith.constant 4 : i32
        %add3A_246 = arith.addi %add3A_214, %add3A_245 : i32
        %lt3A_247 = arith.constant 156 : i32
        %lt3A_248 = arith.cmpi slt, %add3A_246, %lt3A_247 : i32
        %convert_element_type3A_249 = arith.extui %lt3A_248 : i1 to i32
        %cond3A_250 = arith.constant 0 : i32
        %cond3A_251 = arith.cmpi ne, %convert_element_type3A_249, %cond3A_250 : i32
        scf.if %cond3A_251 {
          %dma_wait3A_334 = arith.constant 1 : i32
          %dma_wait3A_335 = arith.constant 0 : i32
          %dma_wait3A_336 = arith.constant 0 : i32
          %dma_wait3A_337 = tpu.memref_slice %arg12[%dma_wait3A_334, %dma_wait3A_335, %dma_wait3A_336] : memref<4x128x32xf32, #tpu.memory_space<vmem>> -> memref<1x128x32xf32, #tpu.memory_space<vmem>>
          %dma_wait3A_338 = tpu.memref_squeeze %dma_wait3A_337 : memref<1x128x32xf32, #tpu.memory_space<vmem>> -> memref<128x32xf32, #tpu.memory_space<vmem>>
          %dma_wait3A_339 = arith.constant 0 : i32
          %dma_wait3A_340 = arith.constant 0 : i32
          %dma_wait3A_341 = tpu.memref_slice %arg2[%dma_wait3A_339, %dma_wait3A_340] : memref<10000x32xf32, #tpu.memory_space<hbm>> -> memref<128x32xf32, #tpu.memory_space<hbm>>
          %dma_wait3A_342 = arith.constant 0 : i32
          %dma_wait3A_343 = arith.constant 0 : i32
          %dma_wait3A_344 = tpu.memref_slice %arg12[%dma_wait3A_334, %dma_wait3A_342, %dma_wait3A_343] : memref<4x128x32xf32, #tpu.memory_space<vmem>> -> memref<1x128x32xf32, #tpu.memory_space<vmem>>
          %dma_wait3A_345 = tpu.memref_squeeze %dma_wait3A_344 : memref<1x128x32xf32, #tpu.memory_space<vmem>> -> memref<128x32xf32, #tpu.memory_space<vmem>>
          %dma_wait3A_346 = arith.constant 0 : i32
          %dma_wait3A_347 = arith.constant 0 : i32
          %dma_wait3A_348 = tpu.memref_slice %arg2[%dma_wait3A_346, %dma_wait3A_347] : memref<10000x32xf32, #tpu.memory_space<hbm>> -> memref<128x32xf32, #tpu.memory_space<hbm>>
          tpu.wait_dma2 semaphore(%arg20 : memref<!tpu.dma_semaphore, #tpu.memory_space<semaphore_mem>>) src(%dma_wait3A_348 : memref<128x32xf32, #tpu.memory_space<hbm>>) dst(%dma_wait3A_345 : memref<128x32xf32, #tpu.memory_space<vmem>>)
          %add3A_349 = arith.constant 4 : i32
          %add3A_350 = arith.addi %add3A_214, %add3A_349 : i32
          %mul3A_351 = arith.constant 128 : i32
          %mul3A_352 = arith.muli %add3A_350, %mul3A_351 : i32
          %dma_start3A_353 = arith.constant 1 : i32
          %dma_start3A_354 = arith.constant 0 : i32
          %dma_start3A_355 = arith.constant 0 : i32
          %dma_start3A_356 = tpu.memref_slice %arg12[%dma_start3A_353, %dma_start3A_354, %dma_start3A_355] : memref<4x128x32xf32, #tpu.memory_space<vmem>> -> memref<1x128x32xf32, #tpu.memory_space<vmem>>
          %dma_start3A_357 = tpu.memref_squeeze %dma_start3A_356 : memref<1x128x32xf32, #tpu.memory_space<vmem>> -> memref<128x32xf32, #tpu.memory_space<vmem>>
          %dma_start3A_358 = tpu.memref_slice %arg9[%mul3A_352] : memref<20000xi32, #tpu.memory_space<vmem>> -> memref<128xi32, #tpu.memory_space<vmem>>
          %dma_start3A_359 = arith.constant 0 : i32
          %dma_start3A_360 = arith.constant 0 : i32
          %dma_start3A_361 = tpu.memref_slice %arg2[%dma_start3A_359, %dma_start3A_360] : memref<10000x32xf32, #tpu.memory_space<hbm>> -> memref<10000x32xf32, #tpu.memory_space<hbm>>
          tpu.enqueue_indirect_dma source(%dma_start3A_361 : memref<10000x32xf32, #tpu.memory_space<hbm>>) target(%dma_start3A_357 : memref<128x32xf32, #tpu.memory_space<vmem>>) offsets(%dma_start3A_358 : memref<128xi32, #tpu.memory_space<vmem>>) semaphore(%arg16 : memref<!tpu.dma_semaphore, #tpu.memory_space<semaphore_mem>>)
        } else {
        }
        %mul3A_252 = arith.constant 4 : i32
        %mul3A_253 = arith.muli %scan3A_170, %mul3A_252 : i32
        %add3A_254 = arith.constant 2 : i32
        %add3A_255 = arith.addi %mul3A_253, %add3A_254 : i32
        %dma_wait3A_256 = arith.constant 2 : i32
        %dma_wait3A_257 = arith.constant 0 : i32
        %dma_wait3A_258 = arith.constant 0 : i32
        %dma_wait3A_259 = tpu.memref_slice %arg12[%dma_wait3A_256, %dma_wait3A_257, %dma_wait3A_258] : memref<4x128x32xf32, #tpu.memory_space<vmem>> -> memref<1x128x32xf32, #tpu.memory_space<vmem>>
        %dma_wait3A_260 = tpu.memref_squeeze %dma_wait3A_259 : memref<1x128x32xf32, #tpu.memory_space<vmem>> -> memref<128x32xf32, #tpu.memory_space<vmem>>
        %dma_wait3A_261 = arith.constant 0 : i32
        %dma_wait3A_262 = arith.constant 0 : i32
        %dma_wait3A_263 = tpu.memref_slice %arg2[%dma_wait3A_261, %dma_wait3A_262] : memref<10000x32xf32, #tpu.memory_space<hbm>> -> memref<128x32xf32, #tpu.memory_space<hbm>>
        %dma_wait3A_264 = arith.constant 0 : i32
        %dma_wait3A_265 = arith.constant 0 : i32
        %dma_wait3A_266 = tpu.memref_slice %arg12[%dma_wait3A_256, %dma_wait3A_264, %dma_wait3A_265] : memref<4x128x32xf32, #tpu.memory_space<vmem>> -> memref<1x128x32xf32, #tpu.memory_space<vmem>>
        %dma_wait3A_267 = tpu.memref_squeeze %dma_wait3A_266 : memref<1x128x32xf32, #tpu.memory_space<vmem>> -> memref<128x32xf32, #tpu.memory_space<vmem>>
        %dma_wait3A_268 = arith.constant 0 : i32
        %dma_wait3A_269 = arith.constant 0 : i32
        %dma_wait3A_270 = tpu.memref_slice %arg2[%dma_wait3A_268, %dma_wait3A_269] : memref<10000x32xf32, #tpu.memory_space<hbm>> -> memref<128x32xf32, #tpu.memory_space<hbm>>
        tpu.wait_dma2 semaphore(%arg17 : memref<!tpu.dma_semaphore, #tpu.memory_space<semaphore_mem>>) src(%dma_wait3A_270 : memref<128x32xf32, #tpu.memory_space<hbm>>) dst(%dma_wait3A_267 : memref<128x32xf32, #tpu.memory_space<vmem>>)
        %mul3A_271 = arith.constant 1 : i32
        %mul3A_272 = arith.muli %add3A_255, %mul3A_271 : i32
        %add3A_273 = arith.constant 0 : i32
        %add3A_274 = arith.addi %mul3A_272, %add3A_273 : i32
        %dma_start3A_275 = arith.constant 2 : i32
        %dma_start3A_276 = arith.constant 0 : i32
        %dma_start3A_277 = arith.constant 0 : i32
        %dma_start3A_278 = tpu.memref_slice %arg12[%dma_start3A_275, %dma_start3A_276, %dma_start3A_277] : memref<4x128x32xf32, #tpu.memory_space<vmem>> -> memref<1x128x32xf32, #tpu.memory_space<vmem>>
        %dma_start3A_279 = tpu.memref_squeeze %dma_start3A_278 : memref<1x128x32xf32, #tpu.memory_space<vmem>> -> memref<128x32xf32, #tpu.memory_space<vmem>>
        %dma_start3A_280 = arith.constant 0 : i32
        %dma_start3A_281 = tpu.memref_slice %arg10[%add3A_274, %dma_start3A_280] : memref<156x128xi32, #tpu.memory_space<vmem>> -> memref<1x128xi32, #tpu.memory_space<vmem>>
        %dma_start3A_282 = tpu.memref_squeeze %dma_start3A_281 : memref<1x128xi32, #tpu.memory_space<vmem>> -> memref<128xi32, #tpu.memory_space<vmem>>
        %dma_start3A_283 = arith.constant 0 : i32
        %dma_start3A_284 = arith.constant 0 : i32
        %dma_start3A_285 = tpu.memref_slice %arg24[%dma_start3A_283, %dma_start3A_284] : memref<10000x32xf32, #tpu.memory_space<vmem_shared>> -> memref<10000x32xf32, #tpu.memory_space<vmem_shared>>
        tpu.enqueue_indirect_dma source(%dma_start3A_279 : memref<128x32xf32, #tpu.memory_space<vmem>>) target(%dma_start3A_285 : memref<10000x32xf32, #tpu.memory_space<vmem_shared>>) offsets(%dma_start3A_282 : memref<128xi32, #tpu.memory_space<vmem>>) semaphore(%arg21 : memref<!tpu.dma_semaphore, #tpu.memory_space<semaphore_mem>>) {add = true}
        %add3A_286 = arith.constant 4 : i32
        %add3A_287 = arith.addi %add3A_255, %add3A_286 : i32
        %lt3A_288 = arith.constant 156 : i32
        %lt3A_289 = arith.cmpi slt, %add3A_287, %lt3A_288 : i32
        %convert_element_type3A_290 = arith.extui %lt3A_289 : i1 to i32
        %cond3A_291 = arith.constant 0 : i32
        %cond3A_292 = arith.cmpi ne, %convert_element_type3A_290, %cond3A_291 : i32
        scf.if %cond3A_292 {
          %dma_wait3A_334 = arith.constant 2 : i32
          %dma_wait3A_335 = arith.constant 0 : i32
          %dma_wait3A_336 = arith.constant 0 : i32
          %dma_wait3A_337 = tpu.memref_slice %arg12[%dma_wait3A_334, %dma_wait3A_335, %dma_wait3A_336] : memref<4x128x32xf32, #tpu.memory_space<vmem>> -> memref<1x128x32xf32, #tpu.memory_space<vmem>>
          %dma_wait3A_338 = tpu.memref_squeeze %dma_wait3A_337 : memref<1x128x32xf32, #tpu.memory_space<vmem>> -> memref<128x32xf32, #tpu.memory_space<vmem>>
          %dma_wait3A_339 = arith.constant 0 : i32
          %dma_wait3A_340 = arith.constant 0 : i32
          %dma_wait3A_341 = tpu.memref_slice %arg2[%dma_wait3A_339, %dma_wait3A_340] : memref<10000x32xf32, #tpu.memory_space<hbm>> -> memref<128x32xf32, #tpu.memory_space<hbm>>
          %dma_wait3A_342 = arith.constant 0 : i32
          %dma_wait3A_343 = arith.constant 0 : i32
          %dma_wait3A_344 = tpu.memref_slice %arg12[%dma_wait3A_334, %dma_wait3A_342, %dma_wait3A_343] : memref<4x128x32xf32, #tpu.memory_space<vmem>> -> memref<1x128x32xf32, #tpu.memory_space<vmem>>
          %dma_wait3A_345 = tpu.memref_squeeze %dma_wait3A_344 : memref<1x128x32xf32, #tpu.memory_space<vmem>> -> memref<128x32xf32, #tpu.memory_space<vmem>>
          %dma_wait3A_346 = arith.constant 0 : i32
          %dma_wait3A_347 = arith.constant 0 : i32
          %dma_wait3A_348 = tpu.memref_slice %arg2[%dma_wait3A_346, %dma_wait3A_347] : memref<10000x32xf32, #tpu.memory_space<hbm>> -> memref<128x32xf32, #tpu.memory_space<hbm>>
          tpu.wait_dma2 semaphore(%arg21 : memref<!tpu.dma_semaphore, #tpu.memory_space<semaphore_mem>>) src(%dma_wait3A_348 : memref<128x32xf32, #tpu.memory_space<hbm>>) dst(%dma_wait3A_345 : memref<128x32xf32, #tpu.memory_space<vmem>>)
          %add3A_349 = arith.constant 4 : i32
          %add3A_350 = arith.addi %add3A_255, %add3A_349 : i32
          %mul3A_351 = arith.constant 128 : i32
          %mul3A_352 = arith.muli %add3A_350, %mul3A_351 : i32
          %dma_start3A_353 = arith.constant 2 : i32
          %dma_start3A_354 = arith.constant 0 : i32
          %dma_start3A_355 = arith.constant 0 : i32
          %dma_start3A_356 = tpu.memref_slice %arg12[%dma_start3A_353, %dma_start3A_354, %dma_start3A_355] : memref<4x128x32xf32, #tpu.memory_space<vmem>> -> memref<1x128x32xf32, #tpu.memory_space<vmem>>
          %dma_start3A_357 = tpu.memref_squeeze %dma_start3A_356 : memref<1x128x32xf32, #tpu.memory_space<vmem>> -> memref<128x32xf32, #tpu.memory_space<vmem>>
          %dma_start3A_358 = tpu.memref_slice %arg9[%mul3A_352] : memref<20000xi32, #tpu.memory_space<vmem>> -> memref<128xi32, #tpu.memory_space<vmem>>
          %dma_start3A_359 = arith.constant 0 : i32
          %dma_start3A_360 = arith.constant 0 : i32
          %dma_start3A_361 = tpu.memref_slice %arg2[%dma_start3A_359, %dma_start3A_360] : memref<10000x32xf32, #tpu.memory_space<hbm>> -> memref<10000x32xf32, #tpu.memory_space<hbm>>
          tpu.enqueue_indirect_dma source(%dma_start3A_361 : memref<10000x32xf32, #tpu.memory_space<hbm>>) target(%dma_start3A_357 : memref<128x32xf32, #tpu.memory_space<vmem>>) offsets(%dma_start3A_358 : memref<128xi32, #tpu.memory_space<vmem>>) semaphore(%arg17 : memref<!tpu.dma_semaphore, #tpu.memory_space<semaphore_mem>>)
        } else {
        }
        %mul3A_293 = arith.constant 4 : i32
        %mul3A_294 = arith.muli %scan3A_170, %mul3A_293 : i32
        %add3A_295 = arith.constant 3 : i32
        %add3A_296 = arith.addi %mul3A_294, %add3A_295 : i32
        %dma_wait3A_297 = arith.constant 3 : i32
        %dma_wait3A_298 = arith.constant 0 : i32
        %dma_wait3A_299 = arith.constant 0 : i32
        %dma_wait3A_300 = tpu.memref_slice %arg12[%dma_wait3A_297, %dma_wait3A_298, %dma_wait3A_299] : memref<4x128x32xf32, #tpu.memory_space<vmem>> -> memref<1x128x32xf32, #tpu.memory_space<vmem>>
        %dma_wait3A_301 = tpu.memref_squeeze %dma_wait3A_300 : memref<1x128x32xf32, #tpu.memory_space<vmem>> -> memref<128x32xf32, #tpu.memory_space<vmem>>
        %dma_wait3A_302 = arith.constant 0 : i32
        %dma_wait3A_303 = arith.constant 0 : i32
        %dma_wait3A_304 = tpu.memref_slice %arg2[%dma_wait3A_302, %dma_wait3A_303] : memref<10000x32xf32, #tpu.memory_space<hbm>> -> memref<128x32xf32, #tpu.memory_space<hbm>>
        %dma_wait3A_305 = arith.constant 0 : i32
        %dma_wait3A_306 = arith.constant 0 : i32
        %dma_wait3A_307 = tpu.memref_slice %arg12[%dma_wait3A_297, %dma_wait3A_305, %dma_wait3A_306] : memref<4x128x32xf32, #tpu.memory_space<vmem>> -> memref<1x128x32xf32, #tpu.memory_space<vmem>>
        %dma_wait3A_308 = tpu.memref_squeeze %dma_wait3A_307 : memref<1x128x32xf32, #tpu.memory_space<vmem>> -> memref<128x32xf32, #tpu.memory_space<vmem>>
        %dma_wait3A_309 = arith.constant 0 : i32
        %dma_wait3A_310 = arith.constant 0 : i32
        %dma_wait3A_311 = tpu.memref_slice %arg2[%dma_wait3A_309, %dma_wait3A_310] : memref<10000x32xf32, #tpu.memory_space<hbm>> -> memref<128x32xf32, #tpu.memory_space<hbm>>
        tpu.wait_dma2 semaphore(%arg18 : memref<!tpu.dma_semaphore, #tpu.memory_space<semaphore_mem>>) src(%dma_wait3A_311 : memref<128x32xf32, #tpu.memory_space<hbm>>) dst(%dma_wait3A_308 : memref<128x32xf32, #tpu.memory_space<vmem>>)
        %mul3A_312 = arith.constant 1 : i32
        %mul3A_313 = arith.muli %add3A_296, %mul3A_312 : i32
        %add3A_314 = arith.constant 0 : i32
        %add3A_315 = arith.addi %mul3A_313, %add3A_314 : i32
        %dma_start3A_316 = arith.constant 3 : i32
        %dma_start3A_317 = arith.constant 0 : i32
        %dma_start3A_318 = arith.constant 0 : i32
        %dma_start3A_319 = tpu.memref_slice %arg12[%dma_start3A_316, %dma_start3A_317, %dma_start3A_318] : memref<4x128x32xf32, #tpu.memory_space<vmem>> -> memref<1x128x32xf32, #tpu.memory_space<vmem>>
        %dma_start3A_320 = tpu.memref_squeeze %dma_start3A_319 : memref<1x128x32xf32, #tpu.memory_space<vmem>> -> memref<128x32xf32, #tpu.memory_space<vmem>>
        %dma_start3A_321 = arith.constant 0 : i32
        %dma_start3A_322 = tpu.memref_slice %arg10[%add3A_315, %dma_start3A_321] : memref<156x128xi32, #tpu.memory_space<vmem>> -> memref<1x128xi32, #tpu.memory_space<vmem>>
        %dma_start3A_323 = tpu.memref_squeeze %dma_start3A_322 : memref<1x128xi32, #tpu.memory_space<vmem>> -> memref<128xi32, #tpu.memory_space<vmem>>
        %dma_start3A_324 = arith.constant 0 : i32
        %dma_start3A_325 = arith.constant 0 : i32
        %dma_start3A_326 = tpu.memref_slice %arg24[%dma_start3A_324, %dma_start3A_325] : memref<10000x32xf32, #tpu.memory_space<vmem_shared>> -> memref<10000x32xf32, #tpu.memory_space<vmem_shared>>
        tpu.enqueue_indirect_dma source(%dma_start3A_320 : memref<128x32xf32, #tpu.memory_space<vmem>>) target(%dma_start3A_326 : memref<10000x32xf32, #tpu.memory_space<vmem_shared>>) offsets(%dma_start3A_323 : memref<128xi32, #tpu.memory_space<vmem>>) semaphore(%arg22 : memref<!tpu.dma_semaphore, #tpu.memory_space<semaphore_mem>>) {add = true}
        %add3A_327 = arith.constant 4 : i32
        %add3A_328 = arith.addi %add3A_296, %add3A_327 : i32
        %lt3A_329 = arith.constant 156 : i32
        %lt3A_330 = arith.cmpi slt, %add3A_328, %lt3A_329 : i32
        %convert_element_type3A_331 = arith.extui %lt3A_330 : i1 to i32
        %cond3A_332 = arith.constant 0 : i32
        %cond3A_333 = arith.cmpi ne, %convert_element_type3A_331, %cond3A_332 : i32
        scf.if %cond3A_333 {
          %dma_wait3A_334 = arith.constant 3 : i32
          %dma_wait3A_335 = arith.constant 0 : i32
          %dma_wait3A_336 = arith.constant 0 : i32
          %dma_wait3A_337 = tpu.memref_slice %arg12[%dma_wait3A_334, %dma_wait3A_335, %dma_wait3A_336] : memref<4x128x32xf32, #tpu.memory_space<vmem>> -> memref<1x128x32xf32, #tpu.memory_space<vmem>>
          %dma_wait3A_338 = tpu.memref_squeeze %dma_wait3A_337 : memref<1x128x32xf32, #tpu.memory_space<vmem>> -> memref<128x32xf32, #tpu.memory_space<vmem>>
          %dma_wait3A_339 = arith.constant 0 : i32
          %dma_wait3A_340 = arith.constant 0 : i32
          %dma_wait3A_341 = tpu.memref_slice %arg2[%dma_wait3A_339, %dma_wait3A_340] : memref<10000x32xf32, #tpu.memory_space<hbm>> -> memref<128x32xf32, #tpu.memory_space<hbm>>
          %dma_wait3A_342 = arith.constant 0 : i32
          %dma_wait3A_343 = arith.constant 0 : i32
          %dma_wait3A_344 = tpu.memref_slice %arg12[%dma_wait3A_334, %dma_wait3A_342, %dma_wait3A_343] : memref<4x128x32xf32, #tpu.memory_space<vmem>> -> memref<1x128x32xf32, #tpu.memory_space<vmem>>
          %dma_wait3A_345 = tpu.memref_squeeze %dma_wait3A_344 : memref<1x128x32xf32, #tpu.memory_space<vmem>> -> memref<128x32xf32, #tpu.memory_space<vmem>>
          %dma_wait3A_346 = arith.constant 0 : i32
          %dma_wait3A_347 = arith.constant 0 : i32
          %dma_wait3A_348 = tpu.memref_slice %arg2[%dma_wait3A_346, %dma_wait3A_347] : memref<10000x32xf32, #tpu.memory_space<hbm>> -> memref<128x32xf32, #tpu.memory_space<hbm>>
          tpu.wait_dma2 semaphore(%arg22 : memref<!tpu.dma_semaphore, #tpu.memory_space<semaphore_mem>>) src(%dma_wait3A_348 : memref<128x32xf32, #tpu.memory_space<hbm>>) dst(%dma_wait3A_345 : memref<128x32xf32, #tpu.memory_space<vmem>>)
          %add3A_349 = arith.constant 4 : i32
          %add3A_350 = arith.addi %add3A_296, %add3A_349 : i32
          %mul3A_351 = arith.constant 128 : i32
          %mul3A_352 = arith.muli %add3A_350, %mul3A_351 : i32
          %dma_start3A_353 = arith.constant 3 : i32
          %dma_start3A_354 = arith.constant 0 : i32
          %dma_start3A_355 = arith.constant 0 : i32
          %dma_start3A_356 = tpu.memref_slice %arg12[%dma_start3A_353, %dma_start3A_354, %dma_start3A_355] : memref<4x128x32xf32, #tpu.memory_space<vmem>> -> memref<1x128x32xf32, #tpu.memory_space<vmem>>
          %dma_start3A_357 = tpu.memref_squeeze %dma_start3A_356 : memref<1x128x32xf32, #tpu.memory_space<vmem>> -> memref<128x32xf32, #tpu.memory_space<vmem>>
          %dma_start3A_358 = tpu.memref_slice %arg9[%mul3A_352] : memref<20000xi32, #tpu.memory_space<vmem>> -> memref<128xi32, #tpu.memory_space<vmem>>
          %dma_start3A_359 = arith.constant 0 : i32
          %dma_start3A_360 = arith.constant 0 : i32
          %dma_start3A_361 = tpu.memref_slice %arg2[%dma_start3A_359, %dma_start3A_360] : memref<10000x32xf32, #tpu.memory_space<hbm>> -> memref<10000x32xf32, #tpu.memory_space<hbm>>
          tpu.enqueue_indirect_dma source(%dma_start3A_361 : memref<10000x32xf32, #tpu.memory_space<hbm>>) target(%dma_start3A_357 : memref<128x32xf32, #tpu.memory_space<vmem>>) offsets(%dma_start3A_358 : memref<128xi32, #tpu.memory_space<vmem>>) semaphore(%arg18 : memref<!tpu.dma_semaphore, #tpu.memory_space<semaphore_mem>>)
        } else {
        }
      }
      %scan3A_99 = arith.constant 39 : i32
      %dma_wait3A_100 = arith.constant 0 : i32
      %dma_wait3A_101 = arith.constant 0 : i32
      %dma_wait3A_102 = arith.constant 0 : i32
      %dma_wait3A_103 = tpu.memref_slice %arg12[%dma_wait3A_100, %dma_wait3A_101, %dma_wait3A_102] : memref<4x128x32xf32, #tpu.memory_space<vmem>> -> memref<1x128x32xf32, #tpu.memory_space<vmem>>
      %dma_wait3A_104 = tpu.memref_squeeze %dma_wait3A_103 : memref<1x128x32xf32, #tpu.memory_space<vmem>> -> memref<128x32xf32, #tpu.memory_space<vmem>>
      %dma_wait3A_105 = arith.constant 0 : i32
      %dma_wait3A_106 = arith.constant 0 : i32
      %dma_wait3A_107 = tpu.memref_slice %arg2[%dma_wait3A_105, %dma_wait3A_106] : memref<10000x32xf32, #tpu.memory_space<hbm>> -> memref<128x32xf32, #tpu.memory_space<hbm>>
      %dma_wait3A_108 = arith.constant 0 : i32
      %dma_wait3A_109 = arith.constant 0 : i32
      %dma_wait3A_110 = tpu.memref_slice %arg12[%dma_wait3A_100, %dma_wait3A_108, %dma_wait3A_109] : memref<4x128x32xf32, #tpu.memory_space<vmem>> -> memref<1x128x32xf32, #tpu.memory_space<vmem>>
      %dma_wait3A_111 = tpu.memref_squeeze %dma_wait3A_110 : memref<1x128x32xf32, #tpu.memory_space<vmem>> -> memref<128x32xf32, #tpu.memory_space<vmem>>
      %dma_wait3A_112 = arith.constant 0 : i32
      %dma_wait3A_113 = arith.constant 0 : i32
      %dma_wait3A_114 = tpu.memref_slice %arg2[%dma_wait3A_112, %dma_wait3A_113] : memref<10000x32xf32, #tpu.memory_space<hbm>> -> memref<128x32xf32, #tpu.memory_space<hbm>>
      tpu.wait_dma2 semaphore(%arg19 : memref<!tpu.dma_semaphore, #tpu.memory_space<semaphore_mem>>) src(%dma_wait3A_114 : memref<128x32xf32, #tpu.memory_space<hbm>>) dst(%dma_wait3A_111 : memref<128x32xf32, #tpu.memory_space<vmem>>)
      %dma_wait3A_115 = arith.constant 1 : i32
      %dma_wait3A_116 = arith.constant 0 : i32
      %dma_wait3A_117 = arith.constant 0 : i32
      %dma_wait3A_118 = tpu.memref_slice %arg12[%dma_wait3A_115, %dma_wait3A_116, %dma_wait3A_117] : memref<4x128x32xf32, #tpu.memory_space<vmem>> -> memref<1x128x32xf32, #tpu.memory_space<vmem>>
      %dma_wait3A_119 = tpu.memref_squeeze %dma_wait3A_118 : memref<1x128x32xf32, #tpu.memory_space<vmem>> -> memref<128x32xf32, #tpu.memory_space<vmem>>
      %dma_wait3A_120 = arith.constant 0 : i32
      %dma_wait3A_121 = arith.constant 0 : i32
      %dma_wait3A_122 = tpu.memref_slice %arg2[%dma_wait3A_120, %dma_wait3A_121] : memref<10000x32xf32, #tpu.memory_space<hbm>> -> memref<128x32xf32, #tpu.memory_space<hbm>>
      %dma_wait3A_123 = arith.constant 0 : i32
      %dma_wait3A_124 = arith.constant 0 : i32
      %dma_wait3A_125 = tpu.memref_slice %arg12[%dma_wait3A_115, %dma_wait3A_123, %dma_wait3A_124] : memref<4x128x32xf32, #tpu.memory_space<vmem>> -> memref<1x128x32xf32, #tpu.memory_space<vmem>>
      %dma_wait3A_126 = tpu.memref_squeeze %dma_wait3A_125 : memref<1x128x32xf32, #tpu.memory_space<vmem>> -> memref<128x32xf32, #tpu.memory_space<vmem>>
      %dma_wait3A_127 = arith.constant 0 : i32
      %dma_wait3A_128 = arith.constant 0 : i32
      %dma_wait3A_129 = tpu.memref_slice %arg2[%dma_wait3A_127, %dma_wait3A_128] : memref<10000x32xf32, #tpu.memory_space<hbm>> -> memref<128x32xf32, #tpu.memory_space<hbm>>
      tpu.wait_dma2 semaphore(%arg20 : memref<!tpu.dma_semaphore, #tpu.memory_space<semaphore_mem>>) src(%dma_wait3A_129 : memref<128x32xf32, #tpu.memory_space<hbm>>) dst(%dma_wait3A_126 : memref<128x32xf32, #tpu.memory_space<vmem>>)
      %dma_wait3A_130 = arith.constant 2 : i32
      %dma_wait3A_131 = arith.constant 0 : i32
      %dma_wait3A_132 = arith.constant 0 : i32
      %dma_wait3A_133 = tpu.memref_slice %arg12[%dma_wait3A_130, %dma_wait3A_131, %dma_wait3A_132] : memref<4x128x32xf32, #tpu.memory_space<vmem>> -> memref<1x128x32xf32, #tpu.memory_space<vmem>>
      %dma_wait3A_134 = tpu.memref_squeeze %dma_wait3A_133 : memref<1x128x32xf32, #tpu.memory_space<vmem>> -> memref<128x32xf32, #tpu.memory_space<vmem>>
      %dma_wait3A_135 = arith.constant 0 : i32
      %dma_wait3A_136 = arith.constant 0 : i32
      %dma_wait3A_137 = tpu.memref_slice %arg2[%dma_wait3A_135, %dma_wait3A_136] : memref<10000x32xf32, #tpu.memory_space<hbm>> -> memref<128x32xf32, #tpu.memory_space<hbm>>
      %dma_wait3A_138 = arith.constant 0 : i32
      %dma_wait3A_139 = arith.constant 0 : i32
      %dma_wait3A_140 = tpu.memref_slice %arg12[%dma_wait3A_130, %dma_wait3A_138, %dma_wait3A_139] : memref<4x128x32xf32, #tpu.memory_space<vmem>> -> memref<1x128x32xf32, #tpu.memory_space<vmem>>
      %dma_wait3A_141 = tpu.memref_squeeze %dma_wait3A_140 : memref<1x128x32xf32, #tpu.memory_space<vmem>> -> memref<128x32xf32, #tpu.memory_space<vmem>>
      %dma_wait3A_142 = arith.constant 0 : i32
      %dma_wait3A_143 = arith.constant 0 : i32
      %dma_wait3A_144 = tpu.memref_slice %arg2[%dma_wait3A_142, %dma_wait3A_143] : memref<10000x32xf32, #tpu.memory_space<hbm>> -> memref<128x32xf32, #tpu.memory_space<hbm>>
      tpu.wait_dma2 semaphore(%arg21 : memref<!tpu.dma_semaphore, #tpu.memory_space<semaphore_mem>>) src(%dma_wait3A_144 : memref<128x32xf32, #tpu.memory_space<hbm>>) dst(%dma_wait3A_141 : memref<128x32xf32, #tpu.memory_space<vmem>>)
      %dma_wait3A_145 = arith.constant 3 : i32
      %dma_wait3A_146 = arith.constant 0 : i32
      %dma_wait3A_147 = arith.constant 0 : i32
      %dma_wait3A_148 = tpu.memref_slice %arg12[%dma_wait3A_145, %dma_wait3A_146, %dma_wait3A_147] : memref<4x128x32xf32, #tpu.memory_space<vmem>> -> memref<1x128x32xf32, #tpu.memory_space<vmem>>
      %dma_wait3A_149 = tpu.memref_squeeze %dma_wait3A_148 : memref<1x128x32xf32, #tpu.memory_space<vmem>> -> memref<128x32xf32, #tpu.memory_space<vmem>>
      %dma_wait3A_150 = arith.constant 0 : i32
      %dma_wait3A_151 = arith.constant 0 : i32
      %dma_wait3A_152 = tpu.memref_slice %arg2[%dma_wait3A_150, %dma_wait3A_151] : memref<10000x32xf32, #tpu.memory_space<hbm>> -> memref<128x32xf32, #tpu.memory_space<hbm>>
      %dma_wait3A_153 = arith.constant 0 : i32
      %dma_wait3A_154 = arith.constant 0 : i32
      %dma_wait3A_155 = tpu.memref_slice %arg12[%dma_wait3A_145, %dma_wait3A_153, %dma_wait3A_154] : memref<4x128x32xf32, #tpu.memory_space<vmem>> -> memref<1x128x32xf32, #tpu.memory_space<vmem>>
      %dma_wait3A_156 = tpu.memref_squeeze %dma_wait3A_155 : memref<1x128x32xf32, #tpu.memory_space<vmem>> -> memref<128x32xf32, #tpu.memory_space<vmem>>
      %dma_wait3A_157 = arith.constant 0 : i32
      %dma_wait3A_158 = arith.constant 0 : i32
      %dma_wait3A_159 = tpu.memref_slice %arg2[%dma_wait3A_157, %dma_wait3A_158] : memref<10000x32xf32, #tpu.memory_space<hbm>> -> memref<128x32xf32, #tpu.memory_space<hbm>>
      tpu.wait_dma2 semaphore(%arg22 : memref<!tpu.dma_semaphore, #tpu.memory_space<semaphore_mem>>) src(%dma_wait3A_159 : memref<128x32xf32, #tpu.memory_space<hbm>>) dst(%dma_wait3A_156 : memref<128x32xf32, #tpu.memory_space<vmem>>)
      %dma_start3A_160 = arith.constant 19968 : i32
      %dma_start3A_161 = tpu.memref_slice %arg9[%dma_start3A_160] : memref<20000xi32, #tpu.memory_space<vmem>> -> memref<32xi32, #tpu.memory_space<vmem>>
      %dma_start3A_162 = arith.constant 0 : i32
      %dma_start3A_163 = arith.constant 0 : i32
      %dma_start3A_164 = tpu.memref_slice %arg2[%dma_start3A_162, %dma_start3A_163] : memref<10000x32xf32, #tpu.memory_space<hbm>> -> memref<10000x32xf32, #tpu.memory_space<hbm>>
      tpu.enqueue_indirect_dma source(%dma_start3A_164 : memref<10000x32xf32, #tpu.memory_space<hbm>>) target(%arg13 : memref<32x32xf32, #tpu.memory_space<vmem>>) offsets(%dma_start3A_161 : memref<32xi32, #tpu.memory_space<vmem>>) semaphore(%arg15 : memref<!tpu.dma_semaphore, #tpu.memory_space<semaphore_mem>>)
      %dma_wait3A_165 = arith.constant 19968 : i32
      %dma_wait3A_166 = tpu.memref_slice %arg9[%dma_wait3A_165] : memref<20000xi32, #tpu.memory_space<vmem>> -> memref<32xi32, #tpu.memory_space<vmem>>
      %dma_wait3A_167 = arith.constant 0 : i32
      %dma_wait3A_168 = arith.constant 0 : i32
      %dma_wait3A_169 = tpu.memref_slice %arg2[%dma_wait3A_167, %dma_wait3A_168] : memref<10000x32xf32, #tpu.memory_space<hbm>> -> memref<10000x32xf32, #tpu.memory_space<hbm>>
      tpu.wait_indirect_dma semaphore(%arg15 : memref<!tpu.dma_semaphore, #tpu.memory_space<semaphore_mem>>) src(%dma_wait3A_169 : memref<10000x32xf32, #tpu.memory_space<hbm>>) dst(%arg13 : memref<32x32xf32, #tpu.memory_space<vmem>>)
      %run_scoped3A = arith.constant 0 : i32
      "tpu.region"() ({
        %run_scoped3A_170 = tpu.sem_alloc : memref<!tpu.dma_semaphore, #tpu.memory_space<semaphore_mem>>
        %dma_start3A_171 = arith.constant 0 : i32
        %dma_start3A_172 = tpu.memref_slice %arg11[%run_scoped3A, %dma_start3A_171] : memref<1x32xi32, #tpu.memory_space<vmem>> -> memref<1x32xi32, #tpu.memory_space<vmem>>
        %dma_start3A_173 = tpu.memref_squeeze %dma_start3A_172 : memref<1x32xi32, #tpu.memory_space<vmem>> -> memref<32xi32, #tpu.memory_space<vmem>>
        %dma_start3A_174 = arith.constant 0 : i32
        %dma_start3A_175 = arith.constant 0 : i32
        %dma_start3A_176 = tpu.memref_slice %arg24[%dma_start3A_174, %dma_start3A_175] : memref<10000x32xf32, #tpu.memory_space<vmem_shared>> -> memref<10000x32xf32, #tpu.memory_space<vmem_shared>>
        tpu.enqueue_indirect_dma source(%arg13 : memref<32x32xf32, #tpu.memory_space<vmem>>) target(%dma_start3A_176 : memref<10000x32xf32, #tpu.memory_space<vmem_shared>>) offsets(%dma_start3A_173 : memref<32xi32, #tpu.memory_space<vmem>>) semaphore(%run_scoped3A_170 : memref<!tpu.dma_semaphore, #tpu.memory_space<semaphore_mem>>) {add = true}
        %dma_wait3A_177 = arith.constant 0 : i32
        %dma_wait3A_178 = tpu.memref_slice %arg11[%run_scoped3A, %dma_wait3A_177] : memref<1x32xi32, #tpu.memory_space<vmem>> -> memref<1x32xi32, #tpu.memory_space<vmem>>
        %dma_wait3A_179 = tpu.memref_squeeze %dma_wait3A_178 : memref<1x32xi32, #tpu.memory_space<vmem>> -> memref<32xi32, #tpu.memory_space<vmem>>
        %dma_wait3A_180 = arith.constant 0 : i32
        %dma_wait3A_181 = arith.constant 0 : i32
        %dma_wait3A_182 = tpu.memref_slice %arg24[%dma_wait3A_180, %dma_wait3A_181] : memref<10000x32xf32, #tpu.memory_space<vmem_shared>> -> memref<10000x32xf32, #tpu.memory_space<vmem_shared>>
        tpu.wait_indirect_dma semaphore(%run_scoped3A_170 : memref<!tpu.dma_semaphore, #tpu.memory_space<semaphore_mem>>) src(%arg13 : memref<32x32xf32, #tpu.memory_space<vmem>>) dst(%dma_wait3A_182 : memref<10000x32xf32, #tpu.memory_space<vmem_shared>>)
        tpu.yield
      }) : () -> ()
    } else {
    }
    %eq3A_37 = arith.constant 1 : i32
    %eq3A_38 = arith.cmpi eq, %arg0, %eq3A_37 : i32
    %convert_element_type3A_39 = arith.extui %eq3A_38 : i1 to i32
    %cond3A_40 = arith.constant 0 : i32
    %cond3A_41 = arith.cmpi ne, %convert_element_type3A_39, %cond3A_40 : i32
    scf.if %cond3A_41 {
      %dma_start3A_54 = arith.constant 0 : i32
      %dma_start3A_55 = arith.constant 0 : i32
      %dma_start3A_56 = arith.constant 0 : i32
      %dma_start3A_57 = tpu.memref_slice %arg12[%dma_start3A_54, %dma_start3A_55, %dma_start3A_56] : memref<4x128x32xf32, #tpu.memory_space<vmem>> -> memref<1x128x32xf32, #tpu.memory_space<vmem>>
      %dma_start3A_58 = tpu.memref_squeeze %dma_start3A_57 : memref<1x128x32xf32, #tpu.memory_space<vmem>> -> memref<128x32xf32, #tpu.memory_space<vmem>>
      %dma_start3A_59 = arith.constant 0 : i32
      %dma_start3A_60 = tpu.memref_slice %arg9[%dma_start3A_59] : memref<20000xi32, #tpu.memory_space<vmem>> -> memref<128xi32, #tpu.memory_space<vmem>>
      %dma_start3A_61 = arith.constant 0 : i32
      %dma_start3A_62 = arith.constant 0 : i32
      %dma_start3A_63 = tpu.memref_slice %arg3[%dma_start3A_61, %dma_start3A_62] : memref<10000x32xf32, #tpu.memory_space<hbm>> -> memref<10000x32xf32, #tpu.memory_space<hbm>>
      tpu.enqueue_indirect_dma source(%dma_start3A_63 : memref<10000x32xf32, #tpu.memory_space<hbm>>) target(%dma_start3A_58 : memref<128x32xf32, #tpu.memory_space<vmem>>) offsets(%dma_start3A_60 : memref<128xi32, #tpu.memory_space<vmem>>) semaphore(%arg15 : memref<!tpu.dma_semaphore, #tpu.memory_space<semaphore_mem>>)
      %dma_start3A_64 = arith.constant 1 : i32
      %dma_start3A_65 = arith.constant 0 : i32
      %dma_start3A_66 = arith.constant 0 : i32
      %dma_start3A_67 = tpu.memref_slice %arg12[%dma_start3A_64, %dma_start3A_65, %dma_start3A_66] : memref<4x128x32xf32, #tpu.memory_space<vmem>> -> memref<1x128x32xf32, #tpu.memory_space<vmem>>
      %dma_start3A_68 = tpu.memref_squeeze %dma_start3A_67 : memref<1x128x32xf32, #tpu.memory_space<vmem>> -> memref<128x32xf32, #tpu.memory_space<vmem>>
      %dma_start3A_69 = arith.constant 128 : i32
      %dma_start3A_70 = tpu.memref_slice %arg9[%dma_start3A_69] : memref<20000xi32, #tpu.memory_space<vmem>> -> memref<128xi32, #tpu.memory_space<vmem>>
      %dma_start3A_71 = arith.constant 0 : i32
      %dma_start3A_72 = arith.constant 0 : i32
      %dma_start3A_73 = tpu.memref_slice %arg3[%dma_start3A_71, %dma_start3A_72] : memref<10000x32xf32, #tpu.memory_space<hbm>> -> memref<10000x32xf32, #tpu.memory_space<hbm>>
      tpu.enqueue_indirect_dma source(%dma_start3A_73 : memref<10000x32xf32, #tpu.memory_space<hbm>>) target(%dma_start3A_68 : memref<128x32xf32, #tpu.memory_space<vmem>>) offsets(%dma_start3A_70 : memref<128xi32, #tpu.memory_space<vmem>>) semaphore(%arg16 : memref<!tpu.dma_semaphore, #tpu.memory_space<semaphore_mem>>)
      %dma_start3A_74 = arith.constant 2 : i32
      %dma_start3A_75 = arith.constant 0 : i32
      %dma_start3A_76 = arith.constant 0 : i32
      %dma_start3A_77 = tpu.memref_slice %arg12[%dma_start3A_74, %dma_start3A_75, %dma_start3A_76] : memref<4x128x32xf32, #tpu.memory_space<vmem>> -> memref<1x128x32xf32, #tpu.memory_space<vmem>>
      %dma_start3A_78 = tpu.memref_squeeze %dma_start3A_77 : memref<1x128x32xf32, #tpu.memory_space<vmem>> -> memref<128x32xf32, #tpu.memory_space<vmem>>
      %dma_start3A_79 = arith.constant 256 : i32
      %dma_start3A_80 = tpu.memref_slice %arg9[%dma_start3A_79] : memref<20000xi32, #tpu.memory_space<vmem>> -> memref<128xi32, #tpu.memory_space<vmem>>
      %dma_start3A_81 = arith.constant 0 : i32
      %dma_start3A_82 = arith.constant 0 : i32
      %dma_start3A_83 = tpu.memref_slice %arg3[%dma_start3A_81, %dma_start3A_82] : memref<10000x32xf32, #tpu.memory_space<hbm>> -> memref<10000x32xf32, #tpu.memory_space<hbm>>
      tpu.enqueue_indirect_dma source(%dma_start3A_83 : memref<10000x32xf32, #tpu.memory_space<hbm>>) target(%dma_start3A_78 : memref<128x32xf32, #tpu.memory_space<vmem>>) offsets(%dma_start3A_80 : memref<128xi32, #tpu.memory_space<vmem>>) semaphore(%arg17 : memref<!tpu.dma_semaphore, #tpu.memory_space<semaphore_mem>>)
      %dma_start3A_84 = arith.constant 3 : i32
      %dma_start3A_85 = arith.constant 0 : i32
      %dma_start3A_86 = arith.constant 0 : i32
      %dma_start3A_87 = tpu.memref_slice %arg12[%dma_start3A_84, %dma_start3A_85, %dma_start3A_86] : memref<4x128x32xf32, #tpu.memory_space<vmem>> -> memref<1x128x32xf32, #tpu.memory_space<vmem>>
      %dma_start3A_88 = tpu.memref_squeeze %dma_start3A_87 : memref<1x128x32xf32, #tpu.memory_space<vmem>> -> memref<128x32xf32, #tpu.memory_space<vmem>>
      %dma_start3A_89 = arith.constant 384 : i32
      %dma_start3A_90 = tpu.memref_slice %arg9[%dma_start3A_89] : memref<20000xi32, #tpu.memory_space<vmem>> -> memref<128xi32, #tpu.memory_space<vmem>>
      %dma_start3A_91 = arith.constant 0 : i32
      %dma_start3A_92 = arith.constant 0 : i32
      %dma_start3A_93 = tpu.memref_slice %arg3[%dma_start3A_91, %dma_start3A_92] : memref<10000x32xf32, #tpu.memory_space<hbm>> -> memref<10000x32xf32, #tpu.memory_space<hbm>>
      tpu.enqueue_indirect_dma source(%dma_start3A_93 : memref<10000x32xf32, #tpu.memory_space<hbm>>) target(%dma_start3A_88 : memref<128x32xf32, #tpu.memory_space<vmem>>) offsets(%dma_start3A_90 : memref<128xi32, #tpu.memory_space<vmem>>) semaphore(%arg18 : memref<!tpu.dma_semaphore, #tpu.memory_space<semaphore_mem>>)
      %scan3A_94 = arith.constant 0 : i32
      %scan3A_95 = arith.constant 0 : i32
      %scan3A_96 = arith.constant 39 : i32
      %scan3A_97 = arith.addi %scan3A_95, %scan3A_96 : i32
      %scan3A_98 = arith.constant 1 : i32
      scf.for %scan3A_170 = %scan3A_95 to %scan3A_97 step %scan3A_98  : i32 {
        %mul3A_171 = arith.constant 4 : i32
        %mul3A_172 = arith.muli %scan3A_170, %mul3A_171 : i32
        %add3A_173 = arith.constant 0 : i32
        %add3A_174 = arith.addi %mul3A_172, %add3A_173 : i32
        %dma_wait3A_175 = arith.constant 0 : i32
        %dma_wait3A_176 = arith.constant 0 : i32
        %dma_wait3A_177 = arith.constant 0 : i32
        %dma_wait3A_178 = tpu.memref_slice %arg12[%dma_wait3A_175, %dma_wait3A_176, %dma_wait3A_177] : memref<4x128x32xf32, #tpu.memory_space<vmem>> -> memref<1x128x32xf32, #tpu.memory_space<vmem>>
        %dma_wait3A_179 = tpu.memref_squeeze %dma_wait3A_178 : memref<1x128x32xf32, #tpu.memory_space<vmem>> -> memref<128x32xf32, #tpu.memory_space<vmem>>
        %dma_wait3A_180 = arith.constant 0 : i32
        %dma_wait3A_181 = arith.constant 0 : i32
        %dma_wait3A_182 = tpu.memref_slice %arg3[%dma_wait3A_180, %dma_wait3A_181] : memref<10000x32xf32, #tpu.memory_space<hbm>> -> memref<128x32xf32, #tpu.memory_space<hbm>>
        %dma_wait3A_183 = arith.constant 0 : i32
        %dma_wait3A_184 = arith.constant 0 : i32
        %dma_wait3A_185 = tpu.memref_slice %arg12[%dma_wait3A_175, %dma_wait3A_183, %dma_wait3A_184] : memref<4x128x32xf32, #tpu.memory_space<vmem>> -> memref<1x128x32xf32, #tpu.memory_space<vmem>>
        %dma_wait3A_186 = tpu.memref_squeeze %dma_wait3A_185 : memref<1x128x32xf32, #tpu.memory_space<vmem>> -> memref<128x32xf32, #tpu.memory_space<vmem>>
        %dma_wait3A_187 = arith.constant 0 : i32
        %dma_wait3A_188 = arith.constant 0 : i32
        %dma_wait3A_189 = tpu.memref_slice %arg3[%dma_wait3A_187, %dma_wait3A_188] : memref<10000x32xf32, #tpu.memory_space<hbm>> -> memref<128x32xf32, #tpu.memory_space<hbm>>
        tpu.wait_dma2 semaphore(%arg15 : memref<!tpu.dma_semaphore, #tpu.memory_space<semaphore_mem>>) src(%dma_wait3A_189 : memref<128x32xf32, #tpu.memory_space<hbm>>) dst(%dma_wait3A_186 : memref<128x32xf32, #tpu.memory_space<vmem>>)
        %mul3A_190 = arith.constant 1 : i32
        %mul3A_191 = arith.muli %add3A_174, %mul3A_190 : i32
        %add3A_192 = arith.constant 0 : i32
        %add3A_193 = arith.addi %mul3A_191, %add3A_192 : i32
        %dma_start3A_194 = arith.constant 0 : i32
        %dma_start3A_195 = arith.constant 0 : i32
        %dma_start3A_196 = arith.constant 0 : i32
        %dma_start3A_197 = tpu.memref_slice %arg12[%dma_start3A_194, %dma_start3A_195, %dma_start3A_196] : memref<4x128x32xf32, #tpu.memory_space<vmem>> -> memref<1x128x32xf32, #tpu.memory_space<vmem>>
        %dma_start3A_198 = tpu.memref_squeeze %dma_start3A_197 : memref<1x128x32xf32, #tpu.memory_space<vmem>> -> memref<128x32xf32, #tpu.memory_space<vmem>>
        %dma_start3A_199 = arith.constant 0 : i32
        %dma_start3A_200 = tpu.memref_slice %arg10[%add3A_193, %dma_start3A_199] : memref<156x128xi32, #tpu.memory_space<vmem>> -> memref<1x128xi32, #tpu.memory_space<vmem>>
        %dma_start3A_201 = tpu.memref_squeeze %dma_start3A_200 : memref<1x128xi32, #tpu.memory_space<vmem>> -> memref<128xi32, #tpu.memory_space<vmem>>
        %dma_start3A_202 = arith.constant 0 : i32
        %dma_start3A_203 = arith.constant 0 : i32
        %dma_start3A_204 = tpu.memref_slice %arg24[%dma_start3A_202, %dma_start3A_203] : memref<10000x32xf32, #tpu.memory_space<vmem_shared>> -> memref<10000x32xf32, #tpu.memory_space<vmem_shared>>
        tpu.enqueue_indirect_dma source(%dma_start3A_198 : memref<128x32xf32, #tpu.memory_space<vmem>>) target(%dma_start3A_204 : memref<10000x32xf32, #tpu.memory_space<vmem_shared>>) offsets(%dma_start3A_201 : memref<128xi32, #tpu.memory_space<vmem>>) semaphore(%arg19 : memref<!tpu.dma_semaphore, #tpu.memory_space<semaphore_mem>>) {add = true}
        %add3A_205 = arith.constant 4 : i32
        %add3A_206 = arith.addi %add3A_174, %add3A_205 : i32
        %lt3A = arith.constant 156 : i32
        %lt3A_207 = arith.cmpi slt, %add3A_206, %lt3A : i32
        %convert_element_type3A_208 = arith.extui %lt3A_207 : i1 to i32
        %cond3A_209 = arith.constant 0 : i32
        %cond3A_210 = arith.cmpi ne, %convert_element_type3A_208, %cond3A_209 : i32
        scf.if %cond3A_210 {
          %dma_wait3A_334 = arith.constant 0 : i32
          %dma_wait3A_335 = arith.constant 0 : i32
          %dma_wait3A_336 = arith.constant 0 : i32
          %dma_wait3A_337 = tpu.memref_slice %arg12[%dma_wait3A_334, %dma_wait3A_335, %dma_wait3A_336] : memref<4x128x32xf32, #tpu.memory_space<vmem>> -> memref<1x128x32xf32, #tpu.memory_space<vmem>>
          %dma_wait3A_338 = tpu.memref_squeeze %dma_wait3A_337 : memref<1x128x32xf32, #tpu.memory_space<vmem>> -> memref<128x32xf32, #tpu.memory_space<vmem>>
          %dma_wait3A_339 = arith.constant 0 : i32
          %dma_wait3A_340 = arith.constant 0 : i32
          %dma_wait3A_341 = tpu.memref_slice %arg3[%dma_wait3A_339, %dma_wait3A_340] : memref<10000x32xf32, #tpu.memory_space<hbm>> -> memref<128x32xf32, #tpu.memory_space<hbm>>
          %dma_wait3A_342 = arith.constant 0 : i32
          %dma_wait3A_343 = arith.constant 0 : i32
          %dma_wait3A_344 = tpu.memref_slice %arg12[%dma_wait3A_334, %dma_wait3A_342, %dma_wait3A_343] : memref<4x128x32xf32, #tpu.memory_space<vmem>> -> memref<1x128x32xf32, #tpu.memory_space<vmem>>
          %dma_wait3A_345 = tpu.memref_squeeze %dma_wait3A_344 : memref<1x128x32xf32, #tpu.memory_space<vmem>> -> memref<128x32xf32, #tpu.memory_space<vmem>>
          %dma_wait3A_346 = arith.constant 0 : i32
          %dma_wait3A_347 = arith.constant 0 : i32
          %dma_wait3A_348 = tpu.memref_slice %arg3[%dma_wait3A_346, %dma_wait3A_347] : memref<10000x32xf32, #tpu.memory_space<hbm>> -> memref<128x32xf32, #tpu.memory_space<hbm>>
          tpu.wait_dma2 semaphore(%arg19 : memref<!tpu.dma_semaphore, #tpu.memory_space<semaphore_mem>>) src(%dma_wait3A_348 : memref<128x32xf32, #tpu.memory_space<hbm>>) dst(%dma_wait3A_345 : memref<128x32xf32, #tpu.memory_space<vmem>>)
          %add3A_349 = arith.constant 4 : i32
          %add3A_350 = arith.addi %add3A_174, %add3A_349 : i32
          %mul3A_351 = arith.constant 128 : i32
          %mul3A_352 = arith.muli %add3A_350, %mul3A_351 : i32
          %dma_start3A_353 = arith.constant 0 : i32
          %dma_start3A_354 = arith.constant 0 : i32
          %dma_start3A_355 = arith.constant 0 : i32
          %dma_start3A_356 = tpu.memref_slice %arg12[%dma_start3A_353, %dma_start3A_354, %dma_start3A_355] : memref<4x128x32xf32, #tpu.memory_space<vmem>> -> memref<1x128x32xf32, #tpu.memory_space<vmem>>
          %dma_start3A_357 = tpu.memref_squeeze %dma_start3A_356 : memref<1x128x32xf32, #tpu.memory_space<vmem>> -> memref<128x32xf32, #tpu.memory_space<vmem>>
          %dma_start3A_358 = tpu.memref_slice %arg9[%mul3A_352] : memref<20000xi32, #tpu.memory_space<vmem>> -> memref<128xi32, #tpu.memory_space<vmem>>
          %dma_start3A_359 = arith.constant 0 : i32
          %dma_start3A_360 = arith.constant 0 : i32
          %dma_start3A_361 = tpu.memref_slice %arg3[%dma_start3A_359, %dma_start3A_360] : memref<10000x32xf32, #tpu.memory_space<hbm>> -> memref<10000x32xf32, #tpu.memory_space<hbm>>
          tpu.enqueue_indirect_dma source(%dma_start3A_361 : memref<10000x32xf32, #tpu.memory_space<hbm>>) target(%dma_start3A_357 : memref<128x32xf32, #tpu.memory_space<vmem>>) offsets(%dma_start3A_358 : memref<128xi32, #tpu.memory_space<vmem>>) semaphore(%arg15 : memref<!tpu.dma_semaphore, #tpu.memory_space<semaphore_mem>>)
        } else {
        }
        %mul3A_211 = arith.constant 4 : i32
        %mul3A_212 = arith.muli %scan3A_170, %mul3A_211 : i32
        %add3A_213 = arith.constant 1 : i32
        %add3A_214 = arith.addi %mul3A_212, %add3A_213 : i32
        %dma_wait3A_215 = arith.constant 1 : i32
        %dma_wait3A_216 = arith.constant 0 : i32
        %dma_wait3A_217 = arith.constant 0 : i32
        %dma_wait3A_218 = tpu.memref_slice %arg12[%dma_wait3A_215, %dma_wait3A_216, %dma_wait3A_217] : memref<4x128x32xf32, #tpu.memory_space<vmem>> -> memref<1x128x32xf32, #tpu.memory_space<vmem>>
        %dma_wait3A_219 = tpu.memref_squeeze %dma_wait3A_218 : memref<1x128x32xf32, #tpu.memory_space<vmem>> -> memref<128x32xf32, #tpu.memory_space<vmem>>
        %dma_wait3A_220 = arith.constant 0 : i32
        %dma_wait3A_221 = arith.constant 0 : i32
        %dma_wait3A_222 = tpu.memref_slice %arg3[%dma_wait3A_220, %dma_wait3A_221] : memref<10000x32xf32, #tpu.memory_space<hbm>> -> memref<128x32xf32, #tpu.memory_space<hbm>>
        %dma_wait3A_223 = arith.constant 0 : i32
        %dma_wait3A_224 = arith.constant 0 : i32
        %dma_wait3A_225 = tpu.memref_slice %arg12[%dma_wait3A_215, %dma_wait3A_223, %dma_wait3A_224] : memref<4x128x32xf32, #tpu.memory_space<vmem>> -> memref<1x128x32xf32, #tpu.memory_space<vmem>>
        %dma_wait3A_226 = tpu.memref_squeeze %dma_wait3A_225 : memref<1x128x32xf32, #tpu.memory_space<vmem>> -> memref<128x32xf32, #tpu.memory_space<vmem>>
        %dma_wait3A_227 = arith.constant 0 : i32
        %dma_wait3A_228 = arith.constant 0 : i32
        %dma_wait3A_229 = tpu.memref_slice %arg3[%dma_wait3A_227, %dma_wait3A_228] : memref<10000x32xf32, #tpu.memory_space<hbm>> -> memref<128x32xf32, #tpu.memory_space<hbm>>
        tpu.wait_dma2 semaphore(%arg16 : memref<!tpu.dma_semaphore, #tpu.memory_space<semaphore_mem>>) src(%dma_wait3A_229 : memref<128x32xf32, #tpu.memory_space<hbm>>) dst(%dma_wait3A_226 : memref<128x32xf32, #tpu.memory_space<vmem>>)
        %mul3A_230 = arith.constant 1 : i32
        %mul3A_231 = arith.muli %add3A_214, %mul3A_230 : i32
        %add3A_232 = arith.constant 0 : i32
        %add3A_233 = arith.addi %mul3A_231, %add3A_232 : i32
        %dma_start3A_234 = arith.constant 1 : i32
        %dma_start3A_235 = arith.constant 0 : i32
        %dma_start3A_236 = arith.constant 0 : i32
        %dma_start3A_237 = tpu.memref_slice %arg12[%dma_start3A_234, %dma_start3A_235, %dma_start3A_236] : memref<4x128x32xf32, #tpu.memory_space<vmem>> -> memref<1x128x32xf32, #tpu.memory_space<vmem>>
        %dma_start3A_238 = tpu.memref_squeeze %dma_start3A_237 : memref<1x128x32xf32, #tpu.memory_space<vmem>> -> memref<128x32xf32, #tpu.memory_space<vmem>>
        %dma_start3A_239 = arith.constant 0 : i32
        %dma_start3A_240 = tpu.memref_slice %arg10[%add3A_233, %dma_start3A_239] : memref<156x128xi32, #tpu.memory_space<vmem>> -> memref<1x128xi32, #tpu.memory_space<vmem>>
        %dma_start3A_241 = tpu.memref_squeeze %dma_start3A_240 : memref<1x128xi32, #tpu.memory_space<vmem>> -> memref<128xi32, #tpu.memory_space<vmem>>
        %dma_start3A_242 = arith.constant 0 : i32
        %dma_start3A_243 = arith.constant 0 : i32
        %dma_start3A_244 = tpu.memref_slice %arg24[%dma_start3A_242, %dma_start3A_243] : memref<10000x32xf32, #tpu.memory_space<vmem_shared>> -> memref<10000x32xf32, #tpu.memory_space<vmem_shared>>
        tpu.enqueue_indirect_dma source(%dma_start3A_238 : memref<128x32xf32, #tpu.memory_space<vmem>>) target(%dma_start3A_244 : memref<10000x32xf32, #tpu.memory_space<vmem_shared>>) offsets(%dma_start3A_241 : memref<128xi32, #tpu.memory_space<vmem>>) semaphore(%arg20 : memref<!tpu.dma_semaphore, #tpu.memory_space<semaphore_mem>>) {add = true}
        %add3A_245 = arith.constant 4 : i32
        %add3A_246 = arith.addi %add3A_214, %add3A_245 : i32
        %lt3A_247 = arith.constant 156 : i32
        %lt3A_248 = arith.cmpi slt, %add3A_246, %lt3A_247 : i32
        %convert_element_type3A_249 = arith.extui %lt3A_248 : i1 to i32
        %cond3A_250 = arith.constant 0 : i32
        %cond3A_251 = arith.cmpi ne, %convert_element_type3A_249, %cond3A_250 : i32
        scf.if %cond3A_251 {
          %dma_wait3A_334 = arith.constant 1 : i32
          %dma_wait3A_335 = arith.constant 0 : i32
          %dma_wait3A_336 = arith.constant 0 : i32
          %dma_wait3A_337 = tpu.memref_slice %arg12[%dma_wait3A_334, %dma_wait3A_335, %dma_wait3A_336] : memref<4x128x32xf32, #tpu.memory_space<vmem>> -> memref<1x128x32xf32, #tpu.memory_space<vmem>>
          %dma_wait3A_338 = tpu.memref_squeeze %dma_wait3A_337 : memref<1x128x32xf32, #tpu.memory_space<vmem>> -> memref<128x32xf32, #tpu.memory_space<vmem>>
          %dma_wait3A_339 = arith.constant 0 : i32
          %dma_wait3A_340 = arith.constant 0 : i32
          %dma_wait3A_341 = tpu.memref_slice %arg3[%dma_wait3A_339, %dma_wait3A_340] : memref<10000x32xf32, #tpu.memory_space<hbm>> -> memref<128x32xf32, #tpu.memory_space<hbm>>
          %dma_wait3A_342 = arith.constant 0 : i32
          %dma_wait3A_343 = arith.constant 0 : i32
          %dma_wait3A_344 = tpu.memref_slice %arg12[%dma_wait3A_334, %dma_wait3A_342, %dma_wait3A_343] : memref<4x128x32xf32, #tpu.memory_space<vmem>> -> memref<1x128x32xf32, #tpu.memory_space<vmem>>
          %dma_wait3A_345 = tpu.memref_squeeze %dma_wait3A_344 : memref<1x128x32xf32, #tpu.memory_space<vmem>> -> memref<128x32xf32, #tpu.memory_space<vmem>>
          %dma_wait3A_346 = arith.constant 0 : i32
          %dma_wait3A_347 = arith.constant 0 : i32
          %dma_wait3A_348 = tpu.memref_slice %arg3[%dma_wait3A_346, %dma_wait3A_347] : memref<10000x32xf32, #tpu.memory_space<hbm>> -> memref<128x32xf32, #tpu.memory_space<hbm>>
          tpu.wait_dma2 semaphore(%arg20 : memref<!tpu.dma_semaphore, #tpu.memory_space<semaphore_mem>>) src(%dma_wait3A_348 : memref<128x32xf32, #tpu.memory_space<hbm>>) dst(%dma_wait3A_345 : memref<128x32xf32, #tpu.memory_space<vmem>>)
          %add3A_349 = arith.constant 4 : i32
          %add3A_350 = arith.addi %add3A_214, %add3A_349 : i32
          %mul3A_351 = arith.constant 128 : i32
          %mul3A_352 = arith.muli %add3A_350, %mul3A_351 : i32
          %dma_start3A_353 = arith.constant 1 : i32
          %dma_start3A_354 = arith.constant 0 : i32
          %dma_start3A_355 = arith.constant 0 : i32
          %dma_start3A_356 = tpu.memref_slice %arg12[%dma_start3A_353, %dma_start3A_354, %dma_start3A_355] : memref<4x128x32xf32, #tpu.memory_space<vmem>> -> memref<1x128x32xf32, #tpu.memory_space<vmem>>
          %dma_start3A_357 = tpu.memref_squeeze %dma_start3A_356 : memref<1x128x32xf32, #tpu.memory_space<vmem>> -> memref<128x32xf32, #tpu.memory_space<vmem>>
          %dma_start3A_358 = tpu.memref_slice %arg9[%mul3A_352] : memref<20000xi32, #tpu.memory_space<vmem>> -> memref<128xi32, #tpu.memory_space<vmem>>
          %dma_start3A_359 = arith.constant 0 : i32
          %dma_start3A_360 = arith.constant 0 : i32
          %dma_start3A_361 = tpu.memref_slice %arg3[%dma_start3A_359, %dma_start3A_360] : memref<10000x32xf32, #tpu.memory_space<hbm>> -> memref<10000x32xf32, #tpu.memory_space<hbm>>
          tpu.enqueue_indirect_dma source(%dma_start3A_361 : memref<10000x32xf32, #tpu.memory_space<hbm>>) target(%dma_start3A_357 : memref<128x32xf32, #tpu.memory_space<vmem>>) offsets(%dma_start3A_358 : memref<128xi32, #tpu.memory_space<vmem>>) semaphore(%arg16 : memref<!tpu.dma_semaphore, #tpu.memory_space<semaphore_mem>>)
        } else {
        }
        %mul3A_252 = arith.constant 4 : i32
        %mul3A_253 = arith.muli %scan3A_170, %mul3A_252 : i32
        %add3A_254 = arith.constant 2 : i32
        %add3A_255 = arith.addi %mul3A_253, %add3A_254 : i32
        %dma_wait3A_256 = arith.constant 2 : i32
        %dma_wait3A_257 = arith.constant 0 : i32
        %dma_wait3A_258 = arith.constant 0 : i32
        %dma_wait3A_259 = tpu.memref_slice %arg12[%dma_wait3A_256, %dma_wait3A_257, %dma_wait3A_258] : memref<4x128x32xf32, #tpu.memory_space<vmem>> -> memref<1x128x32xf32, #tpu.memory_space<vmem>>
        %dma_wait3A_260 = tpu.memref_squeeze %dma_wait3A_259 : memref<1x128x32xf32, #tpu.memory_space<vmem>> -> memref<128x32xf32, #tpu.memory_space<vmem>>
        %dma_wait3A_261 = arith.constant 0 : i32
        %dma_wait3A_262 = arith.constant 0 : i32
        %dma_wait3A_263 = tpu.memref_slice %arg3[%dma_wait3A_261, %dma_wait3A_262] : memref<10000x32xf32, #tpu.memory_space<hbm>> -> memref<128x32xf32, #tpu.memory_space<hbm>>
        %dma_wait3A_264 = arith.constant 0 : i32
        %dma_wait3A_265 = arith.constant 0 : i32
        %dma_wait3A_266 = tpu.memref_slice %arg12[%dma_wait3A_256, %dma_wait3A_264, %dma_wait3A_265] : memref<4x128x32xf32, #tpu.memory_space<vmem>> -> memref<1x128x32xf32, #tpu.memory_space<vmem>>
        %dma_wait3A_267 = tpu.memref_squeeze %dma_wait3A_266 : memref<1x128x32xf32, #tpu.memory_space<vmem>> -> memref<128x32xf32, #tpu.memory_space<vmem>>
        %dma_wait3A_268 = arith.constant 0 : i32
        %dma_wait3A_269 = arith.constant 0 : i32
        %dma_wait3A_270 = tpu.memref_slice %arg3[%dma_wait3A_268, %dma_wait3A_269] : memref<10000x32xf32, #tpu.memory_space<hbm>> -> memref<128x32xf32, #tpu.memory_space<hbm>>
        tpu.wait_dma2 semaphore(%arg17 : memref<!tpu.dma_semaphore, #tpu.memory_space<semaphore_mem>>) src(%dma_wait3A_270 : memref<128x32xf32, #tpu.memory_space<hbm>>) dst(%dma_wait3A_267 : memref<128x32xf32, #tpu.memory_space<vmem>>)
        %mul3A_271 = arith.constant 1 : i32
        %mul3A_272 = arith.muli %add3A_255, %mul3A_271 : i32
        %add3A_273 = arith.constant 0 : i32
        %add3A_274 = arith.addi %mul3A_272, %add3A_273 : i32
        %dma_start3A_275 = arith.constant 2 : i32
        %dma_start3A_276 = arith.constant 0 : i32
        %dma_start3A_277 = arith.constant 0 : i32
        %dma_start3A_278 = tpu.memref_slice %arg12[%dma_start3A_275, %dma_start3A_276, %dma_start3A_277] : memref<4x128x32xf32, #tpu.memory_space<vmem>> -> memref<1x128x32xf32, #tpu.memory_space<vmem>>
        %dma_start3A_279 = tpu.memref_squeeze %dma_start3A_278 : memref<1x128x32xf32, #tpu.memory_space<vmem>> -> memref<128x32xf32, #tpu.memory_space<vmem>>
        %dma_start3A_280 = arith.constant 0 : i32
        %dma_start3A_281 = tpu.memref_slice %arg10[%add3A_274, %dma_start3A_280] : memref<156x128xi32, #tpu.memory_space<vmem>> -> memref<1x128xi32, #tpu.memory_space<vmem>>
        %dma_start3A_282 = tpu.memref_squeeze %dma_start3A_281 : memref<1x128xi32, #tpu.memory_space<vmem>> -> memref<128xi32, #tpu.memory_space<vmem>>
        %dma_start3A_283 = arith.constant 0 : i32
        %dma_start3A_284 = arith.constant 0 : i32
        %dma_start3A_285 = tpu.memref_slice %arg24[%dma_start3A_283, %dma_start3A_284] : memref<10000x32xf32, #tpu.memory_space<vmem_shared>> -> memref<10000x32xf32, #tpu.memory_space<vmem_shared>>
        tpu.enqueue_indirect_dma source(%dma_start3A_279 : memref<128x32xf32, #tpu.memory_space<vmem>>) target(%dma_start3A_285 : memref<10000x32xf32, #tpu.memory_space<vmem_shared>>) offsets(%dma_start3A_282 : memref<128xi32, #tpu.memory_space<vmem>>) semaphore(%arg21 : memref<!tpu.dma_semaphore, #tpu.memory_space<semaphore_mem>>) {add = true}
        %add3A_286 = arith.constant 4 : i32
        %add3A_287 = arith.addi %add3A_255, %add3A_286 : i32
        %lt3A_288 = arith.constant 156 : i32
        %lt3A_289 = arith.cmpi slt, %add3A_287, %lt3A_288 : i32
        %convert_element_type3A_290 = arith.extui %lt3A_289 : i1 to i32
        %cond3A_291 = arith.constant 0 : i32
        %cond3A_292 = arith.cmpi ne, %convert_element_type3A_290, %cond3A_291 : i32
        scf.if %cond3A_292 {
          %dma_wait3A_334 = arith.constant 2 : i32
          %dma_wait3A_335 = arith.constant 0 : i32
          %dma_wait3A_336 = arith.constant 0 : i32
          %dma_wait3A_337 = tpu.memref_slice %arg12[%dma_wait3A_334, %dma_wait3A_335, %dma_wait3A_336] : memref<4x128x32xf32, #tpu.memory_space<vmem>> -> memref<1x128x32xf32, #tpu.memory_space<vmem>>
          %dma_wait3A_338 = tpu.memref_squeeze %dma_wait3A_337 : memref<1x128x32xf32, #tpu.memory_space<vmem>> -> memref<128x32xf32, #tpu.memory_space<vmem>>
          %dma_wait3A_339 = arith.constant 0 : i32
          %dma_wait3A_340 = arith.constant 0 : i32
          %dma_wait3A_341 = tpu.memref_slice %arg3[%dma_wait3A_339, %dma_wait3A_340] : memref<10000x32xf32, #tpu.memory_space<hbm>> -> memref<128x32xf32, #tpu.memory_space<hbm>>
          %dma_wait3A_342 = arith.constant 0 : i32
          %dma_wait3A_343 = arith.constant 0 : i32
          %dma_wait3A_344 = tpu.memref_slice %arg12[%dma_wait3A_334, %dma_wait3A_342, %dma_wait3A_343] : memref<4x128x32xf32, #tpu.memory_space<vmem>> -> memref<1x128x32xf32, #tpu.memory_space<vmem>>
          %dma_wait3A_345 = tpu.memref_squeeze %dma_wait3A_344 : memref<1x128x32xf32, #tpu.memory_space<vmem>> -> memref<128x32xf32, #tpu.memory_space<vmem>>
          %dma_wait3A_346 = arith.constant 0 : i32
          %dma_wait3A_347 = arith.constant 0 : i32
          %dma_wait3A_348 = tpu.memref_slice %arg3[%dma_wait3A_346, %dma_wait3A_347] : memref<10000x32xf32, #tpu.memory_space<hbm>> -> memref<128x32xf32, #tpu.memory_space<hbm>>
          tpu.wait_dma2 semaphore(%arg21 : memref<!tpu.dma_semaphore, #tpu.memory_space<semaphore_mem>>) src(%dma_wait3A_348 : memref<128x32xf32, #tpu.memory_space<hbm>>) dst(%dma_wait3A_345 : memref<128x32xf32, #tpu.memory_space<vmem>>)
          %add3A_349 = arith.constant 4 : i32
          %add3A_350 = arith.addi %add3A_255, %add3A_349 : i32
          %mul3A_351 = arith.constant 128 : i32
          %mul3A_352 = arith.muli %add3A_350, %mul3A_351 : i32
          %dma_start3A_353 = arith.constant 2 : i32
          %dma_start3A_354 = arith.constant 0 : i32
          %dma_start3A_355 = arith.constant 0 : i32
          %dma_start3A_356 = tpu.memref_slice %arg12[%dma_start3A_353, %dma_start3A_354, %dma_start3A_355] : memref<4x128x32xf32, #tpu.memory_space<vmem>> -> memref<1x128x32xf32, #tpu.memory_space<vmem>>
          %dma_start3A_357 = tpu.memref_squeeze %dma_start3A_356 : memref<1x128x32xf32, #tpu.memory_space<vmem>> -> memref<128x32xf32, #tpu.memory_space<vmem>>
          %dma_start3A_358 = tpu.memref_slice %arg9[%mul3A_352] : memref<20000xi32, #tpu.memory_space<vmem>> -> memref<128xi32, #tpu.memory_space<vmem>>
          %dma_start3A_359 = arith.constant 0 : i32
          %dma_start3A_360 = arith.constant 0 : i32
          %dma_start3A_361 = tpu.memref_slice %arg3[%dma_start3A_359, %dma_start3A_360] : memref<10000x32xf32, #tpu.memory_space<hbm>> -> memref<10000x32xf32, #tpu.memory_space<hbm>>
          tpu.enqueue_indirect_dma source(%dma_start3A_361 : memref<10000x32xf32, #tpu.memory_space<hbm>>) target(%dma_start3A_357 : memref<128x32xf32, #tpu.memory_space<vmem>>) offsets(%dma_start3A_358 : memref<128xi32, #tpu.memory_space<vmem>>) semaphore(%arg17 : memref<!tpu.dma_semaphore, #tpu.memory_space<semaphore_mem>>)
        } else {
        }
        %mul3A_293 = arith.constant 4 : i32
        %mul3A_294 = arith.muli %scan3A_170, %mul3A_293 : i32
        %add3A_295 = arith.constant 3 : i32
        %add3A_296 = arith.addi %mul3A_294, %add3A_295 : i32
        %dma_wait3A_297 = arith.constant 3 : i32
        %dma_wait3A_298 = arith.constant 0 : i32
        %dma_wait3A_299 = arith.constant 0 : i32
        %dma_wait3A_300 = tpu.memref_slice %arg12[%dma_wait3A_297, %dma_wait3A_298, %dma_wait3A_299] : memref<4x128x32xf32, #tpu.memory_space<vmem>> -> memref<1x128x32xf32, #tpu.memory_space<vmem>>
        %dma_wait3A_301 = tpu.memref_squeeze %dma_wait3A_300 : memref<1x128x32xf32, #tpu.memory_space<vmem>> -> memref<128x32xf32, #tpu.memory_space<vmem>>
        %dma_wait3A_302 = arith.constant 0 : i32
        %dma_wait3A_303 = arith.constant 0 : i32
        %dma_wait3A_304 = tpu.memref_slice %arg3[%dma_wait3A_302, %dma_wait3A_303] : memref<10000x32xf32, #tpu.memory_space<hbm>> -> memref<128x32xf32, #tpu.memory_space<hbm>>
        %dma_wait3A_305 = arith.constant 0 : i32
        %dma_wait3A_306 = arith.constant 0 : i32
        %dma_wait3A_307 = tpu.memref_slice %arg12[%dma_wait3A_297, %dma_wait3A_305, %dma_wait3A_306] : memref<4x128x32xf32, #tpu.memory_space<vmem>> -> memref<1x128x32xf32, #tpu.memory_space<vmem>>
        %dma_wait3A_308 = tpu.memref_squeeze %dma_wait3A_307 : memref<1x128x32xf32, #tpu.memory_space<vmem>> -> memref<128x32xf32, #tpu.memory_space<vmem>>
        %dma_wait3A_309 = arith.constant 0 : i32
        %dma_wait3A_310 = arith.constant 0 : i32
        %dma_wait3A_311 = tpu.memref_slice %arg3[%dma_wait3A_309, %dma_wait3A_310] : memref<10000x32xf32, #tpu.memory_space<hbm>> -> memref<128x32xf32, #tpu.memory_space<hbm>>
        tpu.wait_dma2 semaphore(%arg18 : memref<!tpu.dma_semaphore, #tpu.memory_space<semaphore_mem>>) src(%dma_wait3A_311 : memref<128x32xf32, #tpu.memory_space<hbm>>) dst(%dma_wait3A_308 : memref<128x32xf32, #tpu.memory_space<vmem>>)
        %mul3A_312 = arith.constant 1 : i32
        %mul3A_313 = arith.muli %add3A_296, %mul3A_312 : i32
        %add3A_314 = arith.constant 0 : i32
        %add3A_315 = arith.addi %mul3A_313, %add3A_314 : i32
        %dma_start3A_316 = arith.constant 3 : i32
        %dma_start3A_317 = arith.constant 0 : i32
        %dma_start3A_318 = arith.constant 0 : i32
        %dma_start3A_319 = tpu.memref_slice %arg12[%dma_start3A_316, %dma_start3A_317, %dma_start3A_318] : memref<4x128x32xf32, #tpu.memory_space<vmem>> -> memref<1x128x32xf32, #tpu.memory_space<vmem>>
        %dma_start3A_320 = tpu.memref_squeeze %dma_start3A_319 : memref<1x128x32xf32, #tpu.memory_space<vmem>> -> memref<128x32xf32, #tpu.memory_space<vmem>>
        %dma_start3A_321 = arith.constant 0 : i32
        %dma_start3A_322 = tpu.memref_slice %arg10[%add3A_315, %dma_start3A_321] : memref<156x128xi32, #tpu.memory_space<vmem>> -> memref<1x128xi32, #tpu.memory_space<vmem>>
        %dma_start3A_323 = tpu.memref_squeeze %dma_start3A_322 : memref<1x128xi32, #tpu.memory_space<vmem>> -> memref<128xi32, #tpu.memory_space<vmem>>
        %dma_start3A_324 = arith.constant 0 : i32
        %dma_start3A_325 = arith.constant 0 : i32
        %dma_start3A_326 = tpu.memref_slice %arg24[%dma_start3A_324, %dma_start3A_325] : memref<10000x32xf32, #tpu.memory_space<vmem_shared>> -> memref<10000x32xf32, #tpu.memory_space<vmem_shared>>
        tpu.enqueue_indirect_dma source(%dma_start3A_320 : memref<128x32xf32, #tpu.memory_space<vmem>>) target(%dma_start3A_326 : memref<10000x32xf32, #tpu.memory_space<vmem_shared>>) offsets(%dma_start3A_323 : memref<128xi32, #tpu.memory_space<vmem>>) semaphore(%arg22 : memref<!tpu.dma_semaphore, #tpu.memory_space<semaphore_mem>>) {add = true}
        %add3A_327 = arith.constant 4 : i32
        %add3A_328 = arith.addi %add3A_296, %add3A_327 : i32
        %lt3A_329 = arith.constant 156 : i32
        %lt3A_330 = arith.cmpi slt, %add3A_328, %lt3A_329 : i32
        %convert_element_type3A_331 = arith.extui %lt3A_330 : i1 to i32
        %cond3A_332 = arith.constant 0 : i32
        %cond3A_333 = arith.cmpi ne, %convert_element_type3A_331, %cond3A_332 : i32
        scf.if %cond3A_333 {
          %dma_wait3A_334 = arith.constant 3 : i32
          %dma_wait3A_335 = arith.constant 0 : i32
          %dma_wait3A_336 = arith.constant 0 : i32
          %dma_wait3A_337 = tpu.memref_slice %arg12[%dma_wait3A_334, %dma_wait3A_335, %dma_wait3A_336] : memref<4x128x32xf32, #tpu.memory_space<vmem>> -> memref<1x128x32xf32, #tpu.memory_space<vmem>>
          %dma_wait3A_338 = tpu.memref_squeeze %dma_wait3A_337 : memref<1x128x32xf32, #tpu.memory_space<vmem>> -> memref<128x32xf32, #tpu.memory_space<vmem>>
          %dma_wait3A_339 = arith.constant 0 : i32
          %dma_wait3A_340 = arith.constant 0 : i32
          %dma_wait3A_341 = tpu.memref_slice %arg3[%dma_wait3A_339, %dma_wait3A_340] : memref<10000x32xf32, #tpu.memory_space<hbm>> -> memref<128x32xf32, #tpu.memory_space<hbm>>
          %dma_wait3A_342 = arith.constant 0 : i32
          %dma_wait3A_343 = arith.constant 0 : i32
          %dma_wait3A_344 = tpu.memref_slice %arg12[%dma_wait3A_334, %dma_wait3A_342, %dma_wait3A_343] : memref<4x128x32xf32, #tpu.memory_space<vmem>> -> memref<1x128x32xf32, #tpu.memory_space<vmem>>
          %dma_wait3A_345 = tpu.memref_squeeze %dma_wait3A_344 : memref<1x128x32xf32, #tpu.memory_space<vmem>> -> memref<128x32xf32, #tpu.memory_space<vmem>>
          %dma_wait3A_346 = arith.constant 0 : i32
          %dma_wait3A_347 = arith.constant 0 : i32
          %dma_wait3A_348 = tpu.memref_slice %arg3[%dma_wait3A_346, %dma_wait3A_347] : memref<10000x32xf32, #tpu.memory_space<hbm>> -> memref<128x32xf32, #tpu.memory_space<hbm>>
          tpu.wait_dma2 semaphore(%arg22 : memref<!tpu.dma_semaphore, #tpu.memory_space<semaphore_mem>>) src(%dma_wait3A_348 : memref<128x32xf32, #tpu.memory_space<hbm>>) dst(%dma_wait3A_345 : memref<128x32xf32, #tpu.memory_space<vmem>>)
          %add3A_349 = arith.constant 4 : i32
          %add3A_350 = arith.addi %add3A_296, %add3A_349 : i32
          %mul3A_351 = arith.constant 128 : i32
          %mul3A_352 = arith.muli %add3A_350, %mul3A_351 : i32
          %dma_start3A_353 = arith.constant 3 : i32
          %dma_start3A_354 = arith.constant 0 : i32
          %dma_start3A_355 = arith.constant 0 : i32
          %dma_start3A_356 = tpu.memref_slice %arg12[%dma_start3A_353, %dma_start3A_354, %dma_start3A_355] : memref<4x128x32xf32, #tpu.memory_space<vmem>> -> memref<1x128x32xf32, #tpu.memory_space<vmem>>
          %dma_start3A_357 = tpu.memref_squeeze %dma_start3A_356 : memref<1x128x32xf32, #tpu.memory_space<vmem>> -> memref<128x32xf32, #tpu.memory_space<vmem>>
          %dma_start3A_358 = tpu.memref_slice %arg9[%mul3A_352] : memref<20000xi32, #tpu.memory_space<vmem>> -> memref<128xi32, #tpu.memory_space<vmem>>
          %dma_start3A_359 = arith.constant 0 : i32
          %dma_start3A_360 = arith.constant 0 : i32
          %dma_start3A_361 = tpu.memref_slice %arg3[%dma_start3A_359, %dma_start3A_360] : memref<10000x32xf32, #tpu.memory_space<hbm>> -> memref<10000x32xf32, #tpu.memory_space<hbm>>
          tpu.enqueue_indirect_dma source(%dma_start3A_361 : memref<10000x32xf32, #tpu.memory_space<hbm>>) target(%dma_start3A_357 : memref<128x32xf32, #tpu.memory_space<vmem>>) offsets(%dma_start3A_358 : memref<128xi32, #tpu.memory_space<vmem>>) semaphore(%arg18 : memref<!tpu.dma_semaphore, #tpu.memory_space<semaphore_mem>>)
        } else {
        }
      }
      %scan3A_99 = arith.constant 39 : i32
      %dma_wait3A_100 = arith.constant 0 : i32
      %dma_wait3A_101 = arith.constant 0 : i32
      %dma_wait3A_102 = arith.constant 0 : i32
      %dma_wait3A_103 = tpu.memref_slice %arg12[%dma_wait3A_100, %dma_wait3A_101, %dma_wait3A_102] : memref<4x128x32xf32, #tpu.memory_space<vmem>> -> memref<1x128x32xf32, #tpu.memory_space<vmem>>
      %dma_wait3A_104 = tpu.memref_squeeze %dma_wait3A_103 : memref<1x128x32xf32, #tpu.memory_space<vmem>> -> memref<128x32xf32, #tpu.memory_space<vmem>>
      %dma_wait3A_105 = arith.constant 0 : i32
      %dma_wait3A_106 = arith.constant 0 : i32
      %dma_wait3A_107 = tpu.memref_slice %arg3[%dma_wait3A_105, %dma_wait3A_106] : memref<10000x32xf32, #tpu.memory_space<hbm>> -> memref<128x32xf32, #tpu.memory_space<hbm>>
      %dma_wait3A_108 = arith.constant 0 : i32
      %dma_wait3A_109 = arith.constant 0 : i32
      %dma_wait3A_110 = tpu.memref_slice %arg12[%dma_wait3A_100, %dma_wait3A_108, %dma_wait3A_109] : memref<4x128x32xf32, #tpu.memory_space<vmem>> -> memref<1x128x32xf32, #tpu.memory_space<vmem>>
      %dma_wait3A_111 = tpu.memref_squeeze %dma_wait3A_110 : memref<1x128x32xf32, #tpu.memory_space<vmem>> -> memref<128x32xf32, #tpu.memory_space<vmem>>
      %dma_wait3A_112 = arith.constant 0 : i32
      %dma_wait3A_113 = arith.constant 0 : i32
      %dma_wait3A_114 = tpu.memref_slice %arg3[%dma_wait3A_112, %dma_wait3A_113] : memref<10000x32xf32, #tpu.memory_space<hbm>> -> memref<128x32xf32, #tpu.memory_space<hbm>>
      tpu.wait_dma2 semaphore(%arg19 : memref<!tpu.dma_semaphore, #tpu.memory_space<semaphore_mem>>) src(%dma_wait3A_114 : memref<128x32xf32, #tpu.memory_space<hbm>>) dst(%dma_wait3A_111 : memref<128x32xf32, #tpu.memory_space<vmem>>)
      %dma_wait3A_115 = arith.constant 1 : i32
      %dma_wait3A_116 = arith.constant 0 : i32
      %dma_wait3A_117 = arith.constant 0 : i32
      %dma_wait3A_118 = tpu.memref_slice %arg12[%dma_wait3A_115, %dma_wait3A_116, %dma_wait3A_117] : memref<4x128x32xf32, #tpu.memory_space<vmem>> -> memref<1x128x32xf32, #tpu.memory_space<vmem>>
      %dma_wait3A_119 = tpu.memref_squeeze %dma_wait3A_118 : memref<1x128x32xf32, #tpu.memory_space<vmem>> -> memref<128x32xf32, #tpu.memory_space<vmem>>
      %dma_wait3A_120 = arith.constant 0 : i32
      %dma_wait3A_121 = arith.constant 0 : i32
      %dma_wait3A_122 = tpu.memref_slice %arg3[%dma_wait3A_120, %dma_wait3A_121] : memref<10000x32xf32, #tpu.memory_space<hbm>> -> memref<128x32xf32, #tpu.memory_space<hbm>>
      %dma_wait3A_123 = arith.constant 0 : i32
      %dma_wait3A_124 = arith.constant 0 : i32
      %dma_wait3A_125 = tpu.memref_slice %arg12[%dma_wait3A_115, %dma_wait3A_123, %dma_wait3A_124] : memref<4x128x32xf32, #tpu.memory_space<vmem>> -> memref<1x128x32xf32, #tpu.memory_space<vmem>>
      %dma_wait3A_126 = tpu.memref_squeeze %dma_wait3A_125 : memref<1x128x32xf32, #tpu.memory_space<vmem>> -> memref<128x32xf32, #tpu.memory_space<vmem>>
      %dma_wait3A_127 = arith.constant 0 : i32
      %dma_wait3A_128 = arith.constant 0 : i32
      %dma_wait3A_129 = tpu.memref_slice %arg3[%dma_wait3A_127, %dma_wait3A_128] : memref<10000x32xf32, #tpu.memory_space<hbm>> -> memref<128x32xf32, #tpu.memory_space<hbm>>
      tpu.wait_dma2 semaphore(%arg20 : memref<!tpu.dma_semaphore, #tpu.memory_space<semaphore_mem>>) src(%dma_wait3A_129 : memref<128x32xf32, #tpu.memory_space<hbm>>) dst(%dma_wait3A_126 : memref<128x32xf32, #tpu.memory_space<vmem>>)
      %dma_wait3A_130 = arith.constant 2 : i32
      %dma_wait3A_131 = arith.constant 0 : i32
      %dma_wait3A_132 = arith.constant 0 : i32
      %dma_wait3A_133 = tpu.memref_slice %arg12[%dma_wait3A_130, %dma_wait3A_131, %dma_wait3A_132] : memref<4x128x32xf32, #tpu.memory_space<vmem>> -> memref<1x128x32xf32, #tpu.memory_space<vmem>>
      %dma_wait3A_134 = tpu.memref_squeeze %dma_wait3A_133 : memref<1x128x32xf32, #tpu.memory_space<vmem>> -> memref<128x32xf32, #tpu.memory_space<vmem>>
      %dma_wait3A_135 = arith.constant 0 : i32
      %dma_wait3A_136 = arith.constant 0 : i32
      %dma_wait3A_137 = tpu.memref_slice %arg3[%dma_wait3A_135, %dma_wait3A_136] : memref<10000x32xf32, #tpu.memory_space<hbm>> -> memref<128x32xf32, #tpu.memory_space<hbm>>
      %dma_wait3A_138 = arith.constant 0 : i32
      %dma_wait3A_139 = arith.constant 0 : i32
      %dma_wait3A_140 = tpu.memref_slice %arg12[%dma_wait3A_130, %dma_wait3A_138, %dma_wait3A_139] : memref<4x128x32xf32, #tpu.memory_space<vmem>> -> memref<1x128x32xf32, #tpu.memory_space<vmem>>
      %dma_wait3A_141 = tpu.memref_squeeze %dma_wait3A_140 : memref<1x128x32xf32, #tpu.memory_space<vmem>> -> memref<128x32xf32, #tpu.memory_space<vmem>>
      %dma_wait3A_142 = arith.constant 0 : i32
      %dma_wait3A_143 = arith.constant 0 : i32
      %dma_wait3A_144 = tpu.memref_slice %arg3[%dma_wait3A_142, %dma_wait3A_143] : memref<10000x32xf32, #tpu.memory_space<hbm>> -> memref<128x32xf32, #tpu.memory_space<hbm>>
      tpu.wait_dma2 semaphore(%arg21 : memref<!tpu.dma_semaphore, #tpu.memory_space<semaphore_mem>>) src(%dma_wait3A_144 : memref<128x32xf32, #tpu.memory_space<hbm>>) dst(%dma_wait3A_141 : memref<128x32xf32, #tpu.memory_space<vmem>>)
      %dma_wait3A_145 = arith.constant 3 : i32
      %dma_wait3A_146 = arith.constant 0 : i32
      %dma_wait3A_147 = arith.constant 0 : i32
      %dma_wait3A_148 = tpu.memref_slice %arg12[%dma_wait3A_145, %dma_wait3A_146, %dma_wait3A_147] : memref<4x128x32xf32, #tpu.memory_space<vmem>> -> memref<1x128x32xf32, #tpu.memory_space<vmem>>
      %dma_wait3A_149 = tpu.memref_squeeze %dma_wait3A_148 : memref<1x128x32xf32, #tpu.memory_space<vmem>> -> memref<128x32xf32, #tpu.memory_space<vmem>>
      %dma_wait3A_150 = arith.constant 0 : i32
      %dma_wait3A_151 = arith.constant 0 : i32
      %dma_wait3A_152 = tpu.memref_slice %arg3[%dma_wait3A_150, %dma_wait3A_151] : memref<10000x32xf32, #tpu.memory_space<hbm>> -> memref<128x32xf32, #tpu.memory_space<hbm>>
      %dma_wait3A_153 = arith.constant 0 : i32
      %dma_wait3A_154 = arith.constant 0 : i32
      %dma_wait3A_155 = tpu.memref_slice %arg12[%dma_wait3A_145, %dma_wait3A_153, %dma_wait3A_154] : memref<4x128x32xf32, #tpu.memory_space<vmem>> -> memref<1x128x32xf32, #tpu.memory_space<vmem>>
      %dma_wait3A_156 = tpu.memref_squeeze %dma_wait3A_155 : memref<1x128x32xf32, #tpu.memory_space<vmem>> -> memref<128x32xf32, #tpu.memory_space<vmem>>
      %dma_wait3A_157 = arith.constant 0 : i32
      %dma_wait3A_158 = arith.constant 0 : i32
      %dma_wait3A_159 = tpu.memref_slice %arg3[%dma_wait3A_157, %dma_wait3A_158] : memref<10000x32xf32, #tpu.memory_space<hbm>> -> memref<128x32xf32, #tpu.memory_space<hbm>>
      tpu.wait_dma2 semaphore(%arg22 : memref<!tpu.dma_semaphore, #tpu.memory_space<semaphore_mem>>) src(%dma_wait3A_159 : memref<128x32xf32, #tpu.memory_space<hbm>>) dst(%dma_wait3A_156 : memref<128x32xf32, #tpu.memory_space<vmem>>)
      %dma_start3A_160 = arith.constant 19968 : i32
      %dma_start3A_161 = tpu.memref_slice %arg9[%dma_start3A_160] : memref<20000xi32, #tpu.memory_space<vmem>> -> memref<32xi32, #tpu.memory_space<vmem>>
      %dma_start3A_162 = arith.constant 0 : i32
      %dma_start3A_163 = arith.constant 0 : i32
      %dma_start3A_164 = tpu.memref_slice %arg3[%dma_start3A_162, %dma_start3A_163] : memref<10000x32xf32, #tpu.memory_space<hbm>> -> memref<10000x32xf32, #tpu.memory_space<hbm>>
      tpu.enqueue_indirect_dma source(%dma_start3A_164 : memref<10000x32xf32, #tpu.memory_space<hbm>>) target(%arg13 : memref<32x32xf32, #tpu.memory_space<vmem>>) offsets(%dma_start3A_161 : memref<32xi32, #tpu.memory_space<vmem>>) semaphore(%arg15 : memref<!tpu.dma_semaphore, #tpu.memory_space<semaphore_mem>>)
      %dma_wait3A_165 = arith.constant 19968 : i32
      %dma_wait3A_166 = tpu.memref_slice %arg9[%dma_wait3A_165] : memref<20000xi32, #tpu.memory_space<vmem>> -> memref<32xi32, #tpu.memory_space<vmem>>
      %dma_wait3A_167 = arith.constant 0 : i32
      %dma_wait3A_168 = arith.constant 0 : i32
      %dma_wait3A_169 = tpu.memref_slice %arg3[%dma_wait3A_167, %dma_wait3A_168] : memref<10000x32xf32, #tpu.memory_space<hbm>> -> memref<10000x32xf32, #tpu.memory_space<hbm>>
      tpu.wait_indirect_dma semaphore(%arg15 : memref<!tpu.dma_semaphore, #tpu.memory_space<semaphore_mem>>) src(%dma_wait3A_169 : memref<10000x32xf32, #tpu.memory_space<hbm>>) dst(%arg13 : memref<32x32xf32, #tpu.memory_space<vmem>>)
      %run_scoped3A = arith.constant 0 : i32
      "tpu.region"() ({
        %run_scoped3A_170 = tpu.sem_alloc : memref<!tpu.dma_semaphore, #tpu.memory_space<semaphore_mem>>
        %dma_start3A_171 = arith.constant 0 : i32
        %dma_start3A_172 = tpu.memref_slice %arg11[%run_scoped3A, %dma_start3A_171] : memref<1x32xi32, #tpu.memory_space<vmem>> -> memref<1x32xi32, #tpu.memory_space<vmem>>
        %dma_start3A_173 = tpu.memref_squeeze %dma_start3A_172 : memref<1x32xi32, #tpu.memory_space<vmem>> -> memref<32xi32, #tpu.memory_space<vmem>>
        %dma_start3A_174 = arith.constant 0 : i32
        %dma_start3A_175 = arith.constant 0 : i32
        %dma_start3A_176 = tpu.memref_slice %arg24[%dma_start3A_174, %dma_start3A_175] : memref<10000x32xf32, #tpu.memory_space<vmem_shared>> -> memref<10000x32xf32, #tpu.memory_space<vmem_shared>>
        tpu.enqueue_indirect_dma source(%arg13 : memref<32x32xf32, #tpu.memory_space<vmem>>) target(%dma_start3A_176 : memref<10000x32xf32, #tpu.memory_space<vmem_shared>>) offsets(%dma_start3A_173 : memref<32xi32, #tpu.memory_space<vmem>>) semaphore(%run_scoped3A_170 : memref<!tpu.dma_semaphore, #tpu.memory_space<semaphore_mem>>) {add = true}
        %dma_wait3A_177 = arith.constant 0 : i32
        %dma_wait3A_178 = tpu.memref_slice %arg11[%run_scoped3A, %dma_wait3A_177] : memref<1x32xi32, #tpu.memory_space<vmem>> -> memref<1x32xi32, #tpu.memory_space<vmem>>
        %dma_wait3A_179 = tpu.memref_squeeze %dma_wait3A_178 : memref<1x32xi32, #tpu.memory_space<vmem>> -> memref<32xi32, #tpu.memory_space<vmem>>
        %dma_wait3A_180 = arith.constant 0 : i32
        %dma_wait3A_181 = arith.constant 0 : i32
        %dma_wait3A_182 = tpu.memref_slice %arg24[%dma_wait3A_180, %dma_wait3A_181] : memref<10000x32xf32, #tpu.memory_space<vmem_shared>> -> memref<10000x32xf32, #tpu.memory_space<vmem_shared>>
        tpu.wait_indirect_dma semaphore(%run_scoped3A_170 : memref<!tpu.dma_semaphore, #tpu.memory_space<semaphore_mem>>) src(%arg13 : memref<32x32xf32, #tpu.memory_space<vmem>>) dst(%dma_wait3A_182 : memref<10000x32xf32, #tpu.memory_space<vmem_shared>>)
        tpu.yield
      }) : () -> ()
    } else {
    }
    %barrier3A_42 = arith.constant 0 : index
    tpu.barrier barrier_id(%barrier3A_42)
    %scan3A_43 = arith.constant 0 : i32
    %scan3A_44 = arith.constant 0 : i32
    %scan3A_45 = arith.constant 78 : i32
    %scan3A_46 = arith.addi %scan3A_44, %scan3A_45 : i32
    %scan3A_47 = arith.constant 1 : i32
    scf.for %scan3A_54 = %scan3A_44 to %scan3A_46 step %scan3A_47  : i32 {
      %jit3A = arith.constant 16 : i32
      %eq3A_55 = arith.constant 0 : i32
      %eq3A_56 = arith.cmpi eq, %jit3A, %eq3A_55 : i32
      %jit3A_57 = arith.constant 1 : i32
      %select_n3A = arith.select %eq3A_56, %jit3A_57, %jit3A : i32
      %rem3A = arith.remsi %scan3A_54, %select_n3A : i32
      %ne3A = arith.constant 0 : i32
      %ne3A_58 = arith.cmpi ne, %rem3A, %ne3A : i32
      %lt3A = arith.constant 0 : i32
      %lt3A_59 = arith.cmpi slt, %rem3A, %lt3A : i32
      %lt3A_60 = arith.constant 0 : i32
      %lt3A_61 = arith.cmpi slt, %select_n3A, %lt3A_60 : i32
      %ne3A_62 = arith.xori %lt3A_59, %lt3A_61 : i1
      %and3A = arith.andi %ne3A_62, %ne3A_58 : i1
      %add3A_63 = arith.addi %rem3A, %select_n3A : i32
      %select_n3A_64 = arith.select %and3A, %add3A_63, %rem3A : i32
      %eq3A_65 = arith.cmpi eq, %select_n3A_64, %arg1 : i32
      %convert_element_type3A_66 = arith.extui %eq3A_65 : i1 to i32
      %cond3A_67 = arith.constant 0 : i32
      %cond3A_68 = arith.cmpi ne, %convert_element_type3A_66, %cond3A_67 : i32
      scf.if %cond3A_68 {
        %eq3A_69 = arith.constant 0 : i32
        %eq3A_70 = arith.cmpi eq, %arg0, %eq3A_69 : i32
        %convert_element_type3A_71 = arith.extui %eq3A_70 : i1 to i32
        %cond3A_72 = arith.constant 0 : i32
        %cond3A_73 = arith.cmpi ne, %convert_element_type3A_71, %cond3A_72 : i32
        scf.if %cond3A_73 {
          %mul3A_79 = arith.constant 128 : i32
          %mul3A_80 = arith.muli %scan3A_54, %mul3A_79 : i32
          %mul3A_81 = arith.constant 128 : i32
          %mul3A_82 = arith.muli %scan3A_54, %mul3A_81 : i32
          "tpu.region"() ({
            %run_scoped3A = tpu.sem_alloc : memref<!tpu.dma_semaphore, #tpu.memory_space<semaphore_mem>>
            %dma_start3A_83 = arith.constant 0 : i32
            %dma_start3A_84 = tpu.memref_slice %arg7[%mul3A_82, %dma_start3A_83] : memref<10000x32xf32, #tpu.memory_space<hbm>> -> memref<128x32xf32, #tpu.memory_space<hbm>>
            %dma_start3A_85 = arith.constant 0 : i32
            %dma_start3A_86 = tpu.memref_slice %arg24[%mul3A_80, %dma_start3A_85] : memref<10000x32xf32, #tpu.memory_space<vmem_shared>> -> memref<128x32xf32, #tpu.memory_space<vmem_shared>>
            tpu.enqueue_dma source(%dma_start3A_86 : memref<128x32xf32, #tpu.memory_space<vmem_shared>>) target(%dma_start3A_84 : memref<128x32xf32, #tpu.memory_space<hbm>>) target_semaphore(%run_scoped3A : memref<!tpu.dma_semaphore, #tpu.memory_space<semaphore_mem>>)
            %dma_wait3A_87 = arith.constant 0 : i32
            %dma_wait3A_88 = tpu.memref_slice %arg7[%mul3A_82, %dma_wait3A_87] : memref<10000x32xf32, #tpu.memory_space<hbm>> -> memref<128x32xf32, #tpu.memory_space<hbm>>
            %dma_wait3A_89 = arith.constant 0 : i32
            %dma_wait3A_90 = tpu.memref_slice %arg24[%mul3A_80, %dma_wait3A_89] : memref<10000x32xf32, #tpu.memory_space<vmem_shared>> -> memref<128x32xf32, #tpu.memory_space<vmem_shared>>
            tpu.wait_dma2 semaphore(%run_scoped3A : memref<!tpu.dma_semaphore, #tpu.memory_space<semaphore_mem>>) src(%dma_wait3A_90 : memref<128x32xf32, #tpu.memory_space<vmem_shared>>) dst(%dma_wait3A_88 : memref<128x32xf32, #tpu.memory_space<hbm>>)
            tpu.yield
          }) : () -> ()
        } else {
        }
        %eq3A_74 = arith.constant 1 : i32
        %eq3A_75 = arith.cmpi eq, %arg0, %eq3A_74 : i32
        %convert_element_type3A_76 = arith.extui %eq3A_75 : i1 to i32
        %cond3A_77 = arith.constant 0 : i32
        %cond3A_78 = arith.cmpi ne, %convert_element_type3A_76, %cond3A_77 : i32
        scf.if %cond3A_78 {
          %mul3A_79 = arith.constant 128 : i32
          %mul3A_80 = arith.muli %scan3A_54, %mul3A_79 : i32
          %mul3A_81 = arith.constant 128 : i32
          %mul3A_82 = arith.muli %scan3A_54, %mul3A_81 : i32
          "tpu.region"() ({
            %run_scoped3A = tpu.sem_alloc : memref<!tpu.dma_semaphore, #tpu.memory_space<semaphore_mem>>
            %dma_start3A_83 = arith.constant 0 : i32
            %dma_start3A_84 = tpu.memref_slice %arg8[%mul3A_82, %dma_start3A_83] : memref<10000x32xf32, #tpu.memory_space<hbm>> -> memref<128x32xf32, #tpu.memory_space<hbm>>
            %dma_start3A_85 = arith.constant 0 : i32
            %dma_start3A_86 = tpu.memref_slice %arg24[%mul3A_80, %dma_start3A_85] : memref<10000x32xf32, #tpu.memory_space<vmem_shared>> -> memref<128x32xf32, #tpu.memory_space<vmem_shared>>
            tpu.enqueue_dma source(%dma_start3A_86 : memref<128x32xf32, #tpu.memory_space<vmem_shared>>) target(%dma_start3A_84 : memref<128x32xf32, #tpu.memory_space<hbm>>) target_semaphore(%run_scoped3A : memref<!tpu.dma_semaphore, #tpu.memory_space<semaphore_mem>>)
            %dma_wait3A_87 = arith.constant 0 : i32
            %dma_wait3A_88 = tpu.memref_slice %arg8[%mul3A_82, %dma_wait3A_87] : memref<10000x32xf32, #tpu.memory_space<hbm>> -> memref<128x32xf32, #tpu.memory_space<hbm>>
            %dma_wait3A_89 = arith.constant 0 : i32
            %dma_wait3A_90 = tpu.memref_slice %arg24[%mul3A_80, %dma_wait3A_89] : memref<10000x32xf32, #tpu.memory_space<vmem_shared>> -> memref<128x32xf32, #tpu.memory_space<vmem_shared>>
            tpu.wait_dma2 semaphore(%run_scoped3A : memref<!tpu.dma_semaphore, #tpu.memory_space<semaphore_mem>>) src(%dma_wait3A_90 : memref<128x32xf32, #tpu.memory_space<vmem_shared>>) dst(%dma_wait3A_88 : memref<128x32xf32, #tpu.memory_space<hbm>>)
            tpu.yield
          }) : () -> ()
        } else {
        }
      } else {
      }
    }
    %scan3A_48 = arith.constant 78 : i32
    %eq3A_49 = arith.constant 14 : i32
    %eq3A_50 = arith.cmpi eq, %arg1, %eq3A_49 : i32
    %convert_element_type3A_51 = arith.extui %eq3A_50 : i1 to i32
    %cond3A_52 = arith.constant 0 : i32
    %cond3A_53 = arith.cmpi ne, %convert_element_type3A_51, %cond3A_52 : i32
    scf.if %cond3A_53 {
      %eq3A_54 = arith.constant 0 : i32
      %eq3A_55 = arith.cmpi eq, %arg0, %eq3A_54 : i32
      %convert_element_type3A_56 = arith.extui %eq3A_55 : i1 to i32
      %cond3A_57 = arith.constant 0 : i32
      %cond3A_58 = arith.cmpi ne, %convert_element_type3A_56, %cond3A_57 : i32
      scf.if %cond3A_58 {
        "tpu.region"() ({
          %run_scoped3A = tpu.sem_alloc : memref<!tpu.dma_semaphore, #tpu.memory_space<semaphore_mem>>
          %dma_start3A_64 = arith.constant 9984 : i32
          %dma_start3A_65 = arith.constant 0 : i32
          %dma_start3A_66 = tpu.memref_slice %arg7[%dma_start3A_64, %dma_start3A_65] : memref<10000x32xf32, #tpu.memory_space<hbm>> -> memref<16x32xf32, #tpu.memory_space<hbm>>
          %dma_start3A_67 = arith.constant 9984 : i32
          %dma_start3A_68 = arith.constant 0 : i32
          %dma_start3A_69 = tpu.memref_slice %arg24[%dma_start3A_67, %dma_start3A_68] : memref<10000x32xf32, #tpu.memory_space<vmem_shared>> -> memref<16x32xf32, #tpu.memory_space<vmem_shared>>
          tpu.enqueue_dma source(%dma_start3A_69 : memref<16x32xf32, #tpu.memory_space<vmem_shared>>) target(%dma_start3A_66 : memref<16x32xf32, #tpu.memory_space<hbm>>) target_semaphore(%run_scoped3A : memref<!tpu.dma_semaphore, #tpu.memory_space<semaphore_mem>>)
          %dma_wait3A_70 = arith.constant 9984 : i32
          %dma_wait3A_71 = arith.constant 0 : i32
          %dma_wait3A_72 = tpu.memref_slice %arg7[%dma_wait3A_70, %dma_wait3A_71] : memref<10000x32xf32, #tpu.memory_space<hbm>> -> memref<16x32xf32, #tpu.memory_space<hbm>>
          %dma_wait3A_73 = arith.constant 9984 : i32
          %dma_wait3A_74 = arith.constant 0 : i32
          %dma_wait3A_75 = tpu.memref_slice %arg24[%dma_wait3A_73, %dma_wait3A_74] : memref<10000x32xf32, #tpu.memory_space<vmem_shared>> -> memref<16x32xf32, #tpu.memory_space<vmem_shared>>
          tpu.wait_dma2 semaphore(%run_scoped3A : memref<!tpu.dma_semaphore, #tpu.memory_space<semaphore_mem>>) src(%dma_wait3A_75 : memref<16x32xf32, #tpu.memory_space<vmem_shared>>) dst(%dma_wait3A_72 : memref<16x32xf32, #tpu.memory_space<hbm>>)
          tpu.yield
        }) : () -> ()
      } else {
      }
      %eq3A_59 = arith.constant 1 : i32
      %eq3A_60 = arith.cmpi eq, %arg0, %eq3A_59 : i32
      %convert_element_type3A_61 = arith.extui %eq3A_60 : i1 to i32
      %cond3A_62 = arith.constant 0 : i32
      %cond3A_63 = arith.cmpi ne, %convert_element_type3A_61, %cond3A_62 : i32
      scf.if %cond3A_63 {
        "tpu.region"() ({
          %run_scoped3A = tpu.sem_alloc : memref<!tpu.dma_semaphore, #tpu.memory_space<semaphore_mem>>
          %dma_start3A_64 = arith.constant 9984 : i32
          %dma_start3A_65 = arith.constant 0 : i32
          %dma_start3A_66 = tpu.memref_slice %arg8[%dma_start3A_64, %dma_start3A_65] : memref<10000x32xf32, #tpu.memory_space<hbm>> -> memref<16x32xf32, #tpu.memory_space<hbm>>
          %dma_start3A_67 = arith.constant 9984 : i32
          %dma_start3A_68 = arith.constant 0 : i32
          %dma_start3A_69 = tpu.memref_slice %arg24[%dma_start3A_67, %dma_start3A_68] : memref<10000x32xf32, #tpu.memory_space<vmem_shared>> -> memref<16x32xf32, #tpu.memory_space<vmem_shared>>
          tpu.enqueue_dma source(%dma_start3A_69 : memref<16x32xf32, #tpu.memory_space<vmem_shared>>) target(%dma_start3A_66 : memref<16x32xf32, #tpu.memory_space<hbm>>) target_semaphore(%run_scoped3A : memref<!tpu.dma_semaphore, #tpu.memory_space<semaphore_mem>>)
          %dma_wait3A_70 = arith.constant 9984 : i32
          %dma_wait3A_71 = arith.constant 0 : i32
          %dma_wait3A_72 = tpu.memref_slice %arg8[%dma_wait3A_70, %dma_wait3A_71] : memref<10000x32xf32, #tpu.memory_space<hbm>> -> memref<16x32xf32, #tpu.memory_space<hbm>>
          %dma_wait3A_73 = arith.constant 9984 : i32
          %dma_wait3A_74 = arith.constant 0 : i32
          %dma_wait3A_75 = tpu.memref_slice %arg24[%dma_wait3A_73, %dma_wait3A_74] : memref<10000x32xf32, #tpu.memory_space<vmem_shared>> -> memref<16x32xf32, #tpu.memory_space<vmem_shared>>
          tpu.wait_dma2 semaphore(%run_scoped3A : memref<!tpu.dma_semaphore, #tpu.memory_space<semaphore_mem>>) src(%dma_wait3A_75 : memref<16x32xf32, #tpu.memory_space<vmem_shared>>) dst(%dma_wait3A_72 : memref<16x32xf32, #tpu.memory_space<hbm>>)
          tpu.yield
        }) : () -> ()
      } else {
      }
    } else {
    }
    return
  }
}

module attributes {stable_mosaic.version = 14 : i64} {
  func.func @_l1_body(%arg0: i32, %arg1: memref<1000x128xf32, #tpu.memory_space<vmem>>, %arg2: memref<1000x64xf32, #tpu.memory_space<vmem>>, %arg3: memref<1000x64xf32, #tpu.memory_space<vmem>>, %arg4: memref<1000x8xf32, #tpu.memory_space<vmem>>, %arg5: memref<128x128xf32, #tpu.memory_space<vmem>>, %arg6: memref<1x128xf32, #tpu.memory_space<vmem>>, %arg7: memref<128x128xf32, #tpu.memory_space<vmem>>, %arg8: memref<1000x64xf32, #tpu.memory_space<vmem>>, %arg9: memref<1000x64xf32, #tpu.memory_space<vmem>>) attributes {dimension_semantics = [#tpu.dimension_semantics<arbitrary>], iteration_bounds = array<i64: 10>, scalar_prefetch = 0 : i64, scratch_operands = 0 : i64, tpu.core_type = #tpu.core_type<tc>, window_params = [{transform_indices = @transform_0, window_bounds = array<i64: 1000, 128>}, {transform_indices = @transform_1, window_bounds = array<i64: 1000, 64>}, {transform_indices = @transform_2, window_bounds = array<i64: 1000, 64>}, {transform_indices = @transform_3, window_bounds = array<i64: 1000, 8>}, {pipeline_mode = #tpu.pipeline_mode<synchronous>, transform_indices = @transform_4, window_bounds = array<i64: 128, 128>}, {pipeline_mode = #tpu.pipeline_mode<synchronous>, transform_indices = @transform_5, window_bounds = array<i64: 1, 128>}, {pipeline_mode = #tpu.pipeline_mode<synchronous>, transform_indices = @transform_6, window_bounds = array<i64: 128, 128>}, {transform_indices = @transform_7, window_bounds = array<i64: 1000, 64>}, {transform_indices = @transform_8, window_bounds = array<i64: 1000, 64>}]} {
    %get3A = arith.constant 0 : index
    %get3A_0 = arith.constant 0 : index
    %get3A_1 = vector.load %arg4[%get3A, %get3A_0] : memref<1000x8xf32, #tpu.memory_space<vmem>>, vector<1000x1xf32>
    %max3A = arith.constant 1.000000e+00 : f32
    %max3A_2 = vector.broadcast %max3A : f32 to vector<1000x1xf32>
    %max3A_3 = arith.maximumf %get3A_1, %max3A_2 : vector<1000x1xf32>
    %div3A = arith.constant 1.000000e+00 : f32
    %div3A_4 = vector.broadcast %div3A : f32 to vector<1000x1xf32>
    %div3A_5 = arith.divf %div3A_4, %max3A_3 : vector<1000x1xf32>
    %get3A_6 = arith.constant 0 : index
    %get3A_7 = arith.constant 0 : index
    %get3A_8 = vector.load %arg2[%get3A_6, %get3A_7] : memref<1000x64xf32, #tpu.memory_space<vmem>>, vector<1000x64xf32>
    %get3A_9 = arith.constant 0 : index
    %get3A_10 = arith.constant 0 : index
    %get3A_11 = vector.load %arg3[%get3A_9, %get3A_10] : memref<1000x64xf32, #tpu.memory_space<vmem>>, vector<1000x64xf32>
    %concatenate3A = tpu.concatenate %get3A_8, %get3A_11 in 1 : vector<1000x64xf32>, vector<1000x64xf32> -> vector<1000x128xf32>
    %mul3A = vector.broadcast %div3A_5 : vector<1000x1xf32> to vector<1000x128xf32>
    %mul3A_12 = arith.mulf %concatenate3A, %mul3A : vector<1000x128xf32>
    %get3A_13 = arith.constant 0 : index
    %get3A_14 = arith.constant 0 : index
    %get3A_15 = vector.load %arg1[%get3A_13, %get3A_14] : memref<1000x128xf32, #tpu.memory_space<vmem>>, vector<1000x128xf32>
    %add3A = arith.addf %get3A_15, %mul3A_12 : vector<1000x128xf32>
    %get3A_16 = arith.constant 0 : index
    %get3A_17 = arith.constant 0 : index
    %get3A_18 = vector.load %arg5[%get3A_16, %get3A_17] : memref<128x128xf32, #tpu.memory_space<vmem>>, vector<128x128xf32>
    %dot_general3A = arith.constant dense<0.000000e+00> : vector<1000x128xf32>
    %dot_general3A_19 = tpu.matmul %add3A, %get3A_18, %dot_general3A {dimension_numbers = #tpu.dot_dimension_numbers<[1], [0], [0], [1], [0, 0, 1, 1], [], []>, transpose_lhs_hint = false} : vector<1000x128xf32>, vector<128x128xf32>, vector<1000x128xf32> -> vector<1000x128xf32>
    %get3A_20 = arith.constant 0 : index
    %get3A_21 = arith.constant 0 : index
    %get3A_22 = vector.load %arg6[%get3A_20, %get3A_21] : memref<1x128xf32, #tpu.memory_space<vmem>>, vector<1x128xf32>
    %add3A_23 = vector.broadcast %get3A_22 : vector<1x128xf32> to vector<1000x128xf32>
    %add3A_24 = arith.addf %dot_general3A_19, %add3A_23 : vector<1000x128xf32>
    %max3A_25 = arith.constant 0.000000e+00 : f32
    %max3A_26 = vector.broadcast %max3A_25 : f32 to vector<1000x128xf32>
    %max3A_27 = arith.maximumf %add3A_24, %max3A_26 : vector<1000x128xf32>
    %get3A_28 = arith.constant 0 : index
    %get3A_29 = arith.constant 0 : index
    %get3A_30 = vector.load %arg7[%get3A_28, %get3A_29] : memref<128x128xf32, #tpu.memory_space<vmem>>, vector<128x128xf32>
    %dot_general3A_31 = arith.constant dense<0.000000e+00> : vector<1000x128xf32>
    %dot_general3A_32 = tpu.matmul %max3A_27, %get3A_30, %dot_general3A_31 {dimension_numbers = #tpu.dot_dimension_numbers<[1], [0], [0], [1], [0, 0, 1, 1], [], []>, transpose_lhs_hint = false} : vector<1000x128xf32>, vector<128x128xf32>, vector<1000x128xf32> -> vector<1000x128xf32>
    %slice3A = vector.extract_strided_slice %dot_general3A_32 {offsets = [0, 0], sizes = [1000, 64], strides = [1, 1]} : vector<1000x128xf32> to vector<1000x64xf32>
    %swap3A = arith.constant 0 : index
    %swap3A_33 = arith.constant 0 : index
    %swap3A_34 = vector.load %arg8[%swap3A, %swap3A_33] : memref<1000x64xf32, #tpu.memory_space<vmem>>, vector<1000x64xf32>
    tpu.vector_store %arg8[%swap3A, %swap3A_33], %slice3A {strides = array<i32>} : memref<1000x64xf32, #tpu.memory_space<vmem>>, vector<1000x64xf32>,
    %slice3A_35 = vector.extract_strided_slice %dot_general3A_32 {offsets = [0, 64], sizes = [1000, 64], strides = [1, 1]} : vector<1000x128xf32> to vector<1000x64xf32>
    %swap3A_36 = arith.constant 0 : index
    %swap3A_37 = arith.constant 0 : index
    %swap3A_38 = vector.load %arg9[%swap3A_36, %swap3A_37] : memref<1000x64xf32, #tpu.memory_space<vmem>>, vector<1000x64xf32>
    tpu.vector_store %arg9[%swap3A_36, %swap3A_37], %slice3A_35 {strides = array<i32>} : memref<1000x64xf32, #tpu.memory_space<vmem>>, vector<1000x64xf32>,
    return
  }
  func.func @transform_0(%arg0: i32) -> (i32, i32) {
    %c0_i32 = arith.constant 0 : i32
    %c0_i32_0 = arith.constant 0 : i32
    return %arg0, %c0_i32 : i32, i32
  }
  func.func @transform_1(%arg0: i32) -> (i32, i32) {
    %c0_i32 = arith.constant 0 : i32
    %c0_i32_0 = arith.constant 0 : i32
    return %arg0, %c0_i32 : i32, i32
  }
  func.func @transform_2(%arg0: i32) -> (i32, i32) {
    %c0_i32 = arith.constant 0 : i32
    %c0_i32_0 = arith.constant 0 : i32
    return %arg0, %c0_i32 : i32, i32
  }
  func.func @transform_3(%arg0: i32) -> (i32, i32) {
    %c0_i32 = arith.constant 0 : i32
    %c0_i32_0 = arith.constant 0 : i32
    return %arg0, %c0_i32 : i32, i32
  }
  func.func @transform_4(%arg0: i32) -> (i32, i32) {
    %c0_i32 = arith.constant 0 : i32
    %c0_i32_0 = arith.constant 0 : i32
    %c0_i32_1 = arith.constant 0 : i32
    return %c0_i32, %c0_i32_0 : i32, i32
  }
  func.func @transform_5(%arg0: i32) -> (i32, i32) {
    %c0_i32 = arith.constant 0 : i32
    %c0_i32_0 = arith.constant 0 : i32
    %c0_i32_1 = arith.constant 0 : i32
    return %c0_i32, %c0_i32_0 : i32, i32
  }
  func.func @transform_6(%arg0: i32) -> (i32, i32) {
    %c0_i32 = arith.constant 0 : i32
    %c0_i32_0 = arith.constant 0 : i32
    %c0_i32_1 = arith.constant 0 : i32
    return %c0_i32, %c0_i32_0 : i32, i32
  }
  func.func @transform_7(%arg0: i32) -> (i32, i32) {
    %c0_i32 = arith.constant 0 : i32
    %c0_i32_0 = arith.constant 0 : i32
    return %arg0, %c0_i32 : i32, i32
  }
  func.func @transform_8(%arg0: i32) -> (i32, i32) {
    %c0_i32 = arith.constant 0 : i32
    %c0_i32_0 = arith.constant 0 : i32
    return %arg0, %c0_i32 : i32, i32
  }
}

module attributes {stable_mosaic.version = 14 : i64} {
  func.func @_pre3_body(%arg0: i32, %arg1: memref<1000x64xf32, #tpu.memory_space<vmem>>, %arg2: memref<1000x64xf32, #tpu.memory_space<vmem>>, %arg3: memref<1000x64xf32, #tpu.memory_space<vmem>>, %arg4: memref<1000x64xf32, #tpu.memory_space<vmem>>, %arg5: memref<1000x8xf32, #tpu.memory_space<vmem>>, %arg6: memref<1x128xf32, #tpu.memory_space<vmem>>, %arg7: memref<128x40xf32, #tpu.memory_space<vmem>>, %arg8: memref<128x40xf32, #tpu.memory_space<vmem>>, %arg9: memref<1000x32xf32, #tpu.memory_space<vmem>>, %arg10: memref<1000x32xf32, #tpu.memory_space<vmem>>, %arg11: memref<1000x40xf32, #tpu.memory_space<vmem>>) attributes {dimension_semantics = [#tpu.dimension_semantics<arbitrary>], iteration_bounds = array<i64: 10>, scalar_prefetch = 0 : i64, scratch_operands = 0 : i64, tpu.core_type = #tpu.core_type<tc>, window_params = [{transform_indices = @transform_0, window_bounds = array<i64: 1000, 64>}, {transform_indices = @transform_1, window_bounds = array<i64: 1000, 64>}, {transform_indices = @transform_2, window_bounds = array<i64: 1000, 64>}, {transform_indices = @transform_3, window_bounds = array<i64: 1000, 64>}, {transform_indices = @transform_4, window_bounds = array<i64: 1000, 8>}, {pipeline_mode = #tpu.pipeline_mode<synchronous>, transform_indices = @transform_5, window_bounds = array<i64: 1, 128>}, {pipeline_mode = #tpu.pipeline_mode<synchronous>, transform_indices = @transform_6, window_bounds = array<i64: 128, 40>}, {pipeline_mode = #tpu.pipeline_mode<synchronous>, transform_indices = @transform_7, window_bounds = array<i64: 128, 40>}, {transform_indices = @transform_8, window_bounds = array<i64: 1000, 32>}, {transform_indices = @transform_9, window_bounds = array<i64: 1000, 32>}, {transform_indices = @transform_10, window_bounds = array<i64: 1000, 40>}]} {
    %get3A = arith.constant 0 : index
    %get3A_0 = arith.constant 0 : index
    %get3A_1 = vector.load %arg5[%get3A, %get3A_0] : memref<1000x8xf32, #tpu.memory_space<vmem>>, vector<1000x1xf32>
    %max3A = arith.constant 1.000000e+00 : f32
    %max3A_2 = vector.broadcast %max3A : f32 to vector<1000x1xf32>
    %max3A_3 = arith.maximumf %get3A_1, %max3A_2 : vector<1000x1xf32>
    %div3A = arith.constant 1.000000e+00 : f32
    %div3A_4 = vector.broadcast %div3A : f32 to vector<1000x1xf32>
    %div3A_5 = arith.divf %div3A_4, %max3A_3 : vector<1000x1xf32>
    %get3A_6 = arith.constant 0 : index
    %get3A_7 = arith.constant 0 : index
    %get3A_8 = vector.load %arg1[%get3A_6, %get3A_7] : memref<1000x64xf32, #tpu.memory_space<vmem>>, vector<1000x64xf32>
    %get3A_9 = arith.constant 0 : index
    %get3A_10 = arith.constant 0 : index
    %get3A_11 = vector.load %arg2[%get3A_9, %get3A_10] : memref<1000x64xf32, #tpu.memory_space<vmem>>, vector<1000x64xf32>
    %concatenate3A = tpu.concatenate %get3A_8, %get3A_11 in 1 : vector<1000x64xf32>, vector<1000x64xf32> -> vector<1000x128xf32>
    %get3A_12 = arith.constant 0 : index
    %get3A_13 = arith.constant 0 : index
    %get3A_14 = vector.load %arg3[%get3A_12, %get3A_13] : memref<1000x64xf32, #tpu.memory_space<vmem>>, vector<1000x64xf32>
    %get3A_15 = arith.constant 0 : index
    %get3A_16 = arith.constant 0 : index
    %get3A_17 = vector.load %arg4[%get3A_15, %get3A_16] : memref<1000x64xf32, #tpu.memory_space<vmem>>, vector<1000x64xf32>
    %concatenate3A_18 = tpu.concatenate %get3A_14, %get3A_17 in 1 : vector<1000x64xf32>, vector<1000x64xf32> -> vector<1000x128xf32>
    %mul3A = vector.broadcast %div3A_5 : vector<1000x1xf32> to vector<1000x128xf32>
    %mul3A_19 = arith.mulf %concatenate3A_18, %mul3A : vector<1000x128xf32>
    %add3A = arith.addf %concatenate3A, %mul3A_19 : vector<1000x128xf32>
    %get3A_20 = arith.constant 0 : index
    %get3A_21 = arith.constant 0 : index
    %get3A_22 = vector.load %arg6[%get3A_20, %get3A_21] : memref<1x128xf32, #tpu.memory_space<vmem>>, vector<1x128xf32>
    %add3A_23 = vector.broadcast %get3A_22 : vector<1x128xf32> to vector<1000x128xf32>
    %add3A_24 = arith.addf %add3A, %add3A_23 : vector<1000x128xf32>
    %max3A_25 = arith.constant 0.000000e+00 : f32
    %max3A_26 = vector.broadcast %max3A_25 : f32 to vector<1000x128xf32>
    %max3A_27 = arith.maximumf %add3A_24, %max3A_26 : vector<1000x128xf32>
    %get3A_28 = arith.constant 0 : index
    %get3A_29 = arith.constant 0 : index
    %get3A_30 = vector.load %arg7[%get3A_28, %get3A_29] : memref<128x40xf32, #tpu.memory_space<vmem>>, vector<128x40xf32>
    %dot_general3A = arith.constant dense<0.000000e+00> : vector<1000x40xf32>
    %dot_general3A_31 = tpu.matmul %max3A_27, %get3A_30, %dot_general3A {dimension_numbers = #tpu.dot_dimension_numbers<[1], [0], [0], [1], [0, 0, 1, 1], [], []>, transpose_lhs_hint = false} : vector<1000x128xf32>, vector<128x40xf32>, vector<1000x40xf32> -> vector<1000x40xf32>
    %broadcast_in_dim3A = arith.constant 0.000000e+00 : f32
    %broadcast_in_dim3A_32 = vector.broadcast %broadcast_in_dim3A : f32 to vector<1000x12xf32>
    %slice3A = vector.extract_strided_slice %dot_general3A_31 {offsets = [0, 0], sizes = [1000, 20], strides = [1, 1]} : vector<1000x40xf32> to vector<1000x20xf32>
    %concatenate3A_33 = tpu.concatenate %slice3A, %broadcast_in_dim3A_32 in 1 : vector<1000x20xf32>, vector<1000x12xf32> -> vector<1000x32xf32>
    %swap3A = arith.constant 0 : index
    %swap3A_34 = arith.constant 0 : index
    %swap3A_35 = vector.load %arg9[%swap3A, %swap3A_34] : memref<1000x32xf32, #tpu.memory_space<vmem>>, vector<1000x32xf32>
    tpu.vector_store %arg9[%swap3A, %swap3A_34], %concatenate3A_33 {strides = array<i32>} : memref<1000x32xf32, #tpu.memory_space<vmem>>, vector<1000x32xf32>,
    %slice3A_36 = vector.extract_strided_slice %dot_general3A_31 {offsets = [0, 20], sizes = [1000, 20], strides = [1, 1]} : vector<1000x40xf32> to vector<1000x20xf32>
    %concatenate3A_37 = tpu.concatenate %slice3A_36, %broadcast_in_dim3A_32 in 1 : vector<1000x20xf32>, vector<1000x12xf32> -> vector<1000x32xf32>
    %swap3A_38 = arith.constant 0 : index
    %swap3A_39 = arith.constant 0 : index
    %swap3A_40 = vector.load %arg10[%swap3A_38, %swap3A_39] : memref<1000x32xf32, #tpu.memory_space<vmem>>, vector<1000x32xf32>
    tpu.vector_store %arg10[%swap3A_38, %swap3A_39], %concatenate3A_37 {strides = array<i32>} : memref<1000x32xf32, #tpu.memory_space<vmem>>, vector<1000x32xf32>,
    %get3A_41 = arith.constant 0 : index
    %get3A_42 = arith.constant 0 : index
    %get3A_43 = vector.load %arg8[%get3A_41, %get3A_42] : memref<128x40xf32, #tpu.memory_space<vmem>>, vector<128x40xf32>
    %dot_general3A_44 = arith.constant dense<0.000000e+00> : vector<1000x40xf32>
    %dot_general3A_45 = tpu.matmul %max3A_27, %get3A_43, %dot_general3A_44 {dimension_numbers = #tpu.dot_dimension_numbers<[1], [0], [0], [1], [0, 0, 1, 1], [], []>, transpose_lhs_hint = false} : vector<1000x128xf32>, vector<128x40xf32>, vector<1000x40xf32> -> vector<1000x40xf32>
    %swap3A_46 = arith.constant 0 : index
    %swap3A_47 = arith.constant 0 : index
    %swap3A_48 = vector.load %arg11[%swap3A_46, %swap3A_47] : memref<1000x40xf32, #tpu.memory_space<vmem>>, vector<1000x40xf32>
    tpu.vector_store %arg11[%swap3A_46, %swap3A_47], %dot_general3A_45 {strides = array<i32>} : memref<1000x40xf32, #tpu.memory_space<vmem>>, vector<1000x40xf32>,
    return
  }
  func.func @transform_0(%arg0: i32) -> (i32, i32) {
    %c0_i32 = arith.constant 0 : i32
    %c0_i32_0 = arith.constant 0 : i32
    return %arg0, %c0_i32 : i32, i32
  }
  func.func @transform_1(%arg0: i32) -> (i32, i32) {
    %c0_i32 = arith.constant 0 : i32
    %c0_i32_0 = arith.constant 0 : i32
    return %arg0, %c0_i32 : i32, i32
  }
  func.func @transform_2(%arg0: i32) -> (i32, i32) {
    %c0_i32 = arith.constant 0 : i32
    %c0_i32_0 = arith.constant 0 : i32
    return %arg0, %c0_i32 : i32, i32
  }
  func.func @transform_3(%arg0: i32) -> (i32, i32) {
    %c0_i32 = arith.constant 0 : i32
    %c0_i32_0 = arith.constant 0 : i32
    return %arg0, %c0_i32 : i32, i32
  }
  func.func @transform_4(%arg0: i32) -> (i32, i32) {
    %c0_i32 = arith.constant 0 : i32
    %c0_i32_0 = arith.constant 0 : i32
    return %arg0, %c0_i32 : i32, i32
  }
  func.func @transform_5(%arg0: i32) -> (i32, i32) {
    %c0_i32 = arith.constant 0 : i32
    %c0_i32_0 = arith.constant 0 : i32
    %c0_i32_1 = arith.constant 0 : i32
    return %c0_i32, %c0_i32_0 : i32, i32
  }
  func.func @transform_6(%arg0: i32) -> (i32, i32) {
    %c0_i32 = arith.constant 0 : i32
    %c0_i32_0 = arith.constant 0 : i32
    %c0_i32_1 = arith.constant 0 : i32
    return %c0_i32, %c0_i32_0 : i32, i32
  }
  func.func @transform_7(%arg0: i32) -> (i32, i32) {
    %c0_i32 = arith.constant 0 : i32
    %c0_i32_0 = arith.constant 0 : i32
    %c0_i32_1 = arith.constant 0 : i32
    return %c0_i32, %c0_i32_0 : i32, i32
  }
  func.func @transform_8(%arg0: i32) -> (i32, i32) {
    %c0_i32 = arith.constant 0 : i32
    %c0_i32_0 = arith.constant 0 : i32
    return %arg0, %c0_i32 : i32, i32
  }
  func.func @transform_9(%arg0: i32) -> (i32, i32) {
    %c0_i32 = arith.constant 0 : i32
    %c0_i32_0 = arith.constant 0 : i32
    return %arg0, %c0_i32 : i32, i32
  }
  func.func @transform_10(%arg0: i32) -> (i32, i32) {
    %c0_i32 = arith.constant 0 : i32
    %c0_i32_0 = arith.constant 0 : i32
    return %arg0, %c0_i32 : i32, i32
  }
}

module attributes {stable_mosaic.version = 14 : i64} {
  func.func @_fin_body(%arg0: i32, %arg1: memref<1000x32xf32, #tpu.memory_space<vmem>>, %arg2: memref<1000x32xf32, #tpu.memory_space<vmem>>, %arg3: memref<1000x32xf32, #tpu.memory_space<vmem>>, %arg4: memref<1000x32xf32, #tpu.memory_space<vmem>>, %arg5: memref<1000x8xf32, #tpu.memory_space<vmem>>, %arg6: memref<1x40xf32, #tpu.memory_space<vmem>>, %arg7: memref<1000x40xf32, #tpu.memory_space<vmem>>, %arg8: memref<1x40xf32, #tpu.memory_space<vmem>>, %arg9: memref<1000x40xf32, #tpu.memory_space<vmem>>) attributes {dimension_semantics = [#tpu.dimension_semantics<arbitrary>], iteration_bounds = array<i64: 10>, scalar_prefetch = 0 : i64, scratch_operands = 0 : i64, tpu.core_type = #tpu.core_type<tc>, window_params = [{transform_indices = @transform_0, window_bounds = array<i64: 1000, 32>}, {transform_indices = @transform_1, window_bounds = array<i64: 1000, 32>}, {transform_indices = @transform_2, window_bounds = array<i64: 1000, 32>}, {transform_indices = @transform_3, window_bounds = array<i64: 1000, 32>}, {transform_indices = @transform_4, window_bounds = array<i64: 1000, 8>}, {pipeline_mode = #tpu.pipeline_mode<synchronous>, transform_indices = @transform_5, window_bounds = array<i64: 1, 40>}, {transform_indices = @transform_6, window_bounds = array<i64: 1000, 40>}, {pipeline_mode = #tpu.pipeline_mode<synchronous>, transform_indices = @transform_7, window_bounds = array<i64: 1, 40>}, {transform_indices = @transform_8, window_bounds = array<i64: 1000, 40>}]} {
    %get3A = arith.constant 0 : index
    %get3A_0 = arith.constant 0 : index
    %get3A_1 = vector.load %arg5[%get3A, %get3A_0] : memref<1000x8xf32, #tpu.memory_space<vmem>>, vector<1000x1xf32>
    %max3A = arith.constant 1.000000e+00 : f32
    %max3A_2 = vector.broadcast %max3A : f32 to vector<1000x1xf32>
    %max3A_3 = arith.maximumf %get3A_1, %max3A_2 : vector<1000x1xf32>
    %div3A = arith.constant 1.000000e+00 : f32
    %div3A_4 = vector.broadcast %div3A : f32 to vector<1000x1xf32>
    %div3A_5 = arith.divf %div3A_4, %max3A_3 : vector<1000x1xf32>
    %get3A_6 = arith.constant 0 : index
    %get3A_7 = arith.constant 0 : index
    %get3A_8 = vector.load %arg1[%get3A_6, %get3A_7] : memref<1000x32xf32, #tpu.memory_space<vmem>>, vector<1000x20xf32>
    %get3A_9 = arith.constant 0 : index
    %get3A_10 = arith.constant 0 : index
    %get3A_11 = vector.load %arg2[%get3A_9, %get3A_10] : memref<1000x32xf32, #tpu.memory_space<vmem>>, vector<1000x20xf32>
    %concatenate3A = tpu.concatenate %get3A_8, %get3A_11 in 1 : vector<1000x20xf32>, vector<1000x20xf32> -> vector<1000x40xf32>
    %get3A_12 = arith.constant 0 : index
    %get3A_13 = arith.constant 0 : index
    %get3A_14 = vector.load %arg3[%get3A_12, %get3A_13] : memref<1000x32xf32, #tpu.memory_space<vmem>>, vector<1000x20xf32>
    %get3A_15 = arith.constant 0 : index
    %get3A_16 = arith.constant 0 : index
    %get3A_17 = vector.load %arg4[%get3A_15, %get3A_16] : memref<1000x32xf32, #tpu.memory_space<vmem>>, vector<1000x20xf32>
    %concatenate3A_18 = tpu.concatenate %get3A_14, %get3A_17 in 1 : vector<1000x20xf32>, vector<1000x20xf32> -> vector<1000x40xf32>
    %mul3A = vector.broadcast %div3A_5 : vector<1000x1xf32> to vector<1000x40xf32>
    %mul3A_19 = arith.mulf %concatenate3A_18, %mul3A : vector<1000x40xf32>
    %add3A = arith.addf %concatenate3A, %mul3A_19 : vector<1000x40xf32>
    %get3A_20 = arith.constant 0 : index
    %get3A_21 = arith.constant 0 : index
    %get3A_22 = vector.load %arg6[%get3A_20, %get3A_21] : memref<1x40xf32, #tpu.memory_space<vmem>>, vector<1x40xf32>
    %add3A_23 = vector.broadcast %get3A_22 : vector<1x40xf32> to vector<1000x40xf32>
    %add3A_24 = arith.addf %add3A, %add3A_23 : vector<1000x40xf32>
    %max3A_25 = arith.constant 0.000000e+00 : f32
    %max3A_26 = vector.broadcast %max3A_25 : f32 to vector<1000x40xf32>
    %max3A_27 = arith.maximumf %add3A_24, %max3A_26 : vector<1000x40xf32>
    %get3A_28 = arith.constant 0 : index
    %get3A_29 = arith.constant 0 : index
    %get3A_30 = vector.load %arg7[%get3A_28, %get3A_29] : memref<1000x40xf32, #tpu.memory_space<vmem>>, vector<1000x40xf32>
    %get3A_31 = arith.constant 0 : index
    %get3A_32 = arith.constant 0 : index
    %get3A_33 = vector.load %arg8[%get3A_31, %get3A_32] : memref<1x40xf32, #tpu.memory_space<vmem>>, vector<1x40xf32>
    %add3A_34 = vector.broadcast %get3A_33 : vector<1x40xf32> to vector<1000x40xf32>
    %add3A_35 = arith.addf %get3A_30, %add3A_34 : vector<1000x40xf32>
    %add3A_36 = arith.addf %add3A_35, %max3A_27 : vector<1000x40xf32>
    %mul3A_37 = arith.constant 5.000000e-01 : f32
    %mul3A_38 = vector.broadcast %mul3A_37 : f32 to vector<1000x40xf32>
    %mul3A_39 = arith.mulf %add3A_36, %mul3A_38 : vector<1000x40xf32>
    %swap3A = arith.constant 0 : index
    %swap3A_40 = arith.constant 0 : index
    %swap3A_41 = vector.load %arg9[%swap3A, %swap3A_40] : memref<1000x40xf32, #tpu.memory_space<vmem>>, vector<1000x40xf32>
    tpu.vector_store %arg9[%swap3A, %swap3A_40], %mul3A_39 {strides = array<i32>} : memref<1000x40xf32, #tpu.memory_space<vmem>>, vector<1000x40xf32>,
    return
  }
  func.func @transform_0(%arg0: i32) -> (i32, i32) {
    %c0_i32 = arith.constant 0 : i32
    %c0_i32_0 = arith.constant 0 : i32
    return %arg0, %c0_i32 : i32, i32
  }
  func.func @transform_1(%arg0: i32) -> (i32, i32) {
    %c0_i32 = arith.constant 0 : i32
    %c0_i32_0 = arith.constant 0 : i32
    return %arg0, %c0_i32 : i32, i32
  }
  func.func @transform_2(%arg0: i32) -> (i32, i32) {
    %c0_i32 = arith.constant 0 : i32
    %c0_i32_0 = arith.constant 0 : i32
    return %arg0, %c0_i32 : i32, i32
  }
  func.func @transform_3(%arg0: i32) -> (i32, i32) {
    %c0_i32 = arith.constant 0 : i32
    %c0_i32_0 = arith.constant 0 : i32
    return %arg0, %c0_i32 : i32, i32
  }
  func.func @transform_4(%arg0: i32) -> (i32, i32) {
    %c0_i32 = arith.constant 0 : i32
    %c0_i32_0 = arith.constant 0 : i32
    return %arg0, %c0_i32 : i32, i32
  }
  func.func @transform_5(%arg0: i32) -> (i32, i32) {
    %c0_i32 = arith.constant 0 : i32
    %c0_i32_0 = arith.constant 0 : i32
    %c0_i32_1 = arith.constant 0 : i32
    return %c0_i32, %c0_i32_0 : i32, i32
  }
  func.func @transform_6(%arg0: i32) -> (i32, i32) {
    %c0_i32 = arith.constant 0 : i32
    %c0_i32_0 = arith.constant 0 : i32
    return %arg0, %c0_i32 : i32, i32
  }
  func.func @transform_7(%arg0: i32) -> (i32, i32) {
    %c0_i32 = arith.constant 0 : i32
    %c0_i32_0 = arith.constant 0 : i32
    %c0_i32_1 = arith.constant 0 : i32
    return %c0_i32, %c0_i32_0 : i32, i32
  }
  func.func @transform_8(%arg0: i32) -> (i32, i32) {
    %c0_i32 = arith.constant 0 : i32
    %c0_i32_0 = arith.constant 0 : i32
    return %arg0, %c0_i32 : i32, i32
  }
}

</mosaic_0001>

<sc_bundles>
// kernel: gin_agg.11.cloned.1.call-start
scs
__scs_entry_jumppad:
0x0: {  	(pc) =	sbr.rel $0x88, $3  }
0x1: {  	(tag) =	ssettag $0x0;
	lr =	simm.s32 $0x1  }
0x2: {  	[smem:$0x3F91] =	sst lr;
	_ =	strace $0xD0000000  }
0x3: {  	_ = 	snop  }
0x4: {  	_ = 	snop  }
0x5: {  	_ = 	snop  }
0x6: {  	_ = 	snop  }
0x7: {  	_ = 	snop  }
__scs_overlays_trampoline_lowered:
0x8: {  	[smem:$0x3FA0] =	sst s0  }
0x9: {  	[smem:$0x3FA1] =	sst s1  }
0xa: {  	[smem:$0x3FA2] =	sst s2  }
0xb: {  	[smem:$0x3FA3] =	sst s3  }
0xc: {  	[smem:$0x3FA4] =	sst s4  }
0xd: {  	[smem:$0x3FA5] =	sst s5  }
0xe: {  	[smem:$0x3FA6] =	sst s6  }
0xf: {  	[smem:$0x3FA7] =	sst s7  }
0x10: {  	[smem:$0x3FA8] =	sst s8  }
0x11: {  	[smem:$0x3FA9] =	sst s9;
	s0 =	simm.s32 @!p0 $0x0  }
0x12: {  	s1 =	sld [smem:$0x3F8F];
	s0 =	simm.s32 @p0 $0x1  }
0x13: {  	[smem:$0x3FAA] =	sst s0;
	s0 =	simm.s32 @!p1 $0x0  }
0x14: {  	s2 =	sld [smem:$0x3F8E];
	s0 =	simm.s32 @p1 $0x1  }
0x15: {  	[smem:$0x3FAB] =	sst s0;
	s0 =	simm.s32 @!p2 $0x0  }
0x16: {  	s3 =	sld [smem:$0x3FDB];
	s0 =	simm.s32 @p2 $0x1  }
0x17: {  	s4 =	simm.s32 $0x1BF5;
	[smem:$0x3FAD] =	sst s0  }
0x18: {  	s0 =	sld [smem:$0x3F90];
	_ =	swait.ge [sflag:s4], $0x0  }
0x19: {  	s7 =	sld [smem:$0x3F91]  }
0x1a: {  	s8 =	sadd.s32 $0xFFFFE003, lr  }
0x1b: {  	s9 =	sadd.s32 $0xFFFFFEF7, lr;
	s5 =	simm.s32 $0xFFFFFFFF;
	p2 =	slt.u32 s8, $0xFFFFF086  }
0x1c: {  	p1 =	slt.u32 s9, $0xF7A;
	s5 =	simm.s32 @!p2 $0x0  }
0x1d: {  	s5 =	simm.s32 @p1 $0x1;
	p0 =	seq.s32 s7, s2  }
0x1e: {  	s7 =	smul.u32 @!p0 $0xF7A, s2;
	p2 =	seq.s32 @!p0 s5, $0x0  }
0x1f: {  	s9 =	smul.u32 $0xF7A, s1;
	s8 =	simm.s32 @!p0 $0x1BF5;
	p2 =	por !p2, p0  }
0x20: {  	[sflag:s8] =	ssyncset.s32 @!p0 $0xFFFFF086;
	s6 =	sadd.s32 @!p0 s3, s7;
	s7 =	simm.s32 @!p0 $0x108  }
0x21: {  	s3 =	sadd.s32 s3, s9;
	s6 =	sadd.s32 @!p0 $0x88, s6;
	s7 =	simm.s32 @p2 $0x1082  }
0x22: {  	[simem:s7], [sflag:s8] =	dma.local @!p0 [hbm:s6], $0xF7A  }
0x23: {  	s9 =	sor.u32 $0xD0000000, s2;
	s6 =	simm.s32 $0x108;
	_ =	swait.ge @!p0 [sflag:s8], $0x0  }
0x24: {  	s3 =	sadd.s32 $0x88, s3;
	s6 =	simm.s32 @!p1 $0x1082;
	[sflag:s4] =	ssyncset.s32 $0xFFFFF086  }
0x25: {  	[simem:s6], [sflag:s4] =	dma.local [hbm:s3], $0xF7A  }
0x26: {  	[smem:$0x3F91] =	sst s1;
	(tag) =	ssettag s2;
	_ =	strace s9  }
0x27: {  	s1 =	sld [smem:$0x3FA1]  }
0x28: {  	s2 =	sld [smem:$0x3FA2]  }
0x29: {  	s4 =	sld [smem:$0x3FA4]  }
0x2a: {  	p0 =	seq.s32 s5, $0x0;
	s5 =	sld [smem:$0x3FA5]  }
0x2b: {  	s6 =	sld [smem:$0x3FA6]  }
0x2c: {  	s7 =	sld [smem:$0x3FA7]  }
0x2d: {  	s3 =	simm.s32 $0x108;
	s8 =	sld [smem:$0x3FA8]  }
0x2e: {  	s3 =	simm.s32 @!p0 $0x1082;
	s9 =	sld [smem:$0x3FA9]  }
0x2f: {  	lr =	sadd.s32 s0, s3;
	s0 =	sld [smem:$0x3FA0]  }
0x30: {  	s3 =	sld [smem:$0x3FA3]  }
0x31: {  	[smem:$0x3FAC] =	sst s10  }
0x32: {  	s10 =	sld [smem:$0x3FAA];
	_ =	sdelay $0x3  }
0x33: {  	p0 =	seq.s32 s10, $0x1;
	s10 =	sld [smem:$0x3FAC];
	_ =	sdelay $0x3  }
0x34: {  	[smem:$0x3FAC] =	sst s10  }
0x35: {  	s10 =	sld [smem:$0x3FAB];
	_ =	sdelay $0x3  }
0x36: {  	p1 =	seq.s32 s10, $0x1;
	s10 =	sld [smem:$0x3FAC];
	_ =	sdelay $0x3  }
0x37: {  	[smem:$0x3FAC] =	sst s10  }
0x38: {  	s10 =	sld [smem:$0x3FAD]  }
0x39: {  	_ = 	snop;
	(pc) =	sbr.ind lr, $3  }
0x3a: {  	_ = 	snop  }
0x3b: {  	_ = 	snop  }
0x3c: {  	p2 =	seq.s32 s10, $0x1;
	s10 =	sld [smem:$0x3FAC]  }
0x3d: {  	_ =	shalt  }
0x3e: {  	_ =	shalt  }
0x3f: {  	_ =	shalt  }
0x40: {  	_ =	shalt  }
0x41: {  	_ =	shalt  }
0x42: {  	_ =	shalt  }
0x43: {  	_ =	shalt  }
0x44: {  	_ =	shalt  }
0x45: {  	_ =	shalt  }
0x46: {  	_ =	shalt  }
0x47: {  	_ =	shalt  }
0x48: {  	_ =	shalt  }
0x49: {  	_ =	shalt  }
0x4a: {  	_ =	shalt  }
0x4b: {  	_ =	shalt  }
0x4c: {  	_ =	shalt  }
0x4d: {  	_ =	shalt  }
0x4e: {  	_ =	shalt  }
0x4f: {  	_ =	shalt  }
0x50: {  	_ =	shalt  }
0x51: {  	_ =	shalt  }
0x52: {  	_ =	shalt  }
0x53: {  	_ =	shalt  }
0x54: {  	_ =	shalt  }
0x55: {  	_ =	shalt  }
0x56: {  	_ =	shalt  }
0x57: {  	_ =	shalt  }
0x58: {  	_ =	shalt  }
0x59: {  	_ =	shalt  }
0x5a: {  	_ =	shalt  }
0x5b: {  	_ =	shalt  }
0x5c: {  	_ =	shalt  }
0x5d: {  	_ =	shalt  }
0x5e: {  	_ =	shalt  }
0x5f: {  	_ =	shalt  }
0x60: {  	_ =	shalt  }
0x61: {  	_ =	shalt  }
0x62: {  	_ =	shalt  }
0x63: {  	_ =	shalt  }
0x64: {  	_ =	shalt  }
0x65: {  	_ =	shalt  }
0x66: {  	_ =	shalt  }
0x67: {  	_ =	shalt  }
0x68: {  	_ =	shalt  }
0x69: {  	_ =	shalt  }
0x6a: {  	_ =	shalt  }
0x6b: {  	_ =	shalt  }
0x6c: {  	_ =	shalt  }
0x6d: {  	_ =	shalt  }
0x6e: {  	_ =	shalt  }
0x6f: {  	_ =	shalt  }
0x70: {  	_ =	shalt  }
0x71: {  	_ =	shalt  }
0x72: {  	_ =	shalt  }
0x73: {  	_ =	shalt  }
0x74: {  	_ =	shalt  }
0x75: {  	_ =	shalt  }
0x76: {  	_ =	shalt  }
0x77: {  	_ =	shalt  }
0x78: {  	_ =	shalt  }
0x79: {  	_ =	shalt  }
0x7a: {  	_ =	shalt  }
0x7b: {  	_ =	shalt  }
0x7c: {  	_ =	shalt  }
0x7d: {  	_ =	shalt  }
0x7e: {  	_ =	shalt  }
0x7f: {  	_ =	shalt  }
0x80: {  	_ =	shalt  }
0x81: {  	_ =	shalt  }
0x82: {  	_ =	shalt  }
0x83: {  	_ =	shalt  }
0x84: {  	_ =	shalt  }
0x85: {  	_ =	shalt  }
0x86: {  	_ =	shalt  }
0x87: {  	_ =	shalt  }
.Lfunc_end0:
.L_simem_size_0:
called_computation.2_lowered:
.L_overlay_start_0:
0x88: {  	s2 =	sld [smem:$0x3FD9]  }
0x89: {  	s3 =	sld [smem:$0x3FFE];
	_ =	sdelay $0x1  }
0x8a: {  	s1 =	srdreg.scid  }
0x8b: {  	s0 =	sand.u32 $0x1, s1  }
0x8c: {  	s17 =	sshll.u32 s0, $0xA;
	s2 =	sadd.s32 s3, s2  }
0x8d: {  	s2 =	sadd.s32 s2, s17  }
0x8e: {  	[smem:$0x3FB8] =	sst s2  }
0x8f: {  	_ = 	snop  }
0x90: {  	s2 =	sld [smem:$0x3FD0];
	(tm) =	ssettm $0x1  }
0x91: {  	s18 =	sld [smem:$0x3FFB];
	_ =	sdelay $0x3  }
0x92: {  	_ =	strace s18  }
0x93: {  	s3 =	sld [smem:$0x3FFC];
	_ =	sdelay $0x3  }
0x94: {  	_ =	strace s3  }
0x95: {  	s3 =	sld [smem:$0x3FFD];
	_ =	sdelay $0x3  }
0x96: {  	_ =	strace s3  }
0x97: {  	_ =	strace $0x8FFFFFFF  }
0x98: {  	s19 =	sld [smem:$0x3FDB];
	_ =	sdelay $0x1  }
0x99: {  	s4 =	simm.s32 $_scs_section_size  }
0x9a: {  	s5 =	simm.s32 $_size__tile_overlayer_lowered;
	s6 =	simm.s32 $_tile_overlayer_lowered  }
0x9b: {  	s22 =	simm.s32 $0x1BFF;
	s21 =	sshll.u32 s6, $0x1;
	s3 =	sadd.s32 s4, s19  }
0x9c: {  	s7 =	simm.s32 $0x0;
	s20 =	sshll.u32 s5, $0x1;
	s5 =	sadd.s32 s21, s3  }
0x9d: {  	[timem:s7], [sflag:s22] =	dma.local [hbm:s5], s20  }
0x9e: {  	_ =	swait.ge [sflag:s22], s20  }
0x9f: {  	s4 =	ssub.s32 $0x0, s20;
	[sflag:s22] =	ssyncset.done $0x0  }
0xa0: {  	[sflag:s22] =	ssyncadd.s32 s4;
	_ =	sdelay $0x1  }
0xa1: {  	s23 =	simm.s32 $0x1B8B  }
0xa2: {  	_ =	swait.ge [sflag:s23], $0x1  }
0xa3: {  	[sflag:s23] =	ssyncset.done $0x0  }
0xa4: {  	s25 =	simm.s32 $0x1B8E;
	s24 =	sld [smem:$0x3FFE];
	[sflag:s23] =	ssyncadd.s32 $0xFFFFFFFF  }
0xa5: {  	s26 =	simm.s32 $execute0_lowered;
	[smem:$0x3FD2] =	sst s25  }
0xa6: {  	s5 =	sshll.u32 s26, $0x1;
	_ =	strace $0x8000004C;
	[dreg:$0x1] =	wrdreg $0xFFFFFFFF  }
0xa7: {  	s28 =	simm.s32 $_size_execute0_lowered;
	s3 =	sadd.s32 s3, s5;
	[dreg:$0x0] =	wrdreg $0x0  }
0xa8: {  	s5 =	sshll.u32 s28, $0x1;
	[dreg:$0x2] =	wrdreg s3  }
0xa9: {  	[dreg:$0x3] =	wrdreg s5  }
0xaa: {  	[dreg:$0x4] =	wrdreg $0xC0  }
0xab: {  	_ =	task [dreg:s7], $0x5FFFF  }
0xac: {  	[dreg:$0x1] =	wrdreg $0xFFFFFFFF  }
0xad: {  	[dreg:$0x0] =	wrdreg $0x60  }
0xae: {  	[dreg:$0x2] =	wrdreg s24  }
0xaf: {  	[dreg:$0x3] =	wrdreg s2  }
0xb0: {  	[dreg:$0x4] =	wrdreg $0xF0400  }
0xb1: {  	[dreg:$0x5] =	wrdreg $0x9  }
0xb2: {  	_ =	task.clear_ibuf [dreg:s7], $0x6FFFF;
	_ =	strace $0x9000004C  }
0xb3: {  	s29 =	simm.s32 $0x9;
	_ =	strace $0x8000004E  }
0xb4: {  	_ =	swait.ge [sflag:s29], $0x1  }
0xb5: {  	[sflag:s29] =	ssyncadd.s32 $0xFFFFFFFF  }
0xb6: {  	_ =	strace $0x9000004E  }
0xb7: {  	_ =	sfence  }
0xb8: {  	s30 =	sld [smem:$0x0];
	_ =	sdelay $0x2  }
0xb9: {  	s31 =	sshll.u32 s1, $0xD;
	s1 =	sshrl.u32 s1, $0x2  }
0xba: {  	s3 =	sand.u32 $0x4000, s31;
	s1 =	sadd.s32 s1, s30  }
0xbb: {  	s0 =	sor.u32 s3, s0;
	s1 =	sshll.u32 s1, $0x11  }
0xbc: {  	s0 =	sor.u32 s1, s0  }
0xbd: {  	s0 =	sadd.s32 $0x8F2B, s0  }
0xbe: {  	[sflag:s0] =	ssyncadd.remote.s32 $0x1  }
0xbf: {  	_ =	sfence.sel $0xFFFF  }
0xc0: {  	[dreg:$0x0] =	wrdreg $0xFFFFFFFF;
	(pc) =	sbr.abs _section_cstart, $3  }
0xc1: {  	[dreg:$0x1] =	wrdreg $0xFFFFFFFF  }
0xc2: {  	_ =	task.clear_ibuf [dreg:s7], $0x2FFFF;
	_ =	strace $0x9FFFFFFF  }
0xc3: {  	(tm) =	ssettm $0x7FFFFFFF  }
tec
execute0_lowered:
.L_overlay_start_1:
0x0: {  	(tag) =	ssettag $0x1  }
0x1: {  	s0 =	rddreg [dreg:$0x0]  }
0x2: {  	s7 =	rddreg [dreg:$0x1]  }
0x3: {  	s2 =	rddreg [dreg:$0x2];
	s3 =	simm.s32 $0x0;
	s1 =	stileid.u32  }
0x4: {  	s5 =	srdreg.scid;
	s19 =	simm.s32 $0xA;
	s20 =	simm.s32 $0x80  }
0x5: {  	s21 =	simm.s32 $0x9C40;
	s28 =	simm.s32 $0x1;
	s29 =	simm.s32 $0x5  }
0x6: {  	s30 =	simm.s32 $0x2;
	s31 =	simm.s32 $0x6;
	s16 =	simm.s32 $0x7  }
0x7: {  	[smem:$0x7FF] =	sst s3;
	s8 =	smul.u32 $0x4E20, s1;
	s4 =	sadd.s32 $0x66A00, s0  }
0x8: {  	s5 =	sand.u32 $0x1, s5;
	s6 =	sadd.s32 $0x5CC00, s0;
	s22 =	sadd.s32 $0x70800, s0  }
0x9: {  	s11 =	sadd.s32 $0x70A00, s0;
	s25 =	smul.u32 $0x9C4, s1;
	s17 =	sadd.s32 $0x4E000, s2  }
0xa: {  	_ =	strace $0x8000004D;
	s9 =	ssub.s32 $0x2, s5;
	[dreg:$0x4] =	wrdreg s22  }
0xb: {  	p0 =	seq.s32 s5, $0x0;
	p1 =	sne.s32 s5, $0x0;
	s22 =	simm.s32 $0xAC40  }
0xc: {  	s10 =	sshrl.u32 s8, $0x3;
	s13 =	sshrl.u32 s9, $0x1;
	s8 =	sadd.s32 $0x7A800, s0  }
0xd: {  	s15 =	sadd.s32 s25, s7;
	s25 =	simm.s32 $0x8;
	s12 =	sadd.s32 s10, s0  }
0xe: {  	s23 =	ssub.s32 s9, s13;
	s10 =	sadd.s32 s7, s10;
	s24 =	sadd.s32 $0x4A00, s12  }
0xf: {  	s9 =	smov.u32 s11;
	s10 =	sadd.s32 $0x9C0, s10;
	[dreg:$0x5] =	wrdreg s24  }
0x10: {  	s9 =	smov.u32 @p0 s8;
	s0 =	smax.u32 s23, $0x1;
	[dreg:$0x6] =	wrdreg s10  }
0x11: {  	p0 =	sne.s32 s1, $0xE;
	s23 =	simm.s32 $0x4;
	[dreg:$0x7] =	wrdreg s0  }
0x12: {  	s26 =	sadd.s32 $0x9C00, s9;
	s24 =	simm.s32 $0xBC40;
	s0 =	simm.s32 $0x3  }
0x13: {  	s10 =	simm.s32 $0x0;
	[dreg:$0x8] =	wrdreg s26;
	s26 =	simm.s32 $0xCC40  }
.LBB2_1:
0x14: {  	[dreg:$0x9] =	wrdreg s10  }
0x15: {  	s7 =	rddreg [dreg:$0x4];
	s9 =	simm.s32 $0xE040  }
0x16: {  	[tilespmem:s9], [sflag:$0xA] =	stream.linear.gather [hbm4b:s7+s3], $0x1000, $0x38;
	[tilespmem:$0x13E60] =	vst v63  }
0x17: {  	s10 =	simm.s32 $0x10;
	_ =	swait.ge [sflag:s19], $0x1000  }
0x18: {  	s14 =	sadd.s32 $0x0, s15;
	s13 =	simm.s32 $0x4EA0;
	[sflag:s19] =	ssyncset.done $0x0  }
0x19: {  	s7 =	simm.s32 $0x4E20;
	s18 =	rddreg [dreg:$0x5];
	[sflag:s19] =	ssyncadd.s32 $0xFFFFF000  }
0x1a: {  	[tilespmem:s3], [sflag:$0x9] =	stream.linear.gather [hbm4b:s18+s3], $0x4E20, $0x38;
	[tilespmem:$0x13E60] =	vst v63  }
.LBB2_2:
0x1b: {  	[tilespmem:s7], [sflag:$0x9] =	stream.linear.gather [hbm4b:s14+s3], $0x80, $0x38;
	[tilespmem:$0x13E60] =	vst v63  }
0x1c: {  	s14 =	smov.u32 s10;
	s7 =	smov.u32 s13;
	p2 =	sne.s32 s10, $0x9B0  }
.Ltmp0:
0x1d: {  	s10 =	sadd.s32 $0x10, s10;
	(pc) =	sbr.rel @p2 .LBB2_2-.Ltmp0, $2  }
0x1e: {  	_ =	sdelay $0x2  }
0x1f: {  	s13 =	sadd.s32 $0x80, s13;
	s14 =	sadd.s32 s14, s15  }
0x20: {  	[tilespmem:s7], [sflag:$0x9] =	stream.linear.gather [hbm4b:s14+s3], $0x80, $0x38;
	[tilespmem:$0x13E60] =	vst v63  }
0x21: {  	s18 =	simm.s32 $0x0  }
0x22: {  	s9 =	rddreg [dreg:$0x6];
	s10 =	simm.s32 $0x9C20;
	s7 =	sand.u32 $0xF, s18  }
0x23: {  	[tilespmem:s10], [sflag:$0x9] =	stream.linear.gather [hbm4b:s9+s18], $0x20, $0x38;
	[tilespmem:$0x13E60] =	vst v63  }
0x24: {  	p2 =	sne.s32 s7, s1  }
0x25: {  	s7 =	simm.s32 @!p2 $0xE040;
	s14 =	simm.s32 @!p2 $0xA  }
0x26: {  	[spmem:s2] =	stream.linear.scatter @!p2 [tilespmem:s7], [sflag:$0xA], $0x1000, $0x38;
	[tilespmem:$0x13E60] =	vst v63  }
0x27: {  	s13 =	simm.s32 $0x2;
	_ =	swait.ge @!p2 [sflag:s14], $0x1000  }
0x28: {  	s10 =	simm.s32 $0x1;
	s7 =	sadd.s32 $0x1000, s2;
	[sflag:s14] =	ssyncset.done @!p2 $0x0  }
.LBB2_4:
0x29: {  	s18 =	sand.u32 $0xF, s10;
	s10 =	smov.u32 s13;
	s13 =	sadd.s32 $0x1, s13  }
0x2a: {  	[sflag:s14] =	ssyncadd.s32 @!p2 $0xFFFFF000;
	p3 =	sne.s32 s13, $0x4E  }
.Ltmp1:
0x2b: {  	p2 =	sne.s32 s18, s1;
	(pc) =	sbr.rel @p3 .LBB2_4-.Ltmp1, $4  }
0x2c: {  	s18 =	simm.s32 @!p2 $0xE040;
	s14 =	simm.s32 @!p2 $0xA  }
0x2d: {  	[spmem:s7] =	stream.linear.scatter @!p2 [tilespmem:s18], [sflag:$0xA], $0x1000, $0x38;
	[tilespmem:$0x13E60] =	vst v63  }
0x2e: {  	_ =	swait.ge @!p2 [sflag:s14], $0x1000  }
0x2f: {  	s7 =	sadd.s32 $0x1000, s7;
	[sflag:s14] =	ssyncset.done @!p2 $0x0  }
0x30: {  	s10 =	sand.u32 $0xF, s10  }
0x31: {  	p3 =	sne.s32 s10, s1  }
0x32: {  	[sflag:s14] =	ssyncadd.s32 @!p2 $0xFFFFF000;
	s10 =	simm.s32 @!p3 $0xE040;
	s13 =	simm.s32 @!p3 $0xA  }
0x33: {  	[spmem:s7] =	stream.linear.scatter @!p3 [tilespmem:s10], [sflag:$0xA], $0x1000, $0x38;
	[tilespmem:$0x13E60] =	vst v63  }
0x34: {  	_ =	swait.ge @!p3 [sflag:s13], $0x1000  }
0x35: {  	[sflag:s13] =	ssyncset.done @!p3 $0x0  }
0x36: {  	s7 =	simm.s32 @!p0 $0xE040;
	[sflag:s13] =	ssyncadd.s32 @!p3 $0xFFFFF000  }
0x37: {  	[spmem:s17] =	stream.linear.scatter @!p0 [tilespmem:s7], [sflag:$0xA], $0x200, $0x38;
	[tilespmem:$0x13E60] =	vst v63  }
0x38: {  	s7 =	simm.s32 @!p0 $0xA  }
0x39: {  	_ =	swait.ge @!p0 [sflag:s7], $0x200  }
0x3a: {  	[sflag:s7] =	ssyncset.done @!p0 $0x0  }
0x3b: {  	[sflag:s7] =	ssyncadd.s32 @!p0 $0xFFFFFE00  }
0x3c: {  	s18 =	simm.s32 $0x9;
	[bflag:$0x0] =	sbarrier.arrive $0xFFFF  }
0x3d: {  	_ =	swait.ge [sflag:s18], $0x4E20  }
.Ltmp2:
0x3e: {  	[sflag:s18] =	ssyncset.done $0x0;
	(pc) =	sbr.rel @p1 .LBB2_9-.Ltmp2, $4  }
0x3f: {  	[sflag:s18] =	ssyncadd.s32 $0xFFFFB1E0  }
0x40: {  	_ =	swait.ge [sflag:s18], $0x4E20  }
0x41: {  	[sflag:s18] =	ssyncset.done $0x0  }
0x42: {  	s7 =	simm.s32 $0x0;
	[sflag:s18] =	ssyncadd.s32 $0xFFFFB1E0  }
0x43: {  	[tilespmem:s21], [sflag:$0x1] =	stream.indirect.gather [hbm4b:s4+s20], $0x20, s7, s20, $0xb8;
	[tilespmem:$0x13E60] =	vst v63  }
0x44: {  	_ = 	snop  }
0x45: {  	[tilespmem:s22], [sflag:$0x2] =	stream.indirect.gather [hbm4b:s4+s20], $0x20, s20, s20, $0xb8;
	[tilespmem:$0x13E60] =	vst v63  }
0x46: {  	s13 =	simm.s32 $0x100  }
0x47: {  	[tilespmem:s24], [sflag:$0x3] =	stream.indirect.gather [hbm4b:s4+s20], $0x20, s13, s20, $0xb8;
	[tilespmem:$0x13E60] =	vst v63  }
0x48: {  	s14 =	simm.s32 $0x180  }
0x49: {  	[tilespmem:s26], [sflag:$0x4] =	stream.indirect.gather [hbm4b:s4+s20], $0x20, s14, s20, $0xb8;
	[tilespmem:$0x13E60] =	vst v63  }
0x4a: {  	_ =	swait.ge [sflag:s28], $0x1000  }
0x4b: {  	[sflag:s28] =	ssyncset.done $0x0  }
0x4c: {  	s18 =	simm.s32 $0x4E20;
	[sflag:s28] =	ssyncadd.s32 $0xFFFFF000  }
0x4d: {  	[spmem:s2] =	stream.indirect.scatter.add.f32 [tilespmem:s21], [sflag:$0x5], $0x20, s18, s20, $0xb8;
	[tilespmem:$0x13E60] =	vst v63  }
0x4e: {  	_ =	swait.ge [sflag:s29], $0x1000  }
0x4f: {  	[sflag:s29] =	ssyncset.done $0x0  }
0x50: {  	s9 =	simm.s32 $0x200;
	[sflag:s29] =	ssyncadd.s32 $0xFFFFF000  }
0x51: {  	[tilespmem:s21], [sflag:$0x1] =	stream.indirect.gather [hbm4b:s4+s20], $0x20, s9, s20, $0xb8;
	[tilespmem:$0x13E60] =	vst v63  }
0x52: {  	_ =	swait.ge [sflag:s30], $0x1000  }
0x53: {  	[sflag:s30] =	ssyncset.done $0x0  }
0x54: {  	s10 =	simm.s32 $0x4EA0;
	[sflag:s30] =	ssyncadd.s32 $0xFFFFF000  }
0x55: {  	[spmem:s2] =	stream.indirect.scatter.add.f32 [tilespmem:s22], [sflag:$0x6], $0x20, s10, s20, $0xb8;
	[tilespmem:$0x13E60] =	vst v63  }
0x56: {  	_ =	swait.ge [sflag:s31], $0x1000  }
0x57: {  	[sflag:s31] =	ssyncset.done $0x0  }
0x58: {  	s12 =	simm.s32 $0x280;
	[sflag:s31] =	ssyncadd.s32 $0xFFFFF000  }
0x59: {  	[tilespmem:s22], [sflag:$0x2] =	stream.indirect.gather [hbm4b:s4+s20], $0x20, s12, s20, $0xb8;
	[tilespmem:$0x13E60] =	vst v63  }
0x5a: {  	_ =	swait.ge [sflag:s0], $0x1000  }
0x5b: {  	[sflag:s0] =	ssyncset.done $0x0  }
0x5c: {  	s13 =	simm.s32 $0x4F20;
	[sflag:s0] =	ssyncadd.s32 $0xFFFFF000  }
0x5d: {  	[spmem:s2] =	stream.indirect.scatter.add.f32 [tilespmem:s24], [sflag:$0x7], $0x20, s13, s20, $0xb8;
	[tilespmem:$0x13E60] =	vst v63  }
0x5e: {  	_ =	swait.ge [sflag:s16], $0x1000  }
0x5f: {  	[sflag:s16] =	ssyncset.done $0x0  }
0x60: {  	s14 =	simm.s32 $0x300;
	[sflag:s16] =	ssyncadd.s32 $0xFFFFF000  }
0x61: {  	[tilespmem:s24], [sflag:$0x3] =	stream.indirect.gather [hbm4b:s4+s20], $0x20, s14, s20, $0xb8;
	[tilespmem:$0x13E60] =	vst v63  }
0x62: {  	_ =	swait.ge [sflag:s23], $0x1000  }
0x63: {  	[sflag:s23] =	ssyncset.done $0x0  }
0x64: {  	s18 =	simm.s32 $0x4FA0;
	[sflag:s23] =	ssyncadd.s32 $0xFFFFF000  }
0x65: {  	[spmem:s2] =	stream.indirect.scatter.add.f32 [tilespmem:s26], [sflag:$0x8], $0x20, s18, s20, $0xb8;
	[tilespmem:$0x13E60] =	vst v63  }
0x66: {  	_ =	swait.ge [sflag:s25], $0x1000  }
0x67: {  	[sflag:s25] =	ssyncset.done $0x0  }
0x68: {  	s7 =	simm.s32 $0x380;
	s18 =	simm.s32 $0x800;
	[sflag:s25] =	ssyncadd.s32 $0xFFFFF000  }
.LBB2_7:
0x69: {  	[tilespmem:s26], [sflag:$0x4] =	stream.indirect.gather [hbm4b:s4+s20], $0x20, s7, s20, $0xb8;
	[tilespmem:$0x13E60] =	vst v63  }
0x6a: {  	s7 =	smov.u32 s18  }
0x6b: {  	p2 =	seq.s32 s18, $0x12800;
	s18 =	sadd.s32 $0x800, s18;
	_ =	swait.ge [sflag:s28], $0x1000  }
0x6c: {  	s13 =	sshra.s32 s7, $0x2;
	[sflag:s28] =	ssyncset.done $0x0  }
0x6d: {  	s7 =	sadd.s32 $0x4E20, s13;
	[sflag:s28] =	ssyncadd.s32 $0xFFFFF000  }
0x6e: {  	[spmem:s2] =	stream.indirect.scatter.add.f32 [tilespmem:s21], [sflag:$0x5], $0x20, s7, s20, $0xb8;
	[tilespmem:$0x13E60] =	vst v63  }
0x6f: {  	_ =	swait.ge [sflag:s29], $0x1000  }
0x70: {  	[sflag:s29] =	ssyncset.done $0x0  }
0x71: {  	s7 =	sadd.s32 $0x200, s13;
	[sflag:s29] =	ssyncadd.s32 $0xFFFFF000  }
0x72: {  	[tilespmem:s21], [sflag:$0x1] =	stream.indirect.gather [hbm4b:s4+s20], $0x20, s7, s20, $0xb8;
	[tilespmem:$0x13E60] =	vst v63  }
0x73: {  	_ =	swait.ge [sflag:s30], $0x1000  }
0x74: {  	[sflag:s30] =	ssyncset.done $0x0  }
0x75: {  	s7 =	sadd.s32 $0x4EA0, s13;
	[sflag:s30] =	ssyncadd.s32 $0xFFFFF000  }
0x76: {  	[spmem:s2] =	stream.indirect.scatter.add.f32 [tilespmem:s22], [sflag:$0x6], $0x20, s7, s20, $0xb8;
	[tilespmem:$0x13E60] =	vst v63  }
0x77: {  	_ =	swait.ge [sflag:s31], $0x1000  }
0x78: {  	[sflag:s31] =	ssyncset.done $0x0  }
0x79: {  	s7 =	sadd.s32 $0x280, s13;
	[sflag:s31] =	ssyncadd.s32 $0xFFFFF000  }
0x7a: {  	[tilespmem:s22], [sflag:$0x2] =	stream.indirect.gather [hbm4b:s4+s20], $0x20, s7, s20, $0xb8;
	[tilespmem:$0x13E60] =	vst v63  }
0x7b: {  	_ =	swait.ge [sflag:s0], $0x1000  }
0x7c: {  	[sflag:s0] =	ssyncset.done $0x0  }
0x7d: {  	s7 =	sadd.s32 $0x4F20, s13;
	[sflag:s0] =	ssyncadd.s32 $0xFFFFF000  }
0x7e: {  	[spmem:s2] =	stream.indirect.scatter.add.f32 [tilespmem:s24], [sflag:$0x7], $0x20, s7, s20, $0xb8;
	[tilespmem:$0x13E60] =	vst v63  }
0x7f: {  	_ =	swait.ge [sflag:s16], $0x1000  }
0x80: {  	[sflag:s16] =	ssyncset.done $0x0  }
0x81: {  	s7 =	sadd.s32 $0x300, s13;
	[sflag:s16] =	ssyncadd.s32 $0xFFFFF000  }
0x82: {  	[tilespmem:s24], [sflag:$0x3] =	stream.indirect.gather [hbm4b:s4+s20], $0x20, s7, s20, $0xb8;
	[tilespmem:$0x13E60] =	vst v63  }
0x83: {  	_ =	swait.ge [sflag:s23], $0x1000  }
0x84: {  	[sflag:s23] =	ssyncset.done $0x0  }
.Ltmp3:
0x85: {  	s7 =	sadd.s32 $0x4FA0, s13;
	[sflag:s23] =	ssyncadd.s32 $0xFFFFF000;
	(pc) =	sbr.rel @!p2 .LBB2_7-.Ltmp3, $4  }
0x86: {  	[spmem:s2] =	stream.indirect.scatter.add.f32 [tilespmem:s26], [sflag:$0x8], $0x20, s7, s20, $0xb8;
	[tilespmem:$0x13E60] =	vst v63  }
0x87: {  	_ =	swait.ge [sflag:s25], $0x1000  }
0x88: {  	[sflag:s25] =	ssyncset.done $0x0  }
0x89: {  	s7 =	sadd.s32 $0x380, s13;
	[sflag:s25] =	ssyncadd.s32 $0xFFFFF000  }
.Ltmp4:
0x8a: {  	(pc) =	sbr.rel .LBB2_12-.Ltmp4, $3  }
0x8b: {  	_ =	sdelay $0x1  }
0x8c: {  	[tilespmem:s26], [sflag:$0x4] =	stream.indirect.gather [hbm4b:s4+s20], $0x20, s7, s20, $0xb8;
	[tilespmem:$0x13E60] =	vst v63  }
0x8d: {  	s7 =	smov.u32 s4  }
.LBB2_9:
0x8e: {  	[tilespmem:s21], [sflag:$0x1] =	stream.indirect.gather [hbm4b:s6+s20], $0x20, s7, s20, $0xb8;
	[tilespmem:$0x13E60] =	vst v63  }
0x8f: {  	_ = 	snop  }
0x90: {  	[tilespmem:s22], [sflag:$0x2] =	stream.indirect.gather [hbm4b:s6+s20], $0x20, s20, s20, $0xb8;
	[tilespmem:$0x13E60] =	vst v63  }
0x91: {  	s13 =	simm.s32 $0x100  }
0x92: {  	[tilespmem:s24], [sflag:$0x3] =	stream.indirect.gather [hbm4b:s6+s20], $0x20, s13, s20, $0xb8;
	[tilespmem:$0x13E60] =	vst v63  }
0x93: {  	s14 =	simm.s32 $0x180  }
0x94: {  	[tilespmem:s26], [sflag:$0x4] =	stream.indirect.gather [hbm4b:s6+s20], $0x20, s14, s20, $0xb8;
	[tilespmem:$0x13E60] =	vst v63  }
0x95: {  	_ =	swait.ge [sflag:s28], $0x1000  }
0x96: {  	[sflag:s28] =	ssyncset.done $0x0  }
0x97: {  	s18 =	simm.s32 $0x4E20;
	[sflag:s28] =	ssyncadd.s32 $0xFFFFF000  }
0x98: {  	[spmem:s2] =	stream.indirect.scatter.add.f32 [tilespmem:s21], [sflag:$0x5], $0x20, s18, s20, $0xb8;
	[tilespmem:$0x13E60] =	vst v63  }
0x99: {  	_ =	swait.ge [sflag:s29], $0x1000  }
0x9a: {  	[sflag:s29] =	ssyncset.done $0x0  }
0x9b: {  	s9 =	simm.s32 $0x200;
	[sflag:s29] =	ssyncadd.s32 $0xFFFFF000  }
0x9c: {  	[tilespmem:s21], [sflag:$0x1] =	stream.indirect.gather [hbm4b:s6+s20], $0x20, s9, s20, $0xb8;
	[tilespmem:$0x13E60] =	vst v63  }
0x9d: {  	_ =	swait.ge [sflag:s30], $0x1000  }
0x9e: {  	[sflag:s30] =	ssyncset.done $0x0  }
0x9f: {  	s10 =	simm.s32 $0x4EA0;
	[sflag:s30] =	ssyncadd.s32 $0xFFFFF000  }
0xa0: {  	[spmem:s2] =	stream.indirect.scatter.add.f32 [tilespmem:s22], [sflag:$0x6], $0x20, s10, s20, $0xb8;
	[tilespmem:$0x13E60] =	vst v63  }
0xa1: {  	_ =	swait.ge [sflag:s31], $0x1000  }
0xa2: {  	[sflag:s31] =	ssyncset.done $0x0  }
0xa3: {  	s12 =	simm.s32 $0x280;
	[sflag:s31] =	ssyncadd.s32 $0xFFFFF000  }
0xa4: {  	[tilespmem:s22], [sflag:$0x2] =	stream.indirect.gather [hbm4b:s6+s20], $0x20, s12, s20, $0xb8;
	[tilespmem:$0x13E60] =	vst v63  }
0xa5: {  	_ =	swait.ge [sflag:s0], $0x1000  }
0xa6: {  	[sflag:s0] =	ssyncset.done $0x0  }
0xa7: {  	s13 =	simm.s32 $0x4F20;
	[sflag:s0] =	ssyncadd.s32 $0xFFFFF000  }
0xa8: {  	[spmem:s2] =	stream.indirect.scatter.add.f32 [tilespmem:s24], [sflag:$0x7], $0x20, s13, s20, $0xb8;
	[tilespmem:$0x13E60] =	vst v63  }
0xa9: {  	_ =	swait.ge [sflag:s16], $0x1000  }
0xaa: {  	[sflag:s16] =	ssyncset.done $0x0  }
0xab: {  	s14 =	simm.s32 $0x300;
	[sflag:s16] =	ssyncadd.s32 $0xFFFFF000  }
0xac: {  	[tilespmem:s24], [sflag:$0x3] =	stream.indirect.gather [hbm4b:s6+s20], $0x20, s14, s20, $0xb8;
	[tilespmem:$0x13E60] =	vst v63  }
0xad: {  	_ =	swait.ge [sflag:s23], $0x1000  }
0xae: {  	[sflag:s23] =	ssyncset.done $0x0  }
0xaf: {  	s18 =	simm.s32 $0x4FA0;
	[sflag:s23] =	ssyncadd.s32 $0xFFFFF000  }
0xb0: {  	[spmem:s2] =	stream.indirect.scatter.add.f32 [tilespmem:s26], [sflag:$0x8], $0x20, s18, s20, $0xb8;
	[tilespmem:$0x13E60] =	vst v63  }
0xb1: {  	_ =	swait.ge [sflag:s25], $0x1000  }
0xb2: {  	[sflag:s25] =	ssyncset.done $0x0  }
0xb3: {  	s7 =	simm.s32 $0x380;
	s18 =	simm.s32 $0x800;
	[sflag:s25] =	ssyncadd.s32 $0xFFFFF000  }
.LBB2_10:
0xb4: {  	[tilespmem:s26], [sflag:$0x4] =	stream.indirect.gather [hbm4b:s6+s20], $0x20, s7, s20, $0xb8;
	[tilespmem:$0x13E60] =	vst v63  }
0xb5: {  	s7 =	smov.u32 s18  }
0xb6: {  	p2 =	sne.s32 s18, $0x12800;
	s18 =	sadd.s32 $0x800, s18;
	_ =	swait.ge [sflag:s28], $0x1000  }
0xb7: {  	s13 =	sshra.s32 s7, $0x2;
	[sflag:s28] =	ssyncset.done $0x0  }
0xb8: {  	s7 =	sadd.s32 $0x4E20, s13;
	[sflag:s28] =	ssyncadd.s32 $0xFFFFF000  }
0xb9: {  	[spmem:s2] =	stream.indirect.scatter.add.f32 [tilespmem:s21], [sflag:$0x5], $0x20, s7, s20, $0xb8;
	[tilespmem:$0x13E60] =	vst v63  }
0xba: {  	_ =	swait.ge [sflag:s29], $0x1000  }
0xbb: {  	[sflag:s29] =	ssyncset.done $0x0  }
0xbc: {  	s7 =	sadd.s32 $0x200, s13;
	[sflag:s29] =	ssyncadd.s32 $0xFFFFF000  }
0xbd: {  	[tilespmem:s21], [sflag:$0x1] =	stream.indirect.gather [hbm4b:s6+s20], $0x20, s7, s20, $0xb8;
	[tilespmem:$0x13E60] =	vst v63  }
0xbe: {  	_ =	swait.ge [sflag:s30], $0x1000  }
0xbf: {  	[sflag:s30] =	ssyncset.done $0x0  }
0xc0: {  	s7 =	sadd.s32 $0x4EA0, s13;
	[sflag:s30] =	ssyncadd.s32 $0xFFFFF000  }
0xc1: {  	[spmem:s2] =	stream.indirect.scatter.add.f32 [tilespmem:s22], [sflag:$0x6], $0x20, s7, s20, $0xb8;
	[tilespmem:$0x13E60] =	vst v63  }
0xc2: {  	_ =	swait.ge [sflag:s31], $0x1000  }
0xc3: {  	[sflag:s31] =	ssyncset.done $0x0  }
0xc4: {  	s7 =	sadd.s32 $0x280, s13;
	[sflag:s31] =	ssyncadd.s32 $0xFFFFF000  }
0xc5: {  	[tilespmem:s22], [sflag:$0x2] =	stream.indirect.gather [hbm4b:s6+s20], $0x20, s7, s20, $0xb8;
	[tilespmem:$0x13E60] =	vst v63  }
0xc6: {  	_ =	swait.ge [sflag:s0], $0x1000  }
0xc7: {  	[sflag:s0] =	ssyncset.done $0x0  }
0xc8: {  	s7 =	sadd.s32 $0x4F20, s13;
	[sflag:s0] =	ssyncadd.s32 $0xFFFFF000  }
0xc9: {  	[spmem:s2] =	stream.indirect.scatter.add.f32 [tilespmem:s24], [sflag:$0x7], $0x20, s7, s20, $0xb8;
	[tilespmem:$0x13E60] =	vst v63  }
0xca: {  	_ =	swait.ge [sflag:s16], $0x1000  }
0xcb: {  	[sflag:s16] =	ssyncset.done $0x0  }
0xcc: {  	s7 =	sadd.s32 $0x300, s13;
	[sflag:s16] =	ssyncadd.s32 $0xFFFFF000  }
0xcd: {  	[tilespmem:s24], [sflag:$0x3] =	stream.indirect.gather [hbm4b:s6+s20], $0x20, s7, s20, $0xb8;
	[tilespmem:$0x13E60] =	vst v63  }
0xce: {  	_ =	swait.ge [sflag:s23], $0x1000  }
0xcf: {  	[sflag:s23] =	ssyncset.done $0x0  }
.Ltmp5:
0xd0: {  	s7 =	sadd.s32 $0x4FA0, s13;
	[sflag:s23] =	ssyncadd.s32 $0xFFFFF000;
	(pc) =	sbr.rel @p2 .LBB2_10-.Ltmp5, $4  }
0xd1: {  	[spmem:s2] =	stream.indirect.scatter.add.f32 [tilespmem:s26], [sflag:$0x8], $0x20, s7, s20, $0xb8;
	[tilespmem:$0x13E60] =	vst v63  }
0xd2: {  	_ =	swait.ge [sflag:s25], $0x1000  }
0xd3: {  	[sflag:s25] =	ssyncset.done $0x0  }
0xd4: {  	s7 =	sadd.s32 $0x380, s13;
	[sflag:s25] =	ssyncadd.s32 $0xFFFFF000  }
0xd5: {  	[tilespmem:s26], [sflag:$0x4] =	stream.indirect.gather [hbm4b:s6+s20], $0x20, s7, s20, $0xb8;
	[tilespmem:$0x13E60] =	vst v63  }
0xd6: {  	s7 =	smov.u32 s6  }
.LBB2_12:
0xd7: {  	_ =	swait.ge [sflag:s28], $0x1000  }
0xd8: {  	[sflag:s28] =	ssyncset.done $0x0  }
0xd9: {  	s9 =	simm.s32 $0x9A20;
	[sflag:s28] =	ssyncadd.s32 $0xFFFFF000  }
0xda: {  	[spmem:s2] =	stream.indirect.scatter.add.f32 [tilespmem:s21], [sflag:$0x5], $0x20, s9, s20, $0xb8;
	[tilespmem:$0x13E60] =	vst v63  }
0xdb: {  	_ =	swait.ge [sflag:s30], $0x1000  }
0xdc: {  	[sflag:s30] =	ssyncset.done $0x0  }
0xdd: {  	s18 =	simm.s32 $0x9AA0;
	[sflag:s30] =	ssyncadd.s32 $0xFFFFF000  }
0xde: {  	[spmem:s2] =	stream.indirect.scatter.add.f32 [tilespmem:s22], [sflag:$0x6], $0x20, s18, s20, $0xb8;
	[tilespmem:$0x13E60] =	vst v63  }
0xdf: {  	_ =	swait.ge [sflag:s0], $0x1000  }
0xe0: {  	[sflag:s0] =	ssyncset.done $0x0  }
0xe1: {  	s10 =	simm.s32 $0x9B20;
	[sflag:s0] =	ssyncadd.s32 $0xFFFFF000  }
0xe2: {  	[spmem:s2] =	stream.indirect.scatter.add.f32 [tilespmem:s24], [sflag:$0x7], $0x20, s10, s20, $0xb8;
	[tilespmem:$0x13E60] =	vst v63  }
0xe3: {  	_ =	swait.ge [sflag:s23], $0x1000  }
0xe4: {  	[sflag:s23] =	ssyncset.done $0x0  }
0xe5: {  	s12 =	simm.s32 $0x9BA0;
	[sflag:s23] =	ssyncadd.s32 $0xFFFFF000  }
0xe6: {  	[spmem:s2] =	stream.indirect.scatter.add.f32 [tilespmem:s26], [sflag:$0x8], $0x20, s12, s20, $0xb8;
	[tilespmem:$0x13E60] =	vst v63  }
0xe7: {  	_ =	swait.ge [sflag:s29], $0x1000  }
0xe8: {  	[sflag:s29] =	ssyncset.done $0x0  }
0xe9: {  	[sflag:s29] =	ssyncadd.s32 $0xFFFFF000  }
0xea: {  	_ =	swait.ge [sflag:s31], $0x1000  }
0xeb: {  	[sflag:s31] =	ssyncset.done $0x0  }
0xec: {  	[sflag:s31] =	ssyncadd.s32 $0xFFFFF000  }
0xed: {  	_ =	swait.ge [sflag:s16], $0x1000  }
0xee: {  	[sflag:s16] =	ssyncset.done $0x0  }
0xef: {  	[sflag:s16] =	ssyncadd.s32 $0xFFFFF000  }
0xf0: {  	_ =	swait.ge [sflag:s25], $0x1000  }
0xf1: {  	s13 =	simm.s32 $0x20;
	s18 =	simm.s32 $0x0;
	[sflag:s25] =	ssyncset.done $0x0  }
0xf2: {  	s10 =	simm.s32 $0x4E00;
	s12 =	simm.s32 $0xDC40;
	[sflag:s25] =	ssyncadd.s32 $0xFFFFF000  }
0xf3: {  	[tilespmem:s12], [sflag:$0x1] =	stream.indirect.gather [hbm4b:s7+s13], $0x20, s10, s13, $0xb8;
	[tilespmem:$0x13E60] =	vst v63  }
0xf4: {  	s7 =	sand.u32 $0xF, s18  }
0xf5: {  	s14 =	simm.s32 $0x9C20;
	_ =	swait.ge [sflag:s28], $0x400;
	p2 =	sne.s32 s7, s1  }
0xf6: {  	[sflag:s28] =	ssyncset.done $0x0;
	p3 =	sne.s32 @!p2 s5, $0x0;
	p2 =	por p2, p2  }
0xf7: {  	s7 =	smov.u32 s11;
	[sflag:s28] =	ssyncadd.s32 $0xFFFFFC00;
	p3 =	por !p3, p2  }
0xf8: {  	[spmem:s2] =	stream.indirect.scatter.add.f32 [tilespmem:s12], [sflag:$0xA], $0x20, s14, s13, $0xb8;
	[tilespmem:$0x13E60] =	vst v63  }
0xf9: {  	s10 =	sshll.u32 @!p2 s1, $0x6;
	s13 =	simm.s32 @!p2 $0xA;
	_ =	swait.ge [sflag:s19], $0x400  }
0xfa: {  	s7 =	smov.u32 @p3 s8;
	s13 =	simm.s32 @p3 $0xB;
	[sflag:s19] =	ssyncset.done $0x0  }
0xfb: {  	s14 =	sshrl.u32 @!p2 s2, $0x3;
	s10 =	sadd.s32 @!p2 s13, s10;
	[sflag:s19] =	ssyncadd.s32 $0xFFFFFC00  }
0xfc: {  	s7 =	sadd.s32 @!p2 $0x0, s7;
	s10 =	sadd.s32 @!p2 $0x1C00, s10;
	[bflag:$0x0] =	sbarrier.arrive $0xFFFF  }
0xfd: {  	[hbm:s7], [sflag:s10] =	dma.local @!p2 [spmem:s14], $0x200  }
0xfe: {  	s14 =	simm.s32 $0x200;
	s7 =	simm.s32 $0x1  }
0xff: {  	s10 =	simm.s32 $0x400;
	s18 =	sand.u32 $0xF, s7;
	_ =	swait.ge @!p2 [sflag:s13], $0x200  }
0x100: {  	p4 =	sne.s32 s18, s1;
	[sflag:s13] =	ssyncset.done @!p2 $0x0;
	s18 =	sadd.s32 $0x1000, s2  }
.LBB2_13:
0x101: {  	p5 =	sne.s32 @!p4 s5, $0x0;
	[sflag:s13] =	ssyncadd.s32 @!p2 $0xFFFFFE00;
	s12 =	smov.u32 s10  }
0x102: {  	s10 =	sadd.s32 $0x200, s10;
	p2 =	por p4, p4;
	s9 =	smov.u32 s11  }
0x103: {  	p3 =	sne.s32 s10, $0x9C00;
	s13 =	simm.s32 @!p2 $0xA;
	p4 =	por !p5, p2  }
0x104: {  	s19 =	sshll.u32 @!p2 s1, $0x6;
	s9 =	smov.u32 @p4 s8;
	s13 =	simm.s32 @p4 $0xB  }
.Ltmp6:
0x105: {  	s9 =	sadd.s32 @!p2 s14, s9;
	s14 =	sadd.s32 @!p2 s13, s19;
	(pc) =	sbr.rel @p3 .LBB2_13-.Ltmp6, $4  }
0x106: {  	s7 =	sadd.s32 $0x1, s7;
	s19 =	sshrl.u32 @!p2 s18, $0x3;
	s14 =	sadd.s32 @!p2 $0x1C00, s14  }
0x107: {  	[hbm:s9], [sflag:s14] =	dma.local @!p2 [spmem:s19], $0x200  }
0x108: {  	s9 =	sand.u32 $0xF, s7;
	s14 =	smov.u32 s12;
	_ =	swait.ge @!p2 [sflag:s13], $0x200  }
0x109: {  	s18 =	sadd.s32 $0x1000, s18;
	p4 =	sne.s32 s9, s1;
	[sflag:s13] =	ssyncset.done @!p2 $0x0  }
0x10a: {  	p5 =	sne.s32 @!p4 s5, $0x0;
	p3 =	por p4, p4  }
0x10b: {  	s7 =	simm.s32 @!p3 $0xA;
	p4 =	por !p5, p3  }
0x10c: {  	s9 =	smov.u32 s11;
	s10 =	sshll.u32 @!p3 s1, $0x6;
	s7 =	simm.s32 @p4 $0xB  }
0x10d: {  	[sflag:s13] =	ssyncadd.s32 @!p2 $0xFFFFFE00;
	s9 =	smov.u32 @p4 s8;
	s10 =	sadd.s32 @!p3 s7, s10  }
0x10e: {  	s12 =	sshrl.u32 @!p3 s18, $0x3;
	s9 =	sadd.s32 @!p3 s14, s9;
	s10 =	sadd.s32 @!p3 $0x1C00, s10  }
0x10f: {  	[hbm:s9], [sflag:s10] =	dma.local @!p3 [spmem:s12], $0x200  }
0x110: {  	_ =	swait.ge @!p3 [sflag:s7], $0x200  }
0x111: {  	s9 =	simm.s32 @!p0 $0x1F8A;
	[sflag:s7] =	ssyncset.done @!p3 $0x0  }
0x112: {  	s10 =	rddreg [dreg:$0x8];
	[sflag:s7] =	ssyncadd.s32 @!p3 $0xFFFFFE00;
	s7 =	sshrl.u32 @!p0 s17, $0x3  }
0x113: {  	[hbm:s10], [sflag:s9] =	dma.local @!p0 [spmem:s7], $0x40  }
0x114: {  	s7 =	simm.s32 @!p0 $0xA  }
0x115: {  	_ =	swait.ge @!p0 [sflag:s7], $0x40  }
0x116: {  	s18 =	rddreg [dreg:$0x9]  }
0x117: {  	s19 =	rddreg [dreg:$0x7];
	s10 =	sadd.s32 $0x1, s18  }
0x118: {  	p2 =	sne.s32 s10, s19  }
.Ltmp7:
0x119: {  	_ = 	snop;
	(pc) =	sbr.rel @p2 .LBB2_1-.Ltmp7, $3  }
0x11a: {  	_ =	sdelay $0x1  }
0x11b: {  	[sflag:s7] =	ssyncset.done @!p0 $0x0  }
0x11c: {  	[sflag:s7] =	ssyncadd.s32 @!p0 $0xFFFFFFC0;
	s19 =	simm.s32 $0xA  }
0x11d: {  	_ =	sfence.sel $0x180000  }
0x11e: {  	[bflag:$0x0] =	sbarrier.arrive $0xFFFF  }
0x11f: {  	_ =	strace $0x9000004D  }
0x120: {  	[bflag:$0x2] =	sbarrier.arrive $0xFFFF  }
0x121: {  	p0 =	sne.s32 s1, $0x0;
	s0 =	rddreg [dreg:$0x3]  }
0x122: {  	s0 =	sadd.s32 @!p0 $0x100000, s0  }
0x123: {  	[sflag:s0] =	ssyncadd.tile.s32 @!p0 $0x1;
	_ =	shalt  }
.Lfunc_end2:
_tile_overlayer_lowered:
.L_overlay_start_2:
0x124: {  	(tag) =	ssettag $0x2  }
0x125: {  	s0 =	rddreg [dreg:$0x0];
	s2 =	stileid.u32  }
0x126: {  	s1 =	rddreg [dreg:$0x1];
	p0 =	sne.s32 s2, $0x0  }
0x127: {  	s3 =	rddreg [dreg:$0x2];
	[bflag:$0x3] =	sbarrier.arrive $0xFFFF;
	s2 =	simm.s32 @!p0 $0x1C0A  }
0x128: {  	[timem:s3], [sflag:s2] =	dma.local @!p0 [hbm:s0], s1  }
0x129: {  	s0 =	simm.s32 @!p0 $0xA  }
0x12a: {  	_ =	swait.ge @!p0 [sflag:s0], s1  }
0x12b: {  	s1 =	ssub.s32 @!p0 $0x0, s1;
	[sflag:s0] =	ssyncset.done @!p0 $0x0  }
0x12c: {  	[sflag:s0] =	ssyncadd.s32 @!p0 s1  }
0x12d: {  	[bflag:$0x3] =	sbarrier.arrive $0xFFFF  }
0x12e: {  	_ =	shalt  }

// kernel: gin_agg.5.cloned.1.call-start
scs
__scs_entry_jumppad:
0x0: {  	(pc) =	sbr.rel $0x88, $3  }
0x1: {  	(tag) =	ssettag $0x0;
	lr =	simm.s32 $0x1  }
0x2: {  	[smem:$0x3F91] =	sst lr;
	_ =	strace $0xD0000000  }
0x3: {  	_ = 	snop  }
0x4: {  	_ = 	snop  }
0x5: {  	_ = 	snop  }
0x6: {  	_ = 	snop  }
0x7: {  	_ = 	snop  }
__scs_overlays_trampoline_lowered:
0x8: {  	[smem:$0x3FA0] =	sst s0  }
0x9: {  	[smem:$0x3FA1] =	sst s1  }
0xa: {  	[smem:$0x3FA2] =	sst s2  }
0xb: {  	[smem:$0x3FA3] =	sst s3  }
0xc: {  	[smem:$0x3FA4] =	sst s4  }
0xd: {  	[smem:$0x3FA5] =	sst s5  }
0xe: {  	[smem:$0x3FA6] =	sst s6  }
0xf: {  	[smem:$0x3FA7] =	sst s7  }
0x10: {  	[smem:$0x3FA8] =	sst s8  }
0x11: {  	[smem:$0x3FA9] =	sst s9;
	s0 =	simm.s32 @!p0 $0x0  }
0x12: {  	s1 =	sld [smem:$0x3F8F];
	s0 =	simm.s32 @p0 $0x1  }
0x13: {  	[smem:$0x3FAA] =	sst s0;
	s0 =	simm.s32 @!p1 $0x0  }
0x14: {  	s2 =	sld [smem:$0x3F8E];
	s0 =	simm.s32 @p1 $0x1  }
0x15: {  	[smem:$0x3FAB] =	sst s0;
	s0 =	simm.s32 @!p2 $0x0  }
0x16: {  	s3 =	sld [smem:$0x3FDB];
	s0 =	simm.s32 @p2 $0x1  }
0x17: {  	s4 =	simm.s32 $0x1BF5;
	[smem:$0x3FAD] =	sst s0  }
0x18: {  	s0 =	sld [smem:$0x3F90];
	_ =	swait.ge [sflag:s4], $0x0  }
0x19: {  	s7 =	sld [smem:$0x3F91]  }
0x1a: {  	s8 =	sadd.s32 $0xFFFFE003, lr  }
0x1b: {  	s9 =	sadd.s32 $0xFFFFFEF7, lr;
	s5 =	simm.s32 $0xFFFFFFFF;
	p2 =	slt.u32 s8, $0xFFFFF086  }
0x1c: {  	p1 =	slt.u32 s9, $0xF7A;
	s5 =	simm.s32 @!p2 $0x0  }
0x1d: {  	s5 =	simm.s32 @p1 $0x1;
	p0 =	seq.s32 s7, s2  }
0x1e: {  	s7 =	smul.u32 @!p0 $0xF7A, s2;
	p2 =	seq.s32 @!p0 s5, $0x0  }
0x1f: {  	s9 =	smul.u32 $0xF7A, s1;
	s8 =	simm.s32 @!p0 $0x1BF5;
	p2 =	por !p2, p0  }
0x20: {  	[sflag:s8] =	ssyncset.s32 @!p0 $0xFFFFF086;
	s6 =	sadd.s32 @!p0 s3, s7;
	s7 =	simm.s32 @!p0 $0x108  }
0x21: {  	s3 =	sadd.s32 s3, s9;
	s6 =	sadd.s32 @!p0 $0x88, s6;
	s7 =	simm.s32 @p2 $0x1082  }
0x22: {  	[simem:s7], [sflag:s8] =	dma.local @!p0 [hbm:s6], $0xF7A  }
0x23: {  	s9 =	sor.u32 $0xD0000000, s2;
	s6 =	simm.s32 $0x108;
	_ =	swait.ge @!p0 [sflag:s8], $0x0  }
0x24: {  	s3 =	sadd.s32 $0x88, s3;
	s6 =	simm.s32 @!p1 $0x1082;
	[sflag:s4] =	ssyncset.s32 $0xFFFFF086  }
0x25: {  	[simem:s6], [sflag:s4] =	dma.local [hbm:s3], $0xF7A  }
0x26: {  	[smem:$0x3F91] =	sst s1;
	(tag) =	ssettag s2;
	_ =	strace s9  }
0x27: {  	s1 =	sld [smem:$0x3FA1]  }
0x28: {  	s2 =	sld [smem:$0x3FA2]  }
0x29: {  	s4 =	sld [smem:$0x3FA4]  }
0x2a: {  	p0 =	seq.s32 s5, $0x0;
	s5 =	sld [smem:$0x3FA5]  }
0x2b: {  	s6 =	sld [smem:$0x3FA6]  }
0x2c: {  	s7 =	sld [smem:$0x3FA7]  }
0x2d: {  	s3 =	simm.s32 $0x108;
	s8 =	sld [smem:$0x3FA8]  }
0x2e: {  	s3 =	simm.s32 @!p0 $0x1082;
	s9 =	sld [smem:$0x3FA9]  }
0x2f: {  	lr =	sadd.s32 s0, s3;
	s0 =	sld [smem:$0x3FA0]  }
0x30: {  	s3 =	sld [smem:$0x3FA3]  }
0x31: {  	[smem:$0x3FAC] =	sst s10  }
0x32: {  	s10 =	sld [smem:$0x3FAA];
	_ =	sdelay $0x3  }
0x33: {  	p0 =	seq.s32 s10, $0x1;
	s10 =	sld [smem:$0x3FAC];
	_ =	sdelay $0x3  }
0x34: {  	[smem:$0x3FAC] =	sst s10  }
0x35: {  	s10 =	sld [smem:$0x3FAB];
	_ =	sdelay $0x3  }
0x36: {  	p1 =	seq.s32 s10, $0x1;
	s10 =	sld [smem:$0x3FAC];
	_ =	sdelay $0x3  }
0x37: {  	[smem:$0x3FAC] =	sst s10  }
0x38: {  	s10 =	sld [smem:$0x3FAD]  }
0x39: {  	_ = 	snop;
	(pc) =	sbr.ind lr, $3  }
0x3a: {  	_ = 	snop  }
0x3b: {  	_ = 	snop  }
0x3c: {  	p2 =	seq.s32 s10, $0x1;
	s10 =	sld [smem:$0x3FAC]  }
0x3d: {  	_ =	shalt  }
0x3e: {  	_ =	shalt  }
0x3f: {  	_ =	shalt  }
0x40: {  	_ =	shalt  }
0x41: {  	_ =	shalt  }
0x42: {  	_ =	shalt  }
0x43: {  	_ =	shalt  }
0x44: {  	_ =	shalt  }
0x45: {  	_ =	shalt  }
0x46: {  	_ =	shalt  }
0x47: {  	_ =	shalt  }
0x48: {  	_ =	shalt  }
0x49: {  	_ =	shalt  }
0x4a: {  	_ =	shalt  }
0x4b: {  	_ =	shalt  }
0x4c: {  	_ =	shalt  }
0x4d: {  	_ =	shalt  }
0x4e: {  	_ =	shalt  }
0x4f: {  	_ =	shalt  }
0x50: {  	_ =	shalt  }
0x51: {  	_ =	shalt  }
0x52: {  	_ =	shalt  }
0x53: {  	_ =	shalt  }
0x54: {  	_ =	shalt  }
0x55: {  	_ =	shalt  }
0x56: {  	_ =	shalt  }
0x57: {  	_ =	shalt  }
0x58: {  	_ =	shalt  }
0x59: {  	_ =	shalt  }
0x5a: {  	_ =	shalt  }
0x5b: {  	_ =	shalt  }
0x5c: {  	_ =	shalt  }
0x5d: {  	_ =	shalt  }
0x5e: {  	_ =	shalt  }
0x5f: {  	_ =	shalt  }
0x60: {  	_ =	shalt  }
0x61: {  	_ =	shalt  }
0x62: {  	_ =	shalt  }
0x63: {  	_ =	shalt  }
0x64: {  	_ =	shalt  }
0x65: {  	_ =	shalt  }
0x66: {  	_ =	shalt  }
0x67: {  	_ =	shalt  }
0x68: {  	_ =	shalt  }
0x69: {  	_ =	shalt  }
0x6a: {  	_ =	shalt  }
0x6b: {  	_ =	shalt  }
0x6c: {  	_ =	shalt  }
0x6d: {  	_ =	shalt  }
0x6e: {  	_ =	shalt  }
0x6f: {  	_ =	shalt  }
0x70: {  	_ =	shalt  }
0x71: {  	_ =	shalt  }
0x72: {  	_ =	shalt  }
0x73: {  	_ =	shalt  }
0x74: {  	_ =	shalt  }
0x75: {  	_ =	shalt  }
0x76: {  	_ =	shalt  }
0x77: {  	_ =	shalt  }
0x78: {  	_ =	shalt  }
0x79: {  	_ =	shalt  }
0x7a: {  	_ =	shalt  }
0x7b: {  	_ =	shalt  }
0x7c: {  	_ =	shalt  }
0x7d: {  	_ =	shalt  }
0x7e: {  	_ =	shalt  }
0x7f: {  	_ =	shalt  }
0x80: {  	_ =	shalt  }
0x81: {  	_ =	shalt  }
0x82: {  	_ =	shalt  }
0x83: {  	_ =	shalt  }
0x84: {  	_ =	shalt  }
0x85: {  	_ =	shalt  }
0x86: {  	_ =	shalt  }
0x87: {  	_ =	shalt  }
.Lfunc_end0:
.L_simem_size_0:
called_computation_lowered:
.L_overlay_start_0:
0x88: {  	s2 =	sld [smem:$0x3FD9]  }
0x89: {  	s3 =	sld [smem:$0x3FFE];
	_ =	sdelay $0x1  }
0x8a: {  	s1 =	srdreg.scid  }
0x8b: {  	s0 =	sand.u32 $0x1, s1  }
0x8c: {  	s17 =	sshll.u32 s0, $0xA;
	s2 =	sadd.s32 s3, s2  }
0x8d: {  	s2 =	sadd.s32 s2, s17  }
0x8e: {  	[smem:$0x3FB8] =	sst s2  }
0x8f: {  	_ = 	snop  }
0x90: {  	s2 =	sld [smem:$0x3FD0];
	(tm) =	ssettm $0x1  }
0x91: {  	s18 =	sld [smem:$0x3FFB];
	_ =	sdelay $0x3  }
0x92: {  	_ =	strace s18  }
0x93: {  	s3 =	sld [smem:$0x3FFC];
	_ =	sdelay $0x3  }
0x94: {  	_ =	strace s3  }
0x95: {  	s3 =	sld [smem:$0x3FFD];
	_ =	sdelay $0x3  }
0x96: {  	_ =	strace s3  }
0x97: {  	_ =	strace $0x8FFFFFFF  }
0x98: {  	s19 =	sld [smem:$0x3FDB];
	_ =	sdelay $0x1  }
0x99: {  	s4 =	simm.s32 $_scs_section_size  }
0x9a: {  	s5 =	simm.s32 $_size__tile_overlayer_lowered;
	s6 =	simm.s32 $_tile_overlayer_lowered  }
0x9b: {  	s22 =	simm.s32 $0x1BFF;
	s21 =	sshll.u32 s6, $0x1;
	s3 =	sadd.s32 s4, s19  }
0x9c: {  	s7 =	simm.s32 $0x0;
	s20 =	sshll.u32 s5, $0x1;
	s5 =	sadd.s32 s21, s3  }
0x9d: {  	[timem:s7], [sflag:s22] =	dma.local [hbm:s5], s20  }
0x9e: {  	_ =	swait.ge [sflag:s22], s20  }
0x9f: {  	s4 =	ssub.s32 $0x0, s20;
	[sflag:s22] =	ssyncset.done $0x0  }
0xa0: {  	[sflag:s22] =	ssyncadd.s32 s4;
	_ =	sdelay $0x1  }
0xa1: {  	s23 =	simm.s32 $0x1B8B  }
0xa2: {  	_ =	swait.ge [sflag:s23], $0x1  }
0xa3: {  	[sflag:s23] =	ssyncset.done $0x0  }
0xa4: {  	s25 =	simm.s32 $0x1B8E;
	s24 =	sld [smem:$0x3FFE];
	[sflag:s23] =	ssyncadd.s32 $0xFFFFFFFF  }
0xa5: {  	s26 =	simm.s32 $execute0_lowered;
	[smem:$0x3FD2] =	sst s25  }
0xa6: {  	s5 =	sshll.u32 s26, $0x1;
	_ =	strace $0x80000046;
	[dreg:$0x1] =	wrdreg $0xFFFFFFFF  }
0xa7: {  	s28 =	simm.s32 $_size_execute0_lowered;
	s3 =	sadd.s32 s3, s5;
	[dreg:$0x0] =	wrdreg $0x0  }
0xa8: {  	s5 =	sshll.u32 s28, $0x1;
	[dreg:$0x2] =	wrdreg s3  }
0xa9: {  	[dreg:$0x3] =	wrdreg s5  }
0xaa: {  	[dreg:$0x4] =	wrdreg $0xC0  }
0xab: {  	_ =	task [dreg:s7], $0x5FFFF  }
0xac: {  	[dreg:$0x1] =	wrdreg $0xFFFFFFFF  }
0xad: {  	[dreg:$0x0] =	wrdreg $0x60  }
0xae: {  	[dreg:$0x2] =	wrdreg s24  }
0xaf: {  	[dreg:$0x3] =	wrdreg s2  }
0xb0: {  	[dreg:$0x4] =	wrdreg $0x14C400  }
0xb1: {  	[dreg:$0x5] =	wrdreg $0x1E8800  }
0xb2: {  	[dreg:$0x6] =	wrdreg $0x9  }
0xb3: {  	_ =	task.clear_ibuf [dreg:s7], $0x7FFFF;
	_ =	strace $0x90000046  }
0xb4: {  	s29 =	simm.s32 $0x9;
	_ =	strace $0x80000048  }
0xb5: {  	_ =	swait.ge [sflag:s29], $0x1  }
0xb6: {  	[sflag:s29] =	ssyncadd.s32 $0xFFFFFFFF  }
0xb7: {  	_ =	strace $0x90000048  }
0xb8: {  	_ =	sfence  }
0xb9: {  	s30 =	sld [smem:$0x0];
	_ =	sdelay $0x2  }
0xba: {  	s31 =	sshll.u32 s1, $0xD;
	s1 =	sshrl.u32 s1, $0x2  }
0xbb: {  	s3 =	sand.u32 $0x4000, s31;
	s1 =	sadd.s32 s1, s30  }
0xbc: {  	s0 =	sor.u32 s3, s0;
	s1 =	sshll.u32 s1, $0x11  }
0xbd: {  	s0 =	sor.u32 s1, s0  }
0xbe: {  	s0 =	sadd.s32 $0x8F2B, s0  }
0xbf: {  	[sflag:s0] =	ssyncadd.remote.s32 $0x1  }
0xc0: {  	_ =	sfence.sel $0xFFFF  }
0xc1: {  	[dreg:$0x0] =	wrdreg $0xFFFFFFFF;
	(pc) =	sbr.abs _section_cstart, $3  }
0xc2: {  	[dreg:$0x1] =	wrdreg $0xFFFFFFFF  }
0xc3: {  	_ =	task.clear_ibuf [dreg:s7], $0x2FFFF;
	_ =	strace $0x9FFFFFFF  }
0xc4: {  	(tm) =	ssettm $0x7FFFFFFF  }
0xc5: {  	_ =	shalt  }
tec
execute0_lowered:
.L_overlay_start_1:
0x0: {  	(tag) =	ssettag $0x1  }
0x1: {  	s0 =	rddreg [dreg:$0x0]  }
0x2: {  	s7 =	rddreg [dreg:$0x1]  }
0x3: {  	s2 =	rddreg [dreg:$0x2]  }
0x4: {  	s3 =	rddreg [dreg:$0x3];
	s4 =	simm.s32 $0x0;
	s1 =	stileid.u32  }
0x5: {  	s16 =	srdreg.scid;
	s30 =	simm.s32 $0x80;
	s31 =	simm.s32 $0x9C40  }
0x6: {  	s13 =	simm.s32 $0x2;
	s14 =	simm.s32 $0x6;
	s15 =	simm.s32 $0x3  }
0x7: {  	[smem:$0x7FF] =	sst s4;
	s8 =	smul.u32 $0x4E20, s1;
	s11 =	sadd.s32 $0x35E00, s0  }
0x8: {  	s17 =	sadd.s32 $0x35C00, s0;
	_ =	strace $0x80000047;
	[dreg:$0x5] =	wrdreg s11  }
0x9: {  	s5 =	sadd.s32 $0x22200, s0;
	s18 =	sadd.s32 $0x4C400, s0;
	[dreg:$0x6] =	wrdreg s17  }
0xa: {  	s6 =	sadd.s32 $0xE800, s0;
	s12 =	sadd.s32 $0x38A00, s0;
	[dreg:$0x7] =	wrdreg s18  }
0xb: {  	s20 =	sadd.s32 $0x36200, s0;
	s22 =	sadd.s32 $0x35C80, s0;
	[dreg:$0x8] =	wrdreg s12  }
0xc: {  	s24 =	sadd.s32 $0x9C000, s2;
	s28 =	sadd.s32 $0x13800, s3;
	[dreg:$0x9] =	wrdreg s20  }
0xd: {  	s23 =	sadd.s32 $0x4C200, s0;
	s25 =	smul.u32 $0x9C4, s1;
	[dreg:$0xa] =	wrdreg s22  }
0xe: {  	s26 =	sadd.s32 $0x5FC00, s0;
	p0 =	sne.s32 s1, $0xE;
	[dreg:$0xf] =	wrdreg s23  }
0xf: {  	[dreg:$0x10] =	wrdreg s26;
	s26 =	simm.s32 $0xDC40;
	s23 =	simm.s32 $0xFC40  }
0x10: {  	s18 =	simm.s32 $0x7;
	s20 =	simm.s32 $0x8;
	[dreg:$0xd] =	wrdreg s24  }
0x11: {  	[dreg:$0xe] =	wrdreg s28;
	s9 =	sshrl.u32 s8, $0x3;
	s8 =	sand.u32 $0x1, s16  }
0x12: {  	s22 =	sadd.s32 s25, s7;
	s25 =	simm.s32 $0x12440;
	s10 =	sadd.s32 s9, s0  }
0x13: {  	s19 =	ssub.s32 $0x2, s8;
	s9 =	sadd.s32 s7, s9;
	s0 =	sadd.s32 $0x38900, s0  }
0x14: {  	p1 =	sne.s32 @!p0 s8, $0x0;
	p2 =	sne.s32 s8, $0x0;
	s7 =	simm.s32 $0x1  }
0x15: {  	s21 =	sshrl.u32 s19, $0x1;
	s10 =	sadd.s32 $0x4A00, s10;
	[dreg:$0x11] =	wrdreg s0  }
0x16: {  	s9 =	sadd.s32 $0x9C0, s9;
	s0 =	simm.s32 @!p2 $0x0;
	[dreg:$0xb] =	wrdreg s10  }
0x17: {  	p3 =	por p1, p0;
	s11 =	ssub.s32 s19, s21;
	[dreg:$0xc] =	wrdreg s9  }
0x18: {  	s0 =	simm.s32 @p2 $0x1;
	p2 =	por !p1, p0;
	s9 =	simm.s32 $0x5  }
0x19: {  	s29 =	smax.u32 s11, $0x1;
	[smem:$0x7FC] =	sst s0;
	s0 =	simm.s32 @!p2 $0x0  }
0x1a: {  	s19 =	simm.s32 $0x4;
	[dreg:$0x12] =	wrdreg s29;
	s0 =	simm.s32 @p2 $0x1  }
0x1b: {  	s10 =	simm.s32 $0x0;
	[smem:$0x7FD] =	sst s0;
	s0 =	simm.s32 $0xBC40  }
.LBB2_1:
0x1c: {  	[dreg:$0x13] =	wrdreg s10  }
0x1d: {  	s12 =	rddreg [dreg:$0x5];
	s11 =	simm.s32 $0x12840;
	s16 =	simm.s32 $0xB  }
0x1e: {  	[tilespmem:s11], [sflag:$0xB] =	stream.linear.gather [hbm4b:s12+s4], $0x2000, $0x38;
	[tilespmem:$0x1FC08] =	vst v63  }
0x1f: {  	_ =	swait.ge [sflag:s16], $0x2000  }
0x20: {  	[sflag:s16] =	ssyncset.done $0x0  }
0x21: {  	s17 =	rddreg [dreg:$0x6];
	[sflag:s16] =	ssyncadd.s32 $0xFFFFE000  }
0x22: {  	[tilespmem:s25], [sflag:$0xB] =	stream.linear.gather [hbm4b:s17+s4], $0x400, $0x38;
	[tilespmem:$0x1FC08] =	vst v63  }
0x23: {  	_ =	swait.ge [sflag:s16], $0x400  }
0x24: {  	[sflag:s16] =	ssyncset.done $0x0  }
0x25: {  	s12 =	simm.s32 $0x14840;
	s21 =	rddreg [dreg:$0xa];
	[sflag:s16] =	ssyncadd.s32 $0xFFFFFC00  }
0x26: {  	[tilespmem:s12], [sflag:$0xB] =	stream.linear.gather [hbm4b:s21+s4], $0x400, $0x38;
	[tilespmem:$0x1FC08] =	vst v63  }
0x27: {  	s10 =	simm.s32 $0x4E20;
	_ =	swait.ge [sflag:s16], $0x400  }
0x28: {  	s11 =	simm.s32 $0x10;
	s12 =	simm.s32 $0x4EA0;
	[sflag:s16] =	ssyncset.done $0x0  }
0x29: {  	s29 =	rddreg [dreg:$0xb];
	[sflag:s16] =	ssyncadd.s32 $0xFFFFFC00;
	s16 =	sadd.s32 $0x0, s22  }
0x2a: {  	[tilespmem:s4], [sflag:$0xA] =	stream.linear.gather [hbm4b:s29+s4], $0x4E20, $0x38;
	[tilespmem:$0x1FC08] =	vst v63  }
.LBB2_2:
0x2b: {  	[tilespmem:s10], [sflag:$0xA] =	stream.linear.gather [hbm4b:s16+s4], $0x80, $0x38;
	[tilespmem:$0x1FC08] =	vst v63  }
0x2c: {  	s16 =	smov.u32 s11;
	s10 =	smov.u32 s12;
	p1 =	sne.s32 s11, $0x9B0  }
.Ltmp0:
0x2d: {  	s11 =	sadd.s32 $0x10, s11;
	(pc) =	sbr.rel @p1 .LBB2_2-.Ltmp0, $2  }
0x2e: {  	_ =	sdelay $0x2  }
0x2f: {  	s12 =	sadd.s32 $0x80, s12;
	s16 =	sadd.s32 s16, s22  }
0x30: {  	[tilespmem:s10], [sflag:$0xA] =	stream.linear.gather [hbm4b:s16+s4], $0x80, $0x38;
	[tilespmem:$0x1FC08] =	vst v63  }
0x31: {  	s17 =	simm.s32 $0x0  }
0x32: {  	s21 =	rddreg [dreg:$0xc];
	s11 =	simm.s32 $0x9C20;
	s10 =	sand.u32 $0xF, s17  }
0x33: {  	[tilespmem:s11], [sflag:$0xA] =	stream.linear.gather [hbm4b:s21+s17], $0x20, $0x38;
	[tilespmem:$0x1FC08] =	vst v63  }
0x34: {  	p1 =	sne.s32 s10, s1  }
0x35: {  	s10 =	simm.s32 @!p1 $0x12840;
	s12 =	simm.s32 @!p1 $0xC;
	p4 =	por p1, p1  }
0x36: {  	[spmem:s2] =	stream.linear.scatter @!p4 [tilespmem:s10], [sflag:$0xC], $0x2000, $0x38;
	[tilespmem:$0x1FC08] =	vst v63  }
0x37: {  	_ =	swait.ge @!p4 [sflag:s12], $0x2000  }
0x38: {  	s29 =	simm.s32 $0x1;
	s16 =	simm.s32 @!p4 $0xB;
	[sflag:s12] =	ssyncset.done @!p4 $0x0  }
0x39: {  	s10 =	sand.u32 $0xF, s29;
	[sflag:s12] =	ssyncadd.s32 @!p4 $0xFFFFE000;
	s12 =	simm.s32 @!p4 $0x14840  }
0x3a: {  	[spmem:s3] =	stream.linear.scatter @!p4 [tilespmem:s12], [sflag:$0xB], $0x400, $0x38;
	[tilespmem:$0x1FC08] =	vst v63  }
0x3b: {  	s11 =	simm.s32 $0x2;
	p1 =	sne.s32 s10, s1;
	_ =	swait.ge @!p4 [sflag:s16], $0x400  }
0x3c: {  	s10 =	sadd.s32 $0x400, s3;
	s12 =	sadd.s32 $0x2000, s2;
	[sflag:s16] =	ssyncset.done @!p4 $0x0  }
.LBB2_4:
0x3d: {  	s17 =	simm.s32 @!p1 $0x12840;
	s21 =	simm.s32 @!p1 $0xC;
	[sflag:s16] =	ssyncadd.s32 @!p4 $0xFFFFFC00  }
0x3e: {  	s29 =	smov.u32 s11;
	p4 =	por p1, p1;
	s11 =	sadd.s32 $0x1, s11  }
0x3f: {  	[spmem:s12] =	stream.linear.scatter @!p4 [tilespmem:s17], [sflag:$0xC], $0x2000, $0x38;
	[tilespmem:$0x1FC08] =	vst v63  }
0x40: {  	p2 =	sne.s32 s11, $0x4E;
	_ =	swait.ge @!p4 [sflag:s21], $0x2000  }
.Ltmp1:
0x41: {  	[sflag:s21] =	ssyncset.done @!p4 $0x0;
	(pc) =	sbr.rel @p2 .LBB2_4-.Ltmp1, $4  }
0x42: {  	s17 =	simm.s32 @!p4 $0x14840;
	s16 =	simm.s32 @!p4 $0xB;
	[sflag:s21] =	ssyncadd.s32 @!p4 $0xFFFFE000  }
0x43: {  	[spmem:s10] =	stream.linear.scatter @!p4 [tilespmem:s17], [sflag:$0xB], $0x400, $0x38;
	[tilespmem:$0x1FC08] =	vst v63  }
0x44: {  	s12 =	sadd.s32 $0x2000, s12;
	s17 =	sand.u32 $0xF, s29;
	_ =	swait.ge @!p4 [sflag:s16], $0x400  }
0x45: {  	s10 =	sadd.s32 $0x400, s10;
	p1 =	sne.s32 s17, s1;
	[sflag:s16] =	ssyncset.done @!p4 $0x0  }
0x46: {  	s11 =	simm.s32 @!p1 $0x12840  }
0x47: {  	s17 =	simm.s32 @!p1 $0xC;
	[sflag:s16] =	ssyncadd.s32 @!p4 $0xFFFFFC00;
	p1 =	por p1, p1  }
0x48: {  	[spmem:s12] =	stream.linear.scatter @!p1 [tilespmem:s11], [sflag:$0xC], $0x2000, $0x38;
	[tilespmem:$0x1FC08] =	vst v63  }
0x49: {  	_ =	swait.ge @!p1 [sflag:s17], $0x2000  }
0x4a: {  	[sflag:s17] =	ssyncset.done @!p1 $0x0  }
0x4b: {  	s11 =	simm.s32 @!p1 $0x14840;
	s12 =	simm.s32 @!p1 $0xB;
	[sflag:s17] =	ssyncadd.s32 @!p1 $0xFFFFE000  }
0x4c: {  	[spmem:s10] =	stream.linear.scatter @!p1 [tilespmem:s11], [sflag:$0xB], $0x400, $0x38;
	[tilespmem:$0x1FC08] =	vst v63  }
0x4d: {  	_ =	swait.ge @!p1 [sflag:s12], $0x400  }
0x4e: {  	[sflag:s12] =	ssyncset.done @!p1 $0x0  }
0x4f: {  	s10 =	simm.s32 @!p0 $0x12840;
	[sflag:s12] =	ssyncadd.s32 @!p1 $0xFFFFFC00  }
0x50: {  	[spmem:s24] =	stream.linear.scatter @!p0 [tilespmem:s10], [sflag:$0xB], $0x400, $0x38;
	[tilespmem:$0x1FC08] =	vst v63  }
0x51: {  	s10 =	simm.s32 @!p0 $0xB  }
0x52: {  	_ =	swait.ge @!p0 [sflag:s10], $0x400  }
0x53: {  	[sflag:s10] =	ssyncset.done @!p0 $0x0  }
0x54: {  	s11 =	simm.s32 @!p0 $0x14840;
	[sflag:s10] =	ssyncadd.s32 @!p0 $0xFFFFFC00  }
0x55: {  	[spmem:s28] =	stream.linear.scatter @!p0 [tilespmem:s11], [sflag:$0xB], $0x80, $0x38;
	[tilespmem:$0x1FC08] =	vst v63  }
0x56: {  	_ =	swait.ge @!p0 [sflag:s10], $0x80  }
0x57: {  	[sflag:s10] =	ssyncset.done @!p0 $0x0  }
0x58: {  	[sflag:s10] =	ssyncadd.s32 @!p0 $0xFFFFFF80  }
0x59: {  	s4 =	simm.s32 $0xA;
	[bflag:$0x0] =	sbarrier.arrive $0xFFFF  }
0x5a: {  	_ =	swait.ge [sflag:s4], $0x4E20  }
0x5b: {  	[sflag:s4] =	ssyncset.done $0x0  }
0x5c: {  	[sflag:s4] =	ssyncadd.s32 $0xFFFFB1E0  }
0x5d: {  	_ =	swait.ge [sflag:s4], $0x4E20  }
0x5e: {  	s29 =	sld [smem:$0x7FC];
	_ =	sdelay $0x2  }
0x5f: {  	p1 =	seq.s32 s29, $0x1  }
.Ltmp2:
0x60: {  	_ = 	snop;
	(pc) =	sbr.rel @p1 .LBB2_9-.Ltmp2, $3  }
0x61: {  	_ =	sdelay $0x1  }
0x62: {  	[sflag:s4] =	ssyncset.done $0x0  }
0x63: {  	s10 =	simm.s32 $0x0;
	[sflag:s4] =	ssyncadd.s32 $0xFFFFB1E0  }
0x64: {  	[tilespmem:s31], [sflag:$0x1] =	stream.indirect.gather [hbm4b:s5+s30], $0x40, s10, s30, $0xb8;
	[tilespmem:$0x1FC08] =	vst v63  }
0x65: {  	_ = 	snop  }
0x66: {  	[tilespmem:s0], [sflag:$0x2] =	stream.indirect.gather [hbm4b:s5+s30], $0x40, s30, s30, $0xb8;
	[tilespmem:$0x1FC08] =	vst v63  }
0x67: {  	s4 =	simm.s32 $0x100  }
0x68: {  	[tilespmem:s26], [sflag:$0x3] =	stream.indirect.gather [hbm4b:s5+s30], $0x40, s4, s30, $0xb8;
	[tilespmem:$0x1FC08] =	vst v63  }
0x69: {  	s11 =	simm.s32 $0x180  }
0x6a: {  	[tilespmem:s23], [sflag:$0x4] =	stream.indirect.gather [hbm4b:s5+s30], $0x40, s11, s30, $0xb8;
	[tilespmem:$0x1FC08] =	vst v63  }
0x6b: {  	_ =	swait.ge [sflag:s7], $0x2000  }
0x6c: {  	[sflag:s7] =	ssyncset.done $0x0  }
0x6d: {  	s12 =	simm.s32 $0x4E20;
	[sflag:s7] =	ssyncadd.s32 $0xFFFFE000  }
0x6e: {  	[spmem:s2] =	stream.indirect.scatter.add.f32 [tilespmem:s31], [sflag:$0x5], $0x40, s12, s30, $0xb8;
	[tilespmem:$0x1FC08] =	vst v63  }
0x6f: {  	_ = 	snop  }
0x70: {  	[spmem:s3] =	stream.indirect.scatter.add.f32 [tilespmem:s25], [sflag:$0x9], $0x8, s12, s30, $0xb8;
	[tilespmem:$0x1FC08] =	vst v63  }
0x71: {  	_ =	swait.ge [sflag:s9], $0x2000  }
0x72: {  	[sflag:s9] =	ssyncset.done $0x0  }
0x73: {  	s16 =	simm.s32 $0x200;
	[sflag:s9] =	ssyncadd.s32 $0xFFFFE000  }
0x74: {  	[tilespmem:s31], [sflag:$0x1] =	stream.indirect.gather [hbm4b:s5+s30], $0x40, s16, s30, $0xb8;
	[tilespmem:$0x1FC08] =	vst v63  }
0x75: {  	_ =	swait.ge [sflag:s13], $0x2000  }
0x76: {  	[sflag:s13] =	ssyncset.done $0x0  }
0x77: {  	s17 =	simm.s32 $0x4EA0;
	[sflag:s13] =	ssyncadd.s32 $0xFFFFE000  }
0x78: {  	[spmem:s2] =	stream.indirect.scatter.add.f32 [tilespmem:s0], [sflag:$0x6], $0x40, s17, s30, $0xb8;
	[tilespmem:$0x1FC08] =	vst v63  }
0x79: {  	_ = 	snop  }
0x7a: {  	[spmem:s3] =	stream.indirect.scatter.add.f32 [tilespmem:s25], [sflag:$0x9], $0x8, s17, s30, $0xb8;
	[tilespmem:$0x1FC08] =	vst v63  }
0x7b: {  	_ =	swait.ge [sflag:s14], $0x2000  }
0x7c: {  	[sflag:s14] =	ssyncset.done $0x0  }
0x7d: {  	s21 =	simm.s32 $0x280;
	[sflag:s14] =	ssyncadd.s32 $0xFFFFE000  }
0x7e: {  	[tilespmem:s0], [sflag:$0x2] =	stream.indirect.gather [hbm4b:s5+s30], $0x40, s21, s30, $0xb8;
	[tilespmem:$0x1FC08] =	vst v63  }
0x7f: {  	_ =	swait.ge [sflag:s15], $0x2000  }
0x80: {  	[sflag:s15] =	ssyncset.done $0x0  }
0x81: {  	s24 =	simm.s32 $0x4F20;
	[sflag:s15] =	ssyncadd.s32 $0xFFFFE000  }
0x82: {  	[spmem:s2] =	stream.indirect.scatter.add.f32 [tilespmem:s26], [sflag:$0x7], $0x40, s24, s30, $0xb8;
	[tilespmem:$0x1FC08] =	vst v63  }
0x83: {  	_ = 	snop  }
0x84: {  	[spmem:s3] =	stream.indirect.scatter.add.f32 [tilespmem:s25], [sflag:$0x9], $0x8, s24, s30, $0xb8;
	[tilespmem:$0x1FC08] =	vst v63  }
0x85: {  	_ =	swait.ge [sflag:s18], $0x2000  }
0x86: {  	[sflag:s18] =	ssyncset.done $0x0  }
0x87: {  	s28 =	simm.s32 $0x300;
	[sflag:s18] =	ssyncadd.s32 $0xFFFFE000  }
0x88: {  	[tilespmem:s26], [sflag:$0x3] =	stream.indirect.gather [hbm4b:s5+s30], $0x40, s28, s30, $0xb8;
	[tilespmem:$0x1FC08] =	vst v63  }
0x89: {  	_ =	swait.ge [sflag:s19], $0x2000  }
0x8a: {  	[sflag:s19] =	ssyncset.done $0x0  }
0x8b: {  	s29 =	simm.s32 $0x4FA0;
	[sflag:s19] =	ssyncadd.s32 $0xFFFFE000  }
0x8c: {  	[spmem:s2] =	stream.indirect.scatter.add.f32 [tilespmem:s23], [sflag:$0x8], $0x40, s29, s30, $0xb8;
	[tilespmem:$0x1FC08] =	vst v63  }
0x8d: {  	_ = 	snop  }
0x8e: {  	[spmem:s3] =	stream.indirect.scatter.add.f32 [tilespmem:s25], [sflag:$0x9], $0x8, s29, s30, $0xb8;
	[tilespmem:$0x1FC08] =	vst v63  }
0x8f: {  	_ =	swait.ge [sflag:s20], $0x2000  }
0x90: {  	[sflag:s20] =	ssyncset.done $0x0  }
0x91: {  	s10 =	simm.s32 $0x380;
	s21 =	simm.s32 $0x800;
	[sflag:s20] =	ssyncadd.s32 $0xFFFFE000  }
.LBB2_7:
0x92: {  	[tilespmem:s23], [sflag:$0x4] =	stream.indirect.gather [hbm4b:s5+s30], $0x40, s10, s30, $0xb8;
	[tilespmem:$0x1FC08] =	vst v63  }
0x93: {  	s10 =	smov.u32 s21  }
0x94: {  	p4 =	sne.s32 s21, $0x12800;
	s21 =	sadd.s32 $0x800, s21;
	_ =	swait.ge [sflag:s7], $0x2000  }
0x95: {  	s10 =	sshra.s32 s10, $0x2;
	[sflag:s7] =	ssyncset.done $0x0  }
0x96: {  	s11 =	sadd.s32 $0x4E20, s10;
	[sflag:s7] =	ssyncadd.s32 $0xFFFFE000  }
0x97: {  	[spmem:s2] =	stream.indirect.scatter.add.f32 [tilespmem:s31], [sflag:$0x5], $0x40, s11, s30, $0xb8;
	[tilespmem:$0x1FC08] =	vst v63  }
0x98: {  	_ = 	snop  }
0x99: {  	[spmem:s3] =	stream.indirect.scatter.add.f32 [tilespmem:s25], [sflag:$0x9], $0x8, s11, s30, $0xb8;
	[tilespmem:$0x1FC08] =	vst v63  }
0x9a: {  	_ =	swait.ge [sflag:s9], $0x2000  }
0x9b: {  	[sflag:s9] =	ssyncset.done $0x0  }
0x9c: {  	s11 =	sadd.s32 $0x200, s10;
	[sflag:s9] =	ssyncadd.s32 $0xFFFFE000  }
0x9d: {  	[tilespmem:s31], [sflag:$0x1] =	stream.indirect.gather [hbm4b:s5+s30], $0x40, s11, s30, $0xb8;
	[tilespmem:$0x1FC08] =	vst v63  }
0x9e: {  	_ =	swait.ge [sflag:s13], $0x2000  }
0x9f: {  	[sflag:s13] =	ssyncset.done $0x0  }
0xa0: {  	s11 =	sadd.s32 $0x4EA0, s10;
	[sflag:s13] =	ssyncadd.s32 $0xFFFFE000  }
0xa1: {  	[spmem:s2] =	stream.indirect.scatter.add.f32 [tilespmem:s0], [sflag:$0x6], $0x40, s11, s30, $0xb8;
	[tilespmem:$0x1FC08] =	vst v63  }
0xa2: {  	_ = 	snop  }
0xa3: {  	[spmem:s3] =	stream.indirect.scatter.add.f32 [tilespmem:s25], [sflag:$0x9], $0x8, s11, s30, $0xb8;
	[tilespmem:$0x1FC08] =	vst v63  }
0xa4: {  	_ =	swait.ge [sflag:s14], $0x2000  }
0xa5: {  	[sflag:s14] =	ssyncset.done $0x0  }
0xa6: {  	s11 =	sadd.s32 $0x280, s10;
	[sflag:s14] =	ssyncadd.s32 $0xFFFFE000  }
0xa7: {  	[tilespmem:s0], [sflag:$0x2] =	stream.indirect.gather [hbm4b:s5+s30], $0x40, s11, s30, $0xb8;
	[tilespmem:$0x1FC08] =	vst v63  }
0xa8: {  	_ =	swait.ge [sflag:s15], $0x2000  }
0xa9: {  	[sflag:s15] =	ssyncset.done $0x0  }
0xaa: {  	s11 =	sadd.s32 $0x4F20, s10;
	[sflag:s15] =	ssyncadd.s32 $0xFFFFE000  }
0xab: {  	[spmem:s2] =	stream.indirect.scatter.add.f32 [tilespmem:s26], [sflag:$0x7], $0x40, s11, s30, $0xb8;
	[tilespmem:$0x1FC08] =	vst v63  }
0xac: {  	_ = 	snop  }
0xad: {  	[spmem:s3] =	stream.indirect.scatter.add.f32 [tilespmem:s25], [sflag:$0x9], $0x8, s11, s30, $0xb8;
	[tilespmem:$0x1FC08] =	vst v63  }
0xae: {  	_ =	swait.ge [sflag:s18], $0x2000  }
0xaf: {  	[sflag:s18] =	ssyncset.done $0x0  }
0xb0: {  	s11 =	sadd.s32 $0x300, s10;
	[sflag:s18] =	ssyncadd.s32 $0xFFFFE000  }
0xb1: {  	[tilespmem:s26], [sflag:$0x3] =	stream.indirect.gather [hbm4b:s5+s30], $0x40, s11, s30, $0xb8;
	[tilespmem:$0x1FC08] =	vst v63  }
0xb2: {  	_ =	swait.ge [sflag:s19], $0x2000  }
0xb3: {  	[sflag:s19] =	ssyncset.done $0x0  }
0xb4: {  	s11 =	sadd.s32 $0x4FA0, s10;
	[sflag:s19] =	ssyncadd.s32 $0xFFFFE000  }
0xb5: {  	[spmem:s2] =	stream.indirect.scatter.add.f32 [tilespmem:s23], [sflag:$0x8], $0x40, s11, s30, $0xb8;
	[tilespmem:$0x1FC08] =	vst v63  }
.Ltmp3:
0xb6: {  	(pc) =	sbr.rel @p4 .LBB2_7-.Ltmp3, $4  }
0xb7: {  	[spmem:s3] =	stream.indirect.scatter.add.f32 [tilespmem:s25], [sflag:$0x9], $0x8, s11, s30, $0xb8;
	[tilespmem:$0x1FC08] =	vst v63  }
0xb8: {  	_ =	swait.ge [sflag:s20], $0x2000  }
0xb9: {  	[sflag:s20] =	ssyncset.done $0x0  }
0xba: {  	s10 =	sadd.s32 $0x380, s10;
	[sflag:s20] =	ssyncadd.s32 $0xFFFFE000  }
0xbb: {  	[tilespmem:s23], [sflag:$0x4] =	stream.indirect.gather [hbm4b:s5+s30], $0x40, s10, s30, $0xb8;
	[tilespmem:$0x1FC08] =	vst v63  }
0xbc: {  	_ =	swait.ge [sflag:s7], $0x2000  }
0xbd: {  	[sflag:s7] =	ssyncset.done $0x0  }
0xbe: {  	s4 =	simm.s32 $0x9A20;
	[sflag:s7] =	ssyncadd.s32 $0xFFFFE000  }
0xbf: {  	[spmem:s2] =	stream.indirect.scatter.add.f32 [tilespmem:s31], [sflag:$0x5], $0x40, s4, s30, $0xb8;
	[tilespmem:$0x1FC08] =	vst v63  }
0xc0: {  	_ = 	snop  }
0xc1: {  	[spmem:s3] =	stream.indirect.scatter.add.f32 [tilespmem:s25], [sflag:$0x9], $0x8, s4, s30, $0xb8;
	[tilespmem:$0x1FC08] =	vst v63  }
0xc2: {  	_ =	swait.ge [sflag:s13], $0x2000  }
0xc3: {  	[sflag:s13] =	ssyncset.done $0x0  }
0xc4: {  	s12 =	simm.s32 $0x9AA0;
	[sflag:s13] =	ssyncadd.s32 $0xFFFFE000  }
0xc5: {  	[spmem:s2] =	stream.indirect.scatter.add.f32 [tilespmem:s0], [sflag:$0x6], $0x40, s12, s30, $0xb8;
	[tilespmem:$0x1FC08] =	vst v63  }
0xc6: {  	_ = 	snop  }
0xc7: {  	[spmem:s3] =	stream.indirect.scatter.add.f32 [tilespmem:s25], [sflag:$0x9], $0x8, s12, s30, $0xb8;
	[tilespmem:$0x1FC08] =	vst v63  }
0xc8: {  	_ =	swait.ge [sflag:s15], $0x2000  }
0xc9: {  	[sflag:s15] =	ssyncset.done $0x0  }
0xca: {  	s16 =	simm.s32 $0x9B20;
	[sflag:s15] =	ssyncadd.s32 $0xFFFFE000  }
0xcb: {  	[spmem:s2] =	stream.indirect.scatter.add.f32 [tilespmem:s26], [sflag:$0x7], $0x40, s16, s30, $0xb8;
	[tilespmem:$0x1FC08] =	vst v63  }
0xcc: {  	_ = 	snop  }
0xcd: {  	[spmem:s3] =	stream.indirect.scatter.add.f32 [tilespmem:s25], [sflag:$0x9], $0x8, s16, s30, $0xb8;
	[tilespmem:$0x1FC08] =	vst v63  }
0xce: {  	_ =	swait.ge [sflag:s19], $0x2000  }
0xcf: {  	[sflag:s19] =	ssyncset.done $0x0  }
0xd0: {  	s17 =	simm.s32 $0x9BA0;
	[sflag:s19] =	ssyncadd.s32 $0xFFFFE000  }
0xd1: {  	[spmem:s2] =	stream.indirect.scatter.add.f32 [tilespmem:s23], [sflag:$0x8], $0x40, s17, s30, $0xb8;
	[tilespmem:$0x1FC08] =	vst v63  }
0xd2: {  	_ = 	snop  }
0xd3: {  	[spmem:s3] =	stream.indirect.scatter.add.f32 [tilespmem:s25], [sflag:$0x9], $0x8, s17, s30, $0xb8;
	[tilespmem:$0x1FC08] =	vst v63  }
0xd4: {  	_ =	swait.ge [sflag:s9], $0x2000  }
0xd5: {  	[sflag:s9] =	ssyncset.done $0x0  }
0xd6: {  	[sflag:s9] =	ssyncadd.s32 $0xFFFFE000  }
0xd7: {  	_ =	swait.ge [sflag:s14], $0x2000  }
0xd8: {  	[sflag:s14] =	ssyncset.done $0x0  }
0xd9: {  	[sflag:s14] =	ssyncadd.s32 $0xFFFFE000  }
0xda: {  	_ =	swait.ge [sflag:s18], $0x2000  }
0xdb: {  	[sflag:s18] =	ssyncset.done $0x0  }
0xdc: {  	[sflag:s18] =	ssyncadd.s32 $0xFFFFE000  }
0xdd: {  	_ =	swait.ge [sflag:s20], $0x2000  }
0xde: {  	[sflag:s20] =	ssyncset.done $0x0  }
0xdf: {  	s21 =	simm.s32 $0x9;
	[sflag:s20] =	ssyncadd.s32 $0xFFFFE000  }
0xe0: {  	_ =	swait.ge [sflag:s21], $0x4E00  }
0xe1: {  	s11 =	simm.s32 $0x20;
	[sflag:s21] =	ssyncset.done $0x0  }
0xe2: {  	s24 =	simm.s32 $0x4E00;
	s12 =	simm.s32 $0x11C40;
	[sflag:s21] =	ssyncadd.s32 $0xFFFFB200  }
0xe3: {  	[tilespmem:s12], [sflag:$0x1] =	stream.indirect.gather [hbm4b:s5+s11], $0x40, s24, s11, $0xb8;
	[tilespmem:$0x1FC08] =	vst v63  }
0xe4: {  	_ =	swait.ge [sflag:s7], $0x800  }
0xe5: {  	[sflag:s7] =	ssyncset.done $0x0  }
0xe6: {  	s28 =	simm.s32 $0x9C20;
	s29 =	simm.s32 $0xB;
	[sflag:s7] =	ssyncadd.s32 $0xFFFFF800  }
0xe7: {  	[spmem:s2] =	stream.indirect.scatter.add.f32 [tilespmem:s12], [sflag:$0xB], $0x40, s28, s11, $0xb8;
	[tilespmem:$0x1FC08] =	vst v63  }
0xe8: {  	_ =	swait.ge [sflag:s29], $0x800  }
0xe9: {  	[sflag:s29] =	ssyncset.done $0x0  }
.Ltmp4:
0xea: {  	[sflag:s29] =	ssyncadd.s32 $0xFFFFF800;
	(pc) =	sbr.rel .LBB2_12-.Ltmp4, $4  }
0xeb: {  	[spmem:s3] =	stream.indirect.scatter.add.f32 [tilespmem:s25], [sflag:$0xB], $0x8, s28, s11, $0xb8;
	[tilespmem:$0x1FC08] =	vst v63  }
0xec: {  	_ =	swait.ge [sflag:s29], $0x100  }
0xed: {  	[sflag:s29] =	ssyncset.done $0x0  }
0xee: {  	[sflag:s29] =	ssyncadd.s32 $0xFFFFFF00  }
.LBB2_9:
0xef: {  	[tilespmem:s31], [sflag:$0x1] =	stream.indirect.gather [hbm4b:s6+s30], $0x40, s10, s30, $0xb8;
	[tilespmem:$0x1FC08] =	vst v63  }
0xf0: {  	_ = 	snop  }
0xf1: {  	[tilespmem:s0], [sflag:$0x2] =	stream.indirect.gather [hbm4b:s6+s30], $0x40, s30, s30, $0xb8;
	[tilespmem:$0x1FC08] =	vst v63  }
0xf2: {  	s4 =	simm.s32 $0x100  }
0xf3: {  	[tilespmem:s26], [sflag:$0x3] =	stream.indirect.gather [hbm4b:s6+s30], $0x40, s4, s30, $0xb8;
	[tilespmem:$0x1FC08] =	vst v63  }
0xf4: {  	s11 =	simm.s32 $0x180  }
0xf5: {  	[tilespmem:s23], [sflag:$0x4] =	stream.indirect.gather [hbm4b:s6+s30], $0x40, s11, s30, $0xb8;
	[tilespmem:$0x1FC08] =	vst v63  }
0xf6: {  	_ =	swait.ge [sflag:s7], $0x2000  }
0xf7: {  	[sflag:s7] =	ssyncset.done $0x0  }
0xf8: {  	s12 =	simm.s32 $0x4E20;
	[sflag:s7] =	ssyncadd.s32 $0xFFFFE000  }
0xf9: {  	[spmem:s2] =	stream.indirect.scatter.add.f32 [tilespmem:s31], [sflag:$0x5], $0x40, s12, s30, $0xb8;
	[tilespmem:$0x1FC08] =	vst v63  }
0xfa: {  	_ =	swait.ge [sflag:s9], $0x2000  }
0xfb: {  	[sflag:s9] =	ssyncset.done $0x0  }
0xfc: {  	s16 =	simm.s32 $0x200;
	[sflag:s9] =	ssyncadd.s32 $0xFFFFE000  }
0xfd: {  	[tilespmem:s31], [sflag:$0x1] =	stream.indirect.gather [hbm4b:s6+s30], $0x40, s16, s30, $0xb8;
	[tilespmem:$0x1FC08] =	vst v63  }
0xfe: {  	_ =	swait.ge [sflag:s13], $0x2000  }
0xff: {  	[sflag:s13] =	ssyncset.done $0x0  }
0x100: {  	s17 =	simm.s32 $0x4EA0;
	[sflag:s13] =	ssyncadd.s32 $0xFFFFE000  }
0x101: {  	[spmem:s2] =	stream.indirect.scatter.add.f32 [tilespmem:s0], [sflag:$0x6], $0x40, s17, s30, $0xb8;
	[tilespmem:$0x1FC08] =	vst v63  }
0x102: {  	_ =	swait.ge [sflag:s14], $0x2000  }
0x103: {  	[sflag:s14] =	ssyncset.done $0x0  }
0x104: {  	s21 =	simm.s32 $0x280;
	[sflag:s14] =	ssyncadd.s32 $0xFFFFE000  }
0x105: {  	[tilespmem:s0], [sflag:$0x2] =	stream.indirect.gather [hbm4b:s6+s30], $0x40, s21, s30, $0xb8;
	[tilespmem:$0x1FC08] =	vst v63  }
0x106: {  	_ =	swait.ge [sflag:s15], $0x2000  }
0x107: {  	[sflag:s15] =	ssyncset.done $0x0  }
0x108: {  	s24 =	simm.s32 $0x4F20;
	[sflag:s15] =	ssyncadd.s32 $0xFFFFE000  }
0x109: {  	[spmem:s2] =	stream.indirect.scatter.add.f32 [tilespmem:s26], [sflag:$0x7], $0x40, s24, s30, $0xb8;
	[tilespmem:$0x1FC08] =	vst v63  }
0x10a: {  	_ =	swait.ge [sflag:s18], $0x2000  }
0x10b: {  	[sflag:s18] =	ssyncset.done $0x0  }
0x10c: {  	s28 =	simm.s32 $0x300;
	[sflag:s18] =	ssyncadd.s32 $0xFFFFE000  }
0x10d: {  	[tilespmem:s26], [sflag:$0x3] =	stream.indirect.gather [hbm4b:s6+s30], $0x40, s28, s30, $0xb8;
	[tilespmem:$0x1FC08] =	vst v63  }
0x10e: {  	_ =	swait.ge [sflag:s19], $0x2000  }
0x10f: {  	[sflag:s19] =	ssyncset.done $0x0  }
0x110: {  	s29 =	simm.s32 $0x4FA0;
	[sflag:s19] =	ssyncadd.s32 $0xFFFFE000  }
0x111: {  	[spmem:s2] =	stream.indirect.scatter.add.f32 [tilespmem:s23], [sflag:$0x8], $0x40, s29, s30, $0xb8;
	[tilespmem:$0x1FC08] =	vst v63  }
0x112: {  	_ =	swait.ge [sflag:s20], $0x2000  }
0x113: {  	[sflag:s20] =	ssyncset.done $0x0  }
0x114: {  	s10 =	simm.s32 $0x380;
	s21 =	simm.s32 $0x800;
	[sflag:s20] =	ssyncadd.s32 $0xFFFFE000  }
.LBB2_10:
0x115: {  	[tilespmem:s23], [sflag:$0x4] =	stream.indirect.gather [hbm4b:s6+s30], $0x40, s10, s30, $0xb8;
	[tilespmem:$0x1FC08] =	vst v63  }
0x116: {  	s10 =	smov.u32 s21  }
0x117: {  	p4 =	sne.s32 s21, $0x12800;
	s21 =	sadd.s32 $0x800, s21;
	_ =	swait.ge [sflag:s7], $0x2000  }
0x118: {  	s10 =	sshra.s32 s10, $0x2;
	[sflag:s7] =	ssyncset.done $0x0  }
0x119: {  	s11 =	sadd.s32 $0x4E20, s10;
	[sflag:s7] =	ssyncadd.s32 $0xFFFFE000  }
0x11a: {  	[spmem:s2] =	stream.indirect.scatter.add.f32 [tilespmem:s31], [sflag:$0x5], $0x40, s11, s30, $0xb8;
	[tilespmem:$0x1FC08] =	vst v63  }
0x11b: {  	_ =	swait.ge [sflag:s9], $0x2000  }
0x11c: {  	[sflag:s9] =	ssyncset.done $0x0  }
0x11d: {  	s11 =	sadd.s32 $0x200, s10;
	[sflag:s9] =	ssyncadd.s32 $0xFFFFE000  }
0x11e: {  	[tilespmem:s31], [sflag:$0x1] =	stream.indirect.gather [hbm4b:s6+s30], $0x40, s11, s30, $0xb8;
	[tilespmem:$0x1FC08] =	vst v63  }
0x11f: {  	_ =	swait.ge [sflag:s13], $0x2000  }
0x120: {  	[sflag:s13] =	ssyncset.done $0x0  }
0x121: {  	s11 =	sadd.s32 $0x4EA0, s10;
	[sflag:s13] =	ssyncadd.s32 $0xFFFFE000  }
0x122: {  	[spmem:s2] =	stream.indirect.scatter.add.f32 [tilespmem:s0], [sflag:$0x6], $0x40, s11, s30, $0xb8;
	[tilespmem:$0x1FC08] =	vst v63  }
0x123: {  	_ =	swait.ge [sflag:s14], $0x2000  }
0x124: {  	[sflag:s14] =	ssyncset.done $0x0  }
0x125: {  	s11 =	sadd.s32 $0x280, s10;
	[sflag:s14] =	ssyncadd.s32 $0xFFFFE000  }
0x126: {  	[tilespmem:s0], [sflag:$0x2] =	stream.indirect.gather [hbm4b:s6+s30], $0x40, s11, s30, $0xb8;
	[tilespmem:$0x1FC08] =	vst v63  }
0x127: {  	_ =	swait.ge [sflag:s15], $0x2000  }
0x128: {  	[sflag:s15] =	ssyncset.done $0x0  }
0x129: {  	s11 =	sadd.s32 $0x4F20, s10;
	[sflag:s15] =	ssyncadd.s32 $0xFFFFE000  }
0x12a: {  	[spmem:s2] =	stream.indirect.scatter.add.f32 [tilespmem:s26], [sflag:$0x7], $0x40, s11, s30, $0xb8;
	[tilespmem:$0x1FC08] =	vst v63  }
0x12b: {  	_ =	swait.ge [sflag:s18], $0x2000  }
0x12c: {  	[sflag:s18] =	ssyncset.done $0x0  }
0x12d: {  	s11 =	sadd.s32 $0x300, s10;
	[sflag:s18] =	ssyncadd.s32 $0xFFFFE000  }
0x12e: {  	[tilespmem:s26], [sflag:$0x3] =	stream.indirect.gather [hbm4b:s6+s30], $0x40, s11, s30, $0xb8;
	[tilespmem:$0x1FC08] =	vst v63  }
0x12f: {  	_ =	swait.ge [sflag:s19], $0x2000  }
0x130: {  	[sflag:s19] =	ssyncset.done $0x0  }
.Ltmp5:
0x131: {  	s11 =	sadd.s32 $0x4FA0, s10;
	[sflag:s19] =	ssyncadd.s32 $0xFFFFE000;
	(pc) =	sbr.rel @p4 .LBB2_10-.Ltmp5, $4  }
0x132: {  	[spmem:s2] =	stream.indirect.scatter.add.f32 [tilespmem:s23], [sflag:$0x8], $0x40, s11, s30, $0xb8;
	[tilespmem:$0x1FC08] =	vst v63  }
0x133: {  	_ =	swait.ge [sflag:s20], $0x2000  }
0x134: {  	[sflag:s20] =	ssyncset.done $0x0  }
0x135: {  	s10 =	sadd.s32 $0x380, s10;
	[sflag:s20] =	ssyncadd.s32 $0xFFFFE000  }
0x136: {  	[tilespmem:s23], [sflag:$0x4] =	stream.indirect.gather [hbm4b:s6+s30], $0x40, s10, s30, $0xb8;
	[tilespmem:$0x1FC08] =	vst v63  }
0x137: {  	_ =	swait.ge [sflag:s7], $0x2000  }
0x138: {  	[sflag:s7] =	ssyncset.done $0x0  }
0x139: {  	s4 =	simm.s32 $0x9A20;
	[sflag:s7] =	ssyncadd.s32 $0xFFFFE000  }
0x13a: {  	[spmem:s2] =	stream.indirect.scatter.add.f32 [tilespmem:s31], [sflag:$0x5], $0x40, s4, s30, $0xb8;
	[tilespmem:$0x1FC08] =	vst v63  }
0x13b: {  	_ =	swait.ge [sflag:s13], $0x2000  }
0x13c: {  	[sflag:s13] =	ssyncset.done $0x0  }
0x13d: {  	s12 =	simm.s32 $0x9AA0;
	[sflag:s13] =	ssyncadd.s32 $0xFFFFE000  }
0x13e: {  	[spmem:s2] =	stream.indirect.scatter.add.f32 [tilespmem:s0], [sflag:$0x6], $0x40, s12, s30, $0xb8;
	[tilespmem:$0x1FC08] =	vst v63  }
0x13f: {  	_ =	swait.ge [sflag:s15], $0x2000  }
0x140: {  	[sflag:s15] =	ssyncset.done $0x0  }
0x141: {  	s16 =	simm.s32 $0x9B20;
	[sflag:s15] =	ssyncadd.s32 $0xFFFFE000  }
0x142: {  	[spmem:s2] =	stream.indirect.scatter.add.f32 [tilespmem:s26], [sflag:$0x7], $0x40, s16, s30, $0xb8;
	[tilespmem:$0x1FC08] =	vst v63  }
0x143: {  	_ =	swait.ge [sflag:s19], $0x2000  }
0x144: {  	[sflag:s19] =	ssyncset.done $0x0  }
0x145: {  	s17 =	simm.s32 $0x9BA0;
	[sflag:s19] =	ssyncadd.s32 $0xFFFFE000  }
0x146: {  	[spmem:s2] =	stream.indirect.scatter.add.f32 [tilespmem:s23], [sflag:$0x8], $0x40, s17, s30, $0xb8;
	[tilespmem:$0x1FC08] =	vst v63  }
0x147: {  	_ =	swait.ge [sflag:s9], $0x2000  }
0x148: {  	[sflag:s9] =	ssyncset.done $0x0  }
0x149: {  	[sflag:s9] =	ssyncadd.s32 $0xFFFFE000  }
0x14a: {  	_ =	swait.ge [sflag:s14], $0x2000  }
0x14b: {  	[sflag:s14] =	ssyncset.done $0x0  }
0x14c: {  	[sflag:s14] =	ssyncadd.s32 $0xFFFFE000  }
0x14d: {  	_ =	swait.ge [sflag:s18], $0x2000  }
0x14e: {  	[sflag:s18] =	ssyncset.done $0x0  }
0x14f: {  	[sflag:s18] =	ssyncadd.s32 $0xFFFFE000  }
0x150: {  	_ =	swait.ge [sflag:s20], $0x2000  }
0x151: {  	s21 =	simm.s32 $0x20;
	[sflag:s20] =	ssyncset.done $0x0  }
0x152: {  	s24 =	simm.s32 $0x4E00;
	s11 =	simm.s32 $0x11C40;
	[sflag:s20] =	ssyncadd.s32 $0xFFFFE000  }
0x153: {  	[tilespmem:s11], [sflag:$0x1] =	stream.indirect.gather [hbm4b:s6+s21], $0x40, s24, s21, $0xb8;
	[tilespmem:$0x1FC08] =	vst v63  }
0x154: {  	_ =	swait.ge [sflag:s7], $0x800  }
0x155: {  	[sflag:s7] =	ssyncset.done $0x0  }
0x156: {  	s28 =	simm.s32 $0x9C20;
	s29 =	simm.s32 $0xB;
	[sflag:s7] =	ssyncadd.s32 $0xFFFFF800  }
0x157: {  	[spmem:s2] =	stream.indirect.scatter.add.f32 [tilespmem:s11], [sflag:$0xB], $0x40, s28, s21, $0xb8;
	[tilespmem:$0x1FC08] =	vst v63  }
0x158: {  	_ =	swait.ge [sflag:s29], $0x800  }
0x159: {  	[sflag:s29] =	ssyncset.done $0x0  }
0x15a: {  	[sflag:s29] =	ssyncadd.s32 $0xFFFFF800  }
.LBB2_12:
0x15b: {  	s10 =	simm.s32 $0x0  }
0x15c: {  	s10 =	sand.u32 $0xF, s10  }
0x15d: {  	p1 =	sne.s32 s10, s1  }
0x15e: {  	p2 =	sne.s32 @!p1 s8, $0x0  }
0x15f: {  	[bflag:$0x0] =	sbarrier.arrive $0xFFFF;
	s28 =	simm.s32 $0x1;
	p5 =	por !p2, p1  }
0x160: {  	s17 =	rddreg [dreg:$0x8];
	p4 =	por p2, p1;
	s10 =	sshll.u32 @!p5 s1, $0x6  }
0x161: {  	s11 =	sshrl.u32 @!p5 s2, $0x3;
	s12 =	simm.s32 @!p5 $0xB;
	s10 =	sor.u32 @!p5 $0x1C0B, s10  }
0x162: {  	[hbm:s17], [sflag:s10] =	dma.local @!p5 [spmem:s11], $0x400  }
0x163: {  	s16 =	simm.s32 $0x2;
	s29 =	simm.s32 @!p4 $0xC;
	_ =	swait.ge @!p5 [sflag:s12], $0x400  }
0x164: {  	s10 =	sshll.u32 @!p4 s1, $0x6;
	[sflag:s12] =	ssyncset.done @!p5 $0x0;
	s4 =	rddreg [dreg:$0x7]  }
0x165: {  	[sflag:s12] =	ssyncadd.s32 @!p5 $0xFFFFFC00;
	s12 =	sor.u32 @!p4 $0x1C0C, s10;
	s10 =	sshrl.u32 @!p4 s2, $0x3  }
0x166: {  	[hbm:s4], [sflag:s12] =	dma.local @!p4 [spmem:s10], $0x400  }
0x167: {  	s21 =	sadd.s32 $0x400, s3;
	s24 =	sshrl.u32 @!p4 s3, $0x3;
	_ =	swait.ge @!p4 [sflag:s29], $0x400  }
0x168: {  	s17 =	sadd.s32 $0x400, s17;
	s11 =	sand.u32 $0xF, s28;
	[sflag:s29] =	ssyncset.done @!p4 $0x0  }
0x169: {  	p6 =	sne.s32 s11, s1;
	s3 =	rddreg [dreg:$0x9];
	[sflag:s29] =	ssyncadd.s32 @!p4 $0xFFFFFC00  }
0x16a: {  	[hbm:s3], [sflag:s12] =	dma.local @!p4 [spmem:s24], $0x80  }
0x16b: {  	p1 =	sne.s32 @!p6 s8, $0x0;
	s10 =	sadd.s32 $0x2000, s2;
	_ =	swait.ge @!p4 [sflag:s29], $0x80  }
0x16c: {  	s11 =	sadd.s32 $0x80, s3;
	s12 =	sadd.s32 $0x400, s4;
	[sflag:s29] =	ssyncset.done @!p4 $0x0  }
.LBB2_13:
0x16d: {  	p2 =	por !p1, p6;
	[sflag:s29] =	ssyncadd.s32 @!p4 $0xFFFFFF80  }
0x16e: {  	s24 =	smov.u32 s16;
	s16 =	sadd.s32 $0x1, s16;
	s28 =	smov.u32 s21  }
0x16f: {  	p5 =	sne.s32 s16, $0x4E;
	s29 =	sshll.u32 @!p2 s1, $0x6;
	s4 =	sshrl.u32 @!p2 s10, $0x3  }
0x170: {  	s3 =	simm.s32 @!p2 $0xB;
	s29 =	sor.u32 @!p2 $0x1C0B, s29  }
0x171: {  	[hbm:s17], [sflag:s29] =	dma.local @!p2 [spmem:s4], $0x400  }
0x172: {  	p4 =	por p1, p6;
	_ =	swait.ge @!p2 [sflag:s3], $0x400  }
0x173: {  	s4 =	sshll.u32 @!p4 s1, $0x6;
	s29 =	simm.s32 @!p4 $0xC;
	[sflag:s3] =	ssyncset.done @!p2 $0x0  }
0x174: {  	[sflag:s3] =	ssyncadd.s32 @!p2 $0xFFFFFC00;
	s3 =	sor.u32 @!p4 $0x1C0C, s4;
	s4 =	sshrl.u32 @!p4 s10, $0x3  }
0x175: {  	[hbm:s12], [sflag:s3] =	dma.local @!p4 [spmem:s4], $0x400  }
0x176: {  	s21 =	sadd.s32 $0x400, s21;
	s10 =	sadd.s32 $0x2000, s10;
	_ =	swait.ge @!p4 [sflag:s29], $0x400  }
.Ltmp6:
0x177: {  	s17 =	sadd.s32 $0x400, s17;
	[sflag:s29] =	ssyncset.done @!p4 $0x0;
	(pc) =	sbr.rel @p5 .LBB2_13-.Ltmp6, $4  }
0x178: {  	s4 =	sand.u32 $0xF, s24;
	s24 =	sshrl.u32 @!p4 s28, $0x3;
	[sflag:s29] =	ssyncadd.s32 @!p4 $0xFFFFFC00  }
0x179: {  	[hbm:s11], [sflag:s3] =	dma.local @!p4 [spmem:s24], $0x80  }
0x17a: {  	s12 =	sadd.s32 $0x400, s12;
	p6 =	sne.s32 s4, s1;
	_ =	swait.ge @!p4 [sflag:s29], $0x80  }
0x17b: {  	p1 =	sne.s32 @!p6 s8, $0x0;
	s11 =	sadd.s32 $0x80, s11;
	[sflag:s29] =	ssyncset.done @!p4 $0x0  }
0x17c: {  	p2 =	por !p1, p6  }
0x17d: {  	[sflag:s29] =	ssyncadd.s32 @!p4 $0xFFFFFF80;
	s3 =	sshll.u32 @!p2 s1, $0x6  }
0x17e: {  	s4 =	sshrl.u32 @!p2 s10, $0x3;
	s16 =	simm.s32 @!p2 $0xB;
	s3 =	sor.u32 @!p2 $0x1C0B, s3  }
0x17f: {  	[hbm:s17], [sflag:s3] =	dma.local @!p2 [spmem:s4], $0x400  }
0x180: {  	p1 =	por p1, p6;
	_ =	swait.ge @!p2 [sflag:s16], $0x400  }
0x181: {  	s10 =	sshrl.u32 @!p1 s10, $0x3;
	s3 =	sshll.u32 @!p1 s1, $0x6;
	[sflag:s16] =	ssyncset.done @!p2 $0x0  }
0x182: {  	s4 =	simm.s32 @!p1 $0xC;
	s3 =	sor.u32 @!p1 $0x1C0C, s3;
	[sflag:s16] =	ssyncadd.s32 @!p2 $0xFFFFFC00  }
0x183: {  	[hbm:s12], [sflag:s3] =	dma.local @!p1 [spmem:s10], $0x400  }
0x184: {  	_ =	swait.ge @!p1 [sflag:s4], $0x400  }
0x185: {  	[sflag:s4] =	ssyncset.done @!p1 $0x0  }
0x186: {  	s10 =	sshrl.u32 @!p1 s21, $0x3;
	[sflag:s4] =	ssyncadd.s32 @!p1 $0xFFFFFC00  }
0x187: {  	[hbm:s11], [sflag:s3] =	dma.local @!p1 [spmem:s10], $0x80  }
0x188: {  	_ =	swait.ge @!p1 [sflag:s4], $0x80  }
0x189: {  	s17 =	sld [smem:$0x7FD];
	_ =	sdelay $0x1  }
0x18a: {  	[sflag:s4] =	ssyncset.done @!p1 $0x0  }
0x18b: {  	s24 =	rddreg [dreg:$0xd];
	[sflag:s4] =	ssyncadd.s32 @!p1 $0xFFFFFF80;
	p1 =	seq.s32 s17, $0x1  }
0x18c: {  	s10 =	rddreg [dreg:$0xf];
	s3 =	sshrl.u32 @!p1 s24, $0x3;
	s4 =	simm.s32 @!p1 $0x1F8B  }
0x18d: {  	[hbm:s10], [sflag:s4] =	dma.local @!p1 [spmem:s3], $0x80  }
0x18e: {  	s3 =	simm.s32 @!p1 $0xB  }
0x18f: {  	_ =	swait.ge @!p1 [sflag:s3], $0x80  }
0x190: {  	s4 =	simm.s32 @!p3 $0x1F8B;
	[sflag:s3] =	ssyncset.done @!p1 $0x0  }
0x191: {  	s10 =	rddreg [dreg:$0x10];
	[sflag:s3] =	ssyncadd.s32 @!p1 $0xFFFFFF80;
	s3 =	sshrl.u32 @!p3 s24, $0x3  }
0x192: {  	[hbm:s10], [sflag:s4] =	dma.local @!p3 [spmem:s3], $0x80  }
0x193: {  	s3 =	simm.s32 @!p3 $0xB  }
0x194: {  	_ =	swait.ge @!p3 [sflag:s3], $0x80  }
0x195: {  	[sflag:s3] =	ssyncset.done @!p3 $0x0;
	s28 =	rddreg [dreg:$0xe]  }
0x196: {  	s11 =	rddreg [dreg:$0x11];
	[sflag:s3] =	ssyncadd.s32 @!p3 $0xFFFFFF80;
	s10 =	sshrl.u32 @!p3 s28, $0x3  }
0x197: {  	[hbm:s11], [sflag:s4] =	dma.local @!p3 [spmem:s10], $0x10  }
0x198: {  	_ =	swait.ge @!p3 [sflag:s3], $0x10  }
0x199: {  	s21 =	rddreg [dreg:$0x13]  }
0x19a: {  	s29 =	rddreg [dreg:$0x12];
	s10 =	sadd.s32 $0x1, s21  }
0x19b: {  	p1 =	sne.s32 s10, s29  }
.Ltmp7:
0x19c: {  	_ = 	snop;
	(pc) =	sbr.rel @p1 .LBB2_1-.Ltmp7, $4  }
0x19d: {  	_ = 	snop  }
0x19e: {  	[sflag:s3] =	ssyncset.done @!p3 $0x0  }
0x19f: {  	[sflag:s3] =	ssyncadd.s32 @!p3 $0xFFFFFFF0  }
0x1a0: {  	s4 =	simm.s32 $0x0;
	s3 =	rddreg [dreg:$0x3]  }
0x1a1: {  	_ =	sfence.sel $0x180000  }
0x1a2: {  	[bflag:$0x0] =	sbarrier.arrive $0xFFFF  }
0x1a3: {  	_ =	strace $0x90000047  }
0x1a4: {  	[bflag:$0x2] =	sbarrier.arrive $0xFFFF  }
0x1a5: {  	p0 =	sne.s32 s1, $0x0;
	s0 =	rddreg [dreg:$0x4]  }
0x1a6: {  	s0 =	sadd.s32 @!p0 $0x100000, s0  }
0x1a7: {  	[sflag:s0] =	ssyncadd.tile.s32 @!p0 $0x1;
	_ =	shalt  }
.Lfunc_end2:
_tile_overlayer_lowered:
.L_overlay_start_2:
0x1a8: {  	(tag) =	ssettag $0x2  }
0x1a9: {  	s0 =	rddreg [dreg:$0x0];
	s2 =	stileid.u32  }
0x1aa: {  	s1 =	rddreg [dreg:$0x1];
	p0 =	sne.s32 s2, $0x0  }
0x1ab: {  	s3 =	rddreg [dreg:$0x2];
	[bflag:$0x3] =	sbarrier.arrive $0xFFFF;
	s2 =	simm.s32 @!p0 $0x1C0B  }
0x1ac: {  	[timem:s3], [sflag:s2] =	dma.local @!p0 [hbm:s0], s1  }
0x1ad: {  	s0 =	simm.s32 @!p0 $0xB  }
0x1ae: {  	_ =	swait.ge @!p0 [sflag:s0], s1  }
0x1af: {  	s1 =	ssub.s32 @!p0 $0x0, s1;
	[sflag:s0] =	ssyncset.done @!p0 $0x0  }
0x1b0: {  	[sflag:s0] =	ssyncadd.s32 @!p0 s1  }
0x1b1: {  	[bflag:$0x3] =	sbarrier.arrive $0xFFFF  }
0x1b2: {  	_ =	shalt  }

// kernel: gin_agg.8.cloned.1.call-start
scs
__scs_entry_jumppad:
0x0: {  	(pc) =	sbr.rel $0x88, $3  }
0x1: {  	(tag) =	ssettag $0x0;
	lr =	simm.s32 $0x1  }
0x2: {  	[smem:$0x3F91] =	sst lr;
	_ =	strace $0xD0000000  }
0x3: {  	_ = 	snop  }
0x4: {  	_ = 	snop  }
0x5: {  	_ = 	snop  }
0x6: {  	_ = 	snop  }
0x7: {  	_ = 	snop  }
__scs_overlays_trampoline_lowered:
0x8: {  	[smem:$0x3FA0] =	sst s0  }
0x9: {  	[smem:$0x3FA1] =	sst s1  }
0xa: {  	[smem:$0x3FA2] =	sst s2  }
0xb: {  	[smem:$0x3FA3] =	sst s3  }
0xc: {  	[smem:$0x3FA4] =	sst s4  }
0xd: {  	[smem:$0x3FA5] =	sst s5  }
0xe: {  	[smem:$0x3FA6] =	sst s6  }
0xf: {  	[smem:$0x3FA7] =	sst s7  }
0x10: {  	[smem:$0x3FA8] =	sst s8  }
0x11: {  	[smem:$0x3FA9] =	sst s9;
	s0 =	simm.s32 @!p0 $0x0  }
0x12: {  	s1 =	sld [smem:$0x3F8F];
	s0 =	simm.s32 @p0 $0x1  }
0x13: {  	[smem:$0x3FAA] =	sst s0;
	s0 =	simm.s32 @!p1 $0x0  }
0x14: {  	s2 =	sld [smem:$0x3F8E];
	s0 =	simm.s32 @p1 $0x1  }
0x15: {  	[smem:$0x3FAB] =	sst s0;
	s0 =	simm.s32 @!p2 $0x0  }
0x16: {  	s3 =	sld [smem:$0x3FDB];
	s0 =	simm.s32 @p2 $0x1  }
0x17: {  	s4 =	simm.s32 $0x1BF5;
	[smem:$0x3FAD] =	sst s0  }
0x18: {  	s0 =	sld [smem:$0x3F90];
	_ =	swait.ge [sflag:s4], $0x0  }
0x19: {  	s7 =	sld [smem:$0x3F91]  }
0x1a: {  	s8 =	sadd.s32 $0xFFFFE003, lr  }
0x1b: {  	s9 =	sadd.s32 $0xFFFFFEF7, lr;
	s5 =	simm.s32 $0xFFFFFFFF;
	p2 =	slt.u32 s8, $0xFFFFF086  }
0x1c: {  	p1 =	slt.u32 s9, $0xF7A;
	s5 =	simm.s32 @!p2 $0x0  }
0x1d: {  	s5 =	simm.s32 @p1 $0x1;
	p0 =	seq.s32 s7, s2  }
0x1e: {  	s7 =	smul.u32 @!p0 $0xF7A, s2;
	p2 =	seq.s32 @!p0 s5, $0x0  }
0x1f: {  	s9 =	smul.u32 $0xF7A, s1;
	s8 =	simm.s32 @!p0 $0x1BF5;
	p2 =	por !p2, p0  }
0x20: {  	[sflag:s8] =	ssyncset.s32 @!p0 $0xFFFFF086;
	s6 =	sadd.s32 @!p0 s3, s7;
	s7 =	simm.s32 @!p0 $0x108  }
0x21: {  	s3 =	sadd.s32 s3, s9;
	s6 =	sadd.s32 @!p0 $0x88, s6;
	s7 =	simm.s32 @p2 $0x1082  }
0x22: {  	[simem:s7], [sflag:s8] =	dma.local @!p0 [hbm:s6], $0xF7A  }
0x23: {  	s9 =	sor.u32 $0xD0000000, s2;
	s6 =	simm.s32 $0x108;
	_ =	swait.ge @!p0 [sflag:s8], $0x0  }
0x24: {  	s3 =	sadd.s32 $0x88, s3;
	s6 =	simm.s32 @!p1 $0x1082;
	[sflag:s4] =	ssyncset.s32 $0xFFFFF086  }
0x25: {  	[simem:s6], [sflag:s4] =	dma.local [hbm:s3], $0xF7A  }
0x26: {  	[smem:$0x3F91] =	sst s1;
	(tag) =	ssettag s2;
	_ =	strace s9  }
0x27: {  	s1 =	sld [smem:$0x3FA1]  }
0x28: {  	s2 =	sld [smem:$0x3FA2]  }
0x29: {  	s4 =	sld [smem:$0x3FA4]  }
0x2a: {  	p0 =	seq.s32 s5, $0x0;
	s5 =	sld [smem:$0x3FA5]  }
0x2b: {  	s6 =	sld [smem:$0x3FA6]  }
0x2c: {  	s7 =	sld [smem:$0x3FA7]  }
0x2d: {  	s3 =	simm.s32 $0x108;
	s8 =	sld [smem:$0x3FA8]  }
0x2e: {  	s3 =	simm.s32 @!p0 $0x1082;
	s9 =	sld [smem:$0x3FA9]  }
0x2f: {  	lr =	sadd.s32 s0, s3;
	s0 =	sld [smem:$0x3FA0]  }
0x30: {  	s3 =	sld [smem:$0x3FA3]  }
0x31: {  	[smem:$0x3FAC] =	sst s10  }
0x32: {  	s10 =	sld [smem:$0x3FAA];
	_ =	sdelay $0x3  }
0x33: {  	p0 =	seq.s32 s10, $0x1;
	s10 =	sld [smem:$0x3FAC];
	_ =	sdelay $0x3  }
0x34: {  	[smem:$0x3FAC] =	sst s10  }
0x35: {  	s10 =	sld [smem:$0x3FAB];
	_ =	sdelay $0x3  }
0x36: {  	p1 =	seq.s32 s10, $0x1;
	s10 =	sld [smem:$0x3FAC];
	_ =	sdelay $0x3  }
0x37: {  	[smem:$0x3FAC] =	sst s10  }
0x38: {  	s10 =	sld [smem:$0x3FAD]  }
0x39: {  	_ = 	snop;
	(pc) =	sbr.ind lr, $3  }
0x3a: {  	_ = 	snop  }
0x3b: {  	_ = 	snop  }
0x3c: {  	p2 =	seq.s32 s10, $0x1;
	s10 =	sld [smem:$0x3FAC]  }
0x3d: {  	_ =	shalt  }
0x3e: {  	_ =	shalt  }
0x3f: {  	_ =	shalt  }
0x40: {  	_ =	shalt  }
0x41: {  	_ =	shalt  }
0x42: {  	_ =	shalt  }
0x43: {  	_ =	shalt  }
0x44: {  	_ =	shalt  }
0x45: {  	_ =	shalt  }
0x46: {  	_ =	shalt  }
0x47: {  	_ =	shalt  }
0x48: {  	_ =	shalt  }
0x49: {  	_ =	shalt  }
0x4a: {  	_ =	shalt  }
0x4b: {  	_ =	shalt  }
0x4c: {  	_ =	shalt  }
0x4d: {  	_ =	shalt  }
0x4e: {  	_ =	shalt  }
0x4f: {  	_ =	shalt  }
0x50: {  	_ =	shalt  }
0x51: {  	_ =	shalt  }
0x52: {  	_ =	shalt  }
0x53: {  	_ =	shalt  }
0x54: {  	_ =	shalt  }
0x55: {  	_ =	shalt  }
0x56: {  	_ =	shalt  }
0x57: {  	_ =	shalt  }
0x58: {  	_ =	shalt  }
0x59: {  	_ =	shalt  }
0x5a: {  	_ =	shalt  }
0x5b: {  	_ =	shalt  }
0x5c: {  	_ =	shalt  }
0x5d: {  	_ =	shalt  }
0x5e: {  	_ =	shalt  }
0x5f: {  	_ =	shalt  }
0x60: {  	_ =	shalt  }
0x61: {  	_ =	shalt  }
0x62: {  	_ =	shalt  }
0x63: {  	_ =	shalt  }
0x64: {  	_ =	shalt  }
0x65: {  	_ =	shalt  }
0x66: {  	_ =	shalt  }
0x67: {  	_ =	shalt  }
0x68: {  	_ =	shalt  }
0x69: {  	_ =	shalt  }
0x6a: {  	_ =	shalt  }
0x6b: {  	_ =	shalt  }
0x6c: {  	_ =	shalt  }
0x6d: {  	_ =	shalt  }
0x6e: {  	_ =	shalt  }
0x6f: {  	_ =	shalt  }
0x70: {  	_ =	shalt  }
0x71: {  	_ =	shalt  }
0x72: {  	_ =	shalt  }
0x73: {  	_ =	shalt  }
0x74: {  	_ =	shalt  }
0x75: {  	_ =	shalt  }
0x76: {  	_ =	shalt  }
0x77: {  	_ =	shalt  }
0x78: {  	_ =	shalt  }
0x79: {  	_ =	shalt  }
0x7a: {  	_ =	shalt  }
0x7b: {  	_ =	shalt  }
0x7c: {  	_ =	shalt  }
0x7d: {  	_ =	shalt  }
0x7e: {  	_ =	shalt  }
0x7f: {  	_ =	shalt  }
0x80: {  	_ =	shalt  }
0x81: {  	_ =	shalt  }
0x82: {  	_ =	shalt  }
0x83: {  	_ =	shalt  }
0x84: {  	_ =	shalt  }
0x85: {  	_ =	shalt  }
0x86: {  	_ =	shalt  }
0x87: {  	_ =	shalt  }
.Lfunc_end0:
.L_simem_size_0:
called_computation.1_lowered:
.L_overlay_start_0:
0x88: {  	s2 =	sld [smem:$0x3FD9]  }
0x89: {  	s3 =	sld [smem:$0x3FFE];
	_ =	sdelay $0x1  }
0x8a: {  	s1 =	srdreg.scid  }
0x8b: {  	s0 =	sand.u32 $0x1, s1  }
0x8c: {  	s17 =	sshll.u32 s0, $0xA;
	s2 =	sadd.s32 s3, s2  }
0x8d: {  	s2 =	sadd.s32 s2, s17  }
0x8e: {  	[smem:$0x3FB8] =	sst s2  }
0x8f: {  	_ = 	snop  }
0x90: {  	s2 =	sld [smem:$0x3FD0];
	(tm) =	ssettm $0x1  }
0x91: {  	s18 =	sld [smem:$0x3FFB];
	_ =	sdelay $0x3  }
0x92: {  	_ =	strace s18  }
0x93: {  	s3 =	sld [smem:$0x3FFC];
	_ =	sdelay $0x3  }
0x94: {  	_ =	strace s3  }
0x95: {  	s3 =	sld [smem:$0x3FFD];
	_ =	sdelay $0x3  }
0x96: {  	_ =	strace s3  }
0x97: {  	_ =	strace $0x8FFFFFFF  }
0x98: {  	s19 =	sld [smem:$0x3FDB];
	_ =	sdelay $0x1  }
0x99: {  	s4 =	simm.s32 $_scs_section_size  }
0x9a: {  	s5 =	simm.s32 $_size__tile_overlayer_lowered;
	s6 =	simm.s32 $_tile_overlayer_lowered  }
0x9b: {  	s22 =	simm.s32 $0x1BFF;
	s21 =	sshll.u32 s6, $0x1;
	s3 =	sadd.s32 s4, s19  }
0x9c: {  	s7 =	simm.s32 $0x0;
	s20 =	sshll.u32 s5, $0x1;
	s5 =	sadd.s32 s21, s3  }
0x9d: {  	[timem:s7], [sflag:s22] =	dma.local [hbm:s5], s20  }
0x9e: {  	_ =	swait.ge [sflag:s22], s20  }
0x9f: {  	s4 =	ssub.s32 $0x0, s20;
	[sflag:s22] =	ssyncset.done $0x0  }
0xa0: {  	[sflag:s22] =	ssyncadd.s32 s4;
	_ =	sdelay $0x1  }
0xa1: {  	s23 =	simm.s32 $0x1B8B  }
0xa2: {  	_ =	swait.ge [sflag:s23], $0x1  }
0xa3: {  	[sflag:s23] =	ssyncset.done $0x0  }
0xa4: {  	s25 =	simm.s32 $0x1B8E;
	s24 =	sld [smem:$0x3FFE];
	[sflag:s23] =	ssyncadd.s32 $0xFFFFFFFF  }
0xa5: {  	s26 =	simm.s32 $execute0_lowered;
	[smem:$0x3FD2] =	sst s25  }
0xa6: {  	s5 =	sshll.u32 s26, $0x1;
	_ =	strace $0x80000049;
	[dreg:$0x1] =	wrdreg $0xFFFFFFFF  }
0xa7: {  	s28 =	simm.s32 $_size_execute0_lowered;
	s3 =	sadd.s32 s3, s5;
	[dreg:$0x0] =	wrdreg $0x0  }
0xa8: {  	s5 =	sshll.u32 s28, $0x1;
	[dreg:$0x2] =	wrdreg s3  }
0xa9: {  	[dreg:$0x3] =	wrdreg s5  }
0xaa: {  	[dreg:$0x4] =	wrdreg $0xC0  }
0xab: {  	_ =	task [dreg:s7], $0x5FFFF  }
0xac: {  	[dreg:$0x1] =	wrdreg $0xFFFFFFFF  }
0xad: {  	[dreg:$0x0] =	wrdreg $0x60  }
0xae: {  	[dreg:$0x2] =	wrdreg s24  }
0xaf: {  	[dreg:$0x3] =	wrdreg s2  }
0xb0: {  	[dreg:$0x4] =	wrdreg $0x144400  }
0xb1: {  	[dreg:$0x5] =	wrdreg $0x9  }
0xb2: {  	_ =	task.clear_ibuf [dreg:s7], $0x6FFFF;
	_ =	strace $0x90000049  }
0xb3: {  	s29 =	simm.s32 $0x9;
	_ =	strace $0x8000004B  }
0xb4: {  	_ =	swait.ge [sflag:s29], $0x1  }
0xb5: {  	[sflag:s29] =	ssyncadd.s32 $0xFFFFFFFF  }
0xb6: {  	_ =	strace $0x9000004B  }
0xb7: {  	_ =	sfence  }
0xb8: {  	s30 =	sld [smem:$0x0];
	_ =	sdelay $0x2  }
0xb9: {  	s31 =	sshll.u32 s1, $0xD;
	s1 =	sshrl.u32 s1, $0x2  }
0xba: {  	s3 =	sand.u32 $0x4000, s31;
	s1 =	sadd.s32 s1, s30  }
0xbb: {  	s0 =	sor.u32 s3, s0;
	s1 =	sshll.u32 s1, $0x11  }
0xbc: {  	s0 =	sor.u32 s1, s0  }
0xbd: {  	s0 =	sadd.s32 $0x8F2B, s0  }
0xbe: {  	[sflag:s0] =	ssyncadd.remote.s32 $0x1  }
0xbf: {  	_ =	sfence.sel $0xFFFF  }
0xc0: {  	[dreg:$0x0] =	wrdreg $0xFFFFFFFF;
	(pc) =	sbr.abs _section_cstart, $3  }
0xc1: {  	[dreg:$0x1] =	wrdreg $0xFFFFFFFF  }
0xc2: {  	_ =	task.clear_ibuf [dreg:s7], $0x2FFFF;
	_ =	strace $0x9FFFFFFF  }
0xc3: {  	(tm) =	ssettm $0x7FFFFFFF  }
tec
execute0_lowered:
.L_overlay_start_1:
0x0: {  	(tag) =	ssettag $0x1  }
0x1: {  	s0 =	rddreg [dreg:$0x0]  }
0x2: {  	s7 =	rddreg [dreg:$0x1]  }
0x3: {  	s2 =	rddreg [dreg:$0x2];
	s3 =	simm.s32 $0x0;
	s1 =	stileid.u32  }
0x4: {  	s5 =	srdreg.scid;
	s19 =	simm.s32 $0xA;
	s20 =	simm.s32 $0x80  }
0x5: {  	s21 =	simm.s32 $0x9C40;
	s28 =	simm.s32 $0x1;
	s29 =	simm.s32 $0x5  }
0x6: {  	s30 =	simm.s32 $0x2;
	s31 =	simm.s32 $0x6;
	s16 =	simm.s32 $0x7  }
0x7: {  	[smem:$0x7FF] =	sst s3;
	s8 =	smul.u32 $0x4E20, s1;
	s4 =	sadd.s32 $0x70E00, s0  }
0x8: {  	s5 =	sand.u32 $0x1, s5;
	s6 =	sadd.s32 $0x5D400, s0;
	s22 =	sadd.s32 $0x35E00, s0  }
0x9: {  	s11 =	sadd.s32 $0x84800, s0;
	s25 =	smul.u32 $0x9C4, s1;
	s17 =	sadd.s32 $0x9C000, s2  }
0xa: {  	_ =	strace $0x8000004A;
	s9 =	ssub.s32 $0x2, s5;
	[dreg:$0x4] =	wrdreg s22  }
0xb: {  	p0 =	seq.s32 s5, $0x0;
	p1 =	sne.s32 s5, $0x0;
	s22 =	simm.s32 $0xBC40  }
0xc: {  	s10 =	sshrl.u32 s8, $0x3;
	s13 =	sshrl.u32 s9, $0x1;
	s8 =	sadd.s32 $0x98200, s0  }
0xd: {  	s15 =	sadd.s32 s25, s7;
	s25 =	simm.s32 $0x8;
	s12 =	sadd.s32 s10, s0  }
0xe: {  	s23 =	ssub.s32 s9, s13;
	s10 =	sadd.s32 s7, s10;
	s24 =	sadd.s32 $0x4A00, s12  }
0xf: {  	s9 =	smov.u32 s11;
	s10 =	sadd.s32 $0x9C0, s10;
	[dreg:$0x5] =	wrdreg s24  }
0x10: {  	s9 =	smov.u32 @p0 s8;
	s0 =	smax.u32 s23, $0x1;
	[dreg:$0x6] =	wrdreg s10  }
0x11: {  	p0 =	sne.s32 s1, $0xE;
	s23 =	simm.s32 $0x4;
	[dreg:$0x7] =	wrdreg s0  }
0x12: {  	s26 =	sadd.s32 $0x13800, s9;
	s24 =	simm.s32 $0xDC40;
	s0 =	simm.s32 $0x3  }
0x13: {  	s10 =	simm.s32 $0x0;
	[dreg:$0x8] =	wrdreg s26;
	s26 =	simm.s32 $0xFC40  }
.LBB2_1:
0x14: {  	[dreg:$0x9] =	wrdreg s10  }
0x15: {  	s7 =	rddreg [dreg:$0x4];
	s9 =	simm.s32 $0x12440  }
0x16: {  	[tilespmem:s9], [sflag:$0xA] =	stream.linear.gather [hbm4b:s7+s3], $0x2000, $0x38;
	[tilespmem:$0x1E080] =	vst v63  }
0x17: {  	s10 =	simm.s32 $0x10;
	_ =	swait.ge [sflag:s19], $0x2000  }
0x18: {  	s14 =	sadd.s32 $0x0, s15;
	s13 =	simm.s32 $0x4EA0;
	[sflag:s19] =	ssyncset.done $0x0  }
0x19: {  	s7 =	simm.s32 $0x4E20;
	s18 =	rddreg [dreg:$0x5];
	[sflag:s19] =	ssyncadd.s32 $0xFFFFE000  }
0x1a: {  	[tilespmem:s3], [sflag:$0x9] =	stream.linear.gather [hbm4b:s18+s3], $0x4E20, $0x38;
	[tilespmem:$0x1E080] =	vst v63  }
.LBB2_2:
0x1b: {  	[tilespmem:s7], [sflag:$0x9] =	stream.linear.gather [hbm4b:s14+s3], $0x80, $0x38;
	[tilespmem:$0x1E080] =	vst v63  }
0x1c: {  	s14 =	smov.u32 s10;
	s7 =	smov.u32 s13;
	p2 =	sne.s32 s10, $0x9B0  }
.Ltmp0:
0x1d: {  	s10 =	sadd.s32 $0x10, s10;
	(pc) =	sbr.rel @p2 .LBB2_2-.Ltmp0, $2  }
0x1e: {  	_ =	sdelay $0x2  }
0x1f: {  	s13 =	sadd.s32 $0x80, s13;
	s14 =	sadd.s32 s14, s15  }
0x20: {  	[tilespmem:s7], [sflag:$0x9] =	stream.linear.gather [hbm4b:s14+s3], $0x80, $0x38;
	[tilespmem:$0x1E080] =	vst v63  }
0x21: {  	s18 =	simm.s32 $0x0  }
0x22: {  	s9 =	rddreg [dreg:$0x6];
	s10 =	simm.s32 $0x9C20;
	s7 =	sand.u32 $0xF, s18  }
0x23: {  	[tilespmem:s10], [sflag:$0x9] =	stream.linear.gather [hbm4b:s9+s18], $0x20, $0x38;
	[tilespmem:$0x1E080] =	vst v63  }
0x24: {  	p2 =	sne.s32 s7, s1  }
0x25: {  	s7 =	simm.s32 @!p2 $0x12440;
	s14 =	simm.s32 @!p2 $0xA  }
0x26: {  	[spmem:s2] =	stream.linear.scatter @!p2 [tilespmem:s7], [sflag:$0xA], $0x2000, $0x38;
	[tilespmem:$0x1E080] =	vst v63  }
0x27: {  	s13 =	simm.s32 $0x2;
	_ =	swait.ge @!p2 [sflag:s14], $0x2000  }
0x28: {  	s10 =	simm.s32 $0x1;
	s7 =	sadd.s32 $0x2000, s2;
	[sflag:s14] =	ssyncset.done @!p2 $0x0  }
.LBB2_4:
0x29: {  	s18 =	sand.u32 $0xF, s10;
	s10 =	smov.u32 s13;
	s13 =	sadd.s32 $0x1, s13  }
0x2a: {  	[sflag:s14] =	ssyncadd.s32 @!p2 $0xFFFFE000;
	p3 =	sne.s32 s13, $0x4E  }
.Ltmp1:
0x2b: {  	p2 =	sne.s32 s18, s1;
	(pc) =	sbr.rel @p3 .LBB2_4-.Ltmp1, $4  }
0x2c: {  	s18 =	simm.s32 @!p2 $0x12440;
	s14 =	simm.s32 @!p2 $0xA  }
0x2d: {  	[spmem:s7] =	stream.linear.scatter @!p2 [tilespmem:s18], [sflag:$0xA], $0x2000, $0x38;
	[tilespmem:$0x1E080] =	vst v63  }
0x2e: {  	_ =	swait.ge @!p2 [sflag:s14], $0x2000  }
0x2f: {  	s7 =	sadd.s32 $0x2000, s7;
	[sflag:s14] =	ssyncset.done @!p2 $0x0  }
0x30: {  	s10 =	sand.u32 $0xF, s10  }
0x31: {  	p3 =	sne.s32 s10, s1  }
0x32: {  	[sflag:s14] =	ssyncadd.s32 @!p2 $0xFFFFE000;
	s10 =	simm.s32 @!p3 $0x12440;
	s13 =	simm.s32 @!p3 $0xA  }
0x33: {  	[spmem:s7] =	stream.linear.scatter @!p3 [tilespmem:s10], [sflag:$0xA], $0x2000, $0x38;
	[tilespmem:$0x1E080] =	vst v63  }
0x34: {  	_ =	swait.ge @!p3 [sflag:s13], $0x2000  }
0x35: {  	[sflag:s13] =	ssyncset.done @!p3 $0x0  }
0x36: {  	s7 =	simm.s32 @!p0 $0x12440;
	[sflag:s13] =	ssyncadd.s32 @!p3 $0xFFFFE000  }
0x37: {  	[spmem:s17] =	stream.linear.scatter @!p0 [tilespmem:s7], [sflag:$0xA], $0x400, $0x38;
	[tilespmem:$0x1E080] =	vst v63  }
0x38: {  	s7 =	simm.s32 @!p0 $0xA  }
0x39: {  	_ =	swait.ge @!p0 [sflag:s7], $0x400  }
0x3a: {  	[sflag:s7] =	ssyncset.done @!p0 $0x0  }
0x3b: {  	[sflag:s7] =	ssyncadd.s32 @!p0 $0xFFFFFC00  }
0x3c: {  	s18 =	simm.s32 $0x9;
	[bflag:$0x0] =	sbarrier.arrive $0xFFFF  }
0x3d: {  	_ =	swait.ge [sflag:s18], $0x4E20  }
.Ltmp2:
0x3e: {  	[sflag:s18] =	ssyncset.done $0x0;
	(pc) =	sbr.rel @p1 .LBB2_9-.Ltmp2, $4  }
0x3f: {  	[sflag:s18] =	ssyncadd.s32 $0xFFFFB1E0  }
0x40: {  	_ =	swait.ge [sflag:s18], $0x4E20  }
0x41: {  	[sflag:s18] =	ssyncset.done $0x0  }
0x42: {  	s7 =	simm.s32 $0x0;
	[sflag:s18] =	ssyncadd.s32 $0xFFFFB1E0  }
0x43: {  	[tilespmem:s21], [sflag:$0x1] =	stream.indirect.gather [hbm4b:s4+s20], $0x40, s7, s20, $0xb8;
	[tilespmem:$0x1E080] =	vst v63  }
0x44: {  	_ = 	snop  }
0x45: {  	[tilespmem:s22], [sflag:$0x2] =	stream.indirect.gather [hbm4b:s4+s20], $0x40, s20, s20, $0xb8;
	[tilespmem:$0x1E080] =	vst v63  }
0x46: {  	s13 =	simm.s32 $0x100  }
0x47: {  	[tilespmem:s24], [sflag:$0x3] =	stream.indirect.gather [hbm4b:s4+s20], $0x40, s13, s20, $0xb8;
	[tilespmem:$0x1E080] =	vst v63  }
0x48: {  	s14 =	simm.s32 $0x180  }
0x49: {  	[tilespmem:s26], [sflag:$0x4] =	stream.indirect.gather [hbm4b:s4+s20], $0x40, s14, s20, $0xb8;
	[tilespmem:$0x1E080] =	vst v63  }
0x4a: {  	_ =	swait.ge [sflag:s28], $0x2000  }
0x4b: {  	[sflag:s28] =	ssyncset.done $0x0  }
0x4c: {  	s18 =	simm.s32 $0x4E20;
	[sflag:s28] =	ssyncadd.s32 $0xFFFFE000  }
0x4d: {  	[spmem:s2] =	stream.indirect.scatter.add.f32 [tilespmem:s21], [sflag:$0x5], $0x40, s18, s20, $0xb8;
	[tilespmem:$0x1E080] =	vst v63  }
0x4e: {  	_ =	swait.ge [sflag:s29], $0x2000  }
0x4f: {  	[sflag:s29] =	ssyncset.done $0x0  }
0x50: {  	s9 =	simm.s32 $0x200;
	[sflag:s29] =	ssyncadd.s32 $0xFFFFE000  }
0x51: {  	[tilespmem:s21], [sflag:$0x1] =	stream.indirect.gather [hbm4b:s4+s20], $0x40, s9, s20, $0xb8;
	[tilespmem:$0x1E080] =	vst v63  }
0x52: {  	_ =	swait.ge [sflag:s30], $0x2000  }
0x53: {  	[sflag:s30] =	ssyncset.done $0x0  }
0x54: {  	s10 =	simm.s32 $0x4EA0;
	[sflag:s30] =	ssyncadd.s32 $0xFFFFE000  }
0x55: {  	[spmem:s2] =	stream.indirect.scatter.add.f32 [tilespmem:s22], [sflag:$0x6], $0x40, s10, s20, $0xb8;
	[tilespmem:$0x1E080] =	vst v63  }
0x56: {  	_ =	swait.ge [sflag:s31], $0x2000  }
0x57: {  	[sflag:s31] =	ssyncset.done $0x0  }
0x58: {  	s12 =	simm.s32 $0x280;
	[sflag:s31] =	ssyncadd.s32 $0xFFFFE000  }
0x59: {  	[tilespmem:s22], [sflag:$0x2] =	stream.indirect.gather [hbm4b:s4+s20], $0x40, s12, s20, $0xb8;
	[tilespmem:$0x1E080] =	vst v63  }
0x5a: {  	_ =	swait.ge [sflag:s0], $0x2000  }
0x5b: {  	[sflag:s0] =	ssyncset.done $0x0  }
0x5c: {  	s13 =	simm.s32 $0x4F20;
	[sflag:s0] =	ssyncadd.s32 $0xFFFFE000  }
0x5d: {  	[spmem:s2] =	stream.indirect.scatter.add.f32 [tilespmem:s24], [sflag:$0x7], $0x40, s13, s20, $0xb8;
	[tilespmem:$0x1E080] =	vst v63  }
0x5e: {  	_ =	swait.ge [sflag:s16], $0x2000  }
0x5f: {  	[sflag:s16] =	ssyncset.done $0x0  }
0x60: {  	s14 =	simm.s32 $0x300;
	[sflag:s16] =	ssyncadd.s32 $0xFFFFE000  }
0x61: {  	[tilespmem:s24], [sflag:$0x3] =	stream.indirect.gather [hbm4b:s4+s20], $0x40, s14, s20, $0xb8;
	[tilespmem:$0x1E080] =	vst v63  }
0x62: {  	_ =	swait.ge [sflag:s23], $0x2000  }
0x63: {  	[sflag:s23] =	ssyncset.done $0x0  }
0x64: {  	s18 =	simm.s32 $0x4FA0;
	[sflag:s23] =	ssyncadd.s32 $0xFFFFE000  }
0x65: {  	[spmem:s2] =	stream.indirect.scatter.add.f32 [tilespmem:s26], [sflag:$0x8], $0x40, s18, s20, $0xb8;
	[tilespmem:$0x1E080] =	vst v63  }
0x66: {  	_ =	swait.ge [sflag:s25], $0x2000  }
0x67: {  	[sflag:s25] =	ssyncset.done $0x0  }
0x68: {  	s7 =	simm.s32 $0x380;
	s18 =	simm.s32 $0x800;
	[sflag:s25] =	ssyncadd.s32 $0xFFFFE000  }
.LBB2_7:
0x69: {  	[tilespmem:s26], [sflag:$0x4] =	stream.indirect.gather [hbm4b:s4+s20], $0x40, s7, s20, $0xb8;
	[tilespmem:$0x1E080] =	vst v63  }
0x6a: {  	s7 =	smov.u32 s18  }
0x6b: {  	p2 =	seq.s32 s18, $0x12800;
	s18 =	sadd.s32 $0x800, s18;
	_ =	swait.ge [sflag:s28], $0x2000  }
0x6c: {  	s13 =	sshra.s32 s7, $0x2;
	[sflag:s28] =	ssyncset.done $0x0  }
0x6d: {  	s7 =	sadd.s32 $0x4E20, s13;
	[sflag:s28] =	ssyncadd.s32 $0xFFFFE000  }
0x6e: {  	[spmem:s2] =	stream.indirect.scatter.add.f32 [tilespmem:s21], [sflag:$0x5], $0x40, s7, s20, $0xb8;
	[tilespmem:$0x1E080] =	vst v63  }
0x6f: {  	_ =	swait.ge [sflag:s29], $0x2000  }
0x70: {  	[sflag:s29] =	ssyncset.done $0x0  }
0x71: {  	s7 =	sadd.s32 $0x200, s13;
	[sflag:s29] =	ssyncadd.s32 $0xFFFFE000  }
0x72: {  	[tilespmem:s21], [sflag:$0x1] =	stream.indirect.gather [hbm4b:s4+s20], $0x40, s7, s20, $0xb8;
	[tilespmem:$0x1E080] =	vst v63  }
0x73: {  	_ =	swait.ge [sflag:s30], $0x2000  }
0x74: {  	[sflag:s30] =	ssyncset.done $0x0  }
0x75: {  	s7 =	sadd.s32 $0x4EA0, s13;
	[sflag:s30] =	ssyncadd.s32 $0xFFFFE000  }
0x76: {  	[spmem:s2] =	stream.indirect.scatter.add.f32 [tilespmem:s22], [sflag:$0x6], $0x40, s7, s20, $0xb8;
	[tilespmem:$0x1E080] =	vst v63  }
0x77: {  	_ =	swait.ge [sflag:s31], $0x2000  }
0x78: {  	[sflag:s31] =	ssyncset.done $0x0  }
0x79: {  	s7 =	sadd.s32 $0x280, s13;
	[sflag:s31] =	ssyncadd.s32 $0xFFFFE000  }
0x7a: {  	[tilespmem:s22], [sflag:$0x2] =	stream.indirect.gather [hbm4b:s4+s20], $0x40, s7, s20, $0xb8;
	[tilespmem:$0x1E080] =	vst v63  }
0x7b: {  	_ =	swait.ge [sflag:s0], $0x2000  }
0x7c: {  	[sflag:s0] =	ssyncset.done $0x0  }
0x7d: {  	s7 =	sadd.s32 $0x4F20, s13;
	[sflag:s0] =	ssyncadd.s32 $0xFFFFE000  }
0x7e: {  	[spmem:s2] =	stream.indirect.scatter.add.f32 [tilespmem:s24], [sflag:$0x7], $0x40, s7, s20, $0xb8;
	[tilespmem:$0x1E080] =	vst v63  }
0x7f: {  	_ =	swait.ge [sflag:s16], $0x2000  }
0x80: {  	[sflag:s16] =	ssyncset.done $0x0  }
0x81: {  	s7 =	sadd.s32 $0x300, s13;
	[sflag:s16] =	ssyncadd.s32 $0xFFFFE000  }
0x82: {  	[tilespmem:s24], [sflag:$0x3] =	stream.indirect.gather [hbm4b:s4+s20], $0x40, s7, s20, $0xb8;
	[tilespmem:$0x1E080] =	vst v63  }
0x83: {  	_ =	swait.ge [sflag:s23], $0x2000  }
0x84: {  	[sflag:s23] =	ssyncset.done $0x0  }
.Ltmp3:
0x85: {  	s7 =	sadd.s32 $0x4FA0, s13;
	[sflag:s23] =	ssyncadd.s32 $0xFFFFE000;
	(pc) =	sbr.rel @!p2 .LBB2_7-.Ltmp3, $4  }
0x86: {  	[spmem:s2] =	stream.indirect.scatter.add.f32 [tilespmem:s26], [sflag:$0x8], $0x40, s7, s20, $0xb8;
	[tilespmem:$0x1E080] =	vst v63  }
0x87: {  	_ =	swait.ge [sflag:s25], $0x2000  }
0x88: {  	[sflag:s25] =	ssyncset.done $0x0  }
0x89: {  	s7 =	sadd.s32 $0x380, s13;
	[sflag:s25] =	ssyncadd.s32 $0xFFFFE000  }
.Ltmp4:
0x8a: {  	(pc) =	sbr.rel .LBB2_12-.Ltmp4, $3  }
0x8b: {  	_ =	sdelay $0x1  }
0x8c: {  	[tilespmem:s26], [sflag:$0x4] =	stream.indirect.gather [hbm4b:s4+s20], $0x40, s7, s20, $0xb8;
	[tilespmem:$0x1E080] =	vst v63  }
0x8d: {  	s7 =	smov.u32 s4  }
.LBB2_9:
0x8e: {  	[tilespmem:s21], [sflag:$0x1] =	stream.indirect.gather [hbm4b:s6+s20], $0x40, s7, s20, $0xb8;
	[tilespmem:$0x1E080] =	vst v63  }
0x8f: {  	_ = 	snop  }
0x90: {  	[tilespmem:s22], [sflag:$0x2] =	stream.indirect.gather [hbm4b:s6+s20], $0x40, s20, s20, $0xb8;
	[tilespmem:$0x1E080] =	vst v63  }
0x91: {  	s13 =	simm.s32 $0x100  }
0x92: {  	[tilespmem:s24], [sflag:$0x3] =	stream.indirect.gather [hbm4b:s6+s20], $0x40, s13, s20, $0xb8;
	[tilespmem:$0x1E080] =	vst v63  }
0x93: {  	s14 =	simm.s32 $0x180  }
0x94: {  	[tilespmem:s26], [sflag:$0x4] =	stream.indirect.gather [hbm4b:s6+s20], $0x40, s14, s20, $0xb8;
	[tilespmem:$0x1E080] =	vst v63  }
0x95: {  	_ =	swait.ge [sflag:s28], $0x2000  }
0x96: {  	[sflag:s28] =	ssyncset.done $0x0  }
0x97: {  	s18 =	simm.s32 $0x4E20;
	[sflag:s28] =	ssyncadd.s32 $0xFFFFE000  }
0x98: {  	[spmem:s2] =	stream.indirect.scatter.add.f32 [tilespmem:s21], [sflag:$0x5], $0x40, s18, s20, $0xb8;
	[tilespmem:$0x1E080] =	vst v63  }
0x99: {  	_ =	swait.ge [sflag:s29], $0x2000  }
0x9a: {  	[sflag:s29] =	ssyncset.done $0x0  }
0x9b: {  	s9 =	simm.s32 $0x200;
	[sflag:s29] =	ssyncadd.s32 $0xFFFFE000  }
0x9c: {  	[tilespmem:s21], [sflag:$0x1] =	stream.indirect.gather [hbm4b:s6+s20], $0x40, s9, s20, $0xb8;
	[tilespmem:$0x1E080] =	vst v63  }
0x9d: {  	_ =	swait.ge [sflag:s30], $0x2000  }
0x9e: {  	[sflag:s30] =	ssyncset.done $0x0  }
0x9f: {  	s10 =	simm.s32 $0x4EA0;
	[sflag:s30] =	ssyncadd.s32 $0xFFFFE000  }
0xa0: {  	[spmem:s2] =	stream.indirect.scatter.add.f32 [tilespmem:s22], [sflag:$0x6], $0x40, s10, s20, $0xb8;
	[tilespmem:$0x1E080] =	vst v63  }
0xa1: {  	_ =	swait.ge [sflag:s31], $0x2000  }
0xa2: {  	[sflag:s31] =	ssyncset.done $0x0  }
0xa3: {  	s12 =	simm.s32 $0x280;
	[sflag:s31] =	ssyncadd.s32 $0xFFFFE000  }
0xa4: {  	[tilespmem:s22], [sflag:$0x2] =	stream.indirect.gather [hbm4b:s6+s20], $0x40, s12, s20, $0xb8;
	[tilespmem:$0x1E080] =	vst v63  }
0xa5: {  	_ =	swait.ge [sflag:s0], $0x2000  }
0xa6: {  	[sflag:s0] =	ssyncset.done $0x0  }
0xa7: {  	s13 =	simm.s32 $0x4F20;
	[sflag:s0] =	ssyncadd.s32 $0xFFFFE000  }
0xa8: {  	[spmem:s2] =	stream.indirect.scatter.add.f32 [tilespmem:s24], [sflag:$0x7], $0x40, s13, s20, $0xb8;
	[tilespmem:$0x1E080] =	vst v63  }
0xa9: {  	_ =	swait.ge [sflag:s16], $0x2000  }
0xaa: {  	[sflag:s16] =	ssyncset.done $0x0  }
0xab: {  	s14 =	simm.s32 $0x300;
	[sflag:s16] =	ssyncadd.s32 $0xFFFFE000  }
0xac: {  	[tilespmem:s24], [sflag:$0x3] =	stream.indirect.gather [hbm4b:s6+s20], $0x40, s14, s20, $0xb8;
	[tilespmem:$0x1E080] =	vst v63  }
0xad: {  	_ =	swait.ge [sflag:s23], $0x2000  }
0xae: {  	[sflag:s23] =	ssyncset.done $0x0  }
0xaf: {  	s18 =	simm.s32 $0x4FA0;
	[sflag:s23] =	ssyncadd.s32 $0xFFFFE000  }
0xb0: {  	[spmem:s2] =	stream.indirect.scatter.add.f32 [tilespmem:s26], [sflag:$0x8], $0x40, s18, s20, $0xb8;
	[tilespmem:$0x1E080] =	vst v63  }
0xb1: {  	_ =	swait.ge [sflag:s25], $0x2000  }
0xb2: {  	[sflag:s25] =	ssyncset.done $0x0  }
0xb3: {  	s7 =	simm.s32 $0x380;
	s18 =	simm.s32 $0x800;
	[sflag:s25] =	ssyncadd.s32 $0xFFFFE000  }
.LBB2_10:
0xb4: {  	[tilespmem:s26], [sflag:$0x4] =	stream.indirect.gather [hbm4b:s6+s20], $0x40, s7, s20, $0xb8;
	[tilespmem:$0x1E080] =	vst v63  }
0xb5: {  	s7 =	smov.u32 s18  }
0xb6: {  	p2 =	sne.s32 s18, $0x12800;
	s18 =	sadd.s32 $0x800, s18;
	_ =	swait.ge [sflag:s28], $0x2000  }
0xb7: {  	s13 =	sshra.s32 s7, $0x2;
	[sflag:s28] =	ssyncset.done $0x0  }
0xb8: {  	s7 =	sadd.s32 $0x4E20, s13;
	[sflag:s28] =	ssyncadd.s32 $0xFFFFE000  }
0xb9: {  	[spmem:s2] =	stream.indirect.scatter.add.f32 [tilespmem:s21], [sflag:$0x5], $0x40, s7, s20, $0xb8;
	[tilespmem:$0x1E080] =	vst v63  }
0xba: {  	_ =	swait.ge [sflag:s29], $0x2000  }
0xbb: {  	[sflag:s29] =	ssyncset.done $0x0  }
0xbc: {  	s7 =	sadd.s32 $0x200, s13;
	[sflag:s29] =	ssyncadd.s32 $0xFFFFE000  }
0xbd: {  	[tilespmem:s21], [sflag:$0x1] =	stream.indirect.gather [hbm4b:s6+s20], $0x40, s7, s20, $0xb8;
	[tilespmem:$0x1E080] =	vst v63  }
0xbe: {  	_ =	swait.ge [sflag:s30], $0x2000  }
0xbf: {  	[sflag:s30] =	ssyncset.done $0x0  }
0xc0: {  	s7 =	sadd.s32 $0x4EA0, s13;
	[sflag:s30] =	ssyncadd.s32 $0xFFFFE000  }
0xc1: {  	[spmem:s2] =	stream.indirect.scatter.add.f32 [tilespmem:s22], [sflag:$0x6], $0x40, s7, s20, $0xb8;
	[tilespmem:$0x1E080] =	vst v63  }
0xc2: {  	_ =	swait.ge [sflag:s31], $0x2000  }
0xc3: {  	[sflag:s31] =	ssyncset.done $0x0  }
0xc4: {  	s7 =	sadd.s32 $0x280, s13;
	[sflag:s31] =	ssyncadd.s32 $0xFFFFE000  }
0xc5: {  	[tilespmem:s22], [sflag:$0x2] =	stream.indirect.gather [hbm4b:s6+s20], $0x40, s7, s20, $0xb8;
	[tilespmem:$0x1E080] =	vst v63  }
0xc6: {  	_ =	swait.ge [sflag:s0], $0x2000  }
0xc7: {  	[sflag:s0] =	ssyncset.done $0x0  }
0xc8: {  	s7 =	sadd.s32 $0x4F20, s13;
	[sflag:s0] =	ssyncadd.s32 $0xFFFFE000  }
0xc9: {  	[spmem:s2] =	stream.indirect.scatter.add.f32 [tilespmem:s24], [sflag:$0x7], $0x40, s7, s20, $0xb8;
	[tilespmem:$0x1E080] =	vst v63  }
0xca: {  	_ =	swait.ge [sflag:s16], $0x2000  }
0xcb: {  	[sflag:s16] =	ssyncset.done $0x0  }
0xcc: {  	s7 =	sadd.s32 $0x300, s13;
	[sflag:s16] =	ssyncadd.s32 $0xFFFFE000  }
0xcd: {  	[tilespmem:s24], [sflag:$0x3] =	stream.indirect.gather [hbm4b:s6+s20], $0x40, s7, s20, $0xb8;
	[tilespmem:$0x1E080] =	vst v63  }
0xce: {  	_ =	swait.ge [sflag:s23], $0x2000  }
0xcf: {  	[sflag:s23] =	ssyncset.done $0x0  }
.Ltmp5:
0xd0: {  	s7 =	sadd.s32 $0x4FA0, s13;
	[sflag:s23] =	ssyncadd.s32 $0xFFFFE000;
	(pc) =	sbr.rel @p2 .LBB2_10-.Ltmp5, $4  }
0xd1: {  	[spmem:s2] =	stream.indirect.scatter.add.f32 [tilespmem:s26], [sflag:$0x8], $0x40, s7, s20, $0xb8;
	[tilespmem:$0x1E080] =	vst v63  }
0xd2: {  	_ =	swait.ge [sflag:s25], $0x2000  }
0xd3: {  	[sflag:s25] =	ssyncset.done $0x0  }
0xd4: {  	s7 =	sadd.s32 $0x380, s13;
	[sflag:s25] =	ssyncadd.s32 $0xFFFFE000  }
0xd5: {  	[tilespmem:s26], [sflag:$0x4] =	stream.indirect.gather [hbm4b:s6+s20], $0x40, s7, s20, $0xb8;
	[tilespmem:$0x1E080] =	vst v63  }
0xd6: {  	s7 =	smov.u32 s6  }
.LBB2_12:
0xd7: {  	_ =	swait.ge [sflag:s28], $0x2000  }
0xd8: {  	[sflag:s28] =	ssyncset.done $0x0  }
0xd9: {  	s9 =	simm.s32 $0x9A20;
	[sflag:s28] =	ssyncadd.s32 $0xFFFFE000  }
0xda: {  	[spmem:s2] =	stream.indirect.scatter.add.f32 [tilespmem:s21], [sflag:$0x5], $0x40, s9, s20, $0xb8;
	[tilespmem:$0x1E080] =	vst v63  }
0xdb: {  	_ =	swait.ge [sflag:s30], $0x2000  }
0xdc: {  	[sflag:s30] =	ssyncset.done $0x0  }
0xdd: {  	s18 =	simm.s32 $0x9AA0;
	[sflag:s30] =	ssyncadd.s32 $0xFFFFE000  }
0xde: {  	[spmem:s2] =	stream.indirect.scatter.add.f32 [tilespmem:s22], [sflag:$0x6], $0x40, s18, s20, $0xb8;
	[tilespmem:$0x1E080] =	vst v63  }
0xdf: {  	_ =	swait.ge [sflag:s0], $0x2000  }
0xe0: {  	[sflag:s0] =	ssyncset.done $0x0  }
0xe1: {  	s10 =	simm.s32 $0x9B20;
	[sflag:s0] =	ssyncadd.s32 $0xFFFFE000  }
0xe2: {  	[spmem:s2] =	stream.indirect.scatter.add.f32 [tilespmem:s24], [sflag:$0x7], $0x40, s10, s20, $0xb8;
	[tilespmem:$0x1E080] =	vst v63  }
0xe3: {  	_ =	swait.ge [sflag:s23], $0x2000  }
0xe4: {  	[sflag:s23] =	ssyncset.done $0x0  }
0xe5: {  	s12 =	simm.s32 $0x9BA0;
	[sflag:s23] =	ssyncadd.s32 $0xFFFFE000  }
0xe6: {  	[spmem:s2] =	stream.indirect.scatter.add.f32 [tilespmem:s26], [sflag:$0x8], $0x40, s12, s20, $0xb8;
	[tilespmem:$0x1E080] =	vst v63  }
0xe7: {  	_ =	swait.ge [sflag:s29], $0x2000  }
0xe8: {  	[sflag:s29] =	ssyncset.done $0x0  }
0xe9: {  	[sflag:s29] =	ssyncadd.s32 $0xFFFFE000  }
0xea: {  	_ =	swait.ge [sflag:s31], $0x2000  }
0xeb: {  	[sflag:s31] =	ssyncset.done $0x0  }
0xec: {  	[sflag:s31] =	ssyncadd.s32 $0xFFFFE000  }
0xed: {  	_ =	swait.ge [sflag:s16], $0x2000  }
0xee: {  	[sflag:s16] =	ssyncset.done $0x0  }
0xef: {  	[sflag:s16] =	ssyncadd.s32 $0xFFFFE000  }
0xf0: {  	_ =	swait.ge [sflag:s25], $0x2000  }
0xf1: {  	s13 =	simm.s32 $0x20;
	s18 =	simm.s32 $0x0;
	[sflag:s25] =	ssyncset.done $0x0  }
0xf2: {  	s10 =	simm.s32 $0x4E00;
	s12 =	simm.s32 $0x11C40;
	[sflag:s25] =	ssyncadd.s32 $0xFFFFE000  }
0xf3: {  	[tilespmem:s12], [sflag:$0x1] =	stream.indirect.gather [hbm4b:s7+s13], $0x40, s10, s13, $0xb8;
	[tilespmem:$0x1E080] =	vst v63  }
0xf4: {  	s7 =	sand.u32 $0xF, s18  }
0xf5: {  	s14 =	simm.s32 $0x9C20;
	_ =	swait.ge [sflag:s28], $0x800;
	p2 =	sne.s32 s7, s1  }
0xf6: {  	[sflag:s28] =	ssyncset.done $0x0;
	p3 =	sne.s32 @!p2 s5, $0x0;
	p2 =	por p2, p2  }
0xf7: {  	s7 =	smov.u32 s11;
	[sflag:s28] =	ssyncadd.s32 $0xFFFFF800;
	p3 =	por !p3, p2  }
0xf8: {  	[spmem:s2] =	stream.indirect.scatter.add.f32 [tilespmem:s12], [sflag:$0xA], $0x40, s14, s13, $0xb8;
	[tilespmem:$0x1E080] =	vst v63  }
0xf9: {  	s10 =	sshll.u32 @!p2 s1, $0x6;
	s13 =	simm.s32 @!p2 $0xA;
	_ =	swait.ge [sflag:s19], $0x800  }
0xfa: {  	s7 =	smov.u32 @p3 s8;
	s13 =	simm.s32 @p3 $0xB;
	[sflag:s19] =	ssyncset.done $0x0  }
0xfb: {  	s14 =	sshrl.u32 @!p2 s2, $0x3;
	s10 =	sadd.s32 @!p2 s13, s10;
	[sflag:s19] =	ssyncadd.s32 $0xFFFFF800  }
0xfc: {  	s7 =	sadd.s32 @!p2 $0x0, s7;
	s10 =	sadd.s32 @!p2 $0x1C00, s10;
	[bflag:$0x0] =	sbarrier.arrive $0xFFFF  }
0xfd: {  	[hbm:s7], [sflag:s10] =	dma.local @!p2 [spmem:s14], $0x400  }
0xfe: {  	s14 =	simm.s32 $0x400;
	s7 =	simm.s32 $0x1  }
0xff: {  	s10 =	simm.s32 $0x800;
	s18 =	sand.u32 $0xF, s7;
	_ =	swait.ge @!p2 [sflag:s13], $0x400  }
0x100: {  	p4 =	sne.s32 s18, s1;
	[sflag:s13] =	ssyncset.done @!p2 $0x0;
	s18 =	sadd.s32 $0x2000, s2  }
.LBB2_13:
0x101: {  	p5 =	sne.s32 @!p4 s5, $0x0;
	[sflag:s13] =	ssyncadd.s32 @!p2 $0xFFFFFC00;
	s12 =	smov.u32 s10  }
0x102: {  	s10 =	sadd.s32 $0x400, s10;
	p2 =	por p4, p4;
	s9 =	smov.u32 s11  }
0x103: {  	p3 =	sne.s32 s10, $0x13800;
	s13 =	simm.s32 @!p2 $0xA;
	p4 =	por !p5, p2  }
0x104: {  	s19 =	sshll.u32 @!p2 s1, $0x6;
	s9 =	smov.u32 @p4 s8;
	s13 =	simm.s32 @p4 $0xB  }
.Ltmp6:
0x105: {  	s9 =	sadd.s32 @!p2 s14, s9;
	s14 =	sadd.s32 @!p2 s13, s19;
	(pc) =	sbr.rel @p3 .LBB2_13-.Ltmp6, $4  }
0x106: {  	s7 =	sadd.s32 $0x1, s7;
	s19 =	sshrl.u32 @!p2 s18, $0x3;
	s14 =	sadd.s32 @!p2 $0x1C00, s14  }
0x107: {  	[hbm:s9], [sflag:s14] =	dma.local @!p2 [spmem:s19], $0x400  }
0x108: {  	s9 =	sand.u32 $0xF, s7;
	s14 =	smov.u32 s12;
	_ =	swait.ge @!p2 [sflag:s13], $0x400  }
0x109: {  	s18 =	sadd.s32 $0x2000, s18;
	p4 =	sne.s32 s9, s1;
	[sflag:s13] =	ssyncset.done @!p2 $0x0  }
0x10a: {  	p5 =	sne.s32 @!p4 s5, $0x0;
	p3 =	por p4, p4  }
0x10b: {  	s7 =	simm.s32 @!p3 $0xA;
	p4 =	por !p5, p3  }
0x10c: {  	s9 =	smov.u32 s11;
	s10 =	sshll.u32 @!p3 s1, $0x6;
	s7 =	simm.s32 @p4 $0xB  }
0x10d: {  	[sflag:s13] =	ssyncadd.s32 @!p2 $0xFFFFFC00;
	s9 =	smov.u32 @p4 s8;
	s10 =	sadd.s32 @!p3 s7, s10  }
0x10e: {  	s12 =	sshrl.u32 @!p3 s18, $0x3;
	s9 =	sadd.s32 @!p3 s14, s9;
	s10 =	sadd.s32 @!p3 $0x1C00, s10  }
0x10f: {  	[hbm:s9], [sflag:s10] =	dma.local @!p3 [spmem:s12], $0x400  }
0x110: {  	_ =	swait.ge @!p3 [sflag:s7], $0x400  }
0x111: {  	s9 =	simm.s32 @!p0 $0x1F8A;
	[sflag:s7] =	ssyncset.done @!p3 $0x0  }
0x112: {  	s10 =	rddreg [dreg:$0x8];
	[sflag:s7] =	ssyncadd.s32 @!p3 $0xFFFFFC00;
	s7 =	sshrl.u32 @!p0 s17, $0x3  }
0x113: {  	[hbm:s10], [sflag:s9] =	dma.local @!p0 [spmem:s7], $0x80  }
0x114: {  	s7 =	simm.s32 @!p0 $0xA  }
0x115: {  	_ =	swait.ge @!p0 [sflag:s7], $0x80  }
0x116: {  	s18 =	rddreg [dreg:$0x9]  }
0x117: {  	s19 =	rddreg [dreg:$0x7];
	s10 =	sadd.s32 $0x1, s18  }
0x118: {  	p2 =	sne.s32 s10, s19  }
.Ltmp7:
0x119: {  	_ = 	snop;
	(pc) =	sbr.rel @p2 .LBB2_1-.Ltmp7, $3  }
0x11a: {  	_ =	sdelay $0x1  }
0x11b: {  	[sflag:s7] =	ssyncset.done @!p0 $0x0  }
0x11c: {  	[sflag:s7] =	ssyncadd.s32 @!p0 $0xFFFFFF80;
	s19 =	simm.s32 $0xA  }
0x11d: {  	_ =	sfence.sel $0x180000  }
0x11e: {  	[bflag:$0x0] =	sbarrier.arrive $0xFFFF  }
0x11f: {  	_ =	strace $0x9000004A  }
0x120: {  	[bflag:$0x2] =	sbarrier.arrive $0xFFFF  }
0x121: {  	p0 =	sne.s32 s1, $0x0;
	s0 =	rddreg [dreg:$0x3]  }
0x122: {  	s0 =	sadd.s32 @!p0 $0x100000, s0  }
0x123: {  	[sflag:s0] =	ssyncadd.tile.s32 @!p0 $0x1;
	_ =	shalt  }
.Lfunc_end2:
_tile_overlayer_lowered:
.L_overlay_start_2:
0x124: {  	(tag) =	ssettag $0x2  }
0x125: {  	s0 =	rddreg [dreg:$0x0];
	s2 =	stileid.u32  }
0x126: {  	s1 =	rddreg [dreg:$0x1];
	p0 =	sne.s32 s2, $0x0  }
0x127: {  	s3 =	rddreg [dreg:$0x2];
	[bflag:$0x3] =	sbarrier.arrive $0xFFFF;
	s2 =	simm.s32 @!p0 $0x1C0A  }
0x128: {  	[timem:s3], [sflag:s2] =	dma.local @!p0 [hbm:s0], s1  }
0x129: {  	s0 =	simm.s32 @!p0 $0xA  }
0x12a: {  	_ =	swait.ge @!p0 [sflag:s0], s1  }
0x12b: {  	s1 =	ssub.s32 @!p0 $0x0, s1;
	[sflag:s0] =	ssyncset.done @!p0 $0x0  }
0x12c: {  	[sflag:s0] =	ssyncadd.s32 @!p0 s1  }
0x12d: {  	[bflag:$0x3] =	sbarrier.arrive $0xFFFF  }
0x12e: {  	_ =	shalt  }

</sc_bundles>
